<compile_context>
chip_gen: v7x
topology: tpu7x:2x2x1
jax: 0.10.2.dev20260603
libtpu: 0.0.44.dev20260713+nightly
codegen_flags: <defaults>
</compile_context>

<pallas_src>
import functools

import jax
import jax.numpy as jnp
from jax import lax
from jax.experimental import pallas as pl
from jax.experimental.pallas import tpu as pltpu
from jax.experimental.pallas import tpu_sc as plsc

N_NODES = 10000
N_EDGES = 320000
D = 128
NC = 2
NS = 16
NW = NC * NS
B = 64
EPW = N_EDGES // NW
NB = 160
EPAD = NB * B - EPW
P = 8
NP = NB // P
NROWS = 10112
RPT = NROWS // NS


def _phase1_body(ent_hbm, src_hbm, dst_hbm, sum_hbm, cnt_hbm,
                 src0, src1, dst0, dst1, rows, cnt_v, acc_sh,
                 gsem, ssem, isem):
    cid = lax.axis_index("c")
    sid = lax.axis_index("s")
    w = cid * NS + sid
    zero16 = jnp.zeros((16,), jnp.float32)
    srcb = (src0, src1)
    dstb = (dst0, dst1)

    def zcnt(i, _):
        cnt_v[pl.ds(i * 16, 16)] = zero16
        return 0
    lax.fori_loop(0, NROWS // 16, zcnt, 0)

    def zrow(r, _):
        for c in range(D // 16):
            rows[0, r, pl.ds(c * 16, 16)] = zero16
        return 0
    lax.fori_loop(0, B, zrow, 0)
    base = sid * RPT
    nfull = RPT // B
    rem = RPT - nfull * B
    for k in range(nfull):
        pltpu.sync_copy(rows.at[0], acc_sh.at[pl.ds(base + k * B, B)])
    pltpu.sync_copy(rows.at[0, pl.ds(0, rem)],
                    acc_sh.at[pl.ds(base + nfull * B, rem)])
    plsc.subcore_barrier()

    def count_block(dbuf, r):
        for c in range(B // 16):
            dv = dbuf[r, pl.ds(c * 16, 16)]
            cnt, last = plsc.scan_count(dv)
            plsc.addupdate_scatter(cnt_v, [dv], cnt.astype(jnp.float32),
                                   mask=last)

    def load_period(p, par, sem=None):
        s = pl.ds(p * P, P)
        if sem is None:
            pltpu.sync_copy(src_hbm.at[w, s], srcb[par])
            pltpu.sync_copy(dst_hbm.at[w, s], dstb[par])
        else:
            pltpu.async_copy(src_hbm.at[w, s], srcb[par], sem)
            pltpu.async_copy(dst_hbm.at[w, s], dstb[par], sem)

    def wait_period(p, par):
        s = pl.ds(p * P, P)
        pltpu.make_async_copy(src_hbm.at[w, s], srcb[par], isem).wait()
        pltpu.make_async_copy(dst_hbm.at[w, s], dstb[par], isem).wait()

    def gather(par, kk, rb):
        pltpu.async_copy(ent_hbm.at[srcb[par].at[kk]], rows.at[rb],
                         gsem.at[rb])

    def wait_gather(par, kk, rb):
        pltpu.make_async_copy(ent_hbm.at[srcb[par].at[kk]], rows.at[rb],
                              gsem.at[rb]).wait()

    def scatter(par, kk, rb):
        pltpu.async_copy(rows.at[rb], acc_sh.at[dstb[par].at[kk]],
                         ssem.at[rb], add=True)

    def wait_scatter(par, kk, rb):
        pltpu.make_async_copy(rows.at[rb], acc_sh.at[dstb[par].at[kk]],
                              ssem.at[rb]).wait()

    load_period(0, 0)
    gather(0, 0, 0)
    gather(0, 1, 1)
    gather(0, 2, 2)

    def body(it, _):
        for k in range(2 * P):
            par = k // P
            kk = k % P
            rb = k % 4
            wait_gather(par, kk, rb)
            scatter(par, kk, rb)
            count_block(dstb[par], kk)

            pk = k - 1
            if pk >= 0:
                wait_scatter(pk // P, pk % P, pk % 4)
            else:
                @pl.when(it > 0)
                def _():
                    wait_scatter(1, P - 1, 3)

            if k == 1:
                load_period(2 * it + 1, 1, isem)
            if k == 4:
                wait_period(2 * it + 1, 1)
            if k == P + 1:
                @pl.when(it + 1 < NP // 2)
                def _():
                    load_period(2 * it + 2, 0, isem)
            if k == P + 4:
                @pl.when(it + 1 < NP // 2)
                def _():
                    wait_period(2 * it + 2, 0)

            nk = k + 3
            if nk < 2 * P:
                gather(nk // P, nk % P, nk % 4)
            else:
                @pl.when(it + 1 < NP // 2)
                def _():
                    gather(0, nk - 2 * P, nk % 4)
        return 0
    lax.fori_loop(0, NP // 2, body, 0)

    wait_scatter(1, P - 1, (NB - 1) % 4)
    plsc.subcore_barrier()

    pltpu.sync_copy(acc_sh.at[pl.ds(base, RPT)],
                    sum_hbm.at[cid, pl.ds(base, RPT)])
    pltpu.sync_copy(cnt_v, cnt_hbm.at[w])


def _combine_body(sum_ref, cnt_ref, out_ref):
    s = sum_ref[0] + sum_ref[1]
    c = jnp.sum(cnt_ref[...], axis=0)
    out_ref[...] = s / jnp.maximum(c, 1.0)[:, None]


_phase1 = functools.partial(
    pl.kernel,
    out_type=(jax.ShapeDtypeStruct((NC, NROWS, D), jnp.float32),
              jax.ShapeDtypeStruct((NW, NROWS), jnp.float32)),
    mesh=plsc.VectorSubcoreMesh(core_axis_name="c", subcore_axis_name="s",
                                num_cores=NC, num_subcores=NS),
    scratch_types=[
        pltpu.VMEM((P, B), jnp.int32),
        pltpu.VMEM((P, B), jnp.int32),
        pltpu.VMEM((P, B), jnp.int32),
        pltpu.VMEM((P, B), jnp.int32),
        pltpu.VMEM((4, B, D), jnp.float32),
        pltpu.VMEM((NROWS,), jnp.float32),
        pltpu.VMEM_SHARED((NROWS, D), jnp.float32),
        pltpu.SemaphoreType.DMA((4,)),
        pltpu.SemaphoreType.DMA((4,)),
        pltpu.SemaphoreType.DMA,
    ],
    compiler_params=pltpu.CompilerParams(needs_layout_passes=False),
)(_phase1_body)

_combine = pl.pallas_call(
    _combine_body,
    out_shape=jax.ShapeDtypeStruct((NROWS, D), jnp.float32),
)


def kernel(entity_tensor, structure):
    src = structure[0].reshape(NW, EPW)
    dst = structure[1].reshape(NW, EPW)
    pad_ar = jnp.arange(EPAD, dtype=jnp.int32)
    pad_src = jnp.broadcast_to((pad_ar * 37) % N_NODES, (NW, EPAD))
    pad_dst = jnp.broadcast_to(N_NODES + pad_ar % (NROWS - N_NODES),
                               (NW, EPAD))
    src3 = jnp.concatenate([src, pad_src], axis=1).reshape(NW, NB, B)
    dst3 = jnp.concatenate([dst, pad_dst], axis=1).reshape(NW, NB, B)

    sums, cnts = _phase1(entity_tensor, src3, dst3)
    out = _combine(sums, cnts)
    return out[:N_NODES]

# --- scband reference (transcript-rebuilt; emitter-appended) ---
"""Pipeline reference for scband-connected-module-72653666779327 (READ-ONLY COPY).

The authoritative reference and input builder live on the scoring server;
editing this copy changes nothing except your own understanding.
"""

import jax, jax.numpy as jnp
import numpy as np

N_NODES = 10000
N_EDGES = 320000
D_FEAT = 128


def setup_inputs(seed: int = 0) -> dict:
    key = jax.random.key(seed)
    k1, k2 = jax.random.split(key)
    entity_tensor = jax.random.normal(k1, (N_NODES, D_FEAT), dtype=jnp.float32)
    # structure: edge_index [2, E]; row 0 = source node ids, row 1 = target node ids
    structure = jax.random.randint(k2, (2, N_EDGES), 0, N_NODES, dtype=jnp.int32)
    return {"entity_tensor": entity_tensor, "structure": structure}


def reference(entity_tensor, structure):
    # ConnectedModule: for each target entity, gather messages from connected
    # source entities and apply a reduction (concrete reduce = mean of
    # neighbour messages). The original torch code loops per-entity over
    # structure.message(entity_tensor) and concatenates reduced results;
    # here the same math is expressed as gather + segment-sum + normalize.
    src = structure[0]
    dst = structure[1]
    # structure.message(entity_tensor): messages flowing along each edge
    messages = jnp.take(entity_tensor, src, axis=0)  # [E, D] gather
    # reduce(own_data, source_messages) -> mean over incoming messages per target
    summed = jax.ops.segment_sum(messages, dst, num_segments=N_NODES)
    counts = jax.ops.segment_sum(jnp.ones((messages.shape[0],), entity_tensor.dtype), dst, num_segments=N_NODES)
    out = summed / jnp.maximum(counts, 1.0)[:, None]
    # out is viewed as structure.target (one row per target entity)
    return out

if __name__ == "__main__":
    import jax
    _d = setup_inputs()
    print(jax.jit(kernel)(*tuple(_d.values())))

</pallas_src>

<mosaic_0001>
#map = affine_map<(d0, d1) -> (0, 0)>
#map1 = affine_map<(d0, d1) -> (0, 0, 0)>
module attributes {stable_mosaic.version = 14 : i64} {
  func.func @_phase1_body(%arg0: i32, %arg1: i32, %arg2: memref<10000x128xf32, #tpu.memory_space<hbm>>, %arg3: memref<32x160x64xi32, #tpu.memory_space<hbm>>, %arg4: memref<32x160x64xi32, #tpu.memory_space<hbm>>, %arg5: memref<2x10112x128xf32, #tpu.memory_space<hbm>>, %arg6: memref<32x10112xf32, #tpu.memory_space<hbm>>, %arg7: memref<8x64xi32, #tpu.memory_space<vmem>>, %arg8: memref<8x64xi32, #tpu.memory_space<vmem>>, %arg9: memref<8x64xi32, #tpu.memory_space<vmem>>, %arg10: memref<8x64xi32, #tpu.memory_space<vmem>>, %arg11: memref<4x64x128xf32, #tpu.memory_space<vmem>>, %arg12: memref<10112xf32, #tpu.memory_space<vmem>>, %arg13: memref<10112x128xf32, #tpu.memory_space<vmem_shared>>, %arg14: memref<4x!tpu.dma_semaphore, #tpu.memory_space<semaphore_mem>>, %arg15: memref<4x!tpu.dma_semaphore, #tpu.memory_space<semaphore_mem>>, %arg16: memref<!tpu.dma_semaphore, #tpu.memory_space<semaphore_mem>>) attributes {dimension_semantics = [#tpu.dimension_semantics<core_parallel>, #tpu.dimension_semantics<subcore_parallel>], iteration_bounds = array<i64: 2, 16>, scalar_prefetch = 0 : i64, scratch_operands = 10 : i64, tpu.core_type = #tpu.core_type<sc_vector_subcore>, window_params = [{transform_indices = #map}, {transform_indices = #map1}, {transform_indices = #map1}, {transform_indices = #map1}, {transform_indices = #map}]} {
    %mul3A = arith.constant 16 : i32
    %mul3A_0 = arith.muli %arg0, %mul3A : i32
    %add3A = arith.addi %mul3A_0, %arg1 : i32
    %broadcast_in_dim3A = arith.constant 0.000000e+00 : f32
    %broadcast_in_dim3A_1 = vector.broadcast %broadcast_in_dim3A : f32 to vector<16xf32>
    %scan3A = arith.constant 0 : i32
    %scan3A_2 = arith.constant 0 : i32
    %scan3A_3 = arith.constant 632 : i32
    %scan3A_4 = arith.addi %scan3A_2, %scan3A_3 : i32
    %scan3A_5 = arith.constant 1 : i32
    %scan3A_6 = scf.for %scan3A_112 = %scan3A_2 to %scan3A_4 step %scan3A_5 iter_args(%scan3A_113 = %scan3A) -> (i32)  : i32 {
      %mul3A_114 = arith.constant 16 : i32
      %mul3A_115 = arith.muli %scan3A_112, %mul3A_114 : i32
      %swap3A = arith.index_cast %mul3A_115 : i32 to index
      %swap3A_116 = tpu.vector_load %arg12[%swap3A] {strides = array<i32>} : memref<10112xf32, #tpu.memory_space<vmem>>, vector<16xf32>,
      tpu.vector_store %arg12[%swap3A], %broadcast_in_dim3A_1 {strides = array<i32>} : memref<10112xf32, #tpu.memory_space<vmem>>, vector<16xf32>,
      %scan3A_117 = arith.constant 0 : i32
      scf.yield %scan3A_117 : i32
    }
    %scan3A_7 = arith.constant 632 : i32
    %scan3A_8 = arith.constant 0 : i32
    %scan3A_9 = arith.constant 0 : i32
    %scan3A_10 = arith.constant 64 : i32
    %scan3A_11 = arith.addi %scan3A_9, %scan3A_10 : i32
    %scan3A_12 = arith.constant 1 : i32
    %scan3A_13 = scf.for %scan3A_112 = %scan3A_9 to %scan3A_11 step %scan3A_12 iter_args(%scan3A_113 = %scan3A_8) -> (i32)  : i32 {
      %swap3A = arith.constant 0 : i32
      %swap3A_114 = arith.index_cast %swap3A : i32 to index
      %swap3A_115 = arith.index_cast %scan3A_112 : i32 to index
      %swap3A_116 = arith.constant 0 : index
      %swap3A_117 = tpu.vector_load %arg11[%swap3A_114, %swap3A_115, %swap3A_116] {strides = array<i32>} : memref<4x64x128xf32, #tpu.memory_space<vmem>>, vector<16xf32>,
      tpu.vector_store %arg11[%swap3A_114, %swap3A_115, %swap3A_116], %broadcast_in_dim3A_1 {strides = array<i32>} : memref<4x64x128xf32, #tpu.memory_space<vmem>>, vector<16xf32>,
      %swap3A_118 = arith.constant 0 : i32
      %swap3A_119 = arith.index_cast %swap3A_118 : i32 to index
      %swap3A_120 = arith.index_cast %scan3A_112 : i32 to index
      %swap3A_121 = arith.constant 16 : index
      %swap3A_122 = tpu.vector_load %arg11[%swap3A_119, %swap3A_120, %swap3A_121] {strides = array<i32>} : memref<4x64x128xf32, #tpu.memory_space<vmem>>, vector<16xf32>,
      tpu.vector_store %arg11[%swap3A_119, %swap3A_120, %swap3A_121], %broadcast_in_dim3A_1 {strides = array<i32>} : memref<4x64x128xf32, #tpu.memory_space<vmem>>, vector<16xf32>,
      %swap3A_123 = arith.constant 0 : i32
      %swap3A_124 = arith.index_cast %swap3A_123 : i32 to index
      %swap3A_125 = arith.index_cast %scan3A_112 : i32 to index
      %swap3A_126 = arith.constant 32 : index
      %swap3A_127 = tpu.vector_load %arg11[%swap3A_124, %swap3A_125, %swap3A_126] {strides = array<i32>} : memref<4x64x128xf32, #tpu.memory_space<vmem>>, vector<16xf32>,
      tpu.vector_store %arg11[%swap3A_124, %swap3A_125, %swap3A_126], %broadcast_in_dim3A_1 {strides = array<i32>} : memref<4x64x128xf32, #tpu.memory_space<vmem>>, vector<16xf32>,
      %swap3A_128 = arith.constant 0 : i32
      %swap3A_129 = arith.index_cast %swap3A_128 : i32 to index
      %swap3A_130 = arith.index_cast %scan3A_112 : i32 to index
      %swap3A_131 = arith.constant 48 : index
      %swap3A_132 = tpu.vector_load %arg11[%swap3A_129, %swap3A_130, %swap3A_131] {strides = array<i32>} : memref<4x64x128xf32, #tpu.memory_space<vmem>>, vector<16xf32>,
      tpu.vector_store %arg11[%swap3A_129, %swap3A_130, %swap3A_131], %broadcast_in_dim3A_1 {strides = array<i32>} : memref<4x64x128xf32, #tpu.memory_space<vmem>>, vector<16xf32>,
      %swap3A_133 = arith.constant 0 : i32
      %swap3A_134 = arith.index_cast %swap3A_133 : i32 to index
      %swap3A_135 = arith.index_cast %scan3A_112 : i32 to index
      %swap3A_136 = arith.constant 64 : index
      %swap3A_137 = tpu.vector_load %arg11[%swap3A_134, %swap3A_135, %swap3A_136] {strides = array<i32>} : memref<4x64x128xf32, #tpu.memory_space<vmem>>, vector<16xf32>,
      tpu.vector_store %arg11[%swap3A_134, %swap3A_135, %swap3A_136], %broadcast_in_dim3A_1 {strides = array<i32>} : memref<4x64x128xf32, #tpu.memory_space<vmem>>, vector<16xf32>,
      %swap3A_138 = arith.constant 0 : i32
      %swap3A_139 = arith.index_cast %swap3A_138 : i32 to index
      %swap3A_140 = arith.index_cast %scan3A_112 : i32 to index
      %swap3A_141 = arith.constant 80 : index
      %swap3A_142 = tpu.vector_load %arg11[%swap3A_139, %swap3A_140, %swap3A_141] {strides = array<i32>} : memref<4x64x128xf32, #tpu.memory_space<vmem>>, vector<16xf32>,
      tpu.vector_store %arg11[%swap3A_139, %swap3A_140, %swap3A_141], %broadcast_in_dim3A_1 {strides = array<i32>} : memref<4x64x128xf32, #tpu.memory_space<vmem>>, vector<16xf32>,
      %swap3A_143 = arith.constant 0 : i32
      %swap3A_144 = arith.index_cast %swap3A_143 : i32 to index
      %swap3A_145 = arith.index_cast %scan3A_112 : i32 to index
      %swap3A_146 = arith.constant 96 : index
      %swap3A_147 = tpu.vector_load %arg11[%swap3A_144, %swap3A_145, %swap3A_146] {strides = array<i32>} : memref<4x64x128xf32, #tpu.memory_space<vmem>>, vector<16xf32>,
      tpu.vector_store %arg11[%swap3A_144, %swap3A_145, %swap3A_146], %broadcast_in_dim3A_1 {strides = array<i32>} : memref<4x64x128xf32, #tpu.memory_space<vmem>>, vector<16xf32>,
      %swap3A_148 = arith.constant 0 : i32
      %swap3A_149 = arith.index_cast %swap3A_148 : i32 to index
      %swap3A_150 = arith.index_cast %scan3A_112 : i32 to index
      %swap3A_151 = arith.constant 112 : index
      %swap3A_152 = tpu.vector_load %arg11[%swap3A_149, %swap3A_150, %swap3A_151] {strides = array<i32>} : memref<4x64x128xf32, #tpu.memory_space<vmem>>, vector<16xf32>,
      tpu.vector_store %arg11[%swap3A_149, %swap3A_150, %swap3A_151], %broadcast_in_dim3A_1 {strides = array<i32>} : memref<4x64x128xf32, #tpu.memory_space<vmem>>, vector<16xf32>,
      %scan3A_153 = arith.constant 0 : i32
      scf.yield %scan3A_153 : i32
    }
    %scan3A_14 = arith.constant 64 : i32
    %mul3A_15 = arith.constant 632 : i32
    %mul3A_16 = arith.muli %arg1, %mul3A_15 : i32
    %add3A_17 = arith.constant 0 : i32
    %add3A_18 = arith.addi %mul3A_16, %add3A_17 : i32
    %run_scoped3A = arith.constant 0 : i32
    "tpu.region"() ({
      %run_scoped3A_112 = tpu.sem_alloc : memref<!tpu.dma_semaphore, #tpu.memory_space<semaphore_mem>>
      %dma_start3A_113 = arith.constant 0 : i32
      %dma_start3A_114 = arith.constant 0 : i32
      %dma_start3A_115 = tpu.memref_slice %arg11[%run_scoped3A, %dma_start3A_113, %dma_start3A_114] : memref<4x64x128xf32, #tpu.memory_space<vmem>> -> memref<1x64x128xf32, #tpu.memory_space<vmem>>
      %dma_start3A_116 = tpu.memref_squeeze %dma_start3A_115 : memref<1x64x128xf32, #tpu.memory_space<vmem>> -> memref<64x128xf32, #tpu.memory_space<vmem>>
      %dma_start3A_117 = arith.constant 0 : i32
      %dma_start3A_118 = tpu.memref_slice %arg13[%add3A_18, %dma_start3A_117] : memref<10112x128xf32, #tpu.memory_space<vmem_shared>> -> memref<64x128xf32, #tpu.memory_space<vmem_shared>>
      %dma_start3A_119 = arith.constant 0 : i32
      %dma_start3A_120 = tpu.memref_slice %arg13[%add3A_18, %dma_start3A_119] : memref<10112x128xf32, #tpu.memory_space<vmem_shared>> -> memref<64x128xf32, #tpu.memory_space<vmem_shared>>
      %dma_start3A_121 = arith.constant 0 : i32
      %dma_start3A_122 = arith.constant 0 : i32
      %dma_start3A_123 = tpu.memref_slice %arg11[%run_scoped3A, %dma_start3A_121, %dma_start3A_122] : memref<4x64x128xf32, #tpu.memory_space<vmem>> -> memref<1x64x128xf32, #tpu.memory_space<vmem>>
      %dma_start3A_124 = tpu.memref_squeeze %dma_start3A_123 : memref<1x64x128xf32, #tpu.memory_space<vmem>> -> memref<64x128xf32, #tpu.memory_space<vmem>>
      tpu.enqueue_dma source(%dma_start3A_124 : memref<64x128xf32, #tpu.memory_space<vmem>>) target(%dma_start3A_120 : memref<64x128xf32, #tpu.memory_space<vmem_shared>>) target_semaphore(%run_scoped3A_112 : memref<!tpu.dma_semaphore, #tpu.memory_space<semaphore_mem>>)
      %dma_wait3A_125 = arith.constant 0 : i32
      %dma_wait3A_126 = arith.constant 0 : i32
      %dma_wait3A_127 = tpu.memref_slice %arg11[%run_scoped3A, %dma_wait3A_125, %dma_wait3A_126] : memref<4x64x128xf32, #tpu.memory_space<vmem>> -> memref<1x64x128xf32, #tpu.memory_space<vmem>>
      %dma_wait3A_128 = tpu.memref_squeeze %dma_wait3A_127 : memref<1x64x128xf32, #tpu.memory_space<vmem>> -> memref<64x128xf32, #tpu.memory_space<vmem>>
      %dma_wait3A_129 = arith.constant 0 : i32
      %dma_wait3A_130 = tpu.memref_slice %arg13[%add3A_18, %dma_wait3A_129] : memref<10112x128xf32, #tpu.memory_space<vmem_shared>> -> memref<64x128xf32, #tpu.memory_space<vmem_shared>>
      %dma_wait3A_131 = arith.constant 0 : i32
      %dma_wait3A_132 = tpu.memref_slice %arg13[%add3A_18, %dma_wait3A_131] : memref<10112x128xf32, #tpu.memory_space<vmem_shared>> -> memref<64x128xf32, #tpu.memory_space<vmem_shared>>
      %dma_wait3A_133 = arith.constant 0 : i32
      %dma_wait3A_134 = arith.constant 0 : i32
      %dma_wait3A_135 = tpu.memref_slice %arg11[%run_scoped3A, %dma_wait3A_133, %dma_wait3A_134] : memref<4x64x128xf32, #tpu.memory_space<vmem>> -> memref<1x64x128xf32, #tpu.memory_space<vmem>>
      %dma_wait3A_136 = tpu.memref_squeeze %dma_wait3A_135 : memref<1x64x128xf32, #tpu.memory_space<vmem>> -> memref<64x128xf32, #tpu.memory_space<vmem>>
      tpu.wait_dma2 semaphore(%run_scoped3A_112 : memref<!tpu.dma_semaphore, #tpu.memory_space<semaphore_mem>>) src(%dma_wait3A_136 : memref<64x128xf32, #tpu.memory_space<vmem>>) dst(%dma_wait3A_132 : memref<64x128xf32, #tpu.memory_space<vmem_shared>>)
      tpu.yield
    }) : () -> ()
    %add3A_19 = arith.constant 64 : i32
    %add3A_20 = arith.addi %mul3A_16, %add3A_19 : i32
    %run_scoped3A_21 = arith.constant 0 : i32
    "tpu.region"() ({
      %run_scoped3A_112 = tpu.sem_alloc : memref<!tpu.dma_semaphore, #tpu.memory_space<semaphore_mem>>
      %dma_start3A_113 = arith.constant 0 : i32
      %dma_start3A_114 = arith.constant 0 : i32
      %dma_start3A_115 = tpu.memref_slice %arg11[%run_scoped3A_21, %dma_start3A_113, %dma_start3A_114] : memref<4x64x128xf32, #tpu.memory_space<vmem>> -> memref<1x64x128xf32, #tpu.memory_space<vmem>>
      %dma_start3A_116 = tpu.memref_squeeze %dma_start3A_115 : memref<1x64x128xf32, #tpu.memory_space<vmem>> -> memref<64x128xf32, #tpu.memory_space<vmem>>
      %dma_start3A_117 = arith.constant 0 : i32
      %dma_start3A_118 = tpu.memref_slice %arg13[%add3A_20, %dma_start3A_117] : memref<10112x128xf32, #tpu.memory_space<vmem_shared>> -> memref<64x128xf32, #tpu.memory_space<vmem_shared>>
      %dma_start3A_119 = arith.constant 0 : i32
      %dma_start3A_120 = tpu.memref_slice %arg13[%add3A_20, %dma_start3A_119] : memref<10112x128xf32, #tpu.memory_space<vmem_shared>> -> memref<64x128xf32, #tpu.memory_space<vmem_shared>>
      %dma_start3A_121 = arith.constant 0 : i32
      %dma_start3A_122 = arith.constant 0 : i32
      %dma_start3A_123 = tpu.memref_slice %arg11[%run_scoped3A_21, %dma_start3A_121, %dma_start3A_122] : memref<4x64x128xf32, #tpu.memory_space<vmem>> -> memref<1x64x128xf32, #tpu.memory_space<vmem>>
      %dma_start3A_124 = tpu.memref_squeeze %dma_start3A_123 : memref<1x64x128xf32, #tpu.memory_space<vmem>> -> memref<64x128xf32, #tpu.memory_space<vmem>>
      tpu.enqueue_dma source(%dma_start3A_124 : memref<64x128xf32, #tpu.memory_space<vmem>>) target(%dma_start3A_120 : memref<64x128xf32, #tpu.memory_space<vmem_shared>>) target_semaphore(%run_scoped3A_112 : memref<!tpu.dma_semaphore, #tpu.memory_space<semaphore_mem>>)
      %dma_wait3A_125 = arith.constant 0 : i32
      %dma_wait3A_126 = arith.constant 0 : i32
      %dma_wait3A_127 = tpu.memref_slice %arg11[%run_scoped3A_21, %dma_wait3A_125, %dma_wait3A_126] : memref<4x64x128xf32, #tpu.memory_space<vmem>> -> memref<1x64x128xf32, #tpu.memory_space<vmem>>
      %dma_wait3A_128 = tpu.memref_squeeze %dma_wait3A_127 : memref<1x64x128xf32, #tpu.memory_space<vmem>> -> memref<64x128xf32, #tpu.memory_space<vmem>>
      %dma_wait3A_129 = arith.constant 0 : i32
      %dma_wait3A_130 = tpu.memref_slice %arg13[%add3A_20, %dma_wait3A_129] : memref<10112x128xf32, #tpu.memory_space<vmem_shared>> -> memref<64x128xf32, #tpu.memory_space<vmem_shared>>
      %dma_wait3A_131 = arith.constant 0 : i32
      %dma_wait3A_132 = tpu.memref_slice %arg13[%add3A_20, %dma_wait3A_131] : memref<10112x128xf32, #tpu.memory_space<vmem_shared>> -> memref<64x128xf32, #tpu.memory_space<vmem_shared>>
      %dma_wait3A_133 = arith.constant 0 : i32
      %dma_wait3A_134 = arith.constant 0 : i32
      %dma_wait3A_135 = tpu.memref_slice %arg11[%run_scoped3A_21, %dma_wait3A_133, %dma_wait3A_134] : memref<4x64x128xf32, #tpu.memory_space<vmem>> -> memref<1x64x128xf32, #tpu.memory_space<vmem>>
      %dma_wait3A_136 = tpu.memref_squeeze %dma_wait3A_135 : memref<1x64x128xf32, #tpu.memory_space<vmem>> -> memref<64x128xf32, #tpu.memory_space<vmem>>
      tpu.wait_dma2 semaphore(%run_scoped3A_112 : memref<!tpu.dma_semaphore, #tpu.memory_space<semaphore_mem>>) src(%dma_wait3A_136 : memref<64x128xf32, #tpu.memory_space<vmem>>) dst(%dma_wait3A_132 : memref<64x128xf32, #tpu.memory_space<vmem_shared>>)
      tpu.yield
    }) : () -> ()
    %add3A_22 = arith.constant 128 : i32
    %add3A_23 = arith.addi %mul3A_16, %add3A_22 : i32
    %run_scoped3A_24 = arith.constant 0 : i32
    "tpu.region"() ({
      %run_scoped3A_112 = tpu.sem_alloc : memref<!tpu.dma_semaphore, #tpu.memory_space<semaphore_mem>>
      %dma_start3A_113 = arith.constant 0 : i32
      %dma_start3A_114 = arith.constant 0 : i32
      %dma_start3A_115 = tpu.memref_slice %arg11[%run_scoped3A_24, %dma_start3A_113, %dma_start3A_114] : memref<4x64x128xf32, #tpu.memory_space<vmem>> -> memref<1x64x128xf32, #tpu.memory_space<vmem>>
      %dma_start3A_116 = tpu.memref_squeeze %dma_start3A_115 : memref<1x64x128xf32, #tpu.memory_space<vmem>> -> memref<64x128xf32, #tpu.memory_space<vmem>>
      %dma_start3A_117 = arith.constant 0 : i32
      %dma_start3A_118 = tpu.memref_slice %arg13[%add3A_23, %dma_start3A_117] : memref<10112x128xf32, #tpu.memory_space<vmem_shared>> -> memref<64x128xf32, #tpu.memory_space<vmem_shared>>
      %dma_start3A_119 = arith.constant 0 : i32
      %dma_start3A_120 = tpu.memref_slice %arg13[%add3A_23, %dma_start3A_119] : memref<10112x128xf32, #tpu.memory_space<vmem_shared>> -> memref<64x128xf32, #tpu.memory_space<vmem_shared>>
      %dma_start3A_121 = arith.constant 0 : i32
      %dma_start3A_122 = arith.constant 0 : i32
      %dma_start3A_123 = tpu.memref_slice %arg11[%run_scoped3A_24, %dma_start3A_121, %dma_start3A_122] : memref<4x64x128xf32, #tpu.memory_space<vmem>> -> memref<1x64x128xf32, #tpu.memory_space<vmem>>
      %dma_start3A_124 = tpu.memref_squeeze %dma_start3A_123 : memref<1x64x128xf32, #tpu.memory_space<vmem>> -> memref<64x128xf32, #tpu.memory_space<vmem>>
      tpu.enqueue_dma source(%dma_start3A_124 : memref<64x128xf32, #tpu.memory_space<vmem>>) target(%dma_start3A_120 : memref<64x128xf32, #tpu.memory_space<vmem_shared>>) target_semaphore(%run_scoped3A_112 : memref<!tpu.dma_semaphore, #tpu.memory_space<semaphore_mem>>)
      %dma_wait3A_125 = arith.constant 0 : i32
      %dma_wait3A_126 = arith.constant 0 : i32
      %dma_wait3A_127 = tpu.memref_slice %arg11[%run_scoped3A_24, %dma_wait3A_125, %dma_wait3A_126] : memref<4x64x128xf32, #tpu.memory_space<vmem>> -> memref<1x64x128xf32, #tpu.memory_space<vmem>>
      %dma_wait3A_128 = tpu.memref_squeeze %dma_wait3A_127 : memref<1x64x128xf32, #tpu.memory_space<vmem>> -> memref<64x128xf32, #tpu.memory_space<vmem>>
      %dma_wait3A_129 = arith.constant 0 : i32
      %dma_wait3A_130 = tpu.memref_slice %arg13[%add3A_23, %dma_wait3A_129] : memref<10112x128xf32, #tpu.memory_space<vmem_shared>> -> memref<64x128xf32, #tpu.memory_space<vmem_shared>>
      %dma_wait3A_131 = arith.constant 0 : i32
      %dma_wait3A_132 = tpu.memref_slice %arg13[%add3A_23, %dma_wait3A_131] : memref<10112x128xf32, #tpu.memory_space<vmem_shared>> -> memref<64x128xf32, #tpu.memory_space<vmem_shared>>
      %dma_wait3A_133 = arith.constant 0 : i32
      %dma_wait3A_134 = arith.constant 0 : i32
      %dma_wait3A_135 = tpu.memref_slice %arg11[%run_scoped3A_24, %dma_wait3A_133, %dma_wait3A_134] : memref<4x64x128xf32, #tpu.memory_space<vmem>> -> memref<1x64x128xf32, #tpu.memory_space<vmem>>
      %dma_wait3A_136 = tpu.memref_squeeze %dma_wait3A_135 : memref<1x64x128xf32, #tpu.memory_space<vmem>> -> memref<64x128xf32, #tpu.memory_space<vmem>>
      tpu.wait_dma2 semaphore(%run_scoped3A_112 : memref<!tpu.dma_semaphore, #tpu.memory_space<semaphore_mem>>) src(%dma_wait3A_136 : memref<64x128xf32, #tpu.memory_space<vmem>>) dst(%dma_wait3A_132 : memref<64x128xf32, #tpu.memory_space<vmem_shared>>)
      tpu.yield
    }) : () -> ()
    %add3A_25 = arith.constant 192 : i32
    %add3A_26 = arith.addi %mul3A_16, %add3A_25 : i32
    %run_scoped3A_27 = arith.constant 0 : i32
    "tpu.region"() ({
      %run_scoped3A_112 = tpu.sem_alloc : memref<!tpu.dma_semaphore, #tpu.memory_space<semaphore_mem>>
      %dma_start3A_113 = arith.constant 0 : i32
      %dma_start3A_114 = arith.constant 0 : i32
      %dma_start3A_115 = tpu.memref_slice %arg11[%run_scoped3A_27, %dma_start3A_113, %dma_start3A_114] : memref<4x64x128xf32, #tpu.memory_space<vmem>> -> memref<1x64x128xf32, #tpu.memory_space<vmem>>
      %dma_start3A_116 = tpu.memref_squeeze %dma_start3A_115 : memref<1x64x128xf32, #tpu.memory_space<vmem>> -> memref<64x128xf32, #tpu.memory_space<vmem>>
      %dma_start3A_117 = arith.constant 0 : i32
      %dma_start3A_118 = tpu.memref_slice %arg13[%add3A_26, %dma_start3A_117] : memref<10112x128xf32, #tpu.memory_space<vmem_shared>> -> memref<64x128xf32, #tpu.memory_space<vmem_shared>>
      %dma_start3A_119 = arith.constant 0 : i32
      %dma_start3A_120 = tpu.memref_slice %arg13[%add3A_26, %dma_start3A_119] : memref<10112x128xf32, #tpu.memory_space<vmem_shared>> -> memref<64x128xf32, #tpu.memory_space<vmem_shared>>
      %dma_start3A_121 = arith.constant 0 : i32
      %dma_start3A_122 = arith.constant 0 : i32
      %dma_start3A_123 = tpu.memref_slice %arg11[%run_scoped3A_27, %dma_start3A_121, %dma_start3A_122] : memref<4x64x128xf32, #tpu.memory_space<vmem>> -> memref<1x64x128xf32, #tpu.memory_space<vmem>>
      %dma_start3A_124 = tpu.memref_squeeze %dma_start3A_123 : memref<1x64x128xf32, #tpu.memory_space<vmem>> -> memref<64x128xf32, #tpu.memory_space<vmem>>
      tpu.enqueue_dma source(%dma_start3A_124 : memref<64x128xf32, #tpu.memory_space<vmem>>) target(%dma_start3A_120 : memref<64x128xf32, #tpu.memory_space<vmem_shared>>) target_semaphore(%run_scoped3A_112 : memref<!tpu.dma_semaphore, #tpu.memory_space<semaphore_mem>>)
      %dma_wait3A_125 = arith.constant 0 : i32
      %dma_wait3A_126 = arith.constant 0 : i32
      %dma_wait3A_127 = tpu.memref_slice %arg11[%run_scoped3A_27, %dma_wait3A_125, %dma_wait3A_126] : memref<4x64x128xf32, #tpu.memory_space<vmem>> -> memref<1x64x128xf32, #tpu.memory_space<vmem>>
      %dma_wait3A_128 = tpu.memref_squeeze %dma_wait3A_127 : memref<1x64x128xf32, #tpu.memory_space<vmem>> -> memref<64x128xf32, #tpu.memory_space<vmem>>
      %dma_wait3A_129 = arith.constant 0 : i32
      %dma_wait3A_130 = tpu.memref_slice %arg13[%add3A_26, %dma_wait3A_129] : memref<10112x128xf32, #tpu.memory_space<vmem_shared>> -> memref<64x128xf32, #tpu.memory_space<vmem_shared>>
      %dma_wait3A_131 = arith.constant 0 : i32
      %dma_wait3A_132 = tpu.memref_slice %arg13[%add3A_26, %dma_wait3A_131] : memref<10112x128xf32, #tpu.memory_space<vmem_shared>> -> memref<64x128xf32, #tpu.memory_space<vmem_shared>>
      %dma_wait3A_133 = arith.constant 0 : i32
      %dma_wait3A_134 = arith.constant 0 : i32
      %dma_wait3A_135 = tpu.memref_slice %arg11[%run_scoped3A_27, %dma_wait3A_133, %dma_wait3A_134] : memref<4x64x128xf32, #tpu.memory_space<vmem>> -> memref<1x64x128xf32, #tpu.memory_space<vmem>>
      %dma_wait3A_136 = tpu.memref_squeeze %dma_wait3A_135 : memref<1x64x128xf32, #tpu.memory_space<vmem>> -> memref<64x128xf32, #tpu.memory_space<vmem>>
      tpu.wait_dma2 semaphore(%run_scoped3A_112 : memref<!tpu.dma_semaphore, #tpu.memory_space<semaphore_mem>>) src(%dma_wait3A_136 : memref<64x128xf32, #tpu.memory_space<vmem>>) dst(%dma_wait3A_132 : memref<64x128xf32, #tpu.memory_space<vmem_shared>>)
      tpu.yield
    }) : () -> ()
    %add3A_28 = arith.constant 256 : i32
    %add3A_29 = arith.addi %mul3A_16, %add3A_28 : i32
    %run_scoped3A_30 = arith.constant 0 : i32
    "tpu.region"() ({
      %run_scoped3A_112 = tpu.sem_alloc : memref<!tpu.dma_semaphore, #tpu.memory_space<semaphore_mem>>
      %dma_start3A_113 = arith.constant 0 : i32
      %dma_start3A_114 = arith.constant 0 : i32
      %dma_start3A_115 = tpu.memref_slice %arg11[%run_scoped3A_30, %dma_start3A_113, %dma_start3A_114] : memref<4x64x128xf32, #tpu.memory_space<vmem>> -> memref<1x64x128xf32, #tpu.memory_space<vmem>>
      %dma_start3A_116 = tpu.memref_squeeze %dma_start3A_115 : memref<1x64x128xf32, #tpu.memory_space<vmem>> -> memref<64x128xf32, #tpu.memory_space<vmem>>
      %dma_start3A_117 = arith.constant 0 : i32
      %dma_start3A_118 = tpu.memref_slice %arg13[%add3A_29, %dma_start3A_117] : memref<10112x128xf32, #tpu.memory_space<vmem_shared>> -> memref<64x128xf32, #tpu.memory_space<vmem_shared>>
      %dma_start3A_119 = arith.constant 0 : i32
      %dma_start3A_120 = tpu.memref_slice %arg13[%add3A_29, %dma_start3A_119] : memref<10112x128xf32, #tpu.memory_space<vmem_shared>> -> memref<64x128xf32, #tpu.memory_space<vmem_shared>>
      %dma_start3A_121 = arith.constant 0 : i32
      %dma_start3A_122 = arith.constant 0 : i32
      %dma_start3A_123 = tpu.memref_slice %arg11[%run_scoped3A_30, %dma_start3A_121, %dma_start3A_122] : memref<4x64x128xf32, #tpu.memory_space<vmem>> -> memref<1x64x128xf32, #tpu.memory_space<vmem>>
      %dma_start3A_124 = tpu.memref_squeeze %dma_start3A_123 : memref<1x64x128xf32, #tpu.memory_space<vmem>> -> memref<64x128xf32, #tpu.memory_space<vmem>>
      tpu.enqueue_dma source(%dma_start3A_124 : memref<64x128xf32, #tpu.memory_space<vmem>>) target(%dma_start3A_120 : memref<64x128xf32, #tpu.memory_space<vmem_shared>>) target_semaphore(%run_scoped3A_112 : memref<!tpu.dma_semaphore, #tpu.memory_space<semaphore_mem>>)
      %dma_wait3A_125 = arith.constant 0 : i32
      %dma_wait3A_126 = arith.constant 0 : i32
      %dma_wait3A_127 = tpu.memref_slice %arg11[%run_scoped3A_30, %dma_wait3A_125, %dma_wait3A_126] : memref<4x64x128xf32, #tpu.memory_space<vmem>> -> memref<1x64x128xf32, #tpu.memory_space<vmem>>
      %dma_wait3A_128 = tpu.memref_squeeze %dma_wait3A_127 : memref<1x64x128xf32, #tpu.memory_space<vmem>> -> memref<64x128xf32, #tpu.memory_space<vmem>>
      %dma_wait3A_129 = arith.constant 0 : i32
      %dma_wait3A_130 = tpu.memref_slice %arg13[%add3A_29, %dma_wait3A_129] : memref<10112x128xf32, #tpu.memory_space<vmem_shared>> -> memref<64x128xf32, #tpu.memory_space<vmem_shared>>
      %dma_wait3A_131 = arith.constant 0 : i32
      %dma_wait3A_132 = tpu.memref_slice %arg13[%add3A_29, %dma_wait3A_131] : memref<10112x128xf32, #tpu.memory_space<vmem_shared>> -> memref<64x128xf32, #tpu.memory_space<vmem_shared>>
      %dma_wait3A_133 = arith.constant 0 : i32
      %dma_wait3A_134 = arith.constant 0 : i32
      %dma_wait3A_135 = tpu.memref_slice %arg11[%run_scoped3A_30, %dma_wait3A_133, %dma_wait3A_134] : memref<4x64x128xf32, #tpu.memory_space<vmem>> -> memref<1x64x128xf32, #tpu.memory_space<vmem>>
      %dma_wait3A_136 = tpu.memref_squeeze %dma_wait3A_135 : memref<1x64x128xf32, #tpu.memory_space<vmem>> -> memref<64x128xf32, #tpu.memory_space<vmem>>
      tpu.wait_dma2 semaphore(%run_scoped3A_112 : memref<!tpu.dma_semaphore, #tpu.memory_space<semaphore_mem>>) src(%dma_wait3A_136 : memref<64x128xf32, #tpu.memory_space<vmem>>) dst(%dma_wait3A_132 : memref<64x128xf32, #tpu.memory_space<vmem_shared>>)
      tpu.yield
    }) : () -> ()
    %add3A_31 = arith.constant 320 : i32
    %add3A_32 = arith.addi %mul3A_16, %add3A_31 : i32
    %run_scoped3A_33 = arith.constant 0 : i32
    "tpu.region"() ({
      %run_scoped3A_112 = tpu.sem_alloc : memref<!tpu.dma_semaphore, #tpu.memory_space<semaphore_mem>>
      %dma_start3A_113 = arith.constant 0 : i32
      %dma_start3A_114 = arith.constant 0 : i32
      %dma_start3A_115 = tpu.memref_slice %arg11[%run_scoped3A_33, %dma_start3A_113, %dma_start3A_114] : memref<4x64x128xf32, #tpu.memory_space<vmem>> -> memref<1x64x128xf32, #tpu.memory_space<vmem>>
      %dma_start3A_116 = tpu.memref_squeeze %dma_start3A_115 : memref<1x64x128xf32, #tpu.memory_space<vmem>> -> memref<64x128xf32, #tpu.memory_space<vmem>>
      %dma_start3A_117 = arith.constant 0 : i32
      %dma_start3A_118 = tpu.memref_slice %arg13[%add3A_32, %dma_start3A_117] : memref<10112x128xf32, #tpu.memory_space<vmem_shared>> -> memref<64x128xf32, #tpu.memory_space<vmem_shared>>
      %dma_start3A_119 = arith.constant 0 : i32
      %dma_start3A_120 = tpu.memref_slice %arg13[%add3A_32, %dma_start3A_119] : memref<10112x128xf32, #tpu.memory_space<vmem_shared>> -> memref<64x128xf32, #tpu.memory_space<vmem_shared>>
      %dma_start3A_121 = arith.constant 0 : i32
      %dma_start3A_122 = arith.constant 0 : i32
      %dma_start3A_123 = tpu.memref_slice %arg11[%run_scoped3A_33, %dma_start3A_121, %dma_start3A_122] : memref<4x64x128xf32, #tpu.memory_space<vmem>> -> memref<1x64x128xf32, #tpu.memory_space<vmem>>
      %dma_start3A_124 = tpu.memref_squeeze %dma_start3A_123 : memref<1x64x128xf32, #tpu.memory_space<vmem>> -> memref<64x128xf32, #tpu.memory_space<vmem>>
      tpu.enqueue_dma source(%dma_start3A_124 : memref<64x128xf32, #tpu.memory_space<vmem>>) target(%dma_start3A_120 : memref<64x128xf32, #tpu.memory_space<vmem_shared>>) target_semaphore(%run_scoped3A_112 : memref<!tpu.dma_semaphore, #tpu.memory_space<semaphore_mem>>)
      %dma_wait3A_125 = arith.constant 0 : i32
      %dma_wait3A_126 = arith.constant 0 : i32
      %dma_wait3A_127 = tpu.memref_slice %arg11[%run_scoped3A_33, %dma_wait3A_125, %dma_wait3A_126] : memref<4x64x128xf32, #tpu.memory_space<vmem>> -> memref<1x64x128xf32, #tpu.memory_space<vmem>>
      %dma_wait3A_128 = tpu.memref_squeeze %dma_wait3A_127 : memref<1x64x128xf32, #tpu.memory_space<vmem>> -> memref<64x128xf32, #tpu.memory_space<vmem>>
      %dma_wait3A_129 = arith.constant 0 : i32
      %dma_wait3A_130 = tpu.memref_slice %arg13[%add3A_32, %dma_wait3A_129] : memref<10112x128xf32, #tpu.memory_space<vmem_shared>> -> memref<64x128xf32, #tpu.memory_space<vmem_shared>>
      %dma_wait3A_131 = arith.constant 0 : i32
      %dma_wait3A_132 = tpu.memref_slice %arg13[%add3A_32, %dma_wait3A_131] : memref<10112x128xf32, #tpu.memory_space<vmem_shared>> -> memref<64x128xf32, #tpu.memory_space<vmem_shared>>
      %dma_wait3A_133 = arith.constant 0 : i32
      %dma_wait3A_134 = arith.constant 0 : i32
      %dma_wait3A_135 = tpu.memref_slice %arg11[%run_scoped3A_33, %dma_wait3A_133, %dma_wait3A_134] : memref<4x64x128xf32, #tpu.memory_space<vmem>> -> memref<1x64x128xf32, #tpu.memory_space<vmem>>
      %dma_wait3A_136 = tpu.memref_squeeze %dma_wait3A_135 : memref<1x64x128xf32, #tpu.memory_space<vmem>> -> memref<64x128xf32, #tpu.memory_space<vmem>>
      tpu.wait_dma2 semaphore(%run_scoped3A_112 : memref<!tpu.dma_semaphore, #tpu.memory_space<semaphore_mem>>) src(%dma_wait3A_136 : memref<64x128xf32, #tpu.memory_space<vmem>>) dst(%dma_wait3A_132 : memref<64x128xf32, #tpu.memory_space<vmem_shared>>)
      tpu.yield
    }) : () -> ()
    %add3A_34 = arith.constant 384 : i32
    %add3A_35 = arith.addi %mul3A_16, %add3A_34 : i32
    %run_scoped3A_36 = arith.constant 0 : i32
    "tpu.region"() ({
      %run_scoped3A_112 = tpu.sem_alloc : memref<!tpu.dma_semaphore, #tpu.memory_space<semaphore_mem>>
      %dma_start3A_113 = arith.constant 0 : i32
      %dma_start3A_114 = arith.constant 0 : i32
      %dma_start3A_115 = tpu.memref_slice %arg11[%run_scoped3A_36, %dma_start3A_113, %dma_start3A_114] : memref<4x64x128xf32, #tpu.memory_space<vmem>> -> memref<1x64x128xf32, #tpu.memory_space<vmem>>
      %dma_start3A_116 = tpu.memref_squeeze %dma_start3A_115 : memref<1x64x128xf32, #tpu.memory_space<vmem>> -> memref<64x128xf32, #tpu.memory_space<vmem>>
      %dma_start3A_117 = arith.constant 0 : i32
      %dma_start3A_118 = tpu.memref_slice %arg13[%add3A_35, %dma_start3A_117] : memref<10112x128xf32, #tpu.memory_space<vmem_shared>> -> memref<64x128xf32, #tpu.memory_space<vmem_shared>>
      %dma_start3A_119 = arith.constant 0 : i32
      %dma_start3A_120 = tpu.memref_slice %arg13[%add3A_35, %dma_start3A_119] : memref<10112x128xf32, #tpu.memory_space<vmem_shared>> -> memref<64x128xf32, #tpu.memory_space<vmem_shared>>
      %dma_start3A_121 = arith.constant 0 : i32
      %dma_start3A_122 = arith.constant 0 : i32
      %dma_start3A_123 = tpu.memref_slice %arg11[%run_scoped3A_36, %dma_start3A_121, %dma_start3A_122] : memref<4x64x128xf32, #tpu.memory_space<vmem>> -> memref<1x64x128xf32, #tpu.memory_space<vmem>>
      %dma_start3A_124 = tpu.memref_squeeze %dma_start3A_123 : memref<1x64x128xf32, #tpu.memory_space<vmem>> -> memref<64x128xf32, #tpu.memory_space<vmem>>
      tpu.enqueue_dma source(%dma_start3A_124 : memref<64x128xf32, #tpu.memory_space<vmem>>) target(%dma_start3A_120 : memref<64x128xf32, #tpu.memory_space<vmem_shared>>) target_semaphore(%run_scoped3A_112 : memref<!tpu.dma_semaphore, #tpu.memory_space<semaphore_mem>>)
      %dma_wait3A_125 = arith.constant 0 : i32
      %dma_wait3A_126 = arith.constant 0 : i32
      %dma_wait3A_127 = tpu.memref_slice %arg11[%run_scoped3A_36, %dma_wait3A_125, %dma_wait3A_126] : memref<4x64x128xf32, #tpu.memory_space<vmem>> -> memref<1x64x128xf32, #tpu.memory_space<vmem>>
      %dma_wait3A_128 = tpu.memref_squeeze %dma_wait3A_127 : memref<1x64x128xf32, #tpu.memory_space<vmem>> -> memref<64x128xf32, #tpu.memory_space<vmem>>
      %dma_wait3A_129 = arith.constant 0 : i32
      %dma_wait3A_130 = tpu.memref_slice %arg13[%add3A_35, %dma_wait3A_129] : memref<10112x128xf32, #tpu.memory_space<vmem_shared>> -> memref<64x128xf32, #tpu.memory_space<vmem_shared>>
      %dma_wait3A_131 = arith.constant 0 : i32
      %dma_wait3A_132 = tpu.memref_slice %arg13[%add3A_35, %dma_wait3A_131] : memref<10112x128xf32, #tpu.memory_space<vmem_shared>> -> memref<64x128xf32, #tpu.memory_space<vmem_shared>>
      %dma_wait3A_133 = arith.constant 0 : i32
      %dma_wait3A_134 = arith.constant 0 : i32
      %dma_wait3A_135 = tpu.memref_slice %arg11[%run_scoped3A_36, %dma_wait3A_133, %dma_wait3A_134] : memref<4x64x128xf32, #tpu.memory_space<vmem>> -> memref<1x64x128xf32, #tpu.memory_space<vmem>>
      %dma_wait3A_136 = tpu.memref_squeeze %dma_wait3A_135 : memref<1x64x128xf32, #tpu.memory_space<vmem>> -> memref<64x128xf32, #tpu.memory_space<vmem>>
      tpu.wait_dma2 semaphore(%run_scoped3A_112 : memref<!tpu.dma_semaphore, #tpu.memory_space<semaphore_mem>>) src(%dma_wait3A_136 : memref<64x128xf32, #tpu.memory_space<vmem>>) dst(%dma_wait3A_132 : memref<64x128xf32, #tpu.memory_space<vmem_shared>>)
      tpu.yield
    }) : () -> ()
    %add3A_37 = arith.constant 448 : i32
    %add3A_38 = arith.addi %mul3A_16, %add3A_37 : i32
    %run_scoped3A_39 = arith.constant 0 : i32
    "tpu.region"() ({
      %run_scoped3A_112 = tpu.sem_alloc : memref<!tpu.dma_semaphore, #tpu.memory_space<semaphore_mem>>
      %dma_start3A_113 = arith.constant 0 : i32
      %dma_start3A_114 = arith.constant 0 : i32
      %dma_start3A_115 = tpu.memref_slice %arg11[%run_scoped3A_39, %dma_start3A_113, %dma_start3A_114] : memref<4x64x128xf32, #tpu.memory_space<vmem>> -> memref<1x64x128xf32, #tpu.memory_space<vmem>>
      %dma_start3A_116 = tpu.memref_squeeze %dma_start3A_115 : memref<1x64x128xf32, #tpu.memory_space<vmem>> -> memref<64x128xf32, #tpu.memory_space<vmem>>
      %dma_start3A_117 = arith.constant 0 : i32
      %dma_start3A_118 = tpu.memref_slice %arg13[%add3A_38, %dma_start3A_117] : memref<10112x128xf32, #tpu.memory_space<vmem_shared>> -> memref<64x128xf32, #tpu.memory_space<vmem_shared>>
      %dma_start3A_119 = arith.constant 0 : i32
      %dma_start3A_120 = tpu.memref_slice %arg13[%add3A_38, %dma_start3A_119] : memref<10112x128xf32, #tpu.memory_space<vmem_shared>> -> memref<64x128xf32, #tpu.memory_space<vmem_shared>>
      %dma_start3A_121 = arith.constant 0 : i32
      %dma_start3A_122 = arith.constant 0 : i32
      %dma_start3A_123 = tpu.memref_slice %arg11[%run_scoped3A_39, %dma_start3A_121, %dma_start3A_122] : memref<4x64x128xf32, #tpu.memory_space<vmem>> -> memref<1x64x128xf32, #tpu.memory_space<vmem>>
      %dma_start3A_124 = tpu.memref_squeeze %dma_start3A_123 : memref<1x64x128xf32, #tpu.memory_space<vmem>> -> memref<64x128xf32, #tpu.memory_space<vmem>>
      tpu.enqueue_dma source(%dma_start3A_124 : memref<64x128xf32, #tpu.memory_space<vmem>>) target(%dma_start3A_120 : memref<64x128xf32, #tpu.memory_space<vmem_shared>>) target_semaphore(%run_scoped3A_112 : memref<!tpu.dma_semaphore, #tpu.memory_space<semaphore_mem>>)
      %dma_wait3A_125 = arith.constant 0 : i32
      %dma_wait3A_126 = arith.constant 0 : i32
      %dma_wait3A_127 = tpu.memref_slice %arg11[%run_scoped3A_39, %dma_wait3A_125, %dma_wait3A_126] : memref<4x64x128xf32, #tpu.memory_space<vmem>> -> memref<1x64x128xf32, #tpu.memory_space<vmem>>
      %dma_wait3A_128 = tpu.memref_squeeze %dma_wait3A_127 : memref<1x64x128xf32, #tpu.memory_space<vmem>> -> memref<64x128xf32, #tpu.memory_space<vmem>>
      %dma_wait3A_129 = arith.constant 0 : i32
      %dma_wait3A_130 = tpu.memref_slice %arg13[%add3A_38, %dma_wait3A_129] : memref<10112x128xf32, #tpu.memory_space<vmem_shared>> -> memref<64x128xf32, #tpu.memory_space<vmem_shared>>
      %dma_wait3A_131 = arith.constant 0 : i32
      %dma_wait3A_132 = tpu.memref_slice %arg13[%add3A_38, %dma_wait3A_131] : memref<10112x128xf32, #tpu.memory_space<vmem_shared>> -> memref<64x128xf32, #tpu.memory_space<vmem_shared>>
      %dma_wait3A_133 = arith.constant 0 : i32
      %dma_wait3A_134 = arith.constant 0 : i32
      %dma_wait3A_135 = tpu.memref_slice %arg11[%run_scoped3A_39, %dma_wait3A_133, %dma_wait3A_134] : memref<4x64x128xf32, #tpu.memory_space<vmem>> -> memref<1x64x128xf32, #tpu.memory_space<vmem>>
      %dma_wait3A_136 = tpu.memref_squeeze %dma_wait3A_135 : memref<1x64x128xf32, #tpu.memory_space<vmem>> -> memref<64x128xf32, #tpu.memory_space<vmem>>
      tpu.wait_dma2 semaphore(%run_scoped3A_112 : memref<!tpu.dma_semaphore, #tpu.memory_space<semaphore_mem>>) src(%dma_wait3A_136 : memref<64x128xf32, #tpu.memory_space<vmem>>) dst(%dma_wait3A_132 : memref<64x128xf32, #tpu.memory_space<vmem_shared>>)
      tpu.yield
    }) : () -> ()
    %add3A_40 = arith.constant 512 : i32
    %add3A_41 = arith.addi %mul3A_16, %add3A_40 : i32
    %run_scoped3A_42 = arith.constant 0 : i32
    "tpu.region"() ({
      %run_scoped3A_112 = tpu.sem_alloc : memref<!tpu.dma_semaphore, #tpu.memory_space<semaphore_mem>>
      %dma_start3A_113 = arith.constant 0 : i32
      %dma_start3A_114 = arith.constant 0 : i32
      %dma_start3A_115 = tpu.memref_slice %arg11[%run_scoped3A_42, %dma_start3A_113, %dma_start3A_114] : memref<4x64x128xf32, #tpu.memory_space<vmem>> -> memref<1x64x128xf32, #tpu.memory_space<vmem>>
      %dma_start3A_116 = tpu.memref_squeeze %dma_start3A_115 : memref<1x64x128xf32, #tpu.memory_space<vmem>> -> memref<64x128xf32, #tpu.memory_space<vmem>>
      %dma_start3A_117 = arith.constant 0 : i32
      %dma_start3A_118 = tpu.memref_slice %arg13[%add3A_41, %dma_start3A_117] : memref<10112x128xf32, #tpu.memory_space<vmem_shared>> -> memref<64x128xf32, #tpu.memory_space<vmem_shared>>
      %dma_start3A_119 = arith.constant 0 : i32
      %dma_start3A_120 = tpu.memref_slice %arg13[%add3A_41, %dma_start3A_119] : memref<10112x128xf32, #tpu.memory_space<vmem_shared>> -> memref<64x128xf32, #tpu.memory_space<vmem_shared>>
      %dma_start3A_121 = arith.constant 0 : i32
      %dma_start3A_122 = arith.constant 0 : i32
      %dma_start3A_123 = tpu.memref_slice %arg11[%run_scoped3A_42, %dma_start3A_121, %dma_start3A_122] : memref<4x64x128xf32, #tpu.memory_space<vmem>> -> memref<1x64x128xf32, #tpu.memory_space<vmem>>
      %dma_start3A_124 = tpu.memref_squeeze %dma_start3A_123 : memref<1x64x128xf32, #tpu.memory_space<vmem>> -> memref<64x128xf32, #tpu.memory_space<vmem>>
      tpu.enqueue_dma source(%dma_start3A_124 : memref<64x128xf32, #tpu.memory_space<vmem>>) target(%dma_start3A_120 : memref<64x128xf32, #tpu.memory_space<vmem_shared>>) target_semaphore(%run_scoped3A_112 : memref<!tpu.dma_semaphore, #tpu.memory_space<semaphore_mem>>)
      %dma_wait3A_125 = arith.constant 0 : i32
      %dma_wait3A_126 = arith.constant 0 : i32
      %dma_wait3A_127 = tpu.memref_slice %arg11[%run_scoped3A_42, %dma_wait3A_125, %dma_wait3A_126] : memref<4x64x128xf32, #tpu.memory_space<vmem>> -> memref<1x64x128xf32, #tpu.memory_space<vmem>>
      %dma_wait3A_128 = tpu.memref_squeeze %dma_wait3A_127 : memref<1x64x128xf32, #tpu.memory_space<vmem>> -> memref<64x128xf32, #tpu.memory_space<vmem>>
      %dma_wait3A_129 = arith.constant 0 : i32
      %dma_wait3A_130 = tpu.memref_slice %arg13[%add3A_41, %dma_wait3A_129] : memref<10112x128xf32, #tpu.memory_space<vmem_shared>> -> memref<64x128xf32, #tpu.memory_space<vmem_shared>>
      %dma_wait3A_131 = arith.constant 0 : i32
      %dma_wait3A_132 = tpu.memref_slice %arg13[%add3A_41, %dma_wait3A_131] : memref<10112x128xf32, #tpu.memory_space<vmem_shared>> -> memref<64x128xf32, #tpu.memory_space<vmem_shared>>
      %dma_wait3A_133 = arith.constant 0 : i32
      %dma_wait3A_134 = arith.constant 0 : i32
      %dma_wait3A_135 = tpu.memref_slice %arg11[%run_scoped3A_42, %dma_wait3A_133, %dma_wait3A_134] : memref<4x64x128xf32, #tpu.memory_space<vmem>> -> memref<1x64x128xf32, #tpu.memory_space<vmem>>
      %dma_wait3A_136 = tpu.memref_squeeze %dma_wait3A_135 : memref<1x64x128xf32, #tpu.memory_space<vmem>> -> memref<64x128xf32, #tpu.memory_space<vmem>>
      tpu.wait_dma2 semaphore(%run_scoped3A_112 : memref<!tpu.dma_semaphore, #tpu.memory_space<semaphore_mem>>) src(%dma_wait3A_136 : memref<64x128xf32, #tpu.memory_space<vmem>>) dst(%dma_wait3A_132 : memref<64x128xf32, #tpu.memory_space<vmem_shared>>)
      tpu.yield
    }) : () -> ()
    %add3A_43 = arith.constant 576 : i32
    %add3A_44 = arith.addi %mul3A_16, %add3A_43 : i32
    %run_scoped3A_45 = arith.constant 0 : i32
    "tpu.region"() ({
      %run_scoped3A_112 = tpu.sem_alloc : memref<!tpu.dma_semaphore, #tpu.memory_space<semaphore_mem>>
      %dma_start3A_113 = arith.constant 0 : i32
      %dma_start3A_114 = arith.constant 0 : i32
      %dma_start3A_115 = tpu.memref_slice %arg11[%run_scoped3A_45, %dma_start3A_113, %dma_start3A_114] : memref<4x64x128xf32, #tpu.memory_space<vmem>> -> memref<1x56x128xf32, #tpu.memory_space<vmem>>
      %dma_start3A_116 = tpu.memref_squeeze %dma_start3A_115 : memref<1x56x128xf32, #tpu.memory_space<vmem>> -> memref<56x128xf32, #tpu.memory_space<vmem>>
      %dma_start3A_117 = arith.constant 0 : i32
      %dma_start3A_118 = tpu.memref_slice %arg13[%add3A_44, %dma_start3A_117] : memref<10112x128xf32, #tpu.memory_space<vmem_shared>> -> memref<56x128xf32, #tpu.memory_space<vmem_shared>>
      %dma_start3A_119 = arith.constant 0 : i32
      %dma_start3A_120 = tpu.memref_slice %arg13[%add3A_44, %dma_start3A_119] : memref<10112x128xf32, #tpu.memory_space<vmem_shared>> -> memref<56x128xf32, #tpu.memory_space<vmem_shared>>
      %dma_start3A_121 = arith.constant 0 : i32
      %dma_start3A_122 = arith.constant 0 : i32
      %dma_start3A_123 = tpu.memref_slice %arg11[%run_scoped3A_45, %dma_start3A_121, %dma_start3A_122] : memref<4x64x128xf32, #tpu.memory_space<vmem>> -> memref<1x56x128xf32, #tpu.memory_space<vmem>>
      %dma_start3A_124 = tpu.memref_squeeze %dma_start3A_123 : memref<1x56x128xf32, #tpu.memory_space<vmem>> -> memref<56x128xf32, #tpu.memory_space<vmem>>
      tpu.enqueue_dma source(%dma_start3A_124 : memref<56x128xf32, #tpu.memory_space<vmem>>) target(%dma_start3A_120 : memref<56x128xf32, #tpu.memory_space<vmem_shared>>) target_semaphore(%run_scoped3A_112 : memref<!tpu.dma_semaphore, #tpu.memory_space<semaphore_mem>>)
      %dma_wait3A_125 = arith.constant 0 : i32
      %dma_wait3A_126 = arith.constant 0 : i32
      %dma_wait3A_127 = tpu.memref_slice %arg11[%run_scoped3A_45, %dma_wait3A_125, %dma_wait3A_126] : memref<4x64x128xf32, #tpu.memory_space<vmem>> -> memref<1x56x128xf32, #tpu.memory_space<vmem>>
      %dma_wait3A_128 = tpu.memref_squeeze %dma_wait3A_127 : memref<1x56x128xf32, #tpu.memory_space<vmem>> -> memref<56x128xf32, #tpu.memory_space<vmem>>
      %dma_wait3A_129 = arith.constant 0 : i32
      %dma_wait3A_130 = tpu.memref_slice %arg13[%add3A_44, %dma_wait3A_129] : memref<10112x128xf32, #tpu.memory_space<vmem_shared>> -> memref<56x128xf32, #tpu.memory_space<vmem_shared>>
      %dma_wait3A_131 = arith.constant 0 : i32
      %dma_wait3A_132 = tpu.memref_slice %arg13[%add3A_44, %dma_wait3A_131] : memref<10112x128xf32, #tpu.memory_space<vmem_shared>> -> memref<56x128xf32, #tpu.memory_space<vmem_shared>>
      %dma_wait3A_133 = arith.constant 0 : i32
      %dma_wait3A_134 = arith.constant 0 : i32
      %dma_wait3A_135 = tpu.memref_slice %arg11[%run_scoped3A_45, %dma_wait3A_133, %dma_wait3A_134] : memref<4x64x128xf32, #tpu.memory_space<vmem>> -> memref<1x56x128xf32, #tpu.memory_space<vmem>>
      %dma_wait3A_136 = tpu.memref_squeeze %dma_wait3A_135 : memref<1x56x128xf32, #tpu.memory_space<vmem>> -> memref<56x128xf32, #tpu.memory_space<vmem>>
      tpu.wait_dma2 semaphore(%run_scoped3A_112 : memref<!tpu.dma_semaphore, #tpu.memory_space<semaphore_mem>>) src(%dma_wait3A_136 : memref<56x128xf32, #tpu.memory_space<vmem>>) dst(%dma_wait3A_132 : memref<56x128xf32, #tpu.memory_space<vmem_shared>>)
      tpu.yield
    }) : () -> ()
    %barrier3A = arith.constant 0 : index
    tpu.barrier barrier_id(%barrier3A)
    "tpu.region"() ({
      %run_scoped3A_112 = tpu.sem_alloc : memref<!tpu.dma_semaphore, #tpu.memory_space<semaphore_mem>>
      %dma_start3A_113 = arith.constant 0 : i32
      %dma_start3A_114 = arith.constant 0 : i32
      %dma_start3A_115 = tpu.memref_slice %arg3[%add3A, %dma_start3A_113, %dma_start3A_114] : memref<32x160x64xi32, #tpu.memory_space<hbm>> -> memref<1x8x64xi32, #tpu.memory_space<hbm>>
      %dma_start3A_116 = tpu.memref_squeeze %dma_start3A_115 : memref<1x8x64xi32, #tpu.memory_space<hbm>> -> memref<8x64xi32, #tpu.memory_space<hbm>>
      %dma_start3A_117 = arith.constant 0 : i32
      %dma_start3A_118 = arith.constant 0 : i32
      %dma_start3A_119 = tpu.memref_slice %arg3[%add3A, %dma_start3A_117, %dma_start3A_118] : memref<32x160x64xi32, #tpu.memory_space<hbm>> -> memref<1x8x64xi32, #tpu.memory_space<hbm>>
      %dma_start3A_120 = tpu.memref_squeeze %dma_start3A_119 : memref<1x8x64xi32, #tpu.memory_space<hbm>> -> memref<8x64xi32, #tpu.memory_space<hbm>>
      tpu.enqueue_dma source(%dma_start3A_120 : memref<8x64xi32, #tpu.memory_space<hbm>>) target(%arg7 : memref<8x64xi32, #tpu.memory_space<vmem>>) target_semaphore(%run_scoped3A_112 : memref<!tpu.dma_semaphore, #tpu.memory_space<semaphore_mem>>)
      %dma_wait3A_121 = arith.constant 0 : i32
      %dma_wait3A_122 = arith.constant 0 : i32
      %dma_wait3A_123 = tpu.memref_slice %arg3[%add3A, %dma_wait3A_121, %dma_wait3A_122] : memref<32x160x64xi32, #tpu.memory_space<hbm>> -> memref<1x8x64xi32, #tpu.memory_space<hbm>>
      %dma_wait3A_124 = tpu.memref_squeeze %dma_wait3A_123 : memref<1x8x64xi32, #tpu.memory_space<hbm>> -> memref<8x64xi32, #tpu.memory_space<hbm>>
      %dma_wait3A_125 = arith.constant 0 : i32
      %dma_wait3A_126 = arith.constant 0 : i32
      %dma_wait3A_127 = tpu.memref_slice %arg3[%add3A, %dma_wait3A_125, %dma_wait3A_126] : memref<32x160x64xi32, #tpu.memory_space<hbm>> -> memref<1x8x64xi32, #tpu.memory_space<hbm>>
      %dma_wait3A_128 = tpu.memref_squeeze %dma_wait3A_127 : memref<1x8x64xi32, #tpu.memory_space<hbm>> -> memref<8x64xi32, #tpu.memory_space<hbm>>
      tpu.wait_dma2 semaphore(%run_scoped3A_112 : memref<!tpu.dma_semaphore, #tpu.memory_space<semaphore_mem>>) src(%dma_wait3A_128 : memref<8x64xi32, #tpu.memory_space<hbm>>) dst(%arg7 : memref<8x64xi32, #tpu.memory_space<vmem>>)
      tpu.yield
    }) : () -> ()
    "tpu.region"() ({
      %run_scoped3A_112 = tpu.sem_alloc : memref<!tpu.dma_semaphore, #tpu.memory_space<semaphore_mem>>
      %dma_start3A_113 = arith.constant 0 : i32
      %dma_start3A_114 = arith.constant 0 : i32
      %dma_start3A_115 = tpu.memref_slice %arg4[%add3A, %dma_start3A_113, %dma_start3A_114] : memref<32x160x64xi32, #tpu.memory_space<hbm>> -> memref<1x8x64xi32, #tpu.memory_space<hbm>>
      %dma_start3A_116 = tpu.memref_squeeze %dma_start3A_115 : memref<1x8x64xi32, #tpu.memory_space<hbm>> -> memref<8x64xi32, #tpu.memory_space<hbm>>
      %dma_start3A_117 = arith.constant 0 : i32
      %dma_start3A_118 = arith.constant 0 : i32
      %dma_start3A_119 = tpu.memref_slice %arg4[%add3A, %dma_start3A_117, %dma_start3A_118] : memref<32x160x64xi32, #tpu.memory_space<hbm>> -> memref<1x8x64xi32, #tpu.memory_space<hbm>>
      %dma_start3A_120 = tpu.memref_squeeze %dma_start3A_119 : memref<1x8x64xi32, #tpu.memory_space<hbm>> -> memref<8x64xi32, #tpu.memory_space<hbm>>
      tpu.enqueue_dma source(%dma_start3A_120 : memref<8x64xi32, #tpu.memory_space<hbm>>) target(%arg9 : memref<8x64xi32, #tpu.memory_space<vmem>>) target_semaphore(%run_scoped3A_112 : memref<!tpu.dma_semaphore, #tpu.memory_space<semaphore_mem>>)
      %dma_wait3A_121 = arith.constant 0 : i32
      %dma_wait3A_122 = arith.constant 0 : i32
      %dma_wait3A_123 = tpu.memref_slice %arg4[%add3A, %dma_wait3A_121, %dma_wait3A_122] : memref<32x160x64xi32, #tpu.memory_space<hbm>> -> memref<1x8x64xi32, #tpu.memory_space<hbm>>
      %dma_wait3A_124 = tpu.memref_squeeze %dma_wait3A_123 : memref<1x8x64xi32, #tpu.memory_space<hbm>> -> memref<8x64xi32, #tpu.memory_space<hbm>>
      %dma_wait3A_125 = arith.constant 0 : i32
      %dma_wait3A_126 = arith.constant 0 : i32
      %dma_wait3A_127 = tpu.memref_slice %arg4[%add3A, %dma_wait3A_125, %dma_wait3A_126] : memref<32x160x64xi32, #tpu.memory_space<hbm>> -> memref<1x8x64xi32, #tpu.memory_space<hbm>>
      %dma_wait3A_128 = tpu.memref_squeeze %dma_wait3A_127 : memref<1x8x64xi32, #tpu.memory_space<hbm>> -> memref<8x64xi32, #tpu.memory_space<hbm>>
      tpu.wait_dma2 semaphore(%run_scoped3A_112 : memref<!tpu.dma_semaphore, #tpu.memory_space<semaphore_mem>>) src(%dma_wait3A_128 : memref<8x64xi32, #tpu.memory_space<hbm>>) dst(%arg9 : memref<8x64xi32, #tpu.memory_space<vmem>>)
      tpu.yield
    }) : () -> ()
    %dma_start3A = arith.constant 0 : i32
    %dma_start3A_46 = arith.constant 0 : i32
    %dma_start3A_47 = arith.constant 0 : i32
    %dma_start3A_48 = arith.constant 0 : i32
    %dma_start3A_49 = arith.constant 0 : i32
    %dma_start3A_50 = tpu.memref_slice %arg11[%dma_start3A_46, %dma_start3A_48, %dma_start3A_49] : memref<4x64x128xf32, #tpu.memory_space<vmem>> -> memref<1x64x128xf32, #tpu.memory_space<vmem>>
    %dma_start3A_51 = tpu.memref_squeeze %dma_start3A_50 : memref<1x64x128xf32, #tpu.memory_space<vmem>> -> memref<64x128xf32, #tpu.memory_space<vmem>>
    %dma_start3A_52 = arith.constant 0 : i32
    %dma_start3A_53 = tpu.memref_slice %arg7[%dma_start3A, %dma_start3A_52] : memref<8x64xi32, #tpu.memory_space<vmem>> -> memref<1x64xi32, #tpu.memory_space<vmem>>
    %dma_start3A_54 = tpu.memref_squeeze %dma_start3A_53 : memref<1x64xi32, #tpu.memory_space<vmem>> -> memref<64xi32, #tpu.memory_space<vmem>>
    %dma_start3A_55 = arith.constant 0 : i32
    %dma_start3A_56 = arith.constant 0 : i32
    %dma_start3A_57 = tpu.memref_slice %arg2[%dma_start3A_55, %dma_start3A_56] : memref<10000x128xf32, #tpu.memory_space<hbm>> -> memref<10000x128xf32, #tpu.memory_space<hbm>>
    %dma_start3A_58 = tpu.memref_slice %arg14[%dma_start3A_47] : memref<4x!tpu.dma_semaphore, #tpu.memory_space<semaphore_mem>> -> memref<1x!tpu.dma_semaphore, #tpu.memory_space<semaphore_mem>>
    %dma_start3A_59 = tpu.memref_squeeze %dma_start3A_58 : memref<1x!tpu.dma_semaphore, #tpu.memory_space<semaphore_mem>> -> memref<!tpu.dma_semaphore, #tpu.memory_space<semaphore_mem>>
    tpu.enqueue_indirect_dma source(%dma_start3A_57 : memref<10000x128xf32, #tpu.memory_space<hbm>>) target(%dma_start3A_51 : memref<64x128xf32, #tpu.memory_space<vmem>>) offsets(%dma_start3A_54 : memref<64xi32, #tpu.memory_space<vmem>>) semaphore(%dma_start3A_59 : memref<!tpu.dma_semaphore, #tpu.memory_space<semaphore_mem>>)
    %dma_start3A_60 = arith.constant 1 : i32
    %dma_start3A_61 = arith.constant 1 : i32
    %dma_start3A_62 = arith.constant 1 : i32
    %dma_start3A_63 = arith.constant 0 : i32
    %dma_start3A_64 = arith.constant 0 : i32
    %dma_start3A_65 = tpu.memref_slice %arg11[%dma_start3A_61, %dma_start3A_63, %dma_start3A_64] : memref<4x64x128xf32, #tpu.memory_space<vmem>> -> memref<1x64x128xf32, #tpu.memory_space<vmem>>
    %dma_start3A_66 = tpu.memref_squeeze %dma_start3A_65 : memref<1x64x128xf32, #tpu.memory_space<vmem>> -> memref<64x128xf32, #tpu.memory_space<vmem>>
    %dma_start3A_67 = arith.constant 0 : i32
    %dma_start3A_68 = tpu.memref_slice %arg7[%dma_start3A_60, %dma_start3A_67] : memref<8x64xi32, #tpu.memory_space<vmem>> -> memref<1x64xi32, #tpu.memory_space<vmem>>
    %dma_start3A_69 = tpu.memref_squeeze %dma_start3A_68 : memref<1x64xi32, #tpu.memory_space<vmem>> -> memref<64xi32, #tpu.memory_space<vmem>>
    %dma_start3A_70 = arith.constant 0 : i32
    %dma_start3A_71 = arith.constant 0 : i32
    %dma_start3A_72 = tpu.memref_slice %arg2[%dma_start3A_70, %dma_start3A_71] : memref<10000x128xf32, #tpu.memory_space<hbm>> -> memref<10000x128xf32, #tpu.memory_space<hbm>>
    %dma_start3A_73 = tpu.memref_slice %arg14[%dma_start3A_62] : memref<4x!tpu.dma_semaphore, #tpu.memory_space<semaphore_mem>> -> memref<1x!tpu.dma_semaphore, #tpu.memory_space<semaphore_mem>>
    %dma_start3A_74 = tpu.memref_squeeze %dma_start3A_73 : memref<1x!tpu.dma_semaphore, #tpu.memory_space<semaphore_mem>> -> memref<!tpu.dma_semaphore, #tpu.memory_space<semaphore_mem>>
    tpu.enqueue_indirect_dma source(%dma_start3A_72 : memref<10000x128xf32, #tpu.memory_space<hbm>>) target(%dma_start3A_66 : memref<64x128xf32, #tpu.memory_space<vmem>>) offsets(%dma_start3A_69 : memref<64xi32, #tpu.memory_space<vmem>>) semaphore(%dma_start3A_74 : memref<!tpu.dma_semaphore, #tpu.memory_space<semaphore_mem>>)
    %dma_start3A_75 = arith.constant 2 : i32
    %dma_start3A_76 = arith.constant 2 : i32
    %dma_start3A_77 = arith.constant 2 : i32
    %dma_start3A_78 = arith.constant 0 : i32
    %dma_start3A_79 = arith.constant 0 : i32
    %dma_start3A_80 = tpu.memref_slice %arg11[%dma_start3A_76, %dma_start3A_78, %dma_start3A_79] : memref<4x64x128xf32, #tpu.memory_space<vmem>> -> memref<1x64x128xf32, #tpu.memory_space<vmem>>
    %dma_start3A_81 = tpu.memref_squeeze %dma_start3A_80 : memref<1x64x128xf32, #tpu.memory_space<vmem>> -> memref<64x128xf32, #tpu.memory_space<vmem>>
    %dma_start3A_82 = arith.constant 0 : i32
    %dma_start3A_83 = tpu.memref_slice %arg7[%dma_start3A_75, %dma_start3A_82] : memref<8x64xi32, #tpu.memory_space<vmem>> -> memref<1x64xi32, #tpu.memory_space<vmem>>
    %dma_start3A_84 = tpu.memref_squeeze %dma_start3A_83 : memref<1x64xi32, #tpu.memory_space<vmem>> -> memref<64xi32, #tpu.memory_space<vmem>>
    %dma_start3A_85 = arith.constant 0 : i32
    %dma_start3A_86 = arith.constant 0 : i32
    %dma_start3A_87 = tpu.memref_slice %arg2[%dma_start3A_85, %dma_start3A_86] : memref<10000x128xf32, #tpu.memory_space<hbm>> -> memref<10000x128xf32, #tpu.memory_space<hbm>>
    %dma_start3A_88 = tpu.memref_slice %arg14[%dma_start3A_77] : memref<4x!tpu.dma_semaphore, #tpu.memory_space<semaphore_mem>> -> memref<1x!tpu.dma_semaphore, #tpu.memory_space<semaphore_mem>>
    %dma_start3A_89 = tpu.memref_squeeze %dma_start3A_88 : memref<1x!tpu.dma_semaphore, #tpu.memory_space<semaphore_mem>> -> memref<!tpu.dma_semaphore, #tpu.memory_space<semaphore_mem>>
    tpu.enqueue_indirect_dma source(%dma_start3A_87 : memref<10000x128xf32, #tpu.memory_space<hbm>>) target(%dma_start3A_81 : memref<64x128xf32, #tpu.memory_space<vmem>>) offsets(%dma_start3A_84 : memref<64xi32, #tpu.memory_space<vmem>>) semaphore(%dma_start3A_89 : memref<!tpu.dma_semaphore, #tpu.memory_space<semaphore_mem>>)
    %scan3A_90 = arith.constant 0 : i32
    %scan3A_91 = arith.constant 0 : i32
    %scan3A_92 = arith.constant 10 : i32
    %scan3A_93 = arith.addi %scan3A_91, %scan3A_92 : i32
    %scan3A_94 = arith.constant 1 : i32
    %scan3A_95 = scf.for %scan3A_112 = %scan3A_91 to %scan3A_93 step %scan3A_94 iter_args(%scan3A_113 = %scan3A_90) -> (i32)  : i32 {
      %dma_wait3A_114 = arith.constant 0 : i32
      %dma_wait3A_115 = arith.constant 0 : i32
      %dma_wait3A_116 = arith.constant 0 : i32
      %dma_wait3A_117 = arith.constant 0 : i32
      %dma_wait3A_118 = arith.constant 0 : i32
      %dma_wait3A_119 = tpu.memref_slice %arg11[%dma_wait3A_115, %dma_wait3A_117, %dma_wait3A_118] : memref<4x64x128xf32, #tpu.memory_space<vmem>> -> memref<1x64x128xf32, #tpu.memory_space<vmem>>
      %dma_wait3A_120 = tpu.memref_squeeze %dma_wait3A_119 : memref<1x64x128xf32, #tpu.memory_space<vmem>> -> memref<64x128xf32, #tpu.memory_space<vmem>>
      %dma_wait3A_121 = arith.constant 0 : i32
      %dma_wait3A_122 = tpu.memref_slice %arg7[%dma_wait3A_114, %dma_wait3A_121] : memref<8x64xi32, #tpu.memory_space<vmem>> -> memref<1x64xi32, #tpu.memory_space<vmem>>
      %dma_wait3A_123 = tpu.memref_squeeze %dma_wait3A_122 : memref<1x64xi32, #tpu.memory_space<vmem>> -> memref<64xi32, #tpu.memory_space<vmem>>
      %dma_wait3A_124 = arith.constant 0 : i32
      %dma_wait3A_125 = arith.constant 0 : i32
      %dma_wait3A_126 = tpu.memref_slice %arg2[%dma_wait3A_124, %dma_wait3A_125] : memref<10000x128xf32, #tpu.memory_space<hbm>> -> memref<10000x128xf32, #tpu.memory_space<hbm>>
      %dma_wait3A_127 = tpu.memref_slice %arg14[%dma_wait3A_116] : memref<4x!tpu.dma_semaphore, #tpu.memory_space<semaphore_mem>> -> memref<1x!tpu.dma_semaphore, #tpu.memory_space<semaphore_mem>>
      %dma_wait3A_128 = tpu.memref_squeeze %dma_wait3A_127 : memref<1x!tpu.dma_semaphore, #tpu.memory_space<semaphore_mem>> -> memref<!tpu.dma_semaphore, #tpu.memory_space<semaphore_mem>>
      tpu.wait_indirect_dma semaphore(%dma_wait3A_128 : memref<!tpu.dma_semaphore, #tpu.memory_space<semaphore_mem>>) src(%dma_wait3A_126 : memref<10000x128xf32, #tpu.memory_space<hbm>>) dst(%dma_wait3A_120 : memref<64x128xf32, #tpu.memory_space<vmem>>)
      %dma_start3A_129 = arith.constant 0 : i32
      %dma_start3A_130 = arith.constant 0 : i32
      %dma_start3A_131 = arith.constant 0 : i32
      %dma_start3A_132 = arith.constant 0 : i32
      %dma_start3A_133 = arith.constant 0 : i32
      %dma_start3A_134 = tpu.memref_slice %arg11[%dma_start3A_129, %dma_start3A_132, %dma_start3A_133] : memref<4x64x128xf32, #tpu.memory_space<vmem>> -> memref<1x64x128xf32, #tpu.memory_space<vmem>>
      %dma_start3A_135 = tpu.memref_squeeze %dma_start3A_134 : memref<1x64x128xf32, #tpu.memory_space<vmem>> -> memref<64x128xf32, #tpu.memory_space<vmem>>
      %dma_start3A_136 = arith.constant 0 : i32
      %dma_start3A_137 = tpu.memref_slice %arg9[%dma_start3A_130, %dma_start3A_136] : memref<8x64xi32, #tpu.memory_space<vmem>> -> memref<1x64xi32, #tpu.memory_space<vmem>>
      %dma_start3A_138 = tpu.memref_squeeze %dma_start3A_137 : memref<1x64xi32, #tpu.memory_space<vmem>> -> memref<64xi32, #tpu.memory_space<vmem>>
      %dma_start3A_139 = arith.constant 0 : i32
      %dma_start3A_140 = arith.constant 0 : i32
      %dma_start3A_141 = tpu.memref_slice %arg13[%dma_start3A_139, %dma_start3A_140] : memref<10112x128xf32, #tpu.memory_space<vmem_shared>> -> memref<10112x128xf32, #tpu.memory_space<vmem_shared>>
      %dma_start3A_142 = tpu.memref_slice %arg15[%dma_start3A_131] : memref<4x!tpu.dma_semaphore, #tpu.memory_space<semaphore_mem>> -> memref<1x!tpu.dma_semaphore, #tpu.memory_space<semaphore_mem>>
      %dma_start3A_143 = tpu.memref_squeeze %dma_start3A_142 : memref<1x!tpu.dma_semaphore, #tpu.memory_space<semaphore_mem>> -> memref<!tpu.dma_semaphore, #tpu.memory_space<semaphore_mem>>
      tpu.enqueue_indirect_dma source(%dma_start3A_135 : memref<64x128xf32, #tpu.memory_space<vmem>>) target(%dma_start3A_141 : memref<10112x128xf32, #tpu.memory_space<vmem_shared>>) offsets(%dma_start3A_138 : memref<64xi32, #tpu.memory_space<vmem>>) semaphore(%dma_start3A_143 : memref<!tpu.dma_semaphore, #tpu.memory_space<semaphore_mem>>) {add = true}
      %get3A = arith.constant 0 : i32
      %get3A_144 = arith.index_cast %get3A : i32 to index
      %get3A_145 = arith.constant 0 : index
      %get3A_146 = tpu.vector_load %arg9[%get3A_144, %get3A_145] {strides = array<i32>} : memref<8x64xi32, #tpu.memory_space<vmem>>, vector<16xi32>,
      %broadcast_in_dim3A_147 = arith.constant true
      %broadcast_in_dim3A_148 = vector.broadcast %broadcast_in_dim3A_147 : i1 to vector<16xi1>
      %unique3A, %unique3A_149 = tpu.scan_count mask(%broadcast_in_dim3A_148 : vector<16xi1>) value(%get3A_146 : vector<16xi32>) : vector<16xi1>, vector<16xi32>
      %convert_element_type3A = arith.sitofp %unique3A_149 : vector<16xi32> to vector<16xf32>
      tpu.vector_store_idx %arg12[%get3A_146], %convert_element_type3A masked %unique3A {add = true} : memref<10112xf32, #tpu.memory_space<vmem>>[vector<16xi32>], vector<16xf32>, vector<16xi1>
      %get3A_150 = arith.constant 0 : i32
      %get3A_151 = arith.index_cast %get3A_150 : i32 to index
      %get3A_152 = arith.constant 16 : index
      %get3A_153 = tpu.vector_load %arg9[%get3A_151, %get3A_152] {strides = array<i32>} : memref<8x64xi32, #tpu.memory_space<vmem>>, vector<16xi32>,
      %broadcast_in_dim3A_154 = arith.constant true
      %broadcast_in_dim3A_155 = vector.broadcast %broadcast_in_dim3A_154 : i1 to vector<16xi1>
      %unique3A_156, %unique3A_157 = tpu.scan_count mask(%broadcast_in_dim3A_155 : vector<16xi1>) value(%get3A_153 : vector<16xi32>) : vector<16xi1>, vector<16xi32>
      %convert_element_type3A_158 = arith.sitofp %unique3A_157 : vector<16xi32> to vector<16xf32>
      tpu.vector_store_idx %arg12[%get3A_153], %convert_element_type3A_158 masked %unique3A_156 {add = true} : memref<10112xf32, #tpu.memory_space<vmem>>[vector<16xi32>], vector<16xf32>, vector<16xi1>
      %get3A_159 = arith.constant 0 : i32
      %get3A_160 = arith.index_cast %get3A_159 : i32 to index
      %get3A_161 = arith.constant 32 : index
      %get3A_162 = tpu.vector_load %arg9[%get3A_160, %get3A_161] {strides = array<i32>} : memref<8x64xi32, #tpu.memory_space<vmem>>, vector<16xi32>,
      %broadcast_in_dim3A_163 = arith.constant true
      %broadcast_in_dim3A_164 = vector.broadcast %broadcast_in_dim3A_163 : i1 to vector<16xi1>
      %unique3A_165, %unique3A_166 = tpu.scan_count mask(%broadcast_in_dim3A_164 : vector<16xi1>) value(%get3A_162 : vector<16xi32>) : vector<16xi1>, vector<16xi32>
      %convert_element_type3A_167 = arith.sitofp %unique3A_166 : vector<16xi32> to vector<16xf32>
      tpu.vector_store_idx %arg12[%get3A_162], %convert_element_type3A_167 masked %unique3A_165 {add = true} : memref<10112xf32, #tpu.memory_space<vmem>>[vector<16xi32>], vector<16xf32>, vector<16xi1>
      %get3A_168 = arith.constant 0 : i32
      %get3A_169 = arith.index_cast %get3A_168 : i32 to index
      %get3A_170 = arith.constant 48 : index
      %get3A_171 = tpu.vector_load %arg9[%get3A_169, %get3A_170] {strides = array<i32>} : memref<8x64xi32, #tpu.memory_space<vmem>>, vector<16xi32>,
      %broadcast_in_dim3A_172 = arith.constant true
      %broadcast_in_dim3A_173 = vector.broadcast %broadcast_in_dim3A_172 : i1 to vector<16xi1>
      %unique3A_174, %unique3A_175 = tpu.scan_count mask(%broadcast_in_dim3A_173 : vector<16xi1>) value(%get3A_171 : vector<16xi32>) : vector<16xi1>, vector<16xi32>
      %convert_element_type3A_176 = arith.sitofp %unique3A_175 : vector<16xi32> to vector<16xf32>
      tpu.vector_store_idx %arg12[%get3A_171], %convert_element_type3A_176 masked %unique3A_174 {add = true} : memref<10112xf32, #tpu.memory_space<vmem>>[vector<16xi32>], vector<16xf32>, vector<16xi1>
      %gt3A = arith.constant 0 : i32
      %gt3A_177 = arith.cmpi sgt, %scan3A_112, %gt3A : i32
      %convert_element_type3A_178 = arith.extui %gt3A_177 : i1 to i32
      %cond3A = arith.constant 0 : i32
      %cond3A_179 = arith.cmpi ne, %convert_element_type3A_178, %cond3A : i32
      scf.if %cond3A_179 {
        %dma_wait3A_1661 = arith.constant 3 : i32
        %dma_wait3A_1662 = arith.constant 7 : i32
        %dma_wait3A_1663 = arith.constant 3 : i32
        %dma_wait3A_1664 = arith.constant 0 : i32
        %dma_wait3A_1665 = arith.constant 0 : i32
        %dma_wait3A_1666 = tpu.memref_slice %arg11[%dma_wait3A_1661, %dma_wait3A_1664, %dma_wait3A_1665] : memref<4x64x128xf32, #tpu.memory_space<vmem>> -> memref<1x64x128xf32, #tpu.memory_space<vmem>>
        %dma_wait3A_1667 = tpu.memref_squeeze %dma_wait3A_1666 : memref<1x64x128xf32, #tpu.memory_space<vmem>> -> memref<64x128xf32, #tpu.memory_space<vmem>>
        %dma_wait3A_1668 = arith.constant 0 : i32
        %dma_wait3A_1669 = tpu.memref_slice %arg10[%dma_wait3A_1662, %dma_wait3A_1668] : memref<8x64xi32, #tpu.memory_space<vmem>> -> memref<1x64xi32, #tpu.memory_space<vmem>>
        %dma_wait3A_1670 = tpu.memref_squeeze %dma_wait3A_1669 : memref<1x64xi32, #tpu.memory_space<vmem>> -> memref<64xi32, #tpu.memory_space<vmem>>
        %dma_wait3A_1671 = arith.constant 0 : i32
        %dma_wait3A_1672 = arith.constant 0 : i32
        %dma_wait3A_1673 = tpu.memref_slice %arg13[%dma_wait3A_1671, %dma_wait3A_1672] : memref<10112x128xf32, #tpu.memory_space<vmem_shared>> -> memref<10112x128xf32, #tpu.memory_space<vmem_shared>>
        %dma_wait3A_1674 = tpu.memref_slice %arg15[%dma_wait3A_1663] : memref<4x!tpu.dma_semaphore, #tpu.memory_space<semaphore_mem>> -> memref<1x!tpu.dma_semaphore, #tpu.memory_space<semaphore_mem>>
        %dma_wait3A_1675 = tpu.memref_squeeze %dma_wait3A_1674 : memref<1x!tpu.dma_semaphore, #tpu.memory_space<semaphore_mem>> -> memref<!tpu.dma_semaphore, #tpu.memory_space<semaphore_mem>>
        tpu.wait_indirect_dma semaphore(%dma_wait3A_1675 : memref<!tpu.dma_semaphore, #tpu.memory_space<semaphore_mem>>) src(%dma_wait3A_1667 : memref<64x128xf32, #tpu.memory_space<vmem>>) dst(%dma_wait3A_1673 : memref<10112x128xf32, #tpu.memory_space<vmem_shared>>)
      } else {
      }
      %dma_start3A_180 = arith.constant 3 : i32
      %dma_start3A_181 = arith.constant 3 : i32
      %dma_start3A_182 = arith.constant 3 : i32
      %dma_start3A_183 = arith.constant 0 : i32
      %dma_start3A_184 = arith.constant 0 : i32
      %dma_start3A_185 = tpu.memref_slice %arg11[%dma_start3A_181, %dma_start3A_183, %dma_start3A_184] : memref<4x64x128xf32, #tpu.memory_space<vmem>> -> memref<1x64x128xf32, #tpu.memory_space<vmem>>
      %dma_start3A_186 = tpu.memref_squeeze %dma_start3A_185 : memref<1x64x128xf32, #tpu.memory_space<vmem>> -> memref<64x128xf32, #tpu.memory_space<vmem>>
      %dma_start3A_187 = arith.constant 0 : i32
      %dma_start3A_188 = tpu.memref_slice %arg7[%dma_start3A_180, %dma_start3A_187] : memref<8x64xi32, #tpu.memory_space<vmem>> -> memref<1x64xi32, #tpu.memory_space<vmem>>
      %dma_start3A_189 = tpu.memref_squeeze %dma_start3A_188 : memref<1x64xi32, #tpu.memory_space<vmem>> -> memref<64xi32, #tpu.memory_space<vmem>>
      %dma_start3A_190 = arith.constant 0 : i32
      %dma_start3A_191 = arith.constant 0 : i32
      %dma_start3A_192 = tpu.memref_slice %arg2[%dma_start3A_190, %dma_start3A_191] : memref<10000x128xf32, #tpu.memory_space<hbm>> -> memref<10000x128xf32, #tpu.memory_space<hbm>>
      %dma_start3A_193 = tpu.memref_slice %arg14[%dma_start3A_182] : memref<4x!tpu.dma_semaphore, #tpu.memory_space<semaphore_mem>> -> memref<1x!tpu.dma_semaphore, #tpu.memory_space<semaphore_mem>>
      %dma_start3A_194 = tpu.memref_squeeze %dma_start3A_193 : memref<1x!tpu.dma_semaphore, #tpu.memory_space<semaphore_mem>> -> memref<!tpu.dma_semaphore, #tpu.memory_space<semaphore_mem>>
      tpu.enqueue_indirect_dma source(%dma_start3A_192 : memref<10000x128xf32, #tpu.memory_space<hbm>>) target(%dma_start3A_186 : memref<64x128xf32, #tpu.memory_space<vmem>>) offsets(%dma_start3A_189 : memref<64xi32, #tpu.memory_space<vmem>>) semaphore(%dma_start3A_194 : memref<!tpu.dma_semaphore, #tpu.memory_space<semaphore_mem>>)
      %dma_wait3A_195 = arith.constant 1 : i32
      %dma_wait3A_196 = arith.constant 1 : i32
      %dma_wait3A_197 = arith.constant 1 : i32
      %dma_wait3A_198 = arith.constant 0 : i32
      %dma_wait3A_199 = arith.constant 0 : i32
      %dma_wait3A_200 = tpu.memref_slice %arg11[%dma_wait3A_196, %dma_wait3A_198, %dma_wait3A_199] : memref<4x64x128xf32, #tpu.memory_space<vmem>> -> memref<1x64x128xf32, #tpu.memory_space<vmem>>
      %dma_wait3A_201 = tpu.memref_squeeze %dma_wait3A_200 : memref<1x64x128xf32, #tpu.memory_space<vmem>> -> memref<64x128xf32, #tpu.memory_space<vmem>>
      %dma_wait3A_202 = arith.constant 0 : i32
      %dma_wait3A_203 = tpu.memref_slice %arg7[%dma_wait3A_195, %dma_wait3A_202] : memref<8x64xi32, #tpu.memory_space<vmem>> -> memref<1x64xi32, #tpu.memory_space<vmem>>
      %dma_wait3A_204 = tpu.memref_squeeze %dma_wait3A_203 : memref<1x64xi32, #tpu.memory_space<vmem>> -> memref<64xi32, #tpu.memory_space<vmem>>
      %dma_wait3A_205 = arith.constant 0 : i32
      %dma_wait3A_206 = arith.constant 0 : i32
      %dma_wait3A_207 = tpu.memref_slice %arg2[%dma_wait3A_205, %dma_wait3A_206] : memref<10000x128xf32, #tpu.memory_space<hbm>> -> memref<10000x128xf32, #tpu.memory_space<hbm>>
      %dma_wait3A_208 = tpu.memref_slice %arg14[%dma_wait3A_197] : memref<4x!tpu.dma_semaphore, #tpu.memory_space<semaphore_mem>> -> memref<1x!tpu.dma_semaphore, #tpu.memory_space<semaphore_mem>>
      %dma_wait3A_209 = tpu.memref_squeeze %dma_wait3A_208 : memref<1x!tpu.dma_semaphore, #tpu.memory_space<semaphore_mem>> -> memref<!tpu.dma_semaphore, #tpu.memory_space<semaphore_mem>>
      tpu.wait_indirect_dma semaphore(%dma_wait3A_209 : memref<!tpu.dma_semaphore, #tpu.memory_space<semaphore_mem>>) src(%dma_wait3A_207 : memref<10000x128xf32, #tpu.memory_space<hbm>>) dst(%dma_wait3A_201 : memref<64x128xf32, #tpu.memory_space<vmem>>)
      %dma_start3A_210 = arith.constant 1 : i32
      %dma_start3A_211 = arith.constant 1 : i32
      %dma_start3A_212 = arith.constant 1 : i32
      %dma_start3A_213 = arith.constant 0 : i32
      %dma_start3A_214 = arith.constant 0 : i32
      %dma_start3A_215 = tpu.memref_slice %arg11[%dma_start3A_210, %dma_start3A_213, %dma_start3A_214] : memref<4x64x128xf32, #tpu.memory_space<vmem>> -> memref<1x64x128xf32, #tpu.memory_space<vmem>>
      %dma_start3A_216 = tpu.memref_squeeze %dma_start3A_215 : memref<1x64x128xf32, #tpu.memory_space<vmem>> -> memref<64x128xf32, #tpu.memory_space<vmem>>
      %dma_start3A_217 = arith.constant 0 : i32
      %dma_start3A_218 = tpu.memref_slice %arg9[%dma_start3A_211, %dma_start3A_217] : memref<8x64xi32, #tpu.memory_space<vmem>> -> memref<1x64xi32, #tpu.memory_space<vmem>>
      %dma_start3A_219 = tpu.memref_squeeze %dma_start3A_218 : memref<1x64xi32, #tpu.memory_space<vmem>> -> memref<64xi32, #tpu.memory_space<vmem>>
      %dma_start3A_220 = arith.constant 0 : i32
      %dma_start3A_221 = arith.constant 0 : i32
      %dma_start3A_222 = tpu.memref_slice %arg13[%dma_start3A_220, %dma_start3A_221] : memref<10112x128xf32, #tpu.memory_space<vmem_shared>> -> memref<10112x128xf32, #tpu.memory_space<vmem_shared>>
      %dma_start3A_223 = tpu.memref_slice %arg15[%dma_start3A_212] : memref<4x!tpu.dma_semaphore, #tpu.memory_space<semaphore_mem>> -> memref<1x!tpu.dma_semaphore, #tpu.memory_space<semaphore_mem>>
      %dma_start3A_224 = tpu.memref_squeeze %dma_start3A_223 : memref<1x!tpu.dma_semaphore, #tpu.memory_space<semaphore_mem>> -> memref<!tpu.dma_semaphore, #tpu.memory_space<semaphore_mem>>
      tpu.enqueue_indirect_dma source(%dma_start3A_216 : memref<64x128xf32, #tpu.memory_space<vmem>>) target(%dma_start3A_222 : memref<10112x128xf32, #tpu.memory_space<vmem_shared>>) offsets(%dma_start3A_219 : memref<64xi32, #tpu.memory_space<vmem>>) semaphore(%dma_start3A_224 : memref<!tpu.dma_semaphore, #tpu.memory_space<semaphore_mem>>) {add = true}
      %get3A_225 = arith.constant 1 : i32
      %get3A_226 = arith.index_cast %get3A_225 : i32 to index
      %get3A_227 = arith.constant 0 : index
      %get3A_228 = tpu.vector_load %arg9[%get3A_226, %get3A_227] {strides = array<i32>} : memref<8x64xi32, #tpu.memory_space<vmem>>, vector<16xi32>,
      %broadcast_in_dim3A_229 = arith.constant true
      %broadcast_in_dim3A_230 = vector.broadcast %broadcast_in_dim3A_229 : i1 to vector<16xi1>
      %unique3A_231, %unique3A_232 = tpu.scan_count mask(%broadcast_in_dim3A_230 : vector<16xi1>) value(%get3A_228 : vector<16xi32>) : vector<16xi1>, vector<16xi32>
      %convert_element_type3A_233 = arith.sitofp %unique3A_232 : vector<16xi32> to vector<16xf32>
      tpu.vector_store_idx %arg12[%get3A_228], %convert_element_type3A_233 masked %unique3A_231 {add = true} : memref<10112xf32, #tpu.memory_space<vmem>>[vector<16xi32>], vector<16xf32>, vector<16xi1>
      %get3A_234 = arith.constant 1 : i32
      %get3A_235 = arith.index_cast %get3A_234 : i32 to index
      %get3A_236 = arith.constant 16 : index
      %get3A_237 = tpu.vector_load %arg9[%get3A_235, %get3A_236] {strides = array<i32>} : memref<8x64xi32, #tpu.memory_space<vmem>>, vector<16xi32>,
      %broadcast_in_dim3A_238 = arith.constant true
      %broadcast_in_dim3A_239 = vector.broadcast %broadcast_in_dim3A_238 : i1 to vector<16xi1>
      %unique3A_240, %unique3A_241 = tpu.scan_count mask(%broadcast_in_dim3A_239 : vector<16xi1>) value(%get3A_237 : vector<16xi32>) : vector<16xi1>, vector<16xi32>
      %convert_element_type3A_242 = arith.sitofp %unique3A_241 : vector<16xi32> to vector<16xf32>
      tpu.vector_store_idx %arg12[%get3A_237], %convert_element_type3A_242 masked %unique3A_240 {add = true} : memref<10112xf32, #tpu.memory_space<vmem>>[vector<16xi32>], vector<16xf32>, vector<16xi1>
      %get3A_243 = arith.constant 1 : i32
      %get3A_244 = arith.index_cast %get3A_243 : i32 to index
      %get3A_245 = arith.constant 32 : index
      %get3A_246 = tpu.vector_load %arg9[%get3A_244, %get3A_245] {strides = array<i32>} : memref<8x64xi32, #tpu.memory_space<vmem>>, vector<16xi32>,
      %broadcast_in_dim3A_247 = arith.constant true
      %broadcast_in_dim3A_248 = vector.broadcast %broadcast_in_dim3A_247 : i1 to vector<16xi1>
      %unique3A_249, %unique3A_250 = tpu.scan_count mask(%broadcast_in_dim3A_248 : vector<16xi1>) value(%get3A_246 : vector<16xi32>) : vector<16xi1>, vector<16xi32>
      %convert_element_type3A_251 = arith.sitofp %unique3A_250 : vector<16xi32> to vector<16xf32>
      tpu.vector_store_idx %arg12[%get3A_246], %convert_element_type3A_251 masked %unique3A_249 {add = true} : memref<10112xf32, #tpu.memory_space<vmem>>[vector<16xi32>], vector<16xf32>, vector<16xi1>
      %get3A_252 = arith.constant 1 : i32
      %get3A_253 = arith.index_cast %get3A_252 : i32 to index
      %get3A_254 = arith.constant 48 : index
      %get3A_255 = tpu.vector_load %arg9[%get3A_253, %get3A_254] {strides = array<i32>} : memref<8x64xi32, #tpu.memory_space<vmem>>, vector<16xi32>,
      %broadcast_in_dim3A_256 = arith.constant true
      %broadcast_in_dim3A_257 = vector.broadcast %broadcast_in_dim3A_256 : i1 to vector<16xi1>
      %unique3A_258, %unique3A_259 = tpu.scan_count mask(%broadcast_in_dim3A_257 : vector<16xi1>) value(%get3A_255 : vector<16xi32>) : vector<16xi1>, vector<16xi32>
      %convert_element_type3A_260 = arith.sitofp %unique3A_259 : vector<16xi32> to vector<16xf32>
      tpu.vector_store_idx %arg12[%get3A_255], %convert_element_type3A_260 masked %unique3A_258 {add = true} : memref<10112xf32, #tpu.memory_space<vmem>>[vector<16xi32>], vector<16xf32>, vector<16xi1>
      %dma_wait3A_261 = arith.constant 0 : i32
      %dma_wait3A_262 = arith.constant 0 : i32
      %dma_wait3A_263 = arith.constant 0 : i32
      %dma_wait3A_264 = arith.constant 0 : i32
      %dma_wait3A_265 = arith.constant 0 : i32
      %dma_wait3A_266 = tpu.memref_slice %arg11[%dma_wait3A_261, %dma_wait3A_264, %dma_wait3A_265] : memref<4x64x128xf32, #tpu.memory_space<vmem>> -> memref<1x64x128xf32, #tpu.memory_space<vmem>>
      %dma_wait3A_267 = tpu.memref_squeeze %dma_wait3A_266 : memref<1x64x128xf32, #tpu.memory_space<vmem>> -> memref<64x128xf32, #tpu.memory_space<vmem>>
      %dma_wait3A_268 = arith.constant 0 : i32
      %dma_wait3A_269 = tpu.memref_slice %arg9[%dma_wait3A_262, %dma_wait3A_268] : memref<8x64xi32, #tpu.memory_space<vmem>> -> memref<1x64xi32, #tpu.memory_space<vmem>>
      %dma_wait3A_270 = tpu.memref_squeeze %dma_wait3A_269 : memref<1x64xi32, #tpu.memory_space<vmem>> -> memref<64xi32, #tpu.memory_space<vmem>>
      %dma_wait3A_271 = arith.constant 0 : i32
      %dma_wait3A_272 = arith.constant 0 : i32
      %dma_wait3A_273 = tpu.memref_slice %arg13[%dma_wait3A_271, %dma_wait3A_272] : memref<10112x128xf32, #tpu.memory_space<vmem_shared>> -> memref<10112x128xf32, #tpu.memory_space<vmem_shared>>
      %dma_wait3A_274 = tpu.memref_slice %arg15[%dma_wait3A_263] : memref<4x!tpu.dma_semaphore, #tpu.memory_space<semaphore_mem>> -> memref<1x!tpu.dma_semaphore, #tpu.memory_space<semaphore_mem>>
      %dma_wait3A_275 = tpu.memref_squeeze %dma_wait3A_274 : memref<1x!tpu.dma_semaphore, #tpu.memory_space<semaphore_mem>> -> memref<!tpu.dma_semaphore, #tpu.memory_space<semaphore_mem>>
      tpu.wait_indirect_dma semaphore(%dma_wait3A_275 : memref<!tpu.dma_semaphore, #tpu.memory_space<semaphore_mem>>) src(%dma_wait3A_267 : memref<64x128xf32, #tpu.memory_space<vmem>>) dst(%dma_wait3A_273 : memref<10112x128xf32, #tpu.memory_space<vmem_shared>>)
      %mul3A_276 = arith.constant 2 : i32
      %mul3A_277 = arith.muli %mul3A_276, %scan3A_112 : i32
      %add3A_278 = arith.constant 1 : i32
      %add3A_279 = arith.addi %mul3A_277, %add3A_278 : i32
      %mul3A_280 = arith.constant 8 : i32
      %mul3A_281 = arith.muli %add3A_279, %mul3A_280 : i32
      %dma_start3A_282 = arith.constant 0 : i32
      %dma_start3A_283 = tpu.memref_slice %arg3[%add3A, %mul3A_281, %dma_start3A_282] : memref<32x160x64xi32, #tpu.memory_space<hbm>> -> memref<1x8x64xi32, #tpu.memory_space<hbm>>
      %dma_start3A_284 = tpu.memref_squeeze %dma_start3A_283 : memref<1x8x64xi32, #tpu.memory_space<hbm>> -> memref<8x64xi32, #tpu.memory_space<hbm>>
      %dma_start3A_285 = arith.constant 0 : i32
      %dma_start3A_286 = tpu.memref_slice %arg3[%add3A, %mul3A_281, %dma_start3A_285] : memref<32x160x64xi32, #tpu.memory_space<hbm>> -> memref<1x8x64xi32, #tpu.memory_space<hbm>>
      %dma_start3A_287 = tpu.memref_squeeze %dma_start3A_286 : memref<1x8x64xi32, #tpu.memory_space<hbm>> -> memref<8x64xi32, #tpu.memory_space<hbm>>
      tpu.enqueue_dma source(%dma_start3A_287 : memref<8x64xi32, #tpu.memory_space<hbm>>) target(%arg8 : memref<8x64xi32, #tpu.memory_space<vmem>>) target_semaphore(%arg16 : memref<!tpu.dma_semaphore, #tpu.memory_space<semaphore_mem>>)
      %dma_start3A_288 = arith.constant 0 : i32
      %dma_start3A_289 = tpu.memref_slice %arg4[%add3A, %mul3A_281, %dma_start3A_288] : memref<32x160x64xi32, #tpu.memory_space<hbm>> -> memref<1x8x64xi32, #tpu.memory_space<hbm>>
      %dma_start3A_290 = tpu.memref_squeeze %dma_start3A_289 : memref<1x8x64xi32, #tpu.memory_space<hbm>> -> memref<8x64xi32, #tpu.memory_space<hbm>>
      %dma_start3A_291 = arith.constant 0 : i32
      %dma_start3A_292 = tpu.memref_slice %arg4[%add3A, %mul3A_281, %dma_start3A_291] : memref<32x160x64xi32, #tpu.memory_space<hbm>> -> memref<1x8x64xi32, #tpu.memory_space<hbm>>
      %dma_start3A_293 = tpu.memref_squeeze %dma_start3A_292 : memref<1x8x64xi32, #tpu.memory_space<hbm>> -> memref<8x64xi32, #tpu.memory_space<hbm>>
      tpu.enqueue_dma source(%dma_start3A_293 : memref<8x64xi32, #tpu.memory_space<hbm>>) target(%arg10 : memref<8x64xi32, #tpu.memory_space<vmem>>) target_semaphore(%arg16 : memref<!tpu.dma_semaphore, #tpu.memory_space<semaphore_mem>>)
      %dma_start3A_294 = arith.constant 4 : i32
      %dma_start3A_295 = arith.constant 0 : i32
      %dma_start3A_296 = arith.constant 0 : i32
      %dma_start3A_297 = arith.constant 0 : i32
      %dma_start3A_298 = arith.constant 0 : i32
      %dma_start3A_299 = tpu.memref_slice %arg11[%dma_start3A_295, %dma_start3A_297, %dma_start3A_298] : memref<4x64x128xf32, #tpu.memory_space<vmem>> -> memref<1x64x128xf32, #tpu.memory_space<vmem>>
      %dma_start3A_300 = tpu.memref_squeeze %dma_start3A_299 : memref<1x64x128xf32, #tpu.memory_space<vmem>> -> memref<64x128xf32, #tpu.memory_space<vmem>>
      %dma_start3A_301 = arith.constant 0 : i32
      %dma_start3A_302 = tpu.memref_slice %arg7[%dma_start3A_294, %dma_start3A_301] : memref<8x64xi32, #tpu.memory_space<vmem>> -> memref<1x64xi32, #tpu.memory_space<vmem>>
      %dma_start3A_303 = tpu.memref_squeeze %dma_start3A_302 : memref<1x64xi32, #tpu.memory_space<vmem>> -> memref<64xi32, #tpu.memory_space<vmem>>
      %dma_start3A_304 = arith.constant 0 : i32
      %dma_start3A_305 = arith.constant 0 : i32
      %dma_start3A_306 = tpu.memref_slice %arg2[%dma_start3A_304, %dma_start3A_305] : memref<10000x128xf32, #tpu.memory_space<hbm>> -> memref<10000x128xf32, #tpu.memory_space<hbm>>
      %dma_start3A_307 = tpu.memref_slice %arg14[%dma_start3A_296] : memref<4x!tpu.dma_semaphore, #tpu.memory_space<semaphore_mem>> -> memref<1x!tpu.dma_semaphore, #tpu.memory_space<semaphore_mem>>
      %dma_start3A_308 = tpu.memref_squeeze %dma_start3A_307 : memref<1x!tpu.dma_semaphore, #tpu.memory_space<semaphore_mem>> -> memref<!tpu.dma_semaphore, #tpu.memory_space<semaphore_mem>>
      tpu.enqueue_indirect_dma source(%dma_start3A_306 : memref<10000x128xf32, #tpu.memory_space<hbm>>) target(%dma_start3A_300 : memref<64x128xf32, #tpu.memory_space<vmem>>) offsets(%dma_start3A_303 : memref<64xi32, #tpu.memory_space<vmem>>) semaphore(%dma_start3A_308 : memref<!tpu.dma_semaphore, #tpu.memory_space<semaphore_mem>>)
      %dma_wait3A_309 = arith.constant 2 : i32
      %dma_wait3A_310 = arith.constant 2 : i32
      %dma_wait3A_311 = arith.constant 2 : i32
      %dma_wait3A_312 = arith.constant 0 : i32
      %dma_wait3A_313 = arith.constant 0 : i32
      %dma_wait3A_314 = tpu.memref_slice %arg11[%dma_wait3A_310, %dma_wait3A_312, %dma_wait3A_313] : memref<4x64x128xf32, #tpu.memory_space<vmem>> -> memref<1x64x128xf32, #tpu.memory_space<vmem>>
      %dma_wait3A_315 = tpu.memref_squeeze %dma_wait3A_314 : memref<1x64x128xf32, #tpu.memory_space<vmem>> -> memref<64x128xf32, #tpu.memory_space<vmem>>
      %dma_wait3A_316 = arith.constant 0 : i32
      %dma_wait3A_317 = tpu.memref_slice %arg7[%dma_wait3A_309, %dma_wait3A_316] : memref<8x64xi32, #tpu.memory_space<vmem>> -> memref<1x64xi32, #tpu.memory_space<vmem>>
      %dma_wait3A_318 = tpu.memref_squeeze %dma_wait3A_317 : memref<1x64xi32, #tpu.memory_space<vmem>> -> memref<64xi32, #tpu.memory_space<vmem>>
      %dma_wait3A_319 = arith.constant 0 : i32
      %dma_wait3A_320 = arith.constant 0 : i32
      %dma_wait3A_321 = tpu.memref_slice %arg2[%dma_wait3A_319, %dma_wait3A_320] : memref<10000x128xf32, #tpu.memory_space<hbm>> -> memref<10000x128xf32, #tpu.memory_space<hbm>>
      %dma_wait3A_322 = tpu.memref_slice %arg14[%dma_wait3A_311] : memref<4x!tpu.dma_semaphore, #tpu.memory_space<semaphore_mem>> -> memref<1x!tpu.dma_semaphore, #tpu.memory_space<semaphore_mem>>
      %dma_wait3A_323 = tpu.memref_squeeze %dma_wait3A_322 : memref<1x!tpu.dma_semaphore, #tpu.memory_space<semaphore_mem>> -> memref<!tpu.dma_semaphore, #tpu.memory_space<semaphore_mem>>
      tpu.wait_indirect_dma semaphore(%dma_wait3A_323 : memref<!tpu.dma_semaphore, #tpu.memory_space<semaphore_mem>>) src(%dma_wait3A_321 : memref<10000x128xf32, #tpu.memory_space<hbm>>) dst(%dma_wait3A_315 : memref<64x128xf32, #tpu.memory_space<vmem>>)
      %dma_start3A_324 = arith.constant 2 : i32
      %dma_start3A_325 = arith.constant 2 : i32
      %dma_start3A_326 = arith.constant 2 : i32
      %dma_start3A_327 = arith.constant 0 : i32
      %dma_start3A_328 = arith.constant 0 : i32
      %dma_start3A_329 = tpu.memref_slice %arg11[%dma_start3A_324, %dma_start3A_327, %dma_start3A_328] : memref<4x64x128xf32, #tpu.memory_space<vmem>> -> memref<1x64x128xf32, #tpu.memory_space<vmem>>
      %dma_start3A_330 = tpu.memref_squeeze %dma_start3A_329 : memref<1x64x128xf32, #tpu.memory_space<vmem>> -> memref<64x128xf32, #tpu.memory_space<vmem>>
      %dma_start3A_331 = arith.constant 0 : i32
      %dma_start3A_332 = tpu.memref_slice %arg9[%dma_start3A_325, %dma_start3A_331] : memref<8x64xi32, #tpu.memory_space<vmem>> -> memref<1x64xi32, #tpu.memory_space<vmem>>
      %dma_start3A_333 = tpu.memref_squeeze %dma_start3A_332 : memref<1x64xi32, #tpu.memory_space<vmem>> -> memref<64xi32, #tpu.memory_space<vmem>>
      %dma_start3A_334 = arith.constant 0 : i32
      %dma_start3A_335 = arith.constant 0 : i32
      %dma_start3A_336 = tpu.memref_slice %arg13[%dma_start3A_334, %dma_start3A_335] : memref<10112x128xf32, #tpu.memory_space<vmem_shared>> -> memref<10112x128xf32, #tpu.memory_space<vmem_shared>>
      %dma_start3A_337 = tpu.memref_slice %arg15[%dma_start3A_326] : memref<4x!tpu.dma_semaphore, #tpu.memory_space<semaphore_mem>> -> memref<1x!tpu.dma_semaphore, #tpu.memory_space<semaphore_mem>>
      %dma_start3A_338 = tpu.memref_squeeze %dma_start3A_337 : memref<1x!tpu.dma_semaphore, #tpu.memory_space<semaphore_mem>> -> memref<!tpu.dma_semaphore, #tpu.memory_space<semaphore_mem>>
      tpu.enqueue_indirect_dma source(%dma_start3A_330 : memref<64x128xf32, #tpu.memory_space<vmem>>) target(%dma_start3A_336 : memref<10112x128xf32, #tpu.memory_space<vmem_shared>>) offsets(%dma_start3A_333 : memref<64xi32, #tpu.memory_space<vmem>>) semaphore(%dma_start3A_338 : memref<!tpu.dma_semaphore, #tpu.memory_space<semaphore_mem>>) {add = true}
      %get3A_339 = arith.constant 2 : i32
      %get3A_340 = arith.index_cast %get3A_339 : i32 to index
      %get3A_341 = arith.constant 0 : index
      %get3A_342 = tpu.vector_load %arg9[%get3A_340, %get3A_341] {strides = array<i32>} : memref<8x64xi32, #tpu.memory_space<vmem>>, vector<16xi32>,
      %broadcast_in_dim3A_343 = arith.constant true
      %broadcast_in_dim3A_344 = vector.broadcast %broadcast_in_dim3A_343 : i1 to vector<16xi1>
      %unique3A_345, %unique3A_346 = tpu.scan_count mask(%broadcast_in_dim3A_344 : vector<16xi1>) value(%get3A_342 : vector<16xi32>) : vector<16xi1>, vector<16xi32>
      %convert_element_type3A_347 = arith.sitofp %unique3A_346 : vector<16xi32> to vector<16xf32>
      tpu.vector_store_idx %arg12[%get3A_342], %convert_element_type3A_347 masked %unique3A_345 {add = true} : memref<10112xf32, #tpu.memory_space<vmem>>[vector<16xi32>], vector<16xf32>, vector<16xi1>
      %get3A_348 = arith.constant 2 : i32
      %get3A_349 = arith.index_cast %get3A_348 : i32 to index
      %get3A_350 = arith.constant 16 : index
      %get3A_351 = tpu.vector_load %arg9[%get3A_349, %get3A_350] {strides = array<i32>} : memref<8x64xi32, #tpu.memory_space<vmem>>, vector<16xi32>,
      %broadcast_in_dim3A_352 = arith.constant true
      %broadcast_in_dim3A_353 = vector.broadcast %broadcast_in_dim3A_352 : i1 to vector<16xi1>
      %unique3A_354, %unique3A_355 = tpu.scan_count mask(%broadcast_in_dim3A_353 : vector<16xi1>) value(%get3A_351 : vector<16xi32>) : vector<16xi1>, vector<16xi32>
      %convert_element_type3A_356 = arith.sitofp %unique3A_355 : vector<16xi32> to vector<16xf32>
      tpu.vector_store_idx %arg12[%get3A_351], %convert_element_type3A_356 masked %unique3A_354 {add = true} : memref<10112xf32, #tpu.memory_space<vmem>>[vector<16xi32>], vector<16xf32>, vector<16xi1>
      %get3A_357 = arith.constant 2 : i32
      %get3A_358 = arith.index_cast %get3A_357 : i32 to index
      %get3A_359 = arith.constant 32 : index
      %get3A_360 = tpu.vector_load %arg9[%get3A_358, %get3A_359] {strides = array<i32>} : memref<8x64xi32, #tpu.memory_space<vmem>>, vector<16xi32>,
      %broadcast_in_dim3A_361 = arith.constant true
      %broadcast_in_dim3A_362 = vector.broadcast %broadcast_in_dim3A_361 : i1 to vector<16xi1>
      %unique3A_363, %unique3A_364 = tpu.scan_count mask(%broadcast_in_dim3A_362 : vector<16xi1>) value(%get3A_360 : vector<16xi32>) : vector<16xi1>, vector<16xi32>
      %convert_element_type3A_365 = arith.sitofp %unique3A_364 : vector<16xi32> to vector<16xf32>
      tpu.vector_store_idx %arg12[%get3A_360], %convert_element_type3A_365 masked %unique3A_363 {add = true} : memref<10112xf32, #tpu.memory_space<vmem>>[vector<16xi32>], vector<16xf32>, vector<16xi1>
      %get3A_366 = arith.constant 2 : i32
      %get3A_367 = arith.index_cast %get3A_366 : i32 to index
      %get3A_368 = arith.constant 48 : index
      %get3A_369 = tpu.vector_load %arg9[%get3A_367, %get3A_368] {strides = array<i32>} : memref<8x64xi32, #tpu.memory_space<vmem>>, vector<16xi32>,
      %broadcast_in_dim3A_370 = arith.constant true
      %broadcast_in_dim3A_371 = vector.broadcast %broadcast_in_dim3A_370 : i1 to vector<16xi1>
      %unique3A_372, %unique3A_373 = tpu.scan_count mask(%broadcast_in_dim3A_371 : vector<16xi1>) value(%get3A_369 : vector<16xi32>) : vector<16xi1>, vector<16xi32>
      %convert_element_type3A_374 = arith.sitofp %unique3A_373 : vector<16xi32> to vector<16xf32>
      tpu.vector_store_idx %arg12[%get3A_369], %convert_element_type3A_374 masked %unique3A_372 {add = true} : memref<10112xf32, #tpu.memory_space<vmem>>[vector<16xi32>], vector<16xf32>, vector<16xi1>
      %dma_wait3A_375 = arith.constant 1 : i32
      %dma_wait3A_376 = arith.constant 1 : i32
      %dma_wait3A_377 = arith.constant 1 : i32
      %dma_wait3A_378 = arith.constant 0 : i32
      %dma_wait3A_379 = arith.constant 0 : i32
      %dma_wait3A_380 = tpu.memref_slice %arg11[%dma_wait3A_375, %dma_wait3A_378, %dma_wait3A_379] : memref<4x64x128xf32, #tpu.memory_space<vmem>> -> memref<1x64x128xf32, #tpu.memory_space<vmem>>
      %dma_wait3A_381 = tpu.memref_squeeze %dma_wait3A_380 : memref<1x64x128xf32, #tpu.memory_space<vmem>> -> memref<64x128xf32, #tpu.memory_space<vmem>>
      %dma_wait3A_382 = arith.constant 0 : i32
      %dma_wait3A_383 = tpu.memref_slice %arg9[%dma_wait3A_376, %dma_wait3A_382] : memref<8x64xi32, #tpu.memory_space<vmem>> -> memref<1x64xi32, #tpu.memory_space<vmem>>
      %dma_wait3A_384 = tpu.memref_squeeze %dma_wait3A_383 : memref<1x64xi32, #tpu.memory_space<vmem>> -> memref<64xi32, #tpu.memory_space<vmem>>
      %dma_wait3A_385 = arith.constant 0 : i32
      %dma_wait3A_386 = arith.constant 0 : i32
      %dma_wait3A_387 = tpu.memref_slice %arg13[%dma_wait3A_385, %dma_wait3A_386] : memref<10112x128xf32, #tpu.memory_space<vmem_shared>> -> memref<10112x128xf32, #tpu.memory_space<vmem_shared>>
      %dma_wait3A_388 = tpu.memref_slice %arg15[%dma_wait3A_377] : memref<4x!tpu.dma_semaphore, #tpu.memory_space<semaphore_mem>> -> memref<1x!tpu.dma_semaphore, #tpu.memory_space<semaphore_mem>>
      %dma_wait3A_389 = tpu.memref_squeeze %dma_wait3A_388 : memref<1x!tpu.dma_semaphore, #tpu.memory_space<semaphore_mem>> -> memref<!tpu.dma_semaphore, #tpu.memory_space<semaphore_mem>>
      tpu.wait_indirect_dma semaphore(%dma_wait3A_389 : memref<!tpu.dma_semaphore, #tpu.memory_space<semaphore_mem>>) src(%dma_wait3A_381 : memref<64x128xf32, #tpu.memory_space<vmem>>) dst(%dma_wait3A_387 : memref<10112x128xf32, #tpu.memory_space<vmem_shared>>)
      %dma_start3A_390 = arith.constant 5 : i32
      %dma_start3A_391 = arith.constant 1 : i32
      %dma_start3A_392 = arith.constant 1 : i32
      %dma_start3A_393 = arith.constant 0 : i32
      %dma_start3A_394 = arith.constant 0 : i32
      %dma_start3A_395 = tpu.memref_slice %arg11[%dma_start3A_391, %dma_start3A_393, %dma_start3A_394] : memref<4x64x128xf32, #tpu.memory_space<vmem>> -> memref<1x64x128xf32, #tpu.memory_space<vmem>>
      %dma_start3A_396 = tpu.memref_squeeze %dma_start3A_395 : memref<1x64x128xf32, #tpu.memory_space<vmem>> -> memref<64x128xf32, #tpu.memory_space<vmem>>
      %dma_start3A_397 = arith.constant 0 : i32
      %dma_start3A_398 = tpu.memref_slice %arg7[%dma_start3A_390, %dma_start3A_397] : memref<8x64xi32, #tpu.memory_space<vmem>> -> memref<1x64xi32, #tpu.memory_space<vmem>>
      %dma_start3A_399 = tpu.memref_squeeze %dma_start3A_398 : memref<1x64xi32, #tpu.memory_space<vmem>> -> memref<64xi32, #tpu.memory_space<vmem>>
      %dma_start3A_400 = arith.constant 0 : i32
      %dma_start3A_401 = arith.constant 0 : i32
      %dma_start3A_402 = tpu.memref_slice %arg2[%dma_start3A_400, %dma_start3A_401] : memref<10000x128xf32, #tpu.memory_space<hbm>> -> memref<10000x128xf32, #tpu.memory_space<hbm>>
      %dma_start3A_403 = tpu.memref_slice %arg14[%dma_start3A_392] : memref<4x!tpu.dma_semaphore, #tpu.memory_space<semaphore_mem>> -> memref<1x!tpu.dma_semaphore, #tpu.memory_space<semaphore_mem>>
      %dma_start3A_404 = tpu.memref_squeeze %dma_start3A_403 : memref<1x!tpu.dma_semaphore, #tpu.memory_space<semaphore_mem>> -> memref<!tpu.dma_semaphore, #tpu.memory_space<semaphore_mem>>
      tpu.enqueue_indirect_dma source(%dma_start3A_402 : memref<10000x128xf32, #tpu.memory_space<hbm>>) target(%dma_start3A_396 : memref<64x128xf32, #tpu.memory_space<vmem>>) offsets(%dma_start3A_399 : memref<64xi32, #tpu.memory_space<vmem>>) semaphore(%dma_start3A_404 : memref<!tpu.dma_semaphore, #tpu.memory_space<semaphore_mem>>)
      %dma_wait3A_405 = arith.constant 3 : i32
      %dma_wait3A_406 = arith.constant 3 : i32
      %dma_wait3A_407 = arith.constant 3 : i32
      %dma_wait3A_408 = arith.constant 0 : i32
      %dma_wait3A_409 = arith.constant 0 : i32
      %dma_wait3A_410 = tpu.memref_slice %arg11[%dma_wait3A_406, %dma_wait3A_408, %dma_wait3A_409] : memref<4x64x128xf32, #tpu.memory_space<vmem>> -> memref<1x64x128xf32, #tpu.memory_space<vmem>>
      %dma_wait3A_411 = tpu.memref_squeeze %dma_wait3A_410 : memref<1x64x128xf32, #tpu.memory_space<vmem>> -> memref<64x128xf32, #tpu.memory_space<vmem>>
      %dma_wait3A_412 = arith.constant 0 : i32
      %dma_wait3A_413 = tpu.memref_slice %arg7[%dma_wait3A_405, %dma_wait3A_412] : memref<8x64xi32, #tpu.memory_space<vmem>> -> memref<1x64xi32, #tpu.memory_space<vmem>>
      %dma_wait3A_414 = tpu.memref_squeeze %dma_wait3A_413 : memref<1x64xi32, #tpu.memory_space<vmem>> -> memref<64xi32, #tpu.memory_space<vmem>>
      %dma_wait3A_415 = arith.constant 0 : i32
      %dma_wait3A_416 = arith.constant 0 : i32
      %dma_wait3A_417 = tpu.memref_slice %arg2[%dma_wait3A_415, %dma_wait3A_416] : memref<10000x128xf32, #tpu.memory_space<hbm>> -> memref<10000x128xf32, #tpu.memory_space<hbm>>
      %dma_wait3A_418 = tpu.memref_slice %arg14[%dma_wait3A_407] : memref<4x!tpu.dma_semaphore, #tpu.memory_space<semaphore_mem>> -> memref<1x!tpu.dma_semaphore, #tpu.memory_space<semaphore_mem>>
      %dma_wait3A_419 = tpu.memref_squeeze %dma_wait3A_418 : memref<1x!tpu.dma_semaphore, #tpu.memory_space<semaphore_mem>> -> memref<!tpu.dma_semaphore, #tpu.memory_space<semaphore_mem>>
      tpu.wait_indirect_dma semaphore(%dma_wait3A_419 : memref<!tpu.dma_semaphore, #tpu.memory_space<semaphore_mem>>) src(%dma_wait3A_417 : memref<10000x128xf32, #tpu.memory_space<hbm>>) dst(%dma_wait3A_411 : memref<64x128xf32, #tpu.memory_space<vmem>>)
      %dma_start3A_420 = arith.constant 3 : i32
      %dma_start3A_421 = arith.constant 3 : i32
      %dma_start3A_422 = arith.constant 3 : i32
      %dma_start3A_423 = arith.constant 0 : i32
      %dma_start3A_424 = arith.constant 0 : i32
      %dma_start3A_425 = tpu.memref_slice %arg11[%dma_start3A_420, %dma_start3A_423, %dma_start3A_424] : memref<4x64x128xf32, #tpu.memory_space<vmem>> -> memref<1x64x128xf32, #tpu.memory_space<vmem>>
      %dma_start3A_426 = tpu.memref_squeeze %dma_start3A_425 : memref<1x64x128xf32, #tpu.memory_space<vmem>> -> memref<64x128xf32, #tpu.memory_space<vmem>>
      %dma_start3A_427 = arith.constant 0 : i32
      %dma_start3A_428 = tpu.memref_slice %arg9[%dma_start3A_421, %dma_start3A_427] : memref<8x64xi32, #tpu.memory_space<vmem>> -> memref<1x64xi32, #tpu.memory_space<vmem>>
      %dma_start3A_429 = tpu.memref_squeeze %dma_start3A_428 : memref<1x64xi32, #tpu.memory_space<vmem>> -> memref<64xi32, #tpu.memory_space<vmem>>
      %dma_start3A_430 = arith.constant 0 : i32
      %dma_start3A_431 = arith.constant 0 : i32
      %dma_start3A_432 = tpu.memref_slice %arg13[%dma_start3A_430, %dma_start3A_431] : memref<10112x128xf32, #tpu.memory_space<vmem_shared>> -> memref<10112x128xf32, #tpu.memory_space<vmem_shared>>
      %dma_start3A_433 = tpu.memref_slice %arg15[%dma_start3A_422] : memref<4x!tpu.dma_semaphore, #tpu.memory_space<semaphore_mem>> -> memref<1x!tpu.dma_semaphore, #tpu.memory_space<semaphore_mem>>
      %dma_start3A_434 = tpu.memref_squeeze %dma_start3A_433 : memref<1x!tpu.dma_semaphore, #tpu.memory_space<semaphore_mem>> -> memref<!tpu.dma_semaphore, #tpu.memory_space<semaphore_mem>>
      tpu.enqueue_indirect_dma source(%dma_start3A_426 : memref<64x128xf32, #tpu.memory_space<vmem>>) target(%dma_start3A_432 : memref<10112x128xf32, #tpu.memory_space<vmem_shared>>) offsets(%dma_start3A_429 : memref<64xi32, #tpu.memory_space<vmem>>) semaphore(%dma_start3A_434 : memref<!tpu.dma_semaphore, #tpu.memory_space<semaphore_mem>>) {add = true}
      %get3A_435 = arith.constant 3 : i32
      %get3A_436 = arith.index_cast %get3A_435 : i32 to index
      %get3A_437 = arith.constant 0 : index
      %get3A_438 = tpu.vector_load %arg9[%get3A_436, %get3A_437] {strides = array<i32>} : memref<8x64xi32, #tpu.memory_space<vmem>>, vector<16xi32>,
      %broadcast_in_dim3A_439 = arith.constant true
      %broadcast_in_dim3A_440 = vector.broadcast %broadcast_in_dim3A_439 : i1 to vector<16xi1>
      %unique3A_441, %unique3A_442 = tpu.scan_count mask(%broadcast_in_dim3A_440 : vector<16xi1>) value(%get3A_438 : vector<16xi32>) : vector<16xi1>, vector<16xi32>
      %convert_element_type3A_443 = arith.sitofp %unique3A_442 : vector<16xi32> to vector<16xf32>
      tpu.vector_store_idx %arg12[%get3A_438], %convert_element_type3A_443 masked %unique3A_441 {add = true} : memref<10112xf32, #tpu.memory_space<vmem>>[vector<16xi32>], vector<16xf32>, vector<16xi1>
      %get3A_444 = arith.constant 3 : i32
      %get3A_445 = arith.index_cast %get3A_444 : i32 to index
      %get3A_446 = arith.constant 16 : index
      %get3A_447 = tpu.vector_load %arg9[%get3A_445, %get3A_446] {strides = array<i32>} : memref<8x64xi32, #tpu.memory_space<vmem>>, vector<16xi32>,
      %broadcast_in_dim3A_448 = arith.constant true
      %broadcast_in_dim3A_449 = vector.broadcast %broadcast_in_dim3A_448 : i1 to vector<16xi1>
      %unique3A_450, %unique3A_451 = tpu.scan_count mask(%broadcast_in_dim3A_449 : vector<16xi1>) value(%get3A_447 : vector<16xi32>) : vector<16xi1>, vector<16xi32>
      %convert_element_type3A_452 = arith.sitofp %unique3A_451 : vector<16xi32> to vector<16xf32>
      tpu.vector_store_idx %arg12[%get3A_447], %convert_element_type3A_452 masked %unique3A_450 {add = true} : memref<10112xf32, #tpu.memory_space<vmem>>[vector<16xi32>], vector<16xf32>, vector<16xi1>
      %get3A_453 = arith.constant 3 : i32
      %get3A_454 = arith.index_cast %get3A_453 : i32 to index
      %get3A_455 = arith.constant 32 : index
      %get3A_456 = tpu.vector_load %arg9[%get3A_454, %get3A_455] {strides = array<i32>} : memref<8x64xi32, #tpu.memory_space<vmem>>, vector<16xi32>,
      %broadcast_in_dim3A_457 = arith.constant true
      %broadcast_in_dim3A_458 = vector.broadcast %broadcast_in_dim3A_457 : i1 to vector<16xi1>
      %unique3A_459, %unique3A_460 = tpu.scan_count mask(%broadcast_in_dim3A_458 : vector<16xi1>) value(%get3A_456 : vector<16xi32>) : vector<16xi1>, vector<16xi32>
      %convert_element_type3A_461 = arith.sitofp %unique3A_460 : vector<16xi32> to vector<16xf32>
      tpu.vector_store_idx %arg12[%get3A_456], %convert_element_type3A_461 masked %unique3A_459 {add = true} : memref<10112xf32, #tpu.memory_space<vmem>>[vector<16xi32>], vector<16xf32>, vector<16xi1>
      %get3A_462 = arith.constant 3 : i32
      %get3A_463 = arith.index_cast %get3A_462 : i32 to index
      %get3A_464 = arith.constant 48 : index
      %get3A_465 = tpu.vector_load %arg9[%get3A_463, %get3A_464] {strides = array<i32>} : memref<8x64xi32, #tpu.memory_space<vmem>>, vector<16xi32>,
      %broadcast_in_dim3A_466 = arith.constant true
      %broadcast_in_dim3A_467 = vector.broadcast %broadcast_in_dim3A_466 : i1 to vector<16xi1>
      %unique3A_468, %unique3A_469 = tpu.scan_count mask(%broadcast_in_dim3A_467 : vector<16xi1>) value(%get3A_465 : vector<16xi32>) : vector<16xi1>, vector<16xi32>
      %convert_element_type3A_470 = arith.sitofp %unique3A_469 : vector<16xi32> to vector<16xf32>
      tpu.vector_store_idx %arg12[%get3A_465], %convert_element_type3A_470 masked %unique3A_468 {add = true} : memref<10112xf32, #tpu.memory_space<vmem>>[vector<16xi32>], vector<16xf32>, vector<16xi1>
      %dma_wait3A_471 = arith.constant 2 : i32
      %dma_wait3A_472 = arith.constant 2 : i32
      %dma_wait3A_473 = arith.constant 2 : i32
      %dma_wait3A_474 = arith.constant 0 : i32
      %dma_wait3A_475 = arith.constant 0 : i32
      %dma_wait3A_476 = tpu.memref_slice %arg11[%dma_wait3A_471, %dma_wait3A_474, %dma_wait3A_475] : memref<4x64x128xf32, #tpu.memory_space<vmem>> -> memref<1x64x128xf32, #tpu.memory_space<vmem>>
      %dma_wait3A_477 = tpu.memref_squeeze %dma_wait3A_476 : memref<1x64x128xf32, #tpu.memory_space<vmem>> -> memref<64x128xf32, #tpu.memory_space<vmem>>
      %dma_wait3A_478 = arith.constant 0 : i32
      %dma_wait3A_479 = tpu.memref_slice %arg9[%dma_wait3A_472, %dma_wait3A_478] : memref<8x64xi32, #tpu.memory_space<vmem>> -> memref<1x64xi32, #tpu.memory_space<vmem>>
      %dma_wait3A_480 = tpu.memref_squeeze %dma_wait3A_479 : memref<1x64xi32, #tpu.memory_space<vmem>> -> memref<64xi32, #tpu.memory_space<vmem>>
      %dma_wait3A_481 = arith.constant 0 : i32
      %dma_wait3A_482 = arith.constant 0 : i32
      %dma_wait3A_483 = tpu.memref_slice %arg13[%dma_wait3A_481, %dma_wait3A_482] : memref<10112x128xf32, #tpu.memory_space<vmem_shared>> -> memref<10112x128xf32, #tpu.memory_space<vmem_shared>>
      %dma_wait3A_484 = tpu.memref_slice %arg15[%dma_wait3A_473] : memref<4x!tpu.dma_semaphore, #tpu.memory_space<semaphore_mem>> -> memref<1x!tpu.dma_semaphore, #tpu.memory_space<semaphore_mem>>
      %dma_wait3A_485 = tpu.memref_squeeze %dma_wait3A_484 : memref<1x!tpu.dma_semaphore, #tpu.memory_space<semaphore_mem>> -> memref<!tpu.dma_semaphore, #tpu.memory_space<semaphore_mem>>
      tpu.wait_indirect_dma semaphore(%dma_wait3A_485 : memref<!tpu.dma_semaphore, #tpu.memory_space<semaphore_mem>>) src(%dma_wait3A_477 : memref<64x128xf32, #tpu.memory_space<vmem>>) dst(%dma_wait3A_483 : memref<10112x128xf32, #tpu.memory_space<vmem_shared>>)
      %dma_start3A_486 = arith.constant 6 : i32
      %dma_start3A_487 = arith.constant 2 : i32
      %dma_start3A_488 = arith.constant 2 : i32
      %dma_start3A_489 = arith.constant 0 : i32
      %dma_start3A_490 = arith.constant 0 : i32
      %dma_start3A_491 = tpu.memref_slice %arg11[%dma_start3A_487, %dma_start3A_489, %dma_start3A_490] : memref<4x64x128xf32, #tpu.memory_space<vmem>> -> memref<1x64x128xf32, #tpu.memory_space<vmem>>
      %dma_start3A_492 = tpu.memref_squeeze %dma_start3A_491 : memref<1x64x128xf32, #tpu.memory_space<vmem>> -> memref<64x128xf32, #tpu.memory_space<vmem>>
      %dma_start3A_493 = arith.constant 0 : i32
      %dma_start3A_494 = tpu.memref_slice %arg7[%dma_start3A_486, %dma_start3A_493] : memref<8x64xi32, #tpu.memory_space<vmem>> -> memref<1x64xi32, #tpu.memory_space<vmem>>
      %dma_start3A_495 = tpu.memref_squeeze %dma_start3A_494 : memref<1x64xi32, #tpu.memory_space<vmem>> -> memref<64xi32, #tpu.memory_space<vmem>>
      %dma_start3A_496 = arith.constant 0 : i32
      %dma_start3A_497 = arith.constant 0 : i32
      %dma_start3A_498 = tpu.memref_slice %arg2[%dma_start3A_496, %dma_start3A_497] : memref<10000x128xf32, #tpu.memory_space<hbm>> -> memref<10000x128xf32, #tpu.memory_space<hbm>>
      %dma_start3A_499 = tpu.memref_slice %arg14[%dma_start3A_488] : memref<4x!tpu.dma_semaphore, #tpu.memory_space<semaphore_mem>> -> memref<1x!tpu.dma_semaphore, #tpu.memory_space<semaphore_mem>>
      %dma_start3A_500 = tpu.memref_squeeze %dma_start3A_499 : memref<1x!tpu.dma_semaphore, #tpu.memory_space<semaphore_mem>> -> memref<!tpu.dma_semaphore, #tpu.memory_space<semaphore_mem>>
      tpu.enqueue_indirect_dma source(%dma_start3A_498 : memref<10000x128xf32, #tpu.memory_space<hbm>>) target(%dma_start3A_492 : memref<64x128xf32, #tpu.memory_space<vmem>>) offsets(%dma_start3A_495 : memref<64xi32, #tpu.memory_space<vmem>>) semaphore(%dma_start3A_500 : memref<!tpu.dma_semaphore, #tpu.memory_space<semaphore_mem>>)
      %dma_wait3A_501 = arith.constant 4 : i32
      %dma_wait3A_502 = arith.constant 0 : i32
      %dma_wait3A_503 = arith.constant 0 : i32
      %dma_wait3A_504 = arith.constant 0 : i32
      %dma_wait3A_505 = arith.constant 0 : i32
      %dma_wait3A_506 = tpu.memref_slice %arg11[%dma_wait3A_502, %dma_wait3A_504, %dma_wait3A_505] : memref<4x64x128xf32, #tpu.memory_space<vmem>> -> memref<1x64x128xf32, #tpu.memory_space<vmem>>
      %dma_wait3A_507 = tpu.memref_squeeze %dma_wait3A_506 : memref<1x64x128xf32, #tpu.memory_space<vmem>> -> memref<64x128xf32, #tpu.memory_space<vmem>>
      %dma_wait3A_508 = arith.constant 0 : i32
      %dma_wait3A_509 = tpu.memref_slice %arg7[%dma_wait3A_501, %dma_wait3A_508] : memref<8x64xi32, #tpu.memory_space<vmem>> -> memref<1x64xi32, #tpu.memory_space<vmem>>
      %dma_wait3A_510 = tpu.memref_squeeze %dma_wait3A_509 : memref<1x64xi32, #tpu.memory_space<vmem>> -> memref<64xi32, #tpu.memory_space<vmem>>
      %dma_wait3A_511 = arith.constant 0 : i32
      %dma_wait3A_512 = arith.constant 0 : i32
      %dma_wait3A_513 = tpu.memref_slice %arg2[%dma_wait3A_511, %dma_wait3A_512] : memref<10000x128xf32, #tpu.memory_space<hbm>> -> memref<10000x128xf32, #tpu.memory_space<hbm>>
      %dma_wait3A_514 = tpu.memref_slice %arg14[%dma_wait3A_503] : memref<4x!tpu.dma_semaphore, #tpu.memory_space<semaphore_mem>> -> memref<1x!tpu.dma_semaphore, #tpu.memory_space<semaphore_mem>>
      %dma_wait3A_515 = tpu.memref_squeeze %dma_wait3A_514 : memref<1x!tpu.dma_semaphore, #tpu.memory_space<semaphore_mem>> -> memref<!tpu.dma_semaphore, #tpu.memory_space<semaphore_mem>>
      tpu.wait_indirect_dma semaphore(%dma_wait3A_515 : memref<!tpu.dma_semaphore, #tpu.memory_space<semaphore_mem>>) src(%dma_wait3A_513 : memref<10000x128xf32, #tpu.memory_space<hbm>>) dst(%dma_wait3A_507 : memref<64x128xf32, #tpu.memory_space<vmem>>)
      %dma_start3A_516 = arith.constant 0 : i32
      %dma_start3A_517 = arith.constant 4 : i32
      %dma_start3A_518 = arith.constant 0 : i32
      %dma_start3A_519 = arith.constant 0 : i32
      %dma_start3A_520 = arith.constant 0 : i32
      %dma_start3A_521 = tpu.memref_slice %arg11[%dma_start3A_516, %dma_start3A_519, %dma_start3A_520] : memref<4x64x128xf32, #tpu.memory_space<vmem>> -> memref<1x64x128xf32, #tpu.memory_space<vmem>>
      %dma_start3A_522 = tpu.memref_squeeze %dma_start3A_521 : memref<1x64x128xf32, #tpu.memory_space<vmem>> -> memref<64x128xf32, #tpu.memory_space<vmem>>
      %dma_start3A_523 = arith.constant 0 : i32
      %dma_start3A_524 = tpu.memref_slice %arg9[%dma_start3A_517, %dma_start3A_523] : memref<8x64xi32, #tpu.memory_space<vmem>> -> memref<1x64xi32, #tpu.memory_space<vmem>>
      %dma_start3A_525 = tpu.memref_squeeze %dma_start3A_524 : memref<1x64xi32, #tpu.memory_space<vmem>> -> memref<64xi32, #tpu.memory_space<vmem>>
      %dma_start3A_526 = arith.constant 0 : i32
      %dma_start3A_527 = arith.constant 0 : i32
      %dma_start3A_528 = tpu.memref_slice %arg13[%dma_start3A_526, %dma_start3A_527] : memref<10112x128xf32, #tpu.memory_space<vmem_shared>> -> memref<10112x128xf32, #tpu.memory_space<vmem_shared>>
      %dma_start3A_529 = tpu.memref_slice %arg15[%dma_start3A_518] : memref<4x!tpu.dma_semaphore, #tpu.memory_space<semaphore_mem>> -> memref<1x!tpu.dma_semaphore, #tpu.memory_space<semaphore_mem>>
      %dma_start3A_530 = tpu.memref_squeeze %dma_start3A_529 : memref<1x!tpu.dma_semaphore, #tpu.memory_space<semaphore_mem>> -> memref<!tpu.dma_semaphore, #tpu.memory_space<semaphore_mem>>
      tpu.enqueue_indirect_dma source(%dma_start3A_522 : memref<64x128xf32, #tpu.memory_space<vmem>>) target(%dma_start3A_528 : memref<10112x128xf32, #tpu.memory_space<vmem_shared>>) offsets(%dma_start3A_525 : memref<64xi32, #tpu.memory_space<vmem>>) semaphore(%dma_start3A_530 : memref<!tpu.dma_semaphore, #tpu.memory_space<semaphore_mem>>) {add = true}
      %get3A_531 = arith.constant 4 : i32
      %get3A_532 = arith.index_cast %get3A_531 : i32 to index
      %get3A_533 = arith.constant 0 : index
      %get3A_534 = tpu.vector_load %arg9[%get3A_532, %get3A_533] {strides = array<i32>} : memref<8x64xi32, #tpu.memory_space<vmem>>, vector<16xi32>,
      %broadcast_in_dim3A_535 = arith.constant true
      %broadcast_in_dim3A_536 = vector.broadcast %broadcast_in_dim3A_535 : i1 to vector<16xi1>
      %unique3A_537, %unique3A_538 = tpu.scan_count mask(%broadcast_in_dim3A_536 : vector<16xi1>) value(%get3A_534 : vector<16xi32>) : vector<16xi1>, vector<16xi32>
      %convert_element_type3A_539 = arith.sitofp %unique3A_538 : vector<16xi32> to vector<16xf32>
      tpu.vector_store_idx %arg12[%get3A_534], %convert_element_type3A_539 masked %unique3A_537 {add = true} : memref<10112xf32, #tpu.memory_space<vmem>>[vector<16xi32>], vector<16xf32>, vector<16xi1>
      %get3A_540 = arith.constant 4 : i32
      %get3A_541 = arith.index_cast %get3A_540 : i32 to index
      %get3A_542 = arith.constant 16 : index
      %get3A_543 = tpu.vector_load %arg9[%get3A_541, %get3A_542] {strides = array<i32>} : memref<8x64xi32, #tpu.memory_space<vmem>>, vector<16xi32>,
      %broadcast_in_dim3A_544 = arith.constant true
      %broadcast_in_dim3A_545 = vector.broadcast %broadcast_in_dim3A_544 : i1 to vector<16xi1>
      %unique3A_546, %unique3A_547 = tpu.scan_count mask(%broadcast_in_dim3A_545 : vector<16xi1>) value(%get3A_543 : vector<16xi32>) : vector<16xi1>, vector<16xi32>
      %convert_element_type3A_548 = arith.sitofp %unique3A_547 : vector<16xi32> to vector<16xf32>
      tpu.vector_store_idx %arg12[%get3A_543], %convert_element_type3A_548 masked %unique3A_546 {add = true} : memref<10112xf32, #tpu.memory_space<vmem>>[vector<16xi32>], vector<16xf32>, vector<16xi1>
      %get3A_549 = arith.constant 4 : i32
      %get3A_550 = arith.index_cast %get3A_549 : i32 to index
      %get3A_551 = arith.constant 32 : index
      %get3A_552 = tpu.vector_load %arg9[%get3A_550, %get3A_551] {strides = array<i32>} : memref<8x64xi32, #tpu.memory_space<vmem>>, vector<16xi32>,
      %broadcast_in_dim3A_553 = arith.constant true
      %broadcast_in_dim3A_554 = vector.broadcast %broadcast_in_dim3A_553 : i1 to vector<16xi1>
      %unique3A_555, %unique3A_556 = tpu.scan_count mask(%broadcast_in_dim3A_554 : vector<16xi1>) value(%get3A_552 : vector<16xi32>) : vector<16xi1>, vector<16xi32>
      %convert_element_type3A_557 = arith.sitofp %unique3A_556 : vector<16xi32> to vector<16xf32>
      tpu.vector_store_idx %arg12[%get3A_552], %convert_element_type3A_557 masked %unique3A_555 {add = true} : memref<10112xf32, #tpu.memory_space<vmem>>[vector<16xi32>], vector<16xf32>, vector<16xi1>
      %get3A_558 = arith.constant 4 : i32
      %get3A_559 = arith.index_cast %get3A_558 : i32 to index
      %get3A_560 = arith.constant 48 : index
      %get3A_561 = tpu.vector_load %arg9[%get3A_559, %get3A_560] {strides = array<i32>} : memref<8x64xi32, #tpu.memory_space<vmem>>, vector<16xi32>,
      %broadcast_in_dim3A_562 = arith.constant true
      %broadcast_in_dim3A_563 = vector.broadcast %broadcast_in_dim3A_562 : i1 to vector<16xi1>
      %unique3A_564, %unique3A_565 = tpu.scan_count mask(%broadcast_in_dim3A_563 : vector<16xi1>) value(%get3A_561 : vector<16xi32>) : vector<16xi1>, vector<16xi32>
      %convert_element_type3A_566 = arith.sitofp %unique3A_565 : vector<16xi32> to vector<16xf32>
      tpu.vector_store_idx %arg12[%get3A_561], %convert_element_type3A_566 masked %unique3A_564 {add = true} : memref<10112xf32, #tpu.memory_space<vmem>>[vector<16xi32>], vector<16xf32>, vector<16xi1>
      %dma_wait3A_567 = arith.constant 3 : i32
      %dma_wait3A_568 = arith.constant 3 : i32
      %dma_wait3A_569 = arith.constant 3 : i32
      %dma_wait3A_570 = arith.constant 0 : i32
      %dma_wait3A_571 = arith.constant 0 : i32
      %dma_wait3A_572 = tpu.memref_slice %arg11[%dma_wait3A_567, %dma_wait3A_570, %dma_wait3A_571] : memref<4x64x128xf32, #tpu.memory_space<vmem>> -> memref<1x64x128xf32, #tpu.memory_space<vmem>>
      %dma_wait3A_573 = tpu.memref_squeeze %dma_wait3A_572 : memref<1x64x128xf32, #tpu.memory_space<vmem>> -> memref<64x128xf32, #tpu.memory_space<vmem>>
      %dma_wait3A_574 = arith.constant 0 : i32
      %dma_wait3A_575 = tpu.memref_slice %arg9[%dma_wait3A_568, %dma_wait3A_574] : memref<8x64xi32, #tpu.memory_space<vmem>> -> memref<1x64xi32, #tpu.memory_space<vmem>>
      %dma_wait3A_576 = tpu.memref_squeeze %dma_wait3A_575 : memref<1x64xi32, #tpu.memory_space<vmem>> -> memref<64xi32, #tpu.memory_space<vmem>>
      %dma_wait3A_577 = arith.constant 0 : i32
      %dma_wait3A_578 = arith.constant 0 : i32
      %dma_wait3A_579 = tpu.memref_slice %arg13[%dma_wait3A_577, %dma_wait3A_578] : memref<10112x128xf32, #tpu.memory_space<vmem_shared>> -> memref<10112x128xf32, #tpu.memory_space<vmem_shared>>
      %dma_wait3A_580 = tpu.memref_slice %arg15[%dma_wait3A_569] : memref<4x!tpu.dma_semaphore, #tpu.memory_space<semaphore_mem>> -> memref<1x!tpu.dma_semaphore, #tpu.memory_space<semaphore_mem>>
      %dma_wait3A_581 = tpu.memref_squeeze %dma_wait3A_580 : memref<1x!tpu.dma_semaphore, #tpu.memory_space<semaphore_mem>> -> memref<!tpu.dma_semaphore, #tpu.memory_space<semaphore_mem>>
      tpu.wait_indirect_dma semaphore(%dma_wait3A_581 : memref<!tpu.dma_semaphore, #tpu.memory_space<semaphore_mem>>) src(%dma_wait3A_573 : memref<64x128xf32, #tpu.memory_space<vmem>>) dst(%dma_wait3A_579 : memref<10112x128xf32, #tpu.memory_space<vmem_shared>>)
      %mul3A_582 = arith.constant 2 : i32
      %mul3A_583 = arith.muli %mul3A_582, %scan3A_112 : i32
      %add3A_584 = arith.constant 1 : i32
      %add3A_585 = arith.addi %mul3A_583, %add3A_584 : i32
      %mul3A_586 = arith.constant 8 : i32
      %mul3A_587 = arith.muli %add3A_585, %mul3A_586 : i32
      %dma_wait3A_588 = arith.constant 0 : i32
      %dma_wait3A_589 = tpu.memref_slice %arg3[%add3A, %mul3A_587, %dma_wait3A_588] : memref<32x160x64xi32, #tpu.memory_space<hbm>> -> memref<1x8x64xi32, #tpu.memory_space<hbm>>
      %dma_wait3A_590 = tpu.memref_squeeze %dma_wait3A_589 : memref<1x8x64xi32, #tpu.memory_space<hbm>> -> memref<8x64xi32, #tpu.memory_space<hbm>>
      %dma_wait3A_591 = arith.constant 0 : i32
      %dma_wait3A_592 = tpu.memref_slice %arg3[%add3A, %mul3A_587, %dma_wait3A_591] : memref<32x160x64xi32, #tpu.memory_space<hbm>> -> memref<1x8x64xi32, #tpu.memory_space<hbm>>
      %dma_wait3A_593 = tpu.memref_squeeze %dma_wait3A_592 : memref<1x8x64xi32, #tpu.memory_space<hbm>> -> memref<8x64xi32, #tpu.memory_space<hbm>>
      tpu.wait_dma2 semaphore(%arg16 : memref<!tpu.dma_semaphore, #tpu.memory_space<semaphore_mem>>) src(%dma_wait3A_593 : memref<8x64xi32, #tpu.memory_space<hbm>>) dst(%arg8 : memref<8x64xi32, #tpu.memory_space<vmem>>)
      %dma_wait3A_594 = arith.constant 0 : i32
      %dma_wait3A_595 = tpu.memref_slice %arg4[%add3A, %mul3A_587, %dma_wait3A_594] : memref<32x160x64xi32, #tpu.memory_space<hbm>> -> memref<1x8x64xi32, #tpu.memory_space<hbm>>
      %dma_wait3A_596 = tpu.memref_squeeze %dma_wait3A_595 : memref<1x8x64xi32, #tpu.memory_space<hbm>> -> memref<8x64xi32, #tpu.memory_space<hbm>>
      %dma_wait3A_597 = arith.constant 0 : i32
      %dma_wait3A_598 = tpu.memref_slice %arg4[%add3A, %mul3A_587, %dma_wait3A_597] : memref<32x160x64xi32, #tpu.memory_space<hbm>> -> memref<1x8x64xi32, #tpu.memory_space<hbm>>
      %dma_wait3A_599 = tpu.memref_squeeze %dma_wait3A_598 : memref<1x8x64xi32, #tpu.memory_space<hbm>> -> memref<8x64xi32, #tpu.memory_space<hbm>>
      tpu.wait_dma2 semaphore(%arg16 : memref<!tpu.dma_semaphore, #tpu.memory_space<semaphore_mem>>) src(%dma_wait3A_599 : memref<8x64xi32, #tpu.memory_space<hbm>>) dst(%arg10 : memref<8x64xi32, #tpu.memory_space<vmem>>)
      %dma_start3A_600 = arith.constant 7 : i32
      %dma_start3A_601 = arith.constant 3 : i32
      %dma_start3A_602 = arith.constant 3 : i32
      %dma_start3A_603 = arith.constant 0 : i32
      %dma_start3A_604 = arith.constant 0 : i32
      %dma_start3A_605 = tpu.memref_slice %arg11[%dma_start3A_601, %dma_start3A_603, %dma_start3A_604] : memref<4x64x128xf32, #tpu.memory_space<vmem>> -> memref<1x64x128xf32, #tpu.memory_space<vmem>>
      %dma_start3A_606 = tpu.memref_squeeze %dma_start3A_605 : memref<1x64x128xf32, #tpu.memory_space<vmem>> -> memref<64x128xf32, #tpu.memory_space<vmem>>
      %dma_start3A_607 = arith.constant 0 : i32
      %dma_start3A_608 = tpu.memref_slice %arg7[%dma_start3A_600, %dma_start3A_607] : memref<8x64xi32, #tpu.memory_space<vmem>> -> memref<1x64xi32, #tpu.memory_space<vmem>>
      %dma_start3A_609 = tpu.memref_squeeze %dma_start3A_608 : memref<1x64xi32, #tpu.memory_space<vmem>> -> memref<64xi32, #tpu.memory_space<vmem>>
      %dma_start3A_610 = arith.constant 0 : i32
      %dma_start3A_611 = arith.constant 0 : i32
      %dma_start3A_612 = tpu.memref_slice %arg2[%dma_start3A_610, %dma_start3A_611] : memref<10000x128xf32, #tpu.memory_space<hbm>> -> memref<10000x128xf32, #tpu.memory_space<hbm>>
      %dma_start3A_613 = tpu.memref_slice %arg14[%dma_start3A_602] : memref<4x!tpu.dma_semaphore, #tpu.memory_space<semaphore_mem>> -> memref<1x!tpu.dma_semaphore, #tpu.memory_space<semaphore_mem>>
      %dma_start3A_614 = tpu.memref_squeeze %dma_start3A_613 : memref<1x!tpu.dma_semaphore, #tpu.memory_space<semaphore_mem>> -> memref<!tpu.dma_semaphore, #tpu.memory_space<semaphore_mem>>
      tpu.enqueue_indirect_dma source(%dma_start3A_612 : memref<10000x128xf32, #tpu.memory_space<hbm>>) target(%dma_start3A_606 : memref<64x128xf32, #tpu.memory_space<vmem>>) offsets(%dma_start3A_609 : memref<64xi32, #tpu.memory_space<vmem>>) semaphore(%dma_start3A_614 : memref<!tpu.dma_semaphore, #tpu.memory_space<semaphore_mem>>)
      %dma_wait3A_615 = arith.constant 5 : i32
      %dma_wait3A_616 = arith.constant 1 : i32
      %dma_wait3A_617 = arith.constant 1 : i32
      %dma_wait3A_618 = arith.constant 0 : i32
      %dma_wait3A_619 = arith.constant 0 : i32
      %dma_wait3A_620 = tpu.memref_slice %arg11[%dma_wait3A_616, %dma_wait3A_618, %dma_wait3A_619] : memref<4x64x128xf32, #tpu.memory_space<vmem>> -> memref<1x64x128xf32, #tpu.memory_space<vmem>>
      %dma_wait3A_621 = tpu.memref_squeeze %dma_wait3A_620 : memref<1x64x128xf32, #tpu.memory_space<vmem>> -> memref<64x128xf32, #tpu.memory_space<vmem>>
      %dma_wait3A_622 = arith.constant 0 : i32
      %dma_wait3A_623 = tpu.memref_slice %arg7[%dma_wait3A_615, %dma_wait3A_622] : memref<8x64xi32, #tpu.memory_space<vmem>> -> memref<1x64xi32, #tpu.memory_space<vmem>>
      %dma_wait3A_624 = tpu.memref_squeeze %dma_wait3A_623 : memref<1x64xi32, #tpu.memory_space<vmem>> -> memref<64xi32, #tpu.memory_space<vmem>>
      %dma_wait3A_625 = arith.constant 0 : i32
      %dma_wait3A_626 = arith.constant 0 : i32
      %dma_wait3A_627 = tpu.memref_slice %arg2[%dma_wait3A_625, %dma_wait3A_626] : memref<10000x128xf32, #tpu.memory_space<hbm>> -> memref<10000x128xf32, #tpu.memory_space<hbm>>
      %dma_wait3A_628 = tpu.memref_slice %arg14[%dma_wait3A_617] : memref<4x!tpu.dma_semaphore, #tpu.memory_space<semaphore_mem>> -> memref<1x!tpu.dma_semaphore, #tpu.memory_space<semaphore_mem>>
      %dma_wait3A_629 = tpu.memref_squeeze %dma_wait3A_628 : memref<1x!tpu.dma_semaphore, #tpu.memory_space<semaphore_mem>> -> memref<!tpu.dma_semaphore, #tpu.memory_space<semaphore_mem>>
      tpu.wait_indirect_dma semaphore(%dma_wait3A_629 : memref<!tpu.dma_semaphore, #tpu.memory_space<semaphore_mem>>) src(%dma_wait3A_627 : memref<10000x128xf32, #tpu.memory_space<hbm>>) dst(%dma_wait3A_621 : memref<64x128xf32, #tpu.memory_space<vmem>>)
      %dma_start3A_630 = arith.constant 1 : i32
      %dma_start3A_631 = arith.constant 5 : i32
      %dma_start3A_632 = arith.constant 1 : i32
      %dma_start3A_633 = arith.constant 0 : i32
      %dma_start3A_634 = arith.constant 0 : i32
      %dma_start3A_635 = tpu.memref_slice %arg11[%dma_start3A_630, %dma_start3A_633, %dma_start3A_634] : memref<4x64x128xf32, #tpu.memory_space<vmem>> -> memref<1x64x128xf32, #tpu.memory_space<vmem>>
      %dma_start3A_636 = tpu.memref_squeeze %dma_start3A_635 : memref<1x64x128xf32, #tpu.memory_space<vmem>> -> memref<64x128xf32, #tpu.memory_space<vmem>>
      %dma_start3A_637 = arith.constant 0 : i32
      %dma_start3A_638 = tpu.memref_slice %arg9[%dma_start3A_631, %dma_start3A_637] : memref<8x64xi32, #tpu.memory_space<vmem>> -> memref<1x64xi32, #tpu.memory_space<vmem>>
      %dma_start3A_639 = tpu.memref_squeeze %dma_start3A_638 : memref<1x64xi32, #tpu.memory_space<vmem>> -> memref<64xi32, #tpu.memory_space<vmem>>
      %dma_start3A_640 = arith.constant 0 : i32
      %dma_start3A_641 = arith.constant 0 : i32
      %dma_start3A_642 = tpu.memref_slice %arg13[%dma_start3A_640, %dma_start3A_641] : memref<10112x128xf32, #tpu.memory_space<vmem_shared>> -> memref<10112x128xf32, #tpu.memory_space<vmem_shared>>
      %dma_start3A_643 = tpu.memref_slice %arg15[%dma_start3A_632] : memref<4x!tpu.dma_semaphore, #tpu.memory_space<semaphore_mem>> -> memref<1x!tpu.dma_semaphore, #tpu.memory_space<semaphore_mem>>
      %dma_start3A_644 = tpu.memref_squeeze %dma_start3A_643 : memref<1x!tpu.dma_semaphore, #tpu.memory_space<semaphore_mem>> -> memref<!tpu.dma_semaphore, #tpu.memory_space<semaphore_mem>>
      tpu.enqueue_indirect_dma source(%dma_start3A_636 : memref<64x128xf32, #tpu.memory_space<vmem>>) target(%dma_start3A_642 : memref<10112x128xf32, #tpu.memory_space<vmem_shared>>) offsets(%dma_start3A_639 : memref<64xi32, #tpu.memory_space<vmem>>) semaphore(%dma_start3A_644 : memref<!tpu.dma_semaphore, #tpu.memory_space<semaphore_mem>>) {add = true}
      %get3A_645 = arith.constant 5 : i32
      %get3A_646 = arith.index_cast %get3A_645 : i32 to index
      %get3A_647 = arith.constant 0 : index
      %get3A_648 = tpu.vector_load %arg9[%get3A_646, %get3A_647] {strides = array<i32>} : memref<8x64xi32, #tpu.memory_space<vmem>>, vector<16xi32>,
      %broadcast_in_dim3A_649 = arith.constant true
      %broadcast_in_dim3A_650 = vector.broadcast %broadcast_in_dim3A_649 : i1 to vector<16xi1>
      %unique3A_651, %unique3A_652 = tpu.scan_count mask(%broadcast_in_dim3A_650 : vector<16xi1>) value(%get3A_648 : vector<16xi32>) : vector<16xi1>, vector<16xi32>
      %convert_element_type3A_653 = arith.sitofp %unique3A_652 : vector<16xi32> to vector<16xf32>
      tpu.vector_store_idx %arg12[%get3A_648], %convert_element_type3A_653 masked %unique3A_651 {add = true} : memref<10112xf32, #tpu.memory_space<vmem>>[vector<16xi32>], vector<16xf32>, vector<16xi1>
      %get3A_654 = arith.constant 5 : i32
      %get3A_655 = arith.index_cast %get3A_654 : i32 to index
      %get3A_656 = arith.constant 16 : index
      %get3A_657 = tpu.vector_load %arg9[%get3A_655, %get3A_656] {strides = array<i32>} : memref<8x64xi32, #tpu.memory_space<vmem>>, vector<16xi32>,
      %broadcast_in_dim3A_658 = arith.constant true
      %broadcast_in_dim3A_659 = vector.broadcast %broadcast_in_dim3A_658 : i1 to vector<16xi1>
      %unique3A_660, %unique3A_661 = tpu.scan_count mask(%broadcast_in_dim3A_659 : vector<16xi1>) value(%get3A_657 : vector<16xi32>) : vector<16xi1>, vector<16xi32>
      %convert_element_type3A_662 = arith.sitofp %unique3A_661 : vector<16xi32> to vector<16xf32>
      tpu.vector_store_idx %arg12[%get3A_657], %convert_element_type3A_662 masked %unique3A_660 {add = true} : memref<10112xf32, #tpu.memory_space<vmem>>[vector<16xi32>], vector<16xf32>, vector<16xi1>
      %get3A_663 = arith.constant 5 : i32
      %get3A_664 = arith.index_cast %get3A_663 : i32 to index
      %get3A_665 = arith.constant 32 : index
      %get3A_666 = tpu.vector_load %arg9[%get3A_664, %get3A_665] {strides = array<i32>} : memref<8x64xi32, #tpu.memory_space<vmem>>, vector<16xi32>,
      %broadcast_in_dim3A_667 = arith.constant true
      %broadcast_in_dim3A_668 = vector.broadcast %broadcast_in_dim3A_667 : i1 to vector<16xi1>
      %unique3A_669, %unique3A_670 = tpu.scan_count mask(%broadcast_in_dim3A_668 : vector<16xi1>) value(%get3A_666 : vector<16xi32>) : vector<16xi1>, vector<16xi32>
      %convert_element_type3A_671 = arith.sitofp %unique3A_670 : vector<16xi32> to vector<16xf32>
      tpu.vector_store_idx %arg12[%get3A_666], %convert_element_type3A_671 masked %unique3A_669 {add = true} : memref<10112xf32, #tpu.memory_space<vmem>>[vector<16xi32>], vector<16xf32>, vector<16xi1>
      %get3A_672 = arith.constant 5 : i32
      %get3A_673 = arith.index_cast %get3A_672 : i32 to index
      %get3A_674 = arith.constant 48 : index
      %get3A_675 = tpu.vector_load %arg9[%get3A_673, %get3A_674] {strides = array<i32>} : memref<8x64xi32, #tpu.memory_space<vmem>>, vector<16xi32>,
      %broadcast_in_dim3A_676 = arith.constant true
      %broadcast_in_dim3A_677 = vector.broadcast %broadcast_in_dim3A_676 : i1 to vector<16xi1>
      %unique3A_678, %unique3A_679 = tpu.scan_count mask(%broadcast_in_dim3A_677 : vector<16xi1>) value(%get3A_675 : vector<16xi32>) : vector<16xi1>, vector<16xi32>
      %convert_element_type3A_680 = arith.sitofp %unique3A_679 : vector<16xi32> to vector<16xf32>
      tpu.vector_store_idx %arg12[%get3A_675], %convert_element_type3A_680 masked %unique3A_678 {add = true} : memref<10112xf32, #tpu.memory_space<vmem>>[vector<16xi32>], vector<16xf32>, vector<16xi1>
      %dma_wait3A_681 = arith.constant 0 : i32
      %dma_wait3A_682 = arith.constant 4 : i32
      %dma_wait3A_683 = arith.constant 0 : i32
      %dma_wait3A_684 = arith.constant 0 : i32
      %dma_wait3A_685 = arith.constant 0 : i32
      %dma_wait3A_686 = tpu.memref_slice %arg11[%dma_wait3A_681, %dma_wait3A_684, %dma_wait3A_685] : memref<4x64x128xf32, #tpu.memory_space<vmem>> -> memref<1x64x128xf32, #tpu.memory_space<vmem>>
      %dma_wait3A_687 = tpu.memref_squeeze %dma_wait3A_686 : memref<1x64x128xf32, #tpu.memory_space<vmem>> -> memref<64x128xf32, #tpu.memory_space<vmem>>
      %dma_wait3A_688 = arith.constant 0 : i32
      %dma_wait3A_689 = tpu.memref_slice %arg9[%dma_wait3A_682, %dma_wait3A_688] : memref<8x64xi32, #tpu.memory_space<vmem>> -> memref<1x64xi32, #tpu.memory_space<vmem>>
      %dma_wait3A_690 = tpu.memref_squeeze %dma_wait3A_689 : memref<1x64xi32, #tpu.memory_space<vmem>> -> memref<64xi32, #tpu.memory_space<vmem>>
      %dma_wait3A_691 = arith.constant 0 : i32
      %dma_wait3A_692 = arith.constant 0 : i32
      %dma_wait3A_693 = tpu.memref_slice %arg13[%dma_wait3A_691, %dma_wait3A_692] : memref<10112x128xf32, #tpu.memory_space<vmem_shared>> -> memref<10112x128xf32, #tpu.memory_space<vmem_shared>>
      %dma_wait3A_694 = tpu.memref_slice %arg15[%dma_wait3A_683] : memref<4x!tpu.dma_semaphore, #tpu.memory_space<semaphore_mem>> -> memref<1x!tpu.dma_semaphore, #tpu.memory_space<semaphore_mem>>
      %dma_wait3A_695 = tpu.memref_squeeze %dma_wait3A_694 : memref<1x!tpu.dma_semaphore, #tpu.memory_space<semaphore_mem>> -> memref<!tpu.dma_semaphore, #tpu.memory_space<semaphore_mem>>
      tpu.wait_indirect_dma semaphore(%dma_wait3A_695 : memref<!tpu.dma_semaphore, #tpu.memory_space<semaphore_mem>>) src(%dma_wait3A_687 : memref<64x128xf32, #tpu.memory_space<vmem>>) dst(%dma_wait3A_693 : memref<10112x128xf32, #tpu.memory_space<vmem_shared>>)
      %dma_start3A_696 = arith.constant 0 : i32
      %dma_start3A_697 = arith.constant 0 : i32
      %dma_start3A_698 = arith.constant 0 : i32
      %dma_start3A_699 = arith.constant 0 : i32
      %dma_start3A_700 = arith.constant 0 : i32
      %dma_start3A_701 = tpu.memref_slice %arg11[%dma_start3A_697, %dma_start3A_699, %dma_start3A_700] : memref<4x64x128xf32, #tpu.memory_space<vmem>> -> memref<1x64x128xf32, #tpu.memory_space<vmem>>
      %dma_start3A_702 = tpu.memref_squeeze %dma_start3A_701 : memref<1x64x128xf32, #tpu.memory_space<vmem>> -> memref<64x128xf32, #tpu.memory_space<vmem>>
      %dma_start3A_703 = arith.constant 0 : i32
      %dma_start3A_704 = tpu.memref_slice %arg8[%dma_start3A_696, %dma_start3A_703] : memref<8x64xi32, #tpu.memory_space<vmem>> -> memref<1x64xi32, #tpu.memory_space<vmem>>
      %dma_start3A_705 = tpu.memref_squeeze %dma_start3A_704 : memref<1x64xi32, #tpu.memory_space<vmem>> -> memref<64xi32, #tpu.memory_space<vmem>>
      %dma_start3A_706 = arith.constant 0 : i32
      %dma_start3A_707 = arith.constant 0 : i32
      %dma_start3A_708 = tpu.memref_slice %arg2[%dma_start3A_706, %dma_start3A_707] : memref<10000x128xf32, #tpu.memory_space<hbm>> -> memref<10000x128xf32, #tpu.memory_space<hbm>>
      %dma_start3A_709 = tpu.memref_slice %arg14[%dma_start3A_698] : memref<4x!tpu.dma_semaphore, #tpu.memory_space<semaphore_mem>> -> memref<1x!tpu.dma_semaphore, #tpu.memory_space<semaphore_mem>>
      %dma_start3A_710 = tpu.memref_squeeze %dma_start3A_709 : memref<1x!tpu.dma_semaphore, #tpu.memory_space<semaphore_mem>> -> memref<!tpu.dma_semaphore, #tpu.memory_space<semaphore_mem>>
      tpu.enqueue_indirect_dma source(%dma_start3A_708 : memref<10000x128xf32, #tpu.memory_space<hbm>>) target(%dma_start3A_702 : memref<64x128xf32, #tpu.memory_space<vmem>>) offsets(%dma_start3A_705 : memref<64xi32, #tpu.memory_space<vmem>>) semaphore(%dma_start3A_710 : memref<!tpu.dma_semaphore, #tpu.memory_space<semaphore_mem>>)
      %dma_wait3A_711 = arith.constant 6 : i32
      %dma_wait3A_712 = arith.constant 2 : i32
      %dma_wait3A_713 = arith.constant 2 : i32
      %dma_wait3A_714 = arith.constant 0 : i32
      %dma_wait3A_715 = arith.constant 0 : i32
      %dma_wait3A_716 = tpu.memref_slice %arg11[%dma_wait3A_712, %dma_wait3A_714, %dma_wait3A_715] : memref<4x64x128xf32, #tpu.memory_space<vmem>> -> memref<1x64x128xf32, #tpu.memory_space<vmem>>
      %dma_wait3A_717 = tpu.memref_squeeze %dma_wait3A_716 : memref<1x64x128xf32, #tpu.memory_space<vmem>> -> memref<64x128xf32, #tpu.memory_space<vmem>>
      %dma_wait3A_718 = arith.constant 0 : i32
      %dma_wait3A_719 = tpu.memref_slice %arg7[%dma_wait3A_711, %dma_wait3A_718] : memref<8x64xi32, #tpu.memory_space<vmem>> -> memref<1x64xi32, #tpu.memory_space<vmem>>
      %dma_wait3A_720 = tpu.memref_squeeze %dma_wait3A_719 : memref<1x64xi32, #tpu.memory_space<vmem>> -> memref<64xi32, #tpu.memory_space<vmem>>
      %dma_wait3A_721 = arith.constant 0 : i32
      %dma_wait3A_722 = arith.constant 0 : i32
      %dma_wait3A_723 = tpu.memref_slice %arg2[%dma_wait3A_721, %dma_wait3A_722] : memref<10000x128xf32, #tpu.memory_space<hbm>> -> memref<10000x128xf32, #tpu.memory_space<hbm>>
      %dma_wait3A_724 = tpu.memref_slice %arg14[%dma_wait3A_713] : memref<4x!tpu.dma_semaphore, #tpu.memory_space<semaphore_mem>> -> memref<1x!tpu.dma_semaphore, #tpu.memory_space<semaphore_mem>>
      %dma_wait3A_725 = tpu.memref_squeeze %dma_wait3A_724 : memref<1x!tpu.dma_semaphore, #tpu.memory_space<semaphore_mem>> -> memref<!tpu.dma_semaphore, #tpu.memory_space<semaphore_mem>>
      tpu.wait_indirect_dma semaphore(%dma_wait3A_725 : memref<!tpu.dma_semaphore, #tpu.memory_space<semaphore_mem>>) src(%dma_wait3A_723 : memref<10000x128xf32, #tpu.memory_space<hbm>>) dst(%dma_wait3A_717 : memref<64x128xf32, #tpu.memory_space<vmem>>)
      %dma_start3A_726 = arith.constant 2 : i32
      %dma_start3A_727 = arith.constant 6 : i32
      %dma_start3A_728 = arith.constant 2 : i32
      %dma_start3A_729 = arith.constant 0 : i32
      %dma_start3A_730 = arith.constant 0 : i32
      %dma_start3A_731 = tpu.memref_slice %arg11[%dma_start3A_726, %dma_start3A_729, %dma_start3A_730] : memref<4x64x128xf32, #tpu.memory_space<vmem>> -> memref<1x64x128xf32, #tpu.memory_space<vmem>>
      %dma_start3A_732 = tpu.memref_squeeze %dma_start3A_731 : memref<1x64x128xf32, #tpu.memory_space<vmem>> -> memref<64x128xf32, #tpu.memory_space<vmem>>
      %dma_start3A_733 = arith.constant 0 : i32
      %dma_start3A_734 = tpu.memref_slice %arg9[%dma_start3A_727, %dma_start3A_733] : memref<8x64xi32, #tpu.memory_space<vmem>> -> memref<1x64xi32, #tpu.memory_space<vmem>>
      %dma_start3A_735 = tpu.memref_squeeze %dma_start3A_734 : memref<1x64xi32, #tpu.memory_space<vmem>> -> memref<64xi32, #tpu.memory_space<vmem>>
      %dma_start3A_736 = arith.constant 0 : i32
      %dma_start3A_737 = arith.constant 0 : i32
      %dma_start3A_738 = tpu.memref_slice %arg13[%dma_start3A_736, %dma_start3A_737] : memref<10112x128xf32, #tpu.memory_space<vmem_shared>> -> memref<10112x128xf32, #tpu.memory_space<vmem_shared>>
      %dma_start3A_739 = tpu.memref_slice %arg15[%dma_start3A_728] : memref<4x!tpu.dma_semaphore, #tpu.memory_space<semaphore_mem>> -> memref<1x!tpu.dma_semaphore, #tpu.memory_space<semaphore_mem>>
      %dma_start3A_740 = tpu.memref_squeeze %dma_start3A_739 : memref<1x!tpu.dma_semaphore, #tpu.memory_space<semaphore_mem>> -> memref<!tpu.dma_semaphore, #tpu.memory_space<semaphore_mem>>
      tpu.enqueue_indirect_dma source(%dma_start3A_732 : memref<64x128xf32, #tpu.memory_space<vmem>>) target(%dma_start3A_738 : memref<10112x128xf32, #tpu.memory_space<vmem_shared>>) offsets(%dma_start3A_735 : memref<64xi32, #tpu.memory_space<vmem>>) semaphore(%dma_start3A_740 : memref<!tpu.dma_semaphore, #tpu.memory_space<semaphore_mem>>) {add = true}
      %get3A_741 = arith.constant 6 : i32
      %get3A_742 = arith.index_cast %get3A_741 : i32 to index
      %get3A_743 = arith.constant 0 : index
      %get3A_744 = tpu.vector_load %arg9[%get3A_742, %get3A_743] {strides = array<i32>} : memref<8x64xi32, #tpu.memory_space<vmem>>, vector<16xi32>,
      %broadcast_in_dim3A_745 = arith.constant true
      %broadcast_in_dim3A_746 = vector.broadcast %broadcast_in_dim3A_745 : i1 to vector<16xi1>
      %unique3A_747, %unique3A_748 = tpu.scan_count mask(%broadcast_in_dim3A_746 : vector<16xi1>) value(%get3A_744 : vector<16xi32>) : vector<16xi1>, vector<16xi32>
      %convert_element_type3A_749 = arith.sitofp %unique3A_748 : vector<16xi32> to vector<16xf32>
      tpu.vector_store_idx %arg12[%get3A_744], %convert_element_type3A_749 masked %unique3A_747 {add = true} : memref<10112xf32, #tpu.memory_space<vmem>>[vector<16xi32>], vector<16xf32>, vector<16xi1>
      %get3A_750 = arith.constant 6 : i32
      %get3A_751 = arith.index_cast %get3A_750 : i32 to index
      %get3A_752 = arith.constant 16 : index
      %get3A_753 = tpu.vector_load %arg9[%get3A_751, %get3A_752] {strides = array<i32>} : memref<8x64xi32, #tpu.memory_space<vmem>>, vector<16xi32>,
      %broadcast_in_dim3A_754 = arith.constant true
      %broadcast_in_dim3A_755 = vector.broadcast %broadcast_in_dim3A_754 : i1 to vector<16xi1>
      %unique3A_756, %unique3A_757 = tpu.scan_count mask(%broadcast_in_dim3A_755 : vector<16xi1>) value(%get3A_753 : vector<16xi32>) : vector<16xi1>, vector<16xi32>
      %convert_element_type3A_758 = arith.sitofp %unique3A_757 : vector<16xi32> to vector<16xf32>
      tpu.vector_store_idx %arg12[%get3A_753], %convert_element_type3A_758 masked %unique3A_756 {add = true} : memref<10112xf32, #tpu.memory_space<vmem>>[vector<16xi32>], vector<16xf32>, vector<16xi1>
      %get3A_759 = arith.constant 6 : i32
      %get3A_760 = arith.index_cast %get3A_759 : i32 to index
      %get3A_761 = arith.constant 32 : index
      %get3A_762 = tpu.vector_load %arg9[%get3A_760, %get3A_761] {strides = array<i32>} : memref<8x64xi32, #tpu.memory_space<vmem>>, vector<16xi32>,
      %broadcast_in_dim3A_763 = arith.constant true
      %broadcast_in_dim3A_764 = vector.broadcast %broadcast_in_dim3A_763 : i1 to vector<16xi1>
      %unique3A_765, %unique3A_766 = tpu.scan_count mask(%broadcast_in_dim3A_764 : vector<16xi1>) value(%get3A_762 : vector<16xi32>) : vector<16xi1>, vector<16xi32>
      %convert_element_type3A_767 = arith.sitofp %unique3A_766 : vector<16xi32> to vector<16xf32>
      tpu.vector_store_idx %arg12[%get3A_762], %convert_element_type3A_767 masked %unique3A_765 {add = true} : memref<10112xf32, #tpu.memory_space<vmem>>[vector<16xi32>], vector<16xf32>, vector<16xi1>
      %get3A_768 = arith.constant 6 : i32
      %get3A_769 = arith.index_cast %get3A_768 : i32 to index
      %get3A_770 = arith.constant 48 : index
      %get3A_771 = tpu.vector_load %arg9[%get3A_769, %get3A_770] {strides = array<i32>} : memref<8x64xi32, #tpu.memory_space<vmem>>, vector<16xi32>,
      %broadcast_in_dim3A_772 = arith.constant true
      %broadcast_in_dim3A_773 = vector.broadcast %broadcast_in_dim3A_772 : i1 to vector<16xi1>
      %unique3A_774, %unique3A_775 = tpu.scan_count mask(%broadcast_in_dim3A_773 : vector<16xi1>) value(%get3A_771 : vector<16xi32>) : vector<16xi1>, vector<16xi32>
      %convert_element_type3A_776 = arith.sitofp %unique3A_775 : vector<16xi32> to vector<16xf32>
      tpu.vector_store_idx %arg12[%get3A_771], %convert_element_type3A_776 masked %unique3A_774 {add = true} : memref<10112xf32, #tpu.memory_space<vmem>>[vector<16xi32>], vector<16xf32>, vector<16xi1>
      %dma_wait3A_777 = arith.constant 1 : i32
      %dma_wait3A_778 = arith.constant 5 : i32
      %dma_wait3A_779 = arith.constant 1 : i32
      %dma_wait3A_780 = arith.constant 0 : i32
      %dma_wait3A_781 = arith.constant 0 : i32
      %dma_wait3A_782 = tpu.memref_slice %arg11[%dma_wait3A_777, %dma_wait3A_780, %dma_wait3A_781] : memref<4x64x128xf32, #tpu.memory_space<vmem>> -> memref<1x64x128xf32, #tpu.memory_space<vmem>>
      %dma_wait3A_783 = tpu.memref_squeeze %dma_wait3A_782 : memref<1x64x128xf32, #tpu.memory_space<vmem>> -> memref<64x128xf32, #tpu.memory_space<vmem>>
      %dma_wait3A_784 = arith.constant 0 : i32
      %dma_wait3A_785 = tpu.memref_slice %arg9[%dma_wait3A_778, %dma_wait3A_784] : memref<8x64xi32, #tpu.memory_space<vmem>> -> memref<1x64xi32, #tpu.memory_space<vmem>>
      %dma_wait3A_786 = tpu.memref_squeeze %dma_wait3A_785 : memref<1x64xi32, #tpu.memory_space<vmem>> -> memref<64xi32, #tpu.memory_space<vmem>>
      %dma_wait3A_787 = arith.constant 0 : i32
      %dma_wait3A_788 = arith.constant 0 : i32
      %dma_wait3A_789 = tpu.memref_slice %arg13[%dma_wait3A_787, %dma_wait3A_788] : memref<10112x128xf32, #tpu.memory_space<vmem_shared>> -> memref<10112x128xf32, #tpu.memory_space<vmem_shared>>
      %dma_wait3A_790 = tpu.memref_slice %arg15[%dma_wait3A_779] : memref<4x!tpu.dma_semaphore, #tpu.memory_space<semaphore_mem>> -> memref<1x!tpu.dma_semaphore, #tpu.memory_space<semaphore_mem>>
      %dma_wait3A_791 = tpu.memref_squeeze %dma_wait3A_790 : memref<1x!tpu.dma_semaphore, #tpu.memory_space<semaphore_mem>> -> memref<!tpu.dma_semaphore, #tpu.memory_space<semaphore_mem>>
      tpu.wait_indirect_dma semaphore(%dma_wait3A_791 : memref<!tpu.dma_semaphore, #tpu.memory_space<semaphore_mem>>) src(%dma_wait3A_783 : memref<64x128xf32, #tpu.memory_space<vmem>>) dst(%dma_wait3A_789 : memref<10112x128xf32, #tpu.memory_space<vmem_shared>>)
      %dma_start3A_792 = arith.constant 1 : i32
      %dma_start3A_793 = arith.constant 1 : i32
      %dma_start3A_794 = arith.constant 1 : i32
      %dma_start3A_795 = arith.constant 0 : i32
      %dma_start3A_796 = arith.constant 0 : i32
      %dma_start3A_797 = tpu.memref_slice %arg11[%dma_start3A_793, %dma_start3A_795, %dma_start3A_796] : memref<4x64x128xf32, #tpu.memory_space<vmem>> -> memref<1x64x128xf32, #tpu.memory_space<vmem>>
      %dma_start3A_798 = tpu.memref_squeeze %dma_start3A_797 : memref<1x64x128xf32, #tpu.memory_space<vmem>> -> memref<64x128xf32, #tpu.memory_space<vmem>>
      %dma_start3A_799 = arith.constant 0 : i32
      %dma_start3A_800 = tpu.memref_slice %arg8[%dma_start3A_792, %dma_start3A_799] : memref<8x64xi32, #tpu.memory_space<vmem>> -> memref<1x64xi32, #tpu.memory_space<vmem>>
      %dma_start3A_801 = tpu.memref_squeeze %dma_start3A_800 : memref<1x64xi32, #tpu.memory_space<vmem>> -> memref<64xi32, #tpu.memory_space<vmem>>
      %dma_start3A_802 = arith.constant 0 : i32
      %dma_start3A_803 = arith.constant 0 : i32
      %dma_start3A_804 = tpu.memref_slice %arg2[%dma_start3A_802, %dma_start3A_803] : memref<10000x128xf32, #tpu.memory_space<hbm>> -> memref<10000x128xf32, #tpu.memory_space<hbm>>
      %dma_start3A_805 = tpu.memref_slice %arg14[%dma_start3A_794] : memref<4x!tpu.dma_semaphore, #tpu.memory_space<semaphore_mem>> -> memref<1x!tpu.dma_semaphore, #tpu.memory_space<semaphore_mem>>
      %dma_start3A_806 = tpu.memref_squeeze %dma_start3A_805 : memref<1x!tpu.dma_semaphore, #tpu.memory_space<semaphore_mem>> -> memref<!tpu.dma_semaphore, #tpu.memory_space<semaphore_mem>>
      tpu.enqueue_indirect_dma source(%dma_start3A_804 : memref<10000x128xf32, #tpu.memory_space<hbm>>) target(%dma_start3A_798 : memref<64x128xf32, #tpu.memory_space<vmem>>) offsets(%dma_start3A_801 : memref<64xi32, #tpu.memory_space<vmem>>) semaphore(%dma_start3A_806 : memref<!tpu.dma_semaphore, #tpu.memory_space<semaphore_mem>>)
      %dma_wait3A_807 = arith.constant 7 : i32
      %dma_wait3A_808 = arith.constant 3 : i32
      %dma_wait3A_809 = arith.constant 3 : i32
      %dma_wait3A_810 = arith.constant 0 : i32
      %dma_wait3A_811 = arith.constant 0 : i32
      %dma_wait3A_812 = tpu.memref_slice %arg11[%dma_wait3A_808, %dma_wait3A_810, %dma_wait3A_811] : memref<4x64x128xf32, #tpu.memory_space<vmem>> -> memref<1x64x128xf32, #tpu.memory_space<vmem>>
      %dma_wait3A_813 = tpu.memref_squeeze %dma_wait3A_812 : memref<1x64x128xf32, #tpu.memory_space<vmem>> -> memref<64x128xf32, #tpu.memory_space<vmem>>
      %dma_wait3A_814 = arith.constant 0 : i32
      %dma_wait3A_815 = tpu.memref_slice %arg7[%dma_wait3A_807, %dma_wait3A_814] : memref<8x64xi32, #tpu.memory_space<vmem>> -> memref<1x64xi32, #tpu.memory_space<vmem>>
      %dma_wait3A_816 = tpu.memref_squeeze %dma_wait3A_815 : memref<1x64xi32, #tpu.memory_space<vmem>> -> memref<64xi32, #tpu.memory_space<vmem>>
      %dma_wait3A_817 = arith.constant 0 : i32
      %dma_wait3A_818 = arith.constant 0 : i32
      %dma_wait3A_819 = tpu.memref_slice %arg2[%dma_wait3A_817, %dma_wait3A_818] : memref<10000x128xf32, #tpu.memory_space<hbm>> -> memref<10000x128xf32, #tpu.memory_space<hbm>>
      %dma_wait3A_820 = tpu.memref_slice %arg14[%dma_wait3A_809] : memref<4x!tpu.dma_semaphore, #tpu.memory_space<semaphore_mem>> -> memref<1x!tpu.dma_semaphore, #tpu.memory_space<semaphore_mem>>
      %dma_wait3A_821 = tpu.memref_squeeze %dma_wait3A_820 : memref<1x!tpu.dma_semaphore, #tpu.memory_space<semaphore_mem>> -> memref<!tpu.dma_semaphore, #tpu.memory_space<semaphore_mem>>
      tpu.wait_indirect_dma semaphore(%dma_wait3A_821 : memref<!tpu.dma_semaphore, #tpu.memory_space<semaphore_mem>>) src(%dma_wait3A_819 : memref<10000x128xf32, #tpu.memory_space<hbm>>) dst(%dma_wait3A_813 : memref<64x128xf32, #tpu.memory_space<vmem>>)
      %dma_start3A_822 = arith.constant 3 : i32
      %dma_start3A_823 = arith.constant 7 : i32
      %dma_start3A_824 = arith.constant 3 : i32
      %dma_start3A_825 = arith.constant 0 : i32
      %dma_start3A_826 = arith.constant 0 : i32
      %dma_start3A_827 = tpu.memref_slice %arg11[%dma_start3A_822, %dma_start3A_825, %dma_start3A_826] : memref<4x64x128xf32, #tpu.memory_space<vmem>> -> memref<1x64x128xf32, #tpu.memory_space<vmem>>
      %dma_start3A_828 = tpu.memref_squeeze %dma_start3A_827 : memref<1x64x128xf32, #tpu.memory_space<vmem>> -> memref<64x128xf32, #tpu.memory_space<vmem>>
      %dma_start3A_829 = arith.constant 0 : i32
      %dma_start3A_830 = tpu.memref_slice %arg9[%dma_start3A_823, %dma_start3A_829] : memref<8x64xi32, #tpu.memory_space<vmem>> -> memref<1x64xi32, #tpu.memory_space<vmem>>
      %dma_start3A_831 = tpu.memref_squeeze %dma_start3A_830 : memref<1x64xi32, #tpu.memory_space<vmem>> -> memref<64xi32, #tpu.memory_space<vmem>>
      %dma_start3A_832 = arith.constant 0 : i32
      %dma_start3A_833 = arith.constant 0 : i32
      %dma_start3A_834 = tpu.memref_slice %arg13[%dma_start3A_832, %dma_start3A_833] : memref<10112x128xf32, #tpu.memory_space<vmem_shared>> -> memref<10112x128xf32, #tpu.memory_space<vmem_shared>>
      %dma_start3A_835 = tpu.memref_slice %arg15[%dma_start3A_824] : memref<4x!tpu.dma_semaphore, #tpu.memory_space<semaphore_mem>> -> memref<1x!tpu.dma_semaphore, #tpu.memory_space<semaphore_mem>>
      %dma_start3A_836 = tpu.memref_squeeze %dma_start3A_835 : memref<1x!tpu.dma_semaphore, #tpu.memory_space<semaphore_mem>> -> memref<!tpu.dma_semaphore, #tpu.memory_space<semaphore_mem>>
      tpu.enqueue_indirect_dma source(%dma_start3A_828 : memref<64x128xf32, #tpu.memory_space<vmem>>) target(%dma_start3A_834 : memref<10112x128xf32, #tpu.memory_space<vmem_shared>>) offsets(%dma_start3A_831 : memref<64xi32, #tpu.memory_space<vmem>>) semaphore(%dma_start3A_836 : memref<!tpu.dma_semaphore, #tpu.memory_space<semaphore_mem>>) {add = true}
      %get3A_837 = arith.constant 7 : i32
      %get3A_838 = arith.index_cast %get3A_837 : i32 to index
      %get3A_839 = arith.constant 0 : index
      %get3A_840 = tpu.vector_load %arg9[%get3A_838, %get3A_839] {strides = array<i32>} : memref<8x64xi32, #tpu.memory_space<vmem>>, vector<16xi32>,
      %broadcast_in_dim3A_841 = arith.constant true
      %broadcast_in_dim3A_842 = vector.broadcast %broadcast_in_dim3A_841 : i1 to vector<16xi1>
      %unique3A_843, %unique3A_844 = tpu.scan_count mask(%broadcast_in_dim3A_842 : vector<16xi1>) value(%get3A_840 : vector<16xi32>) : vector<16xi1>, vector<16xi32>
      %convert_element_type3A_845 = arith.sitofp %unique3A_844 : vector<16xi32> to vector<16xf32>
      tpu.vector_store_idx %arg12[%get3A_840], %convert_element_type3A_845 masked %unique3A_843 {add = true} : memref<10112xf32, #tpu.memory_space<vmem>>[vector<16xi32>], vector<16xf32>, vector<16xi1>
      %get3A_846 = arith.constant 7 : i32
      %get3A_847 = arith.index_cast %get3A_846 : i32 to index
      %get3A_848 = arith.constant 16 : index
      %get3A_849 = tpu.vector_load %arg9[%get3A_847, %get3A_848] {strides = array<i32>} : memref<8x64xi32, #tpu.memory_space<vmem>>, vector<16xi32>,
      %broadcast_in_dim3A_850 = arith.constant true
      %broadcast_in_dim3A_851 = vector.broadcast %broadcast_in_dim3A_850 : i1 to vector<16xi1>
      %unique3A_852, %unique3A_853 = tpu.scan_count mask(%broadcast_in_dim3A_851 : vector<16xi1>) value(%get3A_849 : vector<16xi32>) : vector<16xi1>, vector<16xi32>
      %convert_element_type3A_854 = arith.sitofp %unique3A_853 : vector<16xi32> to vector<16xf32>
      tpu.vector_store_idx %arg12[%get3A_849], %convert_element_type3A_854 masked %unique3A_852 {add = true} : memref<10112xf32, #tpu.memory_space<vmem>>[vector<16xi32>], vector<16xf32>, vector<16xi1>
      %get3A_855 = arith.constant 7 : i32
      %get3A_856 = arith.index_cast %get3A_855 : i32 to index
      %get3A_857 = arith.constant 32 : index
      %get3A_858 = tpu.vector_load %arg9[%get3A_856, %get3A_857] {strides = array<i32>} : memref<8x64xi32, #tpu.memory_space<vmem>>, vector<16xi32>,
      %broadcast_in_dim3A_859 = arith.constant true
      %broadcast_in_dim3A_860 = vector.broadcast %broadcast_in_dim3A_859 : i1 to vector<16xi1>
      %unique3A_861, %unique3A_862 = tpu.scan_count mask(%broadcast_in_dim3A_860 : vector<16xi1>) value(%get3A_858 : vector<16xi32>) : vector<16xi1>, vector<16xi32>
      %convert_element_type3A_863 = arith.sitofp %unique3A_862 : vector<16xi32> to vector<16xf32>
      tpu.vector_store_idx %arg12[%get3A_858], %convert_element_type3A_863 masked %unique3A_861 {add = true} : memref<10112xf32, #tpu.memory_space<vmem>>[vector<16xi32>], vector<16xf32>, vector<16xi1>
      %get3A_864 = arith.constant 7 : i32
      %get3A_865 = arith.index_cast %get3A_864 : i32 to index
      %get3A_866 = arith.constant 48 : index
      %get3A_867 = tpu.vector_load %arg9[%get3A_865, %get3A_866] {strides = array<i32>} : memref<8x64xi32, #tpu.memory_space<vmem>>, vector<16xi32>,
      %broadcast_in_dim3A_868 = arith.constant true
      %broadcast_in_dim3A_869 = vector.broadcast %broadcast_in_dim3A_868 : i1 to vector<16xi1>
      %unique3A_870, %unique3A_871 = tpu.scan_count mask(%broadcast_in_dim3A_869 : vector<16xi1>) value(%get3A_867 : vector<16xi32>) : vector<16xi1>, vector<16xi32>
      %convert_element_type3A_872 = arith.sitofp %unique3A_871 : vector<16xi32> to vector<16xf32>
      tpu.vector_store_idx %arg12[%get3A_867], %convert_element_type3A_872 masked %unique3A_870 {add = true} : memref<10112xf32, #tpu.memory_space<vmem>>[vector<16xi32>], vector<16xf32>, vector<16xi1>
      %dma_wait3A_873 = arith.constant 2 : i32
      %dma_wait3A_874 = arith.constant 6 : i32
      %dma_wait3A_875 = arith.constant 2 : i32
      %dma_wait3A_876 = arith.constant 0 : i32
      %dma_wait3A_877 = arith.constant 0 : i32
      %dma_wait3A_878 = tpu.memref_slice %arg11[%dma_wait3A_873, %dma_wait3A_876, %dma_wait3A_877] : memref<4x64x128xf32, #tpu.memory_space<vmem>> -> memref<1x64x128xf32, #tpu.memory_space<vmem>>
      %dma_wait3A_879 = tpu.memref_squeeze %dma_wait3A_878 : memref<1x64x128xf32, #tpu.memory_space<vmem>> -> memref<64x128xf32, #tpu.memory_space<vmem>>
      %dma_wait3A_880 = arith.constant 0 : i32
      %dma_wait3A_881 = tpu.memref_slice %arg9[%dma_wait3A_874, %dma_wait3A_880] : memref<8x64xi32, #tpu.memory_space<vmem>> -> memref<1x64xi32, #tpu.memory_space<vmem>>
      %dma_wait3A_882 = tpu.memref_squeeze %dma_wait3A_881 : memref<1x64xi32, #tpu.memory_space<vmem>> -> memref<64xi32, #tpu.memory_space<vmem>>
      %dma_wait3A_883 = arith.constant 0 : i32
      %dma_wait3A_884 = arith.constant 0 : i32
      %dma_wait3A_885 = tpu.memref_slice %arg13[%dma_wait3A_883, %dma_wait3A_884] : memref<10112x128xf32, #tpu.memory_space<vmem_shared>> -> memref<10112x128xf32, #tpu.memory_space<vmem_shared>>
      %dma_wait3A_886 = tpu.memref_slice %arg15[%dma_wait3A_875] : memref<4x!tpu.dma_semaphore, #tpu.memory_space<semaphore_mem>> -> memref<1x!tpu.dma_semaphore, #tpu.memory_space<semaphore_mem>>
      %dma_wait3A_887 = tpu.memref_squeeze %dma_wait3A_886 : memref<1x!tpu.dma_semaphore, #tpu.memory_space<semaphore_mem>> -> memref<!tpu.dma_semaphore, #tpu.memory_space<semaphore_mem>>
      tpu.wait_indirect_dma semaphore(%dma_wait3A_887 : memref<!tpu.dma_semaphore, #tpu.memory_space<semaphore_mem>>) src(%dma_wait3A_879 : memref<64x128xf32, #tpu.memory_space<vmem>>) dst(%dma_wait3A_885 : memref<10112x128xf32, #tpu.memory_space<vmem_shared>>)
      %dma_start3A_888 = arith.constant 2 : i32
      %dma_start3A_889 = arith.constant 2 : i32
      %dma_start3A_890 = arith.constant 2 : i32
      %dma_start3A_891 = arith.constant 0 : i32
      %dma_start3A_892 = arith.constant 0 : i32
      %dma_start3A_893 = tpu.memref_slice %arg11[%dma_start3A_889, %dma_start3A_891, %dma_start3A_892] : memref<4x64x128xf32, #tpu.memory_space<vmem>> -> memref<1x64x128xf32, #tpu.memory_space<vmem>>
      %dma_start3A_894 = tpu.memref_squeeze %dma_start3A_893 : memref<1x64x128xf32, #tpu.memory_space<vmem>> -> memref<64x128xf32, #tpu.memory_space<vmem>>
      %dma_start3A_895 = arith.constant 0 : i32
      %dma_start3A_896 = tpu.memref_slice %arg8[%dma_start3A_888, %dma_start3A_895] : memref<8x64xi32, #tpu.memory_space<vmem>> -> memref<1x64xi32, #tpu.memory_space<vmem>>
      %dma_start3A_897 = tpu.memref_squeeze %dma_start3A_896 : memref<1x64xi32, #tpu.memory_space<vmem>> -> memref<64xi32, #tpu.memory_space<vmem>>
      %dma_start3A_898 = arith.constant 0 : i32
      %dma_start3A_899 = arith.constant 0 : i32
      %dma_start3A_900 = tpu.memref_slice %arg2[%dma_start3A_898, %dma_start3A_899] : memref<10000x128xf32, #tpu.memory_space<hbm>> -> memref<10000x128xf32, #tpu.memory_space<hbm>>
      %dma_start3A_901 = tpu.memref_slice %arg14[%dma_start3A_890] : memref<4x!tpu.dma_semaphore, #tpu.memory_space<semaphore_mem>> -> memref<1x!tpu.dma_semaphore, #tpu.memory_space<semaphore_mem>>
      %dma_start3A_902 = tpu.memref_squeeze %dma_start3A_901 : memref<1x!tpu.dma_semaphore, #tpu.memory_space<semaphore_mem>> -> memref<!tpu.dma_semaphore, #tpu.memory_space<semaphore_mem>>
      tpu.enqueue_indirect_dma source(%dma_start3A_900 : memref<10000x128xf32, #tpu.memory_space<hbm>>) target(%dma_start3A_894 : memref<64x128xf32, #tpu.memory_space<vmem>>) offsets(%dma_start3A_897 : memref<64xi32, #tpu.memory_space<vmem>>) semaphore(%dma_start3A_902 : memref<!tpu.dma_semaphore, #tpu.memory_space<semaphore_mem>>)
      %dma_wait3A_903 = arith.constant 0 : i32
      %dma_wait3A_904 = arith.constant 0 : i32
      %dma_wait3A_905 = arith.constant 0 : i32
      %dma_wait3A_906 = arith.constant 0 : i32
      %dma_wait3A_907 = arith.constant 0 : i32
      %dma_wait3A_908 = tpu.memref_slice %arg11[%dma_wait3A_904, %dma_wait3A_906, %dma_wait3A_907] : memref<4x64x128xf32, #tpu.memory_space<vmem>> -> memref<1x64x128xf32, #tpu.memory_space<vmem>>
      %dma_wait3A_909 = tpu.memref_squeeze %dma_wait3A_908 : memref<1x64x128xf32, #tpu.memory_space<vmem>> -> memref<64x128xf32, #tpu.memory_space<vmem>>
      %dma_wait3A_910 = arith.constant 0 : i32
      %dma_wait3A_911 = tpu.memref_slice %arg8[%dma_wait3A_903, %dma_wait3A_910] : memref<8x64xi32, #tpu.memory_space<vmem>> -> memref<1x64xi32, #tpu.memory_space<vmem>>
      %dma_wait3A_912 = tpu.memref_squeeze %dma_wait3A_911 : memref<1x64xi32, #tpu.memory_space<vmem>> -> memref<64xi32, #tpu.memory_space<vmem>>
      %dma_wait3A_913 = arith.constant 0 : i32
      %dma_wait3A_914 = arith.constant 0 : i32
      %dma_wait3A_915 = tpu.memref_slice %arg2[%dma_wait3A_913, %dma_wait3A_914] : memref<10000x128xf32, #tpu.memory_space<hbm>> -> memref<10000x128xf32, #tpu.memory_space<hbm>>
      %dma_wait3A_916 = tpu.memref_slice %arg14[%dma_wait3A_905] : memref<4x!tpu.dma_semaphore, #tpu.memory_space<semaphore_mem>> -> memref<1x!tpu.dma_semaphore, #tpu.memory_space<semaphore_mem>>
      %dma_wait3A_917 = tpu.memref_squeeze %dma_wait3A_916 : memref<1x!tpu.dma_semaphore, #tpu.memory_space<semaphore_mem>> -> memref<!tpu.dma_semaphore, #tpu.memory_space<semaphore_mem>>
      tpu.wait_indirect_dma semaphore(%dma_wait3A_917 : memref<!tpu.dma_semaphore, #tpu.memory_space<semaphore_mem>>) src(%dma_wait3A_915 : memref<10000x128xf32, #tpu.memory_space<hbm>>) dst(%dma_wait3A_909 : memref<64x128xf32, #tpu.memory_space<vmem>>)
      %dma_start3A_918 = arith.constant 0 : i32
      %dma_start3A_919 = arith.constant 0 : i32
      %dma_start3A_920 = arith.constant 0 : i32
      %dma_start3A_921 = arith.constant 0 : i32
      %dma_start3A_922 = arith.constant 0 : i32
      %dma_start3A_923 = tpu.memref_slice %arg11[%dma_start3A_918, %dma_start3A_921, %dma_start3A_922] : memref<4x64x128xf32, #tpu.memory_space<vmem>> -> memref<1x64x128xf32, #tpu.memory_space<vmem>>
      %dma_start3A_924 = tpu.memref_squeeze %dma_start3A_923 : memref<1x64x128xf32, #tpu.memory_space<vmem>> -> memref<64x128xf32, #tpu.memory_space<vmem>>
      %dma_start3A_925 = arith.constant 0 : i32
      %dma_start3A_926 = tpu.memref_slice %arg10[%dma_start3A_919, %dma_start3A_925] : memref<8x64xi32, #tpu.memory_space<vmem>> -> memref<1x64xi32, #tpu.memory_space<vmem>>
      %dma_start3A_927 = tpu.memref_squeeze %dma_start3A_926 : memref<1x64xi32, #tpu.memory_space<vmem>> -> memref<64xi32, #tpu.memory_space<vmem>>
      %dma_start3A_928 = arith.constant 0 : i32
      %dma_start3A_929 = arith.constant 0 : i32
      %dma_start3A_930 = tpu.memref_slice %arg13[%dma_start3A_928, %dma_start3A_929] : memref<10112x128xf32, #tpu.memory_space<vmem_shared>> -> memref<10112x128xf32, #tpu.memory_space<vmem_shared>>
      %dma_start3A_931 = tpu.memref_slice %arg15[%dma_start3A_920] : memref<4x!tpu.dma_semaphore, #tpu.memory_space<semaphore_mem>> -> memref<1x!tpu.dma_semaphore, #tpu.memory_space<semaphore_mem>>
      %dma_start3A_932 = tpu.memref_squeeze %dma_start3A_931 : memref<1x!tpu.dma_semaphore, #tpu.memory_space<semaphore_mem>> -> memref<!tpu.dma_semaphore, #tpu.memory_space<semaphore_mem>>
      tpu.enqueue_indirect_dma source(%dma_start3A_924 : memref<64x128xf32, #tpu.memory_space<vmem>>) target(%dma_start3A_930 : memref<10112x128xf32, #tpu.memory_space<vmem_shared>>) offsets(%dma_start3A_927 : memref<64xi32, #tpu.memory_space<vmem>>) semaphore(%dma_start3A_932 : memref<!tpu.dma_semaphore, #tpu.memory_space<semaphore_mem>>) {add = true}
      %get3A_933 = arith.constant 0 : i32
      %get3A_934 = arith.index_cast %get3A_933 : i32 to index
      %get3A_935 = arith.constant 0 : index
      %get3A_936 = tpu.vector_load %arg10[%get3A_934, %get3A_935] {strides = array<i32>} : memref<8x64xi32, #tpu.memory_space<vmem>>, vector<16xi32>,
      %broadcast_in_dim3A_937 = arith.constant true
      %broadcast_in_dim3A_938 = vector.broadcast %broadcast_in_dim3A_937 : i1 to vector<16xi1>
      %unique3A_939, %unique3A_940 = tpu.scan_count mask(%broadcast_in_dim3A_938 : vector<16xi1>) value(%get3A_936 : vector<16xi32>) : vector<16xi1>, vector<16xi32>
      %convert_element_type3A_941 = arith.sitofp %unique3A_940 : vector<16xi32> to vector<16xf32>
      tpu.vector_store_idx %arg12[%get3A_936], %convert_element_type3A_941 masked %unique3A_939 {add = true} : memref<10112xf32, #tpu.memory_space<vmem>>[vector<16xi32>], vector<16xf32>, vector<16xi1>
      %get3A_942 = arith.constant 0 : i32
      %get3A_943 = arith.index_cast %get3A_942 : i32 to index
      %get3A_944 = arith.constant 16 : index
      %get3A_945 = tpu.vector_load %arg10[%get3A_943, %get3A_944] {strides = array<i32>} : memref<8x64xi32, #tpu.memory_space<vmem>>, vector<16xi32>,
      %broadcast_in_dim3A_946 = arith.constant true
      %broadcast_in_dim3A_947 = vector.broadcast %broadcast_in_dim3A_946 : i1 to vector<16xi1>
      %unique3A_948, %unique3A_949 = tpu.scan_count mask(%broadcast_in_dim3A_947 : vector<16xi1>) value(%get3A_945 : vector<16xi32>) : vector<16xi1>, vector<16xi32>
      %convert_element_type3A_950 = arith.sitofp %unique3A_949 : vector<16xi32> to vector<16xf32>
      tpu.vector_store_idx %arg12[%get3A_945], %convert_element_type3A_950 masked %unique3A_948 {add = true} : memref<10112xf32, #tpu.memory_space<vmem>>[vector<16xi32>], vector<16xf32>, vector<16xi1>
      %get3A_951 = arith.constant 0 : i32
      %get3A_952 = arith.index_cast %get3A_951 : i32 to index
      %get3A_953 = arith.constant 32 : index
      %get3A_954 = tpu.vector_load %arg10[%get3A_952, %get3A_953] {strides = array<i32>} : memref<8x64xi32, #tpu.memory_space<vmem>>, vector<16xi32>,
      %broadcast_in_dim3A_955 = arith.constant true
      %broadcast_in_dim3A_956 = vector.broadcast %broadcast_in_dim3A_955 : i1 to vector<16xi1>
      %unique3A_957, %unique3A_958 = tpu.scan_count mask(%broadcast_in_dim3A_956 : vector<16xi1>) value(%get3A_954 : vector<16xi32>) : vector<16xi1>, vector<16xi32>
      %convert_element_type3A_959 = arith.sitofp %unique3A_958 : vector<16xi32> to vector<16xf32>
      tpu.vector_store_idx %arg12[%get3A_954], %convert_element_type3A_959 masked %unique3A_957 {add = true} : memref<10112xf32, #tpu.memory_space<vmem>>[vector<16xi32>], vector<16xf32>, vector<16xi1>
      %get3A_960 = arith.constant 0 : i32
      %get3A_961 = arith.index_cast %get3A_960 : i32 to index
      %get3A_962 = arith.constant 48 : index
      %get3A_963 = tpu.vector_load %arg10[%get3A_961, %get3A_962] {strides = array<i32>} : memref<8x64xi32, #tpu.memory_space<vmem>>, vector<16xi32>,
      %broadcast_in_dim3A_964 = arith.constant true
      %broadcast_in_dim3A_965 = vector.broadcast %broadcast_in_dim3A_964 : i1 to vector<16xi1>
      %unique3A_966, %unique3A_967 = tpu.scan_count mask(%broadcast_in_dim3A_965 : vector<16xi1>) value(%get3A_963 : vector<16xi32>) : vector<16xi1>, vector<16xi32>
      %convert_element_type3A_968 = arith.sitofp %unique3A_967 : vector<16xi32> to vector<16xf32>
      tpu.vector_store_idx %arg12[%get3A_963], %convert_element_type3A_968 masked %unique3A_966 {add = true} : memref<10112xf32, #tpu.memory_space<vmem>>[vector<16xi32>], vector<16xf32>, vector<16xi1>
      %dma_wait3A_969 = arith.constant 3 : i32
      %dma_wait3A_970 = arith.constant 7 : i32
      %dma_wait3A_971 = arith.constant 3 : i32
      %dma_wait3A_972 = arith.constant 0 : i32
      %dma_wait3A_973 = arith.constant 0 : i32
      %dma_wait3A_974 = tpu.memref_slice %arg11[%dma_wait3A_969, %dma_wait3A_972, %dma_wait3A_973] : memref<4x64x128xf32, #tpu.memory_space<vmem>> -> memref<1x64x128xf32, #tpu.memory_space<vmem>>
      %dma_wait3A_975 = tpu.memref_squeeze %dma_wait3A_974 : memref<1x64x128xf32, #tpu.memory_space<vmem>> -> memref<64x128xf32, #tpu.memory_space<vmem>>
      %dma_wait3A_976 = arith.constant 0 : i32
      %dma_wait3A_977 = tpu.memref_slice %arg9[%dma_wait3A_970, %dma_wait3A_976] : memref<8x64xi32, #tpu.memory_space<vmem>> -> memref<1x64xi32, #tpu.memory_space<vmem>>
      %dma_wait3A_978 = tpu.memref_squeeze %dma_wait3A_977 : memref<1x64xi32, #tpu.memory_space<vmem>> -> memref<64xi32, #tpu.memory_space<vmem>>
      %dma_wait3A_979 = arith.constant 0 : i32
      %dma_wait3A_980 = arith.constant 0 : i32
      %dma_wait3A_981 = tpu.memref_slice %arg13[%dma_wait3A_979, %dma_wait3A_980] : memref<10112x128xf32, #tpu.memory_space<vmem_shared>> -> memref<10112x128xf32, #tpu.memory_space<vmem_shared>>
      %dma_wait3A_982 = tpu.memref_slice %arg15[%dma_wait3A_971] : memref<4x!tpu.dma_semaphore, #tpu.memory_space<semaphore_mem>> -> memref<1x!tpu.dma_semaphore, #tpu.memory_space<semaphore_mem>>
      %dma_wait3A_983 = tpu.memref_squeeze %dma_wait3A_982 : memref<1x!tpu.dma_semaphore, #tpu.memory_space<semaphore_mem>> -> memref<!tpu.dma_semaphore, #tpu.memory_space<semaphore_mem>>
      tpu.wait_indirect_dma semaphore(%dma_wait3A_983 : memref<!tpu.dma_semaphore, #tpu.memory_space<semaphore_mem>>) src(%dma_wait3A_975 : memref<64x128xf32, #tpu.memory_space<vmem>>) dst(%dma_wait3A_981 : memref<10112x128xf32, #tpu.memory_space<vmem_shared>>)
      %dma_start3A_984 = arith.constant 3 : i32
      %dma_start3A_985 = arith.constant 3 : i32
      %dma_start3A_986 = arith.constant 3 : i32
      %dma_start3A_987 = arith.constant 0 : i32
      %dma_start3A_988 = arith.constant 0 : i32
      %dma_start3A_989 = tpu.memref_slice %arg11[%dma_start3A_985, %dma_start3A_987, %dma_start3A_988] : memref<4x64x128xf32, #tpu.memory_space<vmem>> -> memref<1x64x128xf32, #tpu.memory_space<vmem>>
      %dma_start3A_990 = tpu.memref_squeeze %dma_start3A_989 : memref<1x64x128xf32, #tpu.memory_space<vmem>> -> memref<64x128xf32, #tpu.memory_space<vmem>>
      %dma_start3A_991 = arith.constant 0 : i32
      %dma_start3A_992 = tpu.memref_slice %arg8[%dma_start3A_984, %dma_start3A_991] : memref<8x64xi32, #tpu.memory_space<vmem>> -> memref<1x64xi32, #tpu.memory_space<vmem>>
      %dma_start3A_993 = tpu.memref_squeeze %dma_start3A_992 : memref<1x64xi32, #tpu.memory_space<vmem>> -> memref<64xi32, #tpu.memory_space<vmem>>
      %dma_start3A_994 = arith.constant 0 : i32
      %dma_start3A_995 = arith.constant 0 : i32
      %dma_start3A_996 = tpu.memref_slice %arg2[%dma_start3A_994, %dma_start3A_995] : memref<10000x128xf32, #tpu.memory_space<hbm>> -> memref<10000x128xf32, #tpu.memory_space<hbm>>
      %dma_start3A_997 = tpu.memref_slice %arg14[%dma_start3A_986] : memref<4x!tpu.dma_semaphore, #tpu.memory_space<semaphore_mem>> -> memref<1x!tpu.dma_semaphore, #tpu.memory_space<semaphore_mem>>
      %dma_start3A_998 = tpu.memref_squeeze %dma_start3A_997 : memref<1x!tpu.dma_semaphore, #tpu.memory_space<semaphore_mem>> -> memref<!tpu.dma_semaphore, #tpu.memory_space<semaphore_mem>>
      tpu.enqueue_indirect_dma source(%dma_start3A_996 : memref<10000x128xf32, #tpu.memory_space<hbm>>) target(%dma_start3A_990 : memref<64x128xf32, #tpu.memory_space<vmem>>) offsets(%dma_start3A_993 : memref<64xi32, #tpu.memory_space<vmem>>) semaphore(%dma_start3A_998 : memref<!tpu.dma_semaphore, #tpu.memory_space<semaphore_mem>>)
      %dma_wait3A_999 = arith.constant 1 : i32
      %dma_wait3A_1000 = arith.constant 1 : i32
      %dma_wait3A_1001 = arith.constant 1 : i32
      %dma_wait3A_1002 = arith.constant 0 : i32
      %dma_wait3A_1003 = arith.constant 0 : i32
      %dma_wait3A_1004 = tpu.memref_slice %arg11[%dma_wait3A_1000, %dma_wait3A_1002, %dma_wait3A_1003] : memref<4x64x128xf32, #tpu.memory_space<vmem>> -> memref<1x64x128xf32, #tpu.memory_space<vmem>>
      %dma_wait3A_1005 = tpu.memref_squeeze %dma_wait3A_1004 : memref<1x64x128xf32, #tpu.memory_space<vmem>> -> memref<64x128xf32, #tpu.memory_space<vmem>>
      %dma_wait3A_1006 = arith.constant 0 : i32
      %dma_wait3A_1007 = tpu.memref_slice %arg8[%dma_wait3A_999, %dma_wait3A_1006] : memref<8x64xi32, #tpu.memory_space<vmem>> -> memref<1x64xi32, #tpu.memory_space<vmem>>
      %dma_wait3A_1008 = tpu.memref_squeeze %dma_wait3A_1007 : memref<1x64xi32, #tpu.memory_space<vmem>> -> memref<64xi32, #tpu.memory_space<vmem>>
      %dma_wait3A_1009 = arith.constant 0 : i32
      %dma_wait3A_1010 = arith.constant 0 : i32
      %dma_wait3A_1011 = tpu.memref_slice %arg2[%dma_wait3A_1009, %dma_wait3A_1010] : memref<10000x128xf32, #tpu.memory_space<hbm>> -> memref<10000x128xf32, #tpu.memory_space<hbm>>
      %dma_wait3A_1012 = tpu.memref_slice %arg14[%dma_wait3A_1001] : memref<4x!tpu.dma_semaphore, #tpu.memory_space<semaphore_mem>> -> memref<1x!tpu.dma_semaphore, #tpu.memory_space<semaphore_mem>>
      %dma_wait3A_1013 = tpu.memref_squeeze %dma_wait3A_1012 : memref<1x!tpu.dma_semaphore, #tpu.memory_space<semaphore_mem>> -> memref<!tpu.dma_semaphore, #tpu.memory_space<semaphore_mem>>
      tpu.wait_indirect_dma semaphore(%dma_wait3A_1013 : memref<!tpu.dma_semaphore, #tpu.memory_space<semaphore_mem>>) src(%dma_wait3A_1011 : memref<10000x128xf32, #tpu.memory_space<hbm>>) dst(%dma_wait3A_1005 : memref<64x128xf32, #tpu.memory_space<vmem>>)
      %dma_start3A_1014 = arith.constant 1 : i32
      %dma_start3A_1015 = arith.constant 1 : i32
      %dma_start3A_1016 = arith.constant 1 : i32
      %dma_start3A_1017 = arith.constant 0 : i32
      %dma_start3A_1018 = arith.constant 0 : i32
      %dma_start3A_1019 = tpu.memref_slice %arg11[%dma_start3A_1014, %dma_start3A_1017, %dma_start3A_1018] : memref<4x64x128xf32, #tpu.memory_space<vmem>> -> memref<1x64x128xf32, #tpu.memory_space<vmem>>
      %dma_start3A_1020 = tpu.memref_squeeze %dma_start3A_1019 : memref<1x64x128xf32, #tpu.memory_space<vmem>> -> memref<64x128xf32, #tpu.memory_space<vmem>>
      %dma_start3A_1021 = arith.constant 0 : i32
      %dma_start3A_1022 = tpu.memref_slice %arg10[%dma_start3A_1015, %dma_start3A_1021] : memref<8x64xi32, #tpu.memory_space<vmem>> -> memref<1x64xi32, #tpu.memory_space<vmem>>
      %dma_start3A_1023 = tpu.memref_squeeze %dma_start3A_1022 : memref<1x64xi32, #tpu.memory_space<vmem>> -> memref<64xi32, #tpu.memory_space<vmem>>
      %dma_start3A_1024 = arith.constant 0 : i32
      %dma_start3A_1025 = arith.constant 0 : i32
      %dma_start3A_1026 = tpu.memref_slice %arg13[%dma_start3A_1024, %dma_start3A_1025] : memref<10112x128xf32, #tpu.memory_space<vmem_shared>> -> memref<10112x128xf32, #tpu.memory_space<vmem_shared>>
      %dma_start3A_1027 = tpu.memref_slice %arg15[%dma_start3A_1016] : memref<4x!tpu.dma_semaphore, #tpu.memory_space<semaphore_mem>> -> memref<1x!tpu.dma_semaphore, #tpu.memory_space<semaphore_mem>>
      %dma_start3A_1028 = tpu.memref_squeeze %dma_start3A_1027 : memref<1x!tpu.dma_semaphore, #tpu.memory_space<semaphore_mem>> -> memref<!tpu.dma_semaphore, #tpu.memory_space<semaphore_mem>>
      tpu.enqueue_indirect_dma source(%dma_start3A_1020 : memref<64x128xf32, #tpu.memory_space<vmem>>) target(%dma_start3A_1026 : memref<10112x128xf32, #tpu.memory_space<vmem_shared>>) offsets(%dma_start3A_1023 : memref<64xi32, #tpu.memory_space<vmem>>) semaphore(%dma_start3A_1028 : memref<!tpu.dma_semaphore, #tpu.memory_space<semaphore_mem>>) {add = true}
      %get3A_1029 = arith.constant 1 : i32
      %get3A_1030 = arith.index_cast %get3A_1029 : i32 to index
      %get3A_1031 = arith.constant 0 : index
      %get3A_1032 = tpu.vector_load %arg10[%get3A_1030, %get3A_1031] {strides = array<i32>} : memref<8x64xi32, #tpu.memory_space<vmem>>, vector<16xi32>,
      %broadcast_in_dim3A_1033 = arith.constant true
      %broadcast_in_dim3A_1034 = vector.broadcast %broadcast_in_dim3A_1033 : i1 to vector<16xi1>
      %unique3A_1035, %unique3A_1036 = tpu.scan_count mask(%broadcast_in_dim3A_1034 : vector<16xi1>) value(%get3A_1032 : vector<16xi32>) : vector<16xi1>, vector<16xi32>
      %convert_element_type3A_1037 = arith.sitofp %unique3A_1036 : vector<16xi32> to vector<16xf32>
      tpu.vector_store_idx %arg12[%get3A_1032], %convert_element_type3A_1037 masked %unique3A_1035 {add = true} : memref<10112xf32, #tpu.memory_space<vmem>>[vector<16xi32>], vector<16xf32>, vector<16xi1>
      %get3A_1038 = arith.constant 1 : i32
      %get3A_1039 = arith.index_cast %get3A_1038 : i32 to index
      %get3A_1040 = arith.constant 16 : index
      %get3A_1041 = tpu.vector_load %arg10[%get3A_1039, %get3A_1040] {strides = array<i32>} : memref<8x64xi32, #tpu.memory_space<vmem>>, vector<16xi32>,
      %broadcast_in_dim3A_1042 = arith.constant true
      %broadcast_in_dim3A_1043 = vector.broadcast %broadcast_in_dim3A_1042 : i1 to vector<16xi1>
      %unique3A_1044, %unique3A_1045 = tpu.scan_count mask(%broadcast_in_dim3A_1043 : vector<16xi1>) value(%get3A_1041 : vector<16xi32>) : vector<16xi1>, vector<16xi32>
      %convert_element_type3A_1046 = arith.sitofp %unique3A_1045 : vector<16xi32> to vector<16xf32>
      tpu.vector_store_idx %arg12[%get3A_1041], %convert_element_type3A_1046 masked %unique3A_1044 {add = true} : memref<10112xf32, #tpu.memory_space<vmem>>[vector<16xi32>], vector<16xf32>, vector<16xi1>
      %get3A_1047 = arith.constant 1 : i32
      %get3A_1048 = arith.index_cast %get3A_1047 : i32 to index
      %get3A_1049 = arith.constant 32 : index
      %get3A_1050 = tpu.vector_load %arg10[%get3A_1048, %get3A_1049] {strides = array<i32>} : memref<8x64xi32, #tpu.memory_space<vmem>>, vector<16xi32>,
      %broadcast_in_dim3A_1051 = arith.constant true
      %broadcast_in_dim3A_1052 = vector.broadcast %broadcast_in_dim3A_1051 : i1 to vector<16xi1>
      %unique3A_1053, %unique3A_1054 = tpu.scan_count mask(%broadcast_in_dim3A_1052 : vector<16xi1>) value(%get3A_1050 : vector<16xi32>) : vector<16xi1>, vector<16xi32>
      %convert_element_type3A_1055 = arith.sitofp %unique3A_1054 : vector<16xi32> to vector<16xf32>
      tpu.vector_store_idx %arg12[%get3A_1050], %convert_element_type3A_1055 masked %unique3A_1053 {add = true} : memref<10112xf32, #tpu.memory_space<vmem>>[vector<16xi32>], vector<16xf32>, vector<16xi1>
      %get3A_1056 = arith.constant 1 : i32
      %get3A_1057 = arith.index_cast %get3A_1056 : i32 to index
      %get3A_1058 = arith.constant 48 : index
      %get3A_1059 = tpu.vector_load %arg10[%get3A_1057, %get3A_1058] {strides = array<i32>} : memref<8x64xi32, #tpu.memory_space<vmem>>, vector<16xi32>,
      %broadcast_in_dim3A_1060 = arith.constant true
      %broadcast_in_dim3A_1061 = vector.broadcast %broadcast_in_dim3A_1060 : i1 to vector<16xi1>
      %unique3A_1062, %unique3A_1063 = tpu.scan_count mask(%broadcast_in_dim3A_1061 : vector<16xi1>) value(%get3A_1059 : vector<16xi32>) : vector<16xi1>, vector<16xi32>
      %convert_element_type3A_1064 = arith.sitofp %unique3A_1063 : vector<16xi32> to vector<16xf32>
      tpu.vector_store_idx %arg12[%get3A_1059], %convert_element_type3A_1064 masked %unique3A_1062 {add = true} : memref<10112xf32, #tpu.memory_space<vmem>>[vector<16xi32>], vector<16xf32>, vector<16xi1>
      %dma_wait3A_1065 = arith.constant 0 : i32
      %dma_wait3A_1066 = arith.constant 0 : i32
      %dma_wait3A_1067 = arith.constant 0 : i32
      %dma_wait3A_1068 = arith.constant 0 : i32
      %dma_wait3A_1069 = arith.constant 0 : i32
      %dma_wait3A_1070 = tpu.memref_slice %arg11[%dma_wait3A_1065, %dma_wait3A_1068, %dma_wait3A_1069] : memref<4x64x128xf32, #tpu.memory_space<vmem>> -> memref<1x64x128xf32, #tpu.memory_space<vmem>>
      %dma_wait3A_1071 = tpu.memref_squeeze %dma_wait3A_1070 : memref<1x64x128xf32, #tpu.memory_space<vmem>> -> memref<64x128xf32, #tpu.memory_space<vmem>>
      %dma_wait3A_1072 = arith.constant 0 : i32
      %dma_wait3A_1073 = tpu.memref_slice %arg10[%dma_wait3A_1066, %dma_wait3A_1072] : memref<8x64xi32, #tpu.memory_space<vmem>> -> memref<1x64xi32, #tpu.memory_space<vmem>>
      %dma_wait3A_1074 = tpu.memref_squeeze %dma_wait3A_1073 : memref<1x64xi32, #tpu.memory_space<vmem>> -> memref<64xi32, #tpu.memory_space<vmem>>
      %dma_wait3A_1075 = arith.constant 0 : i32
      %dma_wait3A_1076 = arith.constant 0 : i32
      %dma_wait3A_1077 = tpu.memref_slice %arg13[%dma_wait3A_1075, %dma_wait3A_1076] : memref<10112x128xf32, #tpu.memory_space<vmem_shared>> -> memref<10112x128xf32, #tpu.memory_space<vmem_shared>>
      %dma_wait3A_1078 = tpu.memref_slice %arg15[%dma_wait3A_1067] : memref<4x!tpu.dma_semaphore, #tpu.memory_space<semaphore_mem>> -> memref<1x!tpu.dma_semaphore, #tpu.memory_space<semaphore_mem>>
      %dma_wait3A_1079 = tpu.memref_squeeze %dma_wait3A_1078 : memref<1x!tpu.dma_semaphore, #tpu.memory_space<semaphore_mem>> -> memref<!tpu.dma_semaphore, #tpu.memory_space<semaphore_mem>>
      tpu.wait_indirect_dma semaphore(%dma_wait3A_1079 : memref<!tpu.dma_semaphore, #tpu.memory_space<semaphore_mem>>) src(%dma_wait3A_1071 : memref<64x128xf32, #tpu.memory_space<vmem>>) dst(%dma_wait3A_1077 : memref<10112x128xf32, #tpu.memory_space<vmem_shared>>)
      %add3A_1080 = arith.constant 1 : i32
      %add3A_1081 = arith.addi %scan3A_112, %add3A_1080 : i32
      %lt3A = arith.constant 10 : i32
      %lt3A_1082 = arith.cmpi slt, %add3A_1081, %lt3A : i32
      %convert_element_type3A_1083 = arith.extui %lt3A_1082 : i1 to i32
      %cond3A_1084 = arith.constant 0 : i32
      %cond3A_1085 = arith.cmpi ne, %convert_element_type3A_1083, %cond3A_1084 : i32
      scf.if %cond3A_1085 {
        %mul3A_1661 = arith.constant 2 : i32
        %mul3A_1662 = arith.muli %mul3A_1661, %scan3A_112 : i32
        %add3A_1663 = arith.constant 2 : i32
        %add3A_1664 = arith.addi %mul3A_1662, %add3A_1663 : i32
        %mul3A_1665 = arith.constant 8 : i32
        %mul3A_1666 = arith.muli %add3A_1664, %mul3A_1665 : i32
        %dma_start3A_1667 = arith.constant 0 : i32
        %dma_start3A_1668 = tpu.memref_slice %arg3[%add3A, %mul3A_1666, %dma_start3A_1667] : memref<32x160x64xi32, #tpu.memory_space<hbm>> -> memref<1x8x64xi32, #tpu.memory_space<hbm>>
        %dma_start3A_1669 = tpu.memref_squeeze %dma_start3A_1668 : memref<1x8x64xi32, #tpu.memory_space<hbm>> -> memref<8x64xi32, #tpu.memory_space<hbm>>
        %dma_start3A_1670 = arith.constant 0 : i32
        %dma_start3A_1671 = tpu.memref_slice %arg3[%add3A, %mul3A_1666, %dma_start3A_1670] : memref<32x160x64xi32, #tpu.memory_space<hbm>> -> memref<1x8x64xi32, #tpu.memory_space<hbm>>
        %dma_start3A_1672 = tpu.memref_squeeze %dma_start3A_1671 : memref<1x8x64xi32, #tpu.memory_space<hbm>> -> memref<8x64xi32, #tpu.memory_space<hbm>>
        tpu.enqueue_dma source(%dma_start3A_1672 : memref<8x64xi32, #tpu.memory_space<hbm>>) target(%arg7 : memref<8x64xi32, #tpu.memory_space<vmem>>) target_semaphore(%arg16 : memref<!tpu.dma_semaphore, #tpu.memory_space<semaphore_mem>>)
        %dma_start3A_1673 = arith.constant 0 : i32
        %dma_start3A_1674 = tpu.memref_slice %arg4[%add3A, %mul3A_1666, %dma_start3A_1673] : memref<32x160x64xi32, #tpu.memory_space<hbm>> -> memref<1x8x64xi32, #tpu.memory_space<hbm>>
        %dma_start3A_1675 = tpu.memref_squeeze %dma_start3A_1674 : memref<1x8x64xi32, #tpu.memory_space<hbm>> -> memref<8x64xi32, #tpu.memory_space<hbm>>
        %dma_start3A_1676 = arith.constant 0 : i32
        %dma_start3A_1677 = tpu.memref_slice %arg4[%add3A, %mul3A_1666, %dma_start3A_1676] : memref<32x160x64xi32, #tpu.memory_space<hbm>> -> memref<1x8x64xi32, #tpu.memory_space<hbm>>
        %dma_start3A_1678 = tpu.memref_squeeze %dma_start3A_1677 : memref<1x8x64xi32, #tpu.memory_space<hbm>> -> memref<8x64xi32, #tpu.memory_space<hbm>>
        tpu.enqueue_dma source(%dma_start3A_1678 : memref<8x64xi32, #tpu.memory_space<hbm>>) target(%arg9 : memref<8x64xi32, #tpu.memory_space<vmem>>) target_semaphore(%arg16 : memref<!tpu.dma_semaphore, #tpu.memory_space<semaphore_mem>>)
      } else {
      }
      %dma_start3A_1086 = arith.constant 4 : i32
      %dma_start3A_1087 = arith.constant 0 : i32
      %dma_start3A_1088 = arith.constant 0 : i32
      %dma_start3A_1089 = arith.constant 0 : i32
      %dma_start3A_1090 = arith.constant 0 : i32
      %dma_start3A_1091 = tpu.memref_slice %arg11[%dma_start3A_1087, %dma_start3A_1089, %dma_start3A_1090] : memref<4x64x128xf32, #tpu.memory_space<vmem>> -> memref<1x64x128xf32, #tpu.memory_space<vmem>>
      %dma_start3A_1092 = tpu.memref_squeeze %dma_start3A_1091 : memref<1x64x128xf32, #tpu.memory_space<vmem>> -> memref<64x128xf32, #tpu.memory_space<vmem>>
      %dma_start3A_1093 = arith.constant 0 : i32
      %dma_start3A_1094 = tpu.memref_slice %arg8[%dma_start3A_1086, %dma_start3A_1093] : memref<8x64xi32, #tpu.memory_space<vmem>> -> memref<1x64xi32, #tpu.memory_space<vmem>>
      %dma_start3A_1095 = tpu.memref_squeeze %dma_start3A_1094 : memref<1x64xi32, #tpu.memory_space<vmem>> -> memref<64xi32, #tpu.memory_space<vmem>>
      %dma_start3A_1096 = arith.constant 0 : i32
      %dma_start3A_1097 = arith.constant 0 : i32
      %dma_start3A_1098 = tpu.memref_slice %arg2[%dma_start3A_1096, %dma_start3A_1097] : memref<10000x128xf32, #tpu.memory_space<hbm>> -> memref<10000x128xf32, #tpu.memory_space<hbm>>
      %dma_start3A_1099 = tpu.memref_slice %arg14[%dma_start3A_1088] : memref<4x!tpu.dma_semaphore, #tpu.memory_space<semaphore_mem>> -> memref<1x!tpu.dma_semaphore, #tpu.memory_space<semaphore_mem>>
      %dma_start3A_1100 = tpu.memref_squeeze %dma_start3A_1099 : memref<1x!tpu.dma_semaphore, #tpu.memory_space<semaphore_mem>> -> memref<!tpu.dma_semaphore, #tpu.memory_space<semaphore_mem>>
      tpu.enqueue_indirect_dma source(%dma_start3A_1098 : memref<10000x128xf32, #tpu.memory_space<hbm>>) target(%dma_start3A_1092 : memref<64x128xf32, #tpu.memory_space<vmem>>) offsets(%dma_start3A_1095 : memref<64xi32, #tpu.memory_space<vmem>>) semaphore(%dma_start3A_1100 : memref<!tpu.dma_semaphore, #tpu.memory_space<semaphore_mem>>)
      %dma_wait3A_1101 = arith.constant 2 : i32
      %dma_wait3A_1102 = arith.constant 2 : i32
      %dma_wait3A_1103 = arith.constant 2 : i32
      %dma_wait3A_1104 = arith.constant 0 : i32
      %dma_wait3A_1105 = arith.constant 0 : i32
      %dma_wait3A_1106 = tpu.memref_slice %arg11[%dma_wait3A_1102, %dma_wait3A_1104, %dma_wait3A_1105] : memref<4x64x128xf32, #tpu.memory_space<vmem>> -> memref<1x64x128xf32, #tpu.memory_space<vmem>>
      %dma_wait3A_1107 = tpu.memref_squeeze %dma_wait3A_1106 : memref<1x64x128xf32, #tpu.memory_space<vmem>> -> memref<64x128xf32, #tpu.memory_space<vmem>>
      %dma_wait3A_1108 = arith.constant 0 : i32
      %dma_wait3A_1109 = tpu.memref_slice %arg8[%dma_wait3A_1101, %dma_wait3A_1108] : memref<8x64xi32, #tpu.memory_space<vmem>> -> memref<1x64xi32, #tpu.memory_space<vmem>>
      %dma_wait3A_1110 = tpu.memref_squeeze %dma_wait3A_1109 : memref<1x64xi32, #tpu.memory_space<vmem>> -> memref<64xi32, #tpu.memory_space<vmem>>
      %dma_wait3A_1111 = arith.constant 0 : i32
      %dma_wait3A_1112 = arith.constant 0 : i32
      %dma_wait3A_1113 = tpu.memref_slice %arg2[%dma_wait3A_1111, %dma_wait3A_1112] : memref<10000x128xf32, #tpu.memory_space<hbm>> -> memref<10000x128xf32, #tpu.memory_space<hbm>>
      %dma_wait3A_1114 = tpu.memref_slice %arg14[%dma_wait3A_1103] : memref<4x!tpu.dma_semaphore, #tpu.memory_space<semaphore_mem>> -> memref<1x!tpu.dma_semaphore, #tpu.memory_space<semaphore_mem>>
      %dma_wait3A_1115 = tpu.memref_squeeze %dma_wait3A_1114 : memref<1x!tpu.dma_semaphore, #tpu.memory_space<semaphore_mem>> -> memref<!tpu.dma_semaphore, #tpu.memory_space<semaphore_mem>>
      tpu.wait_indirect_dma semaphore(%dma_wait3A_1115 : memref<!tpu.dma_semaphore, #tpu.memory_space<semaphore_mem>>) src(%dma_wait3A_1113 : memref<10000x128xf32, #tpu.memory_space<hbm>>) dst(%dma_wait3A_1107 : memref<64x128xf32, #tpu.memory_space<vmem>>)
      %dma_start3A_1116 = arith.constant 2 : i32
      %dma_start3A_1117 = arith.constant 2 : i32
      %dma_start3A_1118 = arith.constant 2 : i32
      %dma_start3A_1119 = arith.constant 0 : i32
      %dma_start3A_1120 = arith.constant 0 : i32
      %dma_start3A_1121 = tpu.memref_slice %arg11[%dma_start3A_1116, %dma_start3A_1119, %dma_start3A_1120] : memref<4x64x128xf32, #tpu.memory_space<vmem>> -> memref<1x64x128xf32, #tpu.memory_space<vmem>>
      %dma_start3A_1122 = tpu.memref_squeeze %dma_start3A_1121 : memref<1x64x128xf32, #tpu.memory_space<vmem>> -> memref<64x128xf32, #tpu.memory_space<vmem>>
      %dma_start3A_1123 = arith.constant 0 : i32
      %dma_start3A_1124 = tpu.memref_slice %arg10[%dma_start3A_1117, %dma_start3A_1123] : memref<8x64xi32, #tpu.memory_space<vmem>> -> memref<1x64xi32, #tpu.memory_space<vmem>>
      %dma_start3A_1125 = tpu.memref_squeeze %dma_start3A_1124 : memref<1x64xi32, #tpu.memory_space<vmem>> -> memref<64xi32, #tpu.memory_space<vmem>>
      %dma_start3A_1126 = arith.constant 0 : i32
      %dma_start3A_1127 = arith.constant 0 : i32
      %dma_start3A_1128 = tpu.memref_slice %arg13[%dma_start3A_1126, %dma_start3A_1127] : memref<10112x128xf32, #tpu.memory_space<vmem_shared>> -> memref<10112x128xf32, #tpu.memory_space<vmem_shared>>
      %dma_start3A_1129 = tpu.memref_slice %arg15[%dma_start3A_1118] : memref<4x!tpu.dma_semaphore, #tpu.memory_space<semaphore_mem>> -> memref<1x!tpu.dma_semaphore, #tpu.memory_space<semaphore_mem>>
      %dma_start3A_1130 = tpu.memref_squeeze %dma_start3A_1129 : memref<1x!tpu.dma_semaphore, #tpu.memory_space<semaphore_mem>> -> memref<!tpu.dma_semaphore, #tpu.memory_space<semaphore_mem>>
      tpu.enqueue_indirect_dma source(%dma_start3A_1122 : memref<64x128xf32, #tpu.memory_space<vmem>>) target(%dma_start3A_1128 : memref<10112x128xf32, #tpu.memory_space<vmem_shared>>) offsets(%dma_start3A_1125 : memref<64xi32, #tpu.memory_space<vmem>>) semaphore(%dma_start3A_1130 : memref<!tpu.dma_semaphore, #tpu.memory_space<semaphore_mem>>) {add = true}
      %get3A_1131 = arith.constant 2 : i32
      %get3A_1132 = arith.index_cast %get3A_1131 : i32 to index
      %get3A_1133 = arith.constant 0 : index
      %get3A_1134 = tpu.vector_load %arg10[%get3A_1132, %get3A_1133] {strides = array<i32>} : memref<8x64xi32, #tpu.memory_space<vmem>>, vector<16xi32>,
      %broadcast_in_dim3A_1135 = arith.constant true
      %broadcast_in_dim3A_1136 = vector.broadcast %broadcast_in_dim3A_1135 : i1 to vector<16xi1>
      %unique3A_1137, %unique3A_1138 = tpu.scan_count mask(%broadcast_in_dim3A_1136 : vector<16xi1>) value(%get3A_1134 : vector<16xi32>) : vector<16xi1>, vector<16xi32>
      %convert_element_type3A_1139 = arith.sitofp %unique3A_1138 : vector<16xi32> to vector<16xf32>
      tpu.vector_store_idx %arg12[%get3A_1134], %convert_element_type3A_1139 masked %unique3A_1137 {add = true} : memref<10112xf32, #tpu.memory_space<vmem>>[vector<16xi32>], vector<16xf32>, vector<16xi1>
      %get3A_1140 = arith.constant 2 : i32
      %get3A_1141 = arith.index_cast %get3A_1140 : i32 to index
      %get3A_1142 = arith.constant 16 : index
      %get3A_1143 = tpu.vector_load %arg10[%get3A_1141, %get3A_1142] {strides = array<i32>} : memref<8x64xi32, #tpu.memory_space<vmem>>, vector<16xi32>,
      %broadcast_in_dim3A_1144 = arith.constant true
      %broadcast_in_dim3A_1145 = vector.broadcast %broadcast_in_dim3A_1144 : i1 to vector<16xi1>
      %unique3A_1146, %unique3A_1147 = tpu.scan_count mask(%broadcast_in_dim3A_1145 : vector<16xi1>) value(%get3A_1143 : vector<16xi32>) : vector<16xi1>, vector<16xi32>
      %convert_element_type3A_1148 = arith.sitofp %unique3A_1147 : vector<16xi32> to vector<16xf32>
      tpu.vector_store_idx %arg12[%get3A_1143], %convert_element_type3A_1148 masked %unique3A_1146 {add = true} : memref<10112xf32, #tpu.memory_space<vmem>>[vector<16xi32>], vector<16xf32>, vector<16xi1>
      %get3A_1149 = arith.constant 2 : i32
      %get3A_1150 = arith.index_cast %get3A_1149 : i32 to index
      %get3A_1151 = arith.constant 32 : index
      %get3A_1152 = tpu.vector_load %arg10[%get3A_1150, %get3A_1151] {strides = array<i32>} : memref<8x64xi32, #tpu.memory_space<vmem>>, vector<16xi32>,
      %broadcast_in_dim3A_1153 = arith.constant true
      %broadcast_in_dim3A_1154 = vector.broadcast %broadcast_in_dim3A_1153 : i1 to vector<16xi1>
      %unique3A_1155, %unique3A_1156 = tpu.scan_count mask(%broadcast_in_dim3A_1154 : vector<16xi1>) value(%get3A_1152 : vector<16xi32>) : vector<16xi1>, vector<16xi32>
      %convert_element_type3A_1157 = arith.sitofp %unique3A_1156 : vector<16xi32> to vector<16xf32>
      tpu.vector_store_idx %arg12[%get3A_1152], %convert_element_type3A_1157 masked %unique3A_1155 {add = true} : memref<10112xf32, #tpu.memory_space<vmem>>[vector<16xi32>], vector<16xf32>, vector<16xi1>
      %get3A_1158 = arith.constant 2 : i32
      %get3A_1159 = arith.index_cast %get3A_1158 : i32 to index
      %get3A_1160 = arith.constant 48 : index
      %get3A_1161 = tpu.vector_load %arg10[%get3A_1159, %get3A_1160] {strides = array<i32>} : memref<8x64xi32, #tpu.memory_space<vmem>>, vector<16xi32>,
      %broadcast_in_dim3A_1162 = arith.constant true
      %broadcast_in_dim3A_1163 = vector.broadcast %broadcast_in_dim3A_1162 : i1 to vector<16xi1>
      %unique3A_1164, %unique3A_1165 = tpu.scan_count mask(%broadcast_in_dim3A_1163 : vector<16xi1>) value(%get3A_1161 : vector<16xi32>) : vector<16xi1>, vector<16xi32>
      %convert_element_type3A_1166 = arith.sitofp %unique3A_1165 : vector<16xi32> to vector<16xf32>
      tpu.vector_store_idx %arg12[%get3A_1161], %convert_element_type3A_1166 masked %unique3A_1164 {add = true} : memref<10112xf32, #tpu.memory_space<vmem>>[vector<16xi32>], vector<16xf32>, vector<16xi1>
      %dma_wait3A_1167 = arith.constant 1 : i32
      %dma_wait3A_1168 = arith.constant 1 : i32
      %dma_wait3A_1169 = arith.constant 1 : i32
      %dma_wait3A_1170 = arith.constant 0 : i32
      %dma_wait3A_1171 = arith.constant 0 : i32
      %dma_wait3A_1172 = tpu.memref_slice %arg11[%dma_wait3A_1167, %dma_wait3A_1170, %dma_wait3A_1171] : memref<4x64x128xf32, #tpu.memory_space<vmem>> -> memref<1x64x128xf32, #tpu.memory_space<vmem>>
      %dma_wait3A_1173 = tpu.memref_squeeze %dma_wait3A_1172 : memref<1x64x128xf32, #tpu.memory_space<vmem>> -> memref<64x128xf32, #tpu.memory_space<vmem>>
      %dma_wait3A_1174 = arith.constant 0 : i32
      %dma_wait3A_1175 = tpu.memref_slice %arg10[%dma_wait3A_1168, %dma_wait3A_1174] : memref<8x64xi32, #tpu.memory_space<vmem>> -> memref<1x64xi32, #tpu.memory_space<vmem>>
      %dma_wait3A_1176 = tpu.memref_squeeze %dma_wait3A_1175 : memref<1x64xi32, #tpu.memory_space<vmem>> -> memref<64xi32, #tpu.memory_space<vmem>>
      %dma_wait3A_1177 = arith.constant 0 : i32
      %dma_wait3A_1178 = arith.constant 0 : i32
      %dma_wait3A_1179 = tpu.memref_slice %arg13[%dma_wait3A_1177, %dma_wait3A_1178] : memref<10112x128xf32, #tpu.memory_space<vmem_shared>> -> memref<10112x128xf32, #tpu.memory_space<vmem_shared>>
      %dma_wait3A_1180 = tpu.memref_slice %arg15[%dma_wait3A_1169] : memref<4x!tpu.dma_semaphore, #tpu.memory_space<semaphore_mem>> -> memref<1x!tpu.dma_semaphore, #tpu.memory_space<semaphore_mem>>
      %dma_wait3A_1181 = tpu.memref_squeeze %dma_wait3A_1180 : memref<1x!tpu.dma_semaphore, #tpu.memory_space<semaphore_mem>> -> memref<!tpu.dma_semaphore, #tpu.memory_space<semaphore_mem>>
      tpu.wait_indirect_dma semaphore(%dma_wait3A_1181 : memref<!tpu.dma_semaphore, #tpu.memory_space<semaphore_mem>>) src(%dma_wait3A_1173 : memref<64x128xf32, #tpu.memory_space<vmem>>) dst(%dma_wait3A_1179 : memref<10112x128xf32, #tpu.memory_space<vmem_shared>>)
      %dma_start3A_1182 = arith.constant 5 : i32
      %dma_start3A_1183 = arith.constant 1 : i32
      %dma_start3A_1184 = arith.constant 1 : i32
      %dma_start3A_1185 = arith.constant 0 : i32
      %dma_start3A_1186 = arith.constant 0 : i32
      %dma_start3A_1187 = tpu.memref_slice %arg11[%dma_start3A_1183, %dma_start3A_1185, %dma_start3A_1186] : memref<4x64x128xf32, #tpu.memory_space<vmem>> -> memref<1x64x128xf32, #tpu.memory_space<vmem>>
      %dma_start3A_1188 = tpu.memref_squeeze %dma_start3A_1187 : memref<1x64x128xf32, #tpu.memory_space<vmem>> -> memref<64x128xf32, #tpu.memory_space<vmem>>
      %dma_start3A_1189 = arith.constant 0 : i32
      %dma_start3A_1190 = tpu.memref_slice %arg8[%dma_start3A_1182, %dma_start3A_1189] : memref<8x64xi32, #tpu.memory_space<vmem>> -> memref<1x64xi32, #tpu.memory_space<vmem>>
      %dma_start3A_1191 = tpu.memref_squeeze %dma_start3A_1190 : memref<1x64xi32, #tpu.memory_space<vmem>> -> memref<64xi32, #tpu.memory_space<vmem>>
      %dma_start3A_1192 = arith.constant 0 : i32
      %dma_start3A_1193 = arith.constant 0 : i32
      %dma_start3A_1194 = tpu.memref_slice %arg2[%dma_start3A_1192, %dma_start3A_1193] : memref<10000x128xf32, #tpu.memory_space<hbm>> -> memref<10000x128xf32, #tpu.memory_space<hbm>>
      %dma_start3A_1195 = tpu.memref_slice %arg14[%dma_start3A_1184] : memref<4x!tpu.dma_semaphore, #tpu.memory_space<semaphore_mem>> -> memref<1x!tpu.dma_semaphore, #tpu.memory_space<semaphore_mem>>
      %dma_start3A_1196 = tpu.memref_squeeze %dma_start3A_1195 : memref<1x!tpu.dma_semaphore, #tpu.memory_space<semaphore_mem>> -> memref<!tpu.dma_semaphore, #tpu.memory_space<semaphore_mem>>
      tpu.enqueue_indirect_dma source(%dma_start3A_1194 : memref<10000x128xf32, #tpu.memory_space<hbm>>) target(%dma_start3A_1188 : memref<64x128xf32, #tpu.memory_space<vmem>>) offsets(%dma_start3A_1191 : memref<64xi32, #tpu.memory_space<vmem>>) semaphore(%dma_start3A_1196 : memref<!tpu.dma_semaphore, #tpu.memory_space<semaphore_mem>>)
      %dma_wait3A_1197 = arith.constant 3 : i32
      %dma_wait3A_1198 = arith.constant 3 : i32
      %dma_wait3A_1199 = arith.constant 3 : i32
      %dma_wait3A_1200 = arith.constant 0 : i32
      %dma_wait3A_1201 = arith.constant 0 : i32
      %dma_wait3A_1202 = tpu.memref_slice %arg11[%dma_wait3A_1198, %dma_wait3A_1200, %dma_wait3A_1201] : memref<4x64x128xf32, #tpu.memory_space<vmem>> -> memref<1x64x128xf32, #tpu.memory_space<vmem>>
      %dma_wait3A_1203 = tpu.memref_squeeze %dma_wait3A_1202 : memref<1x64x128xf32, #tpu.memory_space<vmem>> -> memref<64x128xf32, #tpu.memory_space<vmem>>
      %dma_wait3A_1204 = arith.constant 0 : i32
      %dma_wait3A_1205 = tpu.memref_slice %arg8[%dma_wait3A_1197, %dma_wait3A_1204] : memref<8x64xi32, #tpu.memory_space<vmem>> -> memref<1x64xi32, #tpu.memory_space<vmem>>
      %dma_wait3A_1206 = tpu.memref_squeeze %dma_wait3A_1205 : memref<1x64xi32, #tpu.memory_space<vmem>> -> memref<64xi32, #tpu.memory_space<vmem>>
      %dma_wait3A_1207 = arith.constant 0 : i32
      %dma_wait3A_1208 = arith.constant 0 : i32
      %dma_wait3A_1209 = tpu.memref_slice %arg2[%dma_wait3A_1207, %dma_wait3A_1208] : memref<10000x128xf32, #tpu.memory_space<hbm>> -> memref<10000x128xf32, #tpu.memory_space<hbm>>
      %dma_wait3A_1210 = tpu.memref_slice %arg14[%dma_wait3A_1199] : memref<4x!tpu.dma_semaphore, #tpu.memory_space<semaphore_mem>> -> memref<1x!tpu.dma_semaphore, #tpu.memory_space<semaphore_mem>>
      %dma_wait3A_1211 = tpu.memref_squeeze %dma_wait3A_1210 : memref<1x!tpu.dma_semaphore, #tpu.memory_space<semaphore_mem>> -> memref<!tpu.dma_semaphore, #tpu.memory_space<semaphore_mem>>
      tpu.wait_indirect_dma semaphore(%dma_wait3A_1211 : memref<!tpu.dma_semaphore, #tpu.memory_space<semaphore_mem>>) src(%dma_wait3A_1209 : memref<10000x128xf32, #tpu.memory_space<hbm>>) dst(%dma_wait3A_1203 : memref<64x128xf32, #tpu.memory_space<vmem>>)
      %dma_start3A_1212 = arith.constant 3 : i32
      %dma_start3A_1213 = arith.constant 3 : i32
      %dma_start3A_1214 = arith.constant 3 : i32
      %dma_start3A_1215 = arith.constant 0 : i32
      %dma_start3A_1216 = arith.constant 0 : i32
      %dma_start3A_1217 = tpu.memref_slice %arg11[%dma_start3A_1212, %dma_start3A_1215, %dma_start3A_1216] : memref<4x64x128xf32, #tpu.memory_space<vmem>> -> memref<1x64x128xf32, #tpu.memory_space<vmem>>
      %dma_start3A_1218 = tpu.memref_squeeze %dma_start3A_1217 : memref<1x64x128xf32, #tpu.memory_space<vmem>> -> memref<64x128xf32, #tpu.memory_space<vmem>>
      %dma_start3A_1219 = arith.constant 0 : i32
      %dma_start3A_1220 = tpu.memref_slice %arg10[%dma_start3A_1213, %dma_start3A_1219] : memref<8x64xi32, #tpu.memory_space<vmem>> -> memref<1x64xi32, #tpu.memory_space<vmem>>
      %dma_start3A_1221 = tpu.memref_squeeze %dma_start3A_1220 : memref<1x64xi32, #tpu.memory_space<vmem>> -> memref<64xi32, #tpu.memory_space<vmem>>
      %dma_start3A_1222 = arith.constant 0 : i32
      %dma_start3A_1223 = arith.constant 0 : i32
      %dma_start3A_1224 = tpu.memref_slice %arg13[%dma_start3A_1222, %dma_start3A_1223] : memref<10112x128xf32, #tpu.memory_space<vmem_shared>> -> memref<10112x128xf32, #tpu.memory_space<vmem_shared>>
      %dma_start3A_1225 = tpu.memref_slice %arg15[%dma_start3A_1214] : memref<4x!tpu.dma_semaphore, #tpu.memory_space<semaphore_mem>> -> memref<1x!tpu.dma_semaphore, #tpu.memory_space<semaphore_mem>>
      %dma_start3A_1226 = tpu.memref_squeeze %dma_start3A_1225 : memref<1x!tpu.dma_semaphore, #tpu.memory_space<semaphore_mem>> -> memref<!tpu.dma_semaphore, #tpu.memory_space<semaphore_mem>>
      tpu.enqueue_indirect_dma source(%dma_start3A_1218 : memref<64x128xf32, #tpu.memory_space<vmem>>) target(%dma_start3A_1224 : memref<10112x128xf32, #tpu.memory_space<vmem_shared>>) offsets(%dma_start3A_1221 : memref<64xi32, #tpu.memory_space<vmem>>) semaphore(%dma_start3A_1226 : memref<!tpu.dma_semaphore, #tpu.memory_space<semaphore_mem>>) {add = true}
      %get3A_1227 = arith.constant 3 : i32
      %get3A_1228 = arith.index_cast %get3A_1227 : i32 to index
      %get3A_1229 = arith.constant 0 : index
      %get3A_1230 = tpu.vector_load %arg10[%get3A_1228, %get3A_1229] {strides = array<i32>} : memref<8x64xi32, #tpu.memory_space<vmem>>, vector<16xi32>,
      %broadcast_in_dim3A_1231 = arith.constant true
      %broadcast_in_dim3A_1232 = vector.broadcast %broadcast_in_dim3A_1231 : i1 to vector<16xi1>
      %unique3A_1233, %unique3A_1234 = tpu.scan_count mask(%broadcast_in_dim3A_1232 : vector<16xi1>) value(%get3A_1230 : vector<16xi32>) : vector<16xi1>, vector<16xi32>
      %convert_element_type3A_1235 = arith.sitofp %unique3A_1234 : vector<16xi32> to vector<16xf32>
      tpu.vector_store_idx %arg12[%get3A_1230], %convert_element_type3A_1235 masked %unique3A_1233 {add = true} : memref<10112xf32, #tpu.memory_space<vmem>>[vector<16xi32>], vector<16xf32>, vector<16xi1>
      %get3A_1236 = arith.constant 3 : i32
      %get3A_1237 = arith.index_cast %get3A_1236 : i32 to index
      %get3A_1238 = arith.constant 16 : index
      %get3A_1239 = tpu.vector_load %arg10[%get3A_1237, %get3A_1238] {strides = array<i32>} : memref<8x64xi32, #tpu.memory_space<vmem>>, vector<16xi32>,
      %broadcast_in_dim3A_1240 = arith.constant true
      %broadcast_in_dim3A_1241 = vector.broadcast %broadcast_in_dim3A_1240 : i1 to vector<16xi1>
      %unique3A_1242, %unique3A_1243 = tpu.scan_count mask(%broadcast_in_dim3A_1241 : vector<16xi1>) value(%get3A_1239 : vector<16xi32>) : vector<16xi1>, vector<16xi32>
      %convert_element_type3A_1244 = arith.sitofp %unique3A_1243 : vector<16xi32> to vector<16xf32>
      tpu.vector_store_idx %arg12[%get3A_1239], %convert_element_type3A_1244 masked %unique3A_1242 {add = true} : memref<10112xf32, #tpu.memory_space<vmem>>[vector<16xi32>], vector<16xf32>, vector<16xi1>
      %get3A_1245 = arith.constant 3 : i32
      %get3A_1246 = arith.index_cast %get3A_1245 : i32 to index
      %get3A_1247 = arith.constant 32 : index
      %get3A_1248 = tpu.vector_load %arg10[%get3A_1246, %get3A_1247] {strides = array<i32>} : memref<8x64xi32, #tpu.memory_space<vmem>>, vector<16xi32>,
      %broadcast_in_dim3A_1249 = arith.constant true
      %broadcast_in_dim3A_1250 = vector.broadcast %broadcast_in_dim3A_1249 : i1 to vector<16xi1>
      %unique3A_1251, %unique3A_1252 = tpu.scan_count mask(%broadcast_in_dim3A_1250 : vector<16xi1>) value(%get3A_1248 : vector<16xi32>) : vector<16xi1>, vector<16xi32>
      %convert_element_type3A_1253 = arith.sitofp %unique3A_1252 : vector<16xi32> to vector<16xf32>
      tpu.vector_store_idx %arg12[%get3A_1248], %convert_element_type3A_1253 masked %unique3A_1251 {add = true} : memref<10112xf32, #tpu.memory_space<vmem>>[vector<16xi32>], vector<16xf32>, vector<16xi1>
      %get3A_1254 = arith.constant 3 : i32
      %get3A_1255 = arith.index_cast %get3A_1254 : i32 to index
      %get3A_1256 = arith.constant 48 : index
      %get3A_1257 = tpu.vector_load %arg10[%get3A_1255, %get3A_1256] {strides = array<i32>} : memref<8x64xi32, #tpu.memory_space<vmem>>, vector<16xi32>,
      %broadcast_in_dim3A_1258 = arith.constant true
      %broadcast_in_dim3A_1259 = vector.broadcast %broadcast_in_dim3A_1258 : i1 to vector<16xi1>
      %unique3A_1260, %unique3A_1261 = tpu.scan_count mask(%broadcast_in_dim3A_1259 : vector<16xi1>) value(%get3A_1257 : vector<16xi32>) : vector<16xi1>, vector<16xi32>
      %convert_element_type3A_1262 = arith.sitofp %unique3A_1261 : vector<16xi32> to vector<16xf32>
      tpu.vector_store_idx %arg12[%get3A_1257], %convert_element_type3A_1262 masked %unique3A_1260 {add = true} : memref<10112xf32, #tpu.memory_space<vmem>>[vector<16xi32>], vector<16xf32>, vector<16xi1>
      %dma_wait3A_1263 = arith.constant 2 : i32
      %dma_wait3A_1264 = arith.constant 2 : i32
      %dma_wait3A_1265 = arith.constant 2 : i32
      %dma_wait3A_1266 = arith.constant 0 : i32
      %dma_wait3A_1267 = arith.constant 0 : i32
      %dma_wait3A_1268 = tpu.memref_slice %arg11[%dma_wait3A_1263, %dma_wait3A_1266, %dma_wait3A_1267] : memref<4x64x128xf32, #tpu.memory_space<vmem>> -> memref<1x64x128xf32, #tpu.memory_space<vmem>>
      %dma_wait3A_1269 = tpu.memref_squeeze %dma_wait3A_1268 : memref<1x64x128xf32, #tpu.memory_space<vmem>> -> memref<64x128xf32, #tpu.memory_space<vmem>>
      %dma_wait3A_1270 = arith.constant 0 : i32
      %dma_wait3A_1271 = tpu.memref_slice %arg10[%dma_wait3A_1264, %dma_wait3A_1270] : memref<8x64xi32, #tpu.memory_space<vmem>> -> memref<1x64xi32, #tpu.memory_space<vmem>>
      %dma_wait3A_1272 = tpu.memref_squeeze %dma_wait3A_1271 : memref<1x64xi32, #tpu.memory_space<vmem>> -> memref<64xi32, #tpu.memory_space<vmem>>
      %dma_wait3A_1273 = arith.constant 0 : i32
      %dma_wait3A_1274 = arith.constant 0 : i32
      %dma_wait3A_1275 = tpu.memref_slice %arg13[%dma_wait3A_1273, %dma_wait3A_1274] : memref<10112x128xf32, #tpu.memory_space<vmem_shared>> -> memref<10112x128xf32, #tpu.memory_space<vmem_shared>>
      %dma_wait3A_1276 = tpu.memref_slice %arg15[%dma_wait3A_1265] : memref<4x!tpu.dma_semaphore, #tpu.memory_space<semaphore_mem>> -> memref<1x!tpu.dma_semaphore, #tpu.memory_space<semaphore_mem>>
      %dma_wait3A_1277 = tpu.memref_squeeze %dma_wait3A_1276 : memref<1x!tpu.dma_semaphore, #tpu.memory_space<semaphore_mem>> -> memref<!tpu.dma_semaphore, #tpu.memory_space<semaphore_mem>>
      tpu.wait_indirect_dma semaphore(%dma_wait3A_1277 : memref<!tpu.dma_semaphore, #tpu.memory_space<semaphore_mem>>) src(%dma_wait3A_1269 : memref<64x128xf32, #tpu.memory_space<vmem>>) dst(%dma_wait3A_1275 : memref<10112x128xf32, #tpu.memory_space<vmem_shared>>)
      %dma_start3A_1278 = arith.constant 6 : i32
      %dma_start3A_1279 = arith.constant 2 : i32
      %dma_start3A_1280 = arith.constant 2 : i32
      %dma_start3A_1281 = arith.constant 0 : i32
      %dma_start3A_1282 = arith.constant 0 : i32
      %dma_start3A_1283 = tpu.memref_slice %arg11[%dma_start3A_1279, %dma_start3A_1281, %dma_start3A_1282] : memref<4x64x128xf32, #tpu.memory_space<vmem>> -> memref<1x64x128xf32, #tpu.memory_space<vmem>>
      %dma_start3A_1284 = tpu.memref_squeeze %dma_start3A_1283 : memref<1x64x128xf32, #tpu.memory_space<vmem>> -> memref<64x128xf32, #tpu.memory_space<vmem>>
      %dma_start3A_1285 = arith.constant 0 : i32
      %dma_start3A_1286 = tpu.memref_slice %arg8[%dma_start3A_1278, %dma_start3A_1285] : memref<8x64xi32, #tpu.memory_space<vmem>> -> memref<1x64xi32, #tpu.memory_space<vmem>>
      %dma_start3A_1287 = tpu.memref_squeeze %dma_start3A_1286 : memref<1x64xi32, #tpu.memory_space<vmem>> -> memref<64xi32, #tpu.memory_space<vmem>>
      %dma_start3A_1288 = arith.constant 0 : i32
      %dma_start3A_1289 = arith.constant 0 : i32
      %dma_start3A_1290 = tpu.memref_slice %arg2[%dma_start3A_1288, %dma_start3A_1289] : memref<10000x128xf32, #tpu.memory_space<hbm>> -> memref<10000x128xf32, #tpu.memory_space<hbm>>
      %dma_start3A_1291 = tpu.memref_slice %arg14[%dma_start3A_1280] : memref<4x!tpu.dma_semaphore, #tpu.memory_space<semaphore_mem>> -> memref<1x!tpu.dma_semaphore, #tpu.memory_space<semaphore_mem>>
      %dma_start3A_1292 = tpu.memref_squeeze %dma_start3A_1291 : memref<1x!tpu.dma_semaphore, #tpu.memory_space<semaphore_mem>> -> memref<!tpu.dma_semaphore, #tpu.memory_space<semaphore_mem>>
      tpu.enqueue_indirect_dma source(%dma_start3A_1290 : memref<10000x128xf32, #tpu.memory_space<hbm>>) target(%dma_start3A_1284 : memref<64x128xf32, #tpu.memory_space<vmem>>) offsets(%dma_start3A_1287 : memref<64xi32, #tpu.memory_space<vmem>>) semaphore(%dma_start3A_1292 : memref<!tpu.dma_semaphore, #tpu.memory_space<semaphore_mem>>)
      %dma_wait3A_1293 = arith.constant 4 : i32
      %dma_wait3A_1294 = arith.constant 0 : i32
      %dma_wait3A_1295 = arith.constant 0 : i32
      %dma_wait3A_1296 = arith.constant 0 : i32
      %dma_wait3A_1297 = arith.constant 0 : i32
      %dma_wait3A_1298 = tpu.memref_slice %arg11[%dma_wait3A_1294, %dma_wait3A_1296, %dma_wait3A_1297] : memref<4x64x128xf32, #tpu.memory_space<vmem>> -> memref<1x64x128xf32, #tpu.memory_space<vmem>>
      %dma_wait3A_1299 = tpu.memref_squeeze %dma_wait3A_1298 : memref<1x64x128xf32, #tpu.memory_space<vmem>> -> memref<64x128xf32, #tpu.memory_space<vmem>>
      %dma_wait3A_1300 = arith.constant 0 : i32
      %dma_wait3A_1301 = tpu.memref_slice %arg8[%dma_wait3A_1293, %dma_wait3A_1300] : memref<8x64xi32, #tpu.memory_space<vmem>> -> memref<1x64xi32, #tpu.memory_space<vmem>>
      %dma_wait3A_1302 = tpu.memref_squeeze %dma_wait3A_1301 : memref<1x64xi32, #tpu.memory_space<vmem>> -> memref<64xi32, #tpu.memory_space<vmem>>
      %dma_wait3A_1303 = arith.constant 0 : i32
      %dma_wait3A_1304 = arith.constant 0 : i32
      %dma_wait3A_1305 = tpu.memref_slice %arg2[%dma_wait3A_1303, %dma_wait3A_1304] : memref<10000x128xf32, #tpu.memory_space<hbm>> -> memref<10000x128xf32, #tpu.memory_space<hbm>>
      %dma_wait3A_1306 = tpu.memref_slice %arg14[%dma_wait3A_1295] : memref<4x!tpu.dma_semaphore, #tpu.memory_space<semaphore_mem>> -> memref<1x!tpu.dma_semaphore, #tpu.memory_space<semaphore_mem>>
      %dma_wait3A_1307 = tpu.memref_squeeze %dma_wait3A_1306 : memref<1x!tpu.dma_semaphore, #tpu.memory_space<semaphore_mem>> -> memref<!tpu.dma_semaphore, #tpu.memory_space<semaphore_mem>>
      tpu.wait_indirect_dma semaphore(%dma_wait3A_1307 : memref<!tpu.dma_semaphore, #tpu.memory_space<semaphore_mem>>) src(%dma_wait3A_1305 : memref<10000x128xf32, #tpu.memory_space<hbm>>) dst(%dma_wait3A_1299 : memref<64x128xf32, #tpu.memory_space<vmem>>)
      %dma_start3A_1308 = arith.constant 0 : i32
      %dma_start3A_1309 = arith.constant 4 : i32
      %dma_start3A_1310 = arith.constant 0 : i32
      %dma_start3A_1311 = arith.constant 0 : i32
      %dma_start3A_1312 = arith.constant 0 : i32
      %dma_start3A_1313 = tpu.memref_slice %arg11[%dma_start3A_1308, %dma_start3A_1311, %dma_start3A_1312] : memref<4x64x128xf32, #tpu.memory_space<vmem>> -> memref<1x64x128xf32, #tpu.memory_space<vmem>>
      %dma_start3A_1314 = tpu.memref_squeeze %dma_start3A_1313 : memref<1x64x128xf32, #tpu.memory_space<vmem>> -> memref<64x128xf32, #tpu.memory_space<vmem>>
      %dma_start3A_1315 = arith.constant 0 : i32
      %dma_start3A_1316 = tpu.memref_slice %arg10[%dma_start3A_1309, %dma_start3A_1315] : memref<8x64xi32, #tpu.memory_space<vmem>> -> memref<1x64xi32, #tpu.memory_space<vmem>>
      %dma_start3A_1317 = tpu.memref_squeeze %dma_start3A_1316 : memref<1x64xi32, #tpu.memory_space<vmem>> -> memref<64xi32, #tpu.memory_space<vmem>>
      %dma_start3A_1318 = arith.constant 0 : i32
      %dma_start3A_1319 = arith.constant 0 : i32
      %dma_start3A_1320 = tpu.memref_slice %arg13[%dma_start3A_1318, %dma_start3A_1319] : memref<10112x128xf32, #tpu.memory_space<vmem_shared>> -> memref<10112x128xf32, #tpu.memory_space<vmem_shared>>
      %dma_start3A_1321 = tpu.memref_slice %arg15[%dma_start3A_1310] : memref<4x!tpu.dma_semaphore, #tpu.memory_space<semaphore_mem>> -> memref<1x!tpu.dma_semaphore, #tpu.memory_space<semaphore_mem>>
      %dma_start3A_1322 = tpu.memref_squeeze %dma_start3A_1321 : memref<1x!tpu.dma_semaphore, #tpu.memory_space<semaphore_mem>> -> memref<!tpu.dma_semaphore, #tpu.memory_space<semaphore_mem>>
      tpu.enqueue_indirect_dma source(%dma_start3A_1314 : memref<64x128xf32, #tpu.memory_space<vmem>>) target(%dma_start3A_1320 : memref<10112x128xf32, #tpu.memory_space<vmem_shared>>) offsets(%dma_start3A_1317 : memref<64xi32, #tpu.memory_space<vmem>>) semaphore(%dma_start3A_1322 : memref<!tpu.dma_semaphore, #tpu.memory_space<semaphore_mem>>) {add = true}
      %get3A_1323 = arith.constant 4 : i32
      %get3A_1324 = arith.index_cast %get3A_1323 : i32 to index
      %get3A_1325 = arith.constant 0 : index
      %get3A_1326 = tpu.vector_load %arg10[%get3A_1324, %get3A_1325] {strides = array<i32>} : memref<8x64xi32, #tpu.memory_space<vmem>>, vector<16xi32>,
      %broadcast_in_dim3A_1327 = arith.constant true
      %broadcast_in_dim3A_1328 = vector.broadcast %broadcast_in_dim3A_1327 : i1 to vector<16xi1>
      %unique3A_1329, %unique3A_1330 = tpu.scan_count mask(%broadcast_in_dim3A_1328 : vector<16xi1>) value(%get3A_1326 : vector<16xi32>) : vector<16xi1>, vector<16xi32>
      %convert_element_type3A_1331 = arith.sitofp %unique3A_1330 : vector<16xi32> to vector<16xf32>
      tpu.vector_store_idx %arg12[%get3A_1326], %convert_element_type3A_1331 masked %unique3A_1329 {add = true} : memref<10112xf32, #tpu.memory_space<vmem>>[vector<16xi32>], vector<16xf32>, vector<16xi1>
      %get3A_1332 = arith.constant 4 : i32
      %get3A_1333 = arith.index_cast %get3A_1332 : i32 to index
      %get3A_1334 = arith.constant 16 : index
      %get3A_1335 = tpu.vector_load %arg10[%get3A_1333, %get3A_1334] {strides = array<i32>} : memref<8x64xi32, #tpu.memory_space<vmem>>, vector<16xi32>,
      %broadcast_in_dim3A_1336 = arith.constant true
      %broadcast_in_dim3A_1337 = vector.broadcast %broadcast_in_dim3A_1336 : i1 to vector<16xi1>
      %unique3A_1338, %unique3A_1339 = tpu.scan_count mask(%broadcast_in_dim3A_1337 : vector<16xi1>) value(%get3A_1335 : vector<16xi32>) : vector<16xi1>, vector<16xi32>
      %convert_element_type3A_1340 = arith.sitofp %unique3A_1339 : vector<16xi32> to vector<16xf32>
      tpu.vector_store_idx %arg12[%get3A_1335], %convert_element_type3A_1340 masked %unique3A_1338 {add = true} : memref<10112xf32, #tpu.memory_space<vmem>>[vector<16xi32>], vector<16xf32>, vector<16xi1>
      %get3A_1341 = arith.constant 4 : i32
      %get3A_1342 = arith.index_cast %get3A_1341 : i32 to index
      %get3A_1343 = arith.constant 32 : index
      %get3A_1344 = tpu.vector_load %arg10[%get3A_1342, %get3A_1343] {strides = array<i32>} : memref<8x64xi32, #tpu.memory_space<vmem>>, vector<16xi32>,
      %broadcast_in_dim3A_1345 = arith.constant true
      %broadcast_in_dim3A_1346 = vector.broadcast %broadcast_in_dim3A_1345 : i1 to vector<16xi1>
      %unique3A_1347, %unique3A_1348 = tpu.scan_count mask(%broadcast_in_dim3A_1346 : vector<16xi1>) value(%get3A_1344 : vector<16xi32>) : vector<16xi1>, vector<16xi32>
      %convert_element_type3A_1349 = arith.sitofp %unique3A_1348 : vector<16xi32> to vector<16xf32>
      tpu.vector_store_idx %arg12[%get3A_1344], %convert_element_type3A_1349 masked %unique3A_1347 {add = true} : memref<10112xf32, #tpu.memory_space<vmem>>[vector<16xi32>], vector<16xf32>, vector<16xi1>
      %get3A_1350 = arith.constant 4 : i32
      %get3A_1351 = arith.index_cast %get3A_1350 : i32 to index
      %get3A_1352 = arith.constant 48 : index
      %get3A_1353 = tpu.vector_load %arg10[%get3A_1351, %get3A_1352] {strides = array<i32>} : memref<8x64xi32, #tpu.memory_space<vmem>>, vector<16xi32>,
      %broadcast_in_dim3A_1354 = arith.constant true
      %broadcast_in_dim3A_1355 = vector.broadcast %broadcast_in_dim3A_1354 : i1 to vector<16xi1>
      %unique3A_1356, %unique3A_1357 = tpu.scan_count mask(%broadcast_in_dim3A_1355 : vector<16xi1>) value(%get3A_1353 : vector<16xi32>) : vector<16xi1>, vector<16xi32>
      %convert_element_type3A_1358 = arith.sitofp %unique3A_1357 : vector<16xi32> to vector<16xf32>
      tpu.vector_store_idx %arg12[%get3A_1353], %convert_element_type3A_1358 masked %unique3A_1356 {add = true} : memref<10112xf32, #tpu.memory_space<vmem>>[vector<16xi32>], vector<16xf32>, vector<16xi1>
      %dma_wait3A_1359 = arith.constant 3 : i32
      %dma_wait3A_1360 = arith.constant 3 : i32
      %dma_wait3A_1361 = arith.constant 3 : i32
      %dma_wait3A_1362 = arith.constant 0 : i32
      %dma_wait3A_1363 = arith.constant 0 : i32
      %dma_wait3A_1364 = tpu.memref_slice %arg11[%dma_wait3A_1359, %dma_wait3A_1362, %dma_wait3A_1363] : memref<4x64x128xf32, #tpu.memory_space<vmem>> -> memref<1x64x128xf32, #tpu.memory_space<vmem>>
      %dma_wait3A_1365 = tpu.memref_squeeze %dma_wait3A_1364 : memref<1x64x128xf32, #tpu.memory_space<vmem>> -> memref<64x128xf32, #tpu.memory_space<vmem>>
      %dma_wait3A_1366 = arith.constant 0 : i32
      %dma_wait3A_1367 = tpu.memref_slice %arg10[%dma_wait3A_1360, %dma_wait3A_1366] : memref<8x64xi32, #tpu.memory_space<vmem>> -> memref<1x64xi32, #tpu.memory_space<vmem>>
      %dma_wait3A_1368 = tpu.memref_squeeze %dma_wait3A_1367 : memref<1x64xi32, #tpu.memory_space<vmem>> -> memref<64xi32, #tpu.memory_space<vmem>>
      %dma_wait3A_1369 = arith.constant 0 : i32
      %dma_wait3A_1370 = arith.constant 0 : i32
      %dma_wait3A_1371 = tpu.memref_slice %arg13[%dma_wait3A_1369, %dma_wait3A_1370] : memref<10112x128xf32, #tpu.memory_space<vmem_shared>> -> memref<10112x128xf32, #tpu.memory_space<vmem_shared>>
      %dma_wait3A_1372 = tpu.memref_slice %arg15[%dma_wait3A_1361] : memref<4x!tpu.dma_semaphore, #tpu.memory_space<semaphore_mem>> -> memref<1x!tpu.dma_semaphore, #tpu.memory_space<semaphore_mem>>
      %dma_wait3A_1373 = tpu.memref_squeeze %dma_wait3A_1372 : memref<1x!tpu.dma_semaphore, #tpu.memory_space<semaphore_mem>> -> memref<!tpu.dma_semaphore, #tpu.memory_space<semaphore_mem>>
      tpu.wait_indirect_dma semaphore(%dma_wait3A_1373 : memref<!tpu.dma_semaphore, #tpu.memory_space<semaphore_mem>>) src(%dma_wait3A_1365 : memref<64x128xf32, #tpu.memory_space<vmem>>) dst(%dma_wait3A_1371 : memref<10112x128xf32, #tpu.memory_space<vmem_shared>>)
      %add3A_1374 = arith.constant 1 : i32
      %add3A_1375 = arith.addi %scan3A_112, %add3A_1374 : i32
      %lt3A_1376 = arith.constant 10 : i32
      %lt3A_1377 = arith.cmpi slt, %add3A_1375, %lt3A_1376 : i32
      %convert_element_type3A_1378 = arith.extui %lt3A_1377 : i1 to i32
      %cond3A_1379 = arith.constant 0 : i32
      %cond3A_1380 = arith.cmpi ne, %convert_element_type3A_1378, %cond3A_1379 : i32
      scf.if %cond3A_1380 {
        %mul3A_1661 = arith.constant 2 : i32
        %mul3A_1662 = arith.muli %mul3A_1661, %scan3A_112 : i32
        %add3A_1663 = arith.constant 2 : i32
        %add3A_1664 = arith.addi %mul3A_1662, %add3A_1663 : i32
        %mul3A_1665 = arith.constant 8 : i32
        %mul3A_1666 = arith.muli %add3A_1664, %mul3A_1665 : i32
        %dma_wait3A_1667 = arith.constant 0 : i32
        %dma_wait3A_1668 = tpu.memref_slice %arg3[%add3A, %mul3A_1666, %dma_wait3A_1667] : memref<32x160x64xi32, #tpu.memory_space<hbm>> -> memref<1x8x64xi32, #tpu.memory_space<hbm>>
        %dma_wait3A_1669 = tpu.memref_squeeze %dma_wait3A_1668 : memref<1x8x64xi32, #tpu.memory_space<hbm>> -> memref<8x64xi32, #tpu.memory_space<hbm>>
        %dma_wait3A_1670 = arith.constant 0 : i32
        %dma_wait3A_1671 = tpu.memref_slice %arg3[%add3A, %mul3A_1666, %dma_wait3A_1670] : memref<32x160x64xi32, #tpu.memory_space<hbm>> -> memref<1x8x64xi32, #tpu.memory_space<hbm>>
        %dma_wait3A_1672 = tpu.memref_squeeze %dma_wait3A_1671 : memref<1x8x64xi32, #tpu.memory_space<hbm>> -> memref<8x64xi32, #tpu.memory_space<hbm>>
        tpu.wait_dma2 semaphore(%arg16 : memref<!tpu.dma_semaphore, #tpu.memory_space<semaphore_mem>>) src(%dma_wait3A_1672 : memref<8x64xi32, #tpu.memory_space<hbm>>) dst(%arg7 : memref<8x64xi32, #tpu.memory_space<vmem>>)
        %dma_wait3A_1673 = arith.constant 0 : i32
        %dma_wait3A_1674 = tpu.memref_slice %arg4[%add3A, %mul3A_1666, %dma_wait3A_1673] : memref<32x160x64xi32, #tpu.memory_space<hbm>> -> memref<1x8x64xi32, #tpu.memory_space<hbm>>
        %dma_wait3A_1675 = tpu.memref_squeeze %dma_wait3A_1674 : memref<1x8x64xi32, #tpu.memory_space<hbm>> -> memref<8x64xi32, #tpu.memory_space<hbm>>
        %dma_wait3A_1676 = arith.constant 0 : i32
        %dma_wait3A_1677 = tpu.memref_slice %arg4[%add3A, %mul3A_1666, %dma_wait3A_1676] : memref<32x160x64xi32, #tpu.memory_space<hbm>> -> memref<1x8x64xi32, #tpu.memory_space<hbm>>
        %dma_wait3A_1678 = tpu.memref_squeeze %dma_wait3A_1677 : memref<1x8x64xi32, #tpu.memory_space<hbm>> -> memref<8x64xi32, #tpu.memory_space<hbm>>
        tpu.wait_dma2 semaphore(%arg16 : memref<!tpu.dma_semaphore, #tpu.memory_space<semaphore_mem>>) src(%dma_wait3A_1678 : memref<8x64xi32, #tpu.memory_space<hbm>>) dst(%arg9 : memref<8x64xi32, #tpu.memory_space<vmem>>)
      } else {
      }
      %dma_start3A_1381 = arith.constant 7 : i32
      %dma_start3A_1382 = arith.constant 3 : i32
      %dma_start3A_1383 = arith.constant 3 : i32
      %dma_start3A_1384 = arith.constant 0 : i32
      %dma_start3A_1385 = arith.constant 0 : i32
      %dma_start3A_1386 = tpu.memref_slice %arg11[%dma_start3A_1382, %dma_start3A_1384, %dma_start3A_1385] : memref<4x64x128xf32, #tpu.memory_space<vmem>> -> memref<1x64x128xf32, #tpu.memory_space<vmem>>
      %dma_start3A_1387 = tpu.memref_squeeze %dma_start3A_1386 : memref<1x64x128xf32, #tpu.memory_space<vmem>> -> memref<64x128xf32, #tpu.memory_space<vmem>>
      %dma_start3A_1388 = arith.constant 0 : i32
      %dma_start3A_1389 = tpu.memref_slice %arg8[%dma_start3A_1381, %dma_start3A_1388] : memref<8x64xi32, #tpu.memory_space<vmem>> -> memref<1x64xi32, #tpu.memory_space<vmem>>
      %dma_start3A_1390 = tpu.memref_squeeze %dma_start3A_1389 : memref<1x64xi32, #tpu.memory_space<vmem>> -> memref<64xi32, #tpu.memory_space<vmem>>
      %dma_start3A_1391 = arith.constant 0 : i32
      %dma_start3A_1392 = arith.constant 0 : i32
      %dma_start3A_1393 = tpu.memref_slice %arg2[%dma_start3A_1391, %dma_start3A_1392] : memref<10000x128xf32, #tpu.memory_space<hbm>> -> memref<10000x128xf32, #tpu.memory_space<hbm>>
      %dma_start3A_1394 = tpu.memref_slice %arg14[%dma_start3A_1383] : memref<4x!tpu.dma_semaphore, #tpu.memory_space<semaphore_mem>> -> memref<1x!tpu.dma_semaphore, #tpu.memory_space<semaphore_mem>>
      %dma_start3A_1395 = tpu.memref_squeeze %dma_start3A_1394 : memref<1x!tpu.dma_semaphore, #tpu.memory_space<semaphore_mem>> -> memref<!tpu.dma_semaphore, #tpu.memory_space<semaphore_mem>>
      tpu.enqueue_indirect_dma source(%dma_start3A_1393 : memref<10000x128xf32, #tpu.memory_space<hbm>>) target(%dma_start3A_1387 : memref<64x128xf32, #tpu.memory_space<vmem>>) offsets(%dma_start3A_1390 : memref<64xi32, #tpu.memory_space<vmem>>) semaphore(%dma_start3A_1395 : memref<!tpu.dma_semaphore, #tpu.memory_space<semaphore_mem>>)
      %dma_wait3A_1396 = arith.constant 5 : i32
      %dma_wait3A_1397 = arith.constant 1 : i32
      %dma_wait3A_1398 = arith.constant 1 : i32
      %dma_wait3A_1399 = arith.constant 0 : i32
      %dma_wait3A_1400 = arith.constant 0 : i32
      %dma_wait3A_1401 = tpu.memref_slice %arg11[%dma_wait3A_1397, %dma_wait3A_1399, %dma_wait3A_1400] : memref<4x64x128xf32, #tpu.memory_space<vmem>> -> memref<1x64x128xf32, #tpu.memory_space<vmem>>
      %dma_wait3A_1402 = tpu.memref_squeeze %dma_wait3A_1401 : memref<1x64x128xf32, #tpu.memory_space<vmem>> -> memref<64x128xf32, #tpu.memory_space<vmem>>
      %dma_wait3A_1403 = arith.constant 0 : i32
      %dma_wait3A_1404 = tpu.memref_slice %arg8[%dma_wait3A_1396, %dma_wait3A_1403] : memref<8x64xi32, #tpu.memory_space<vmem>> -> memref<1x64xi32, #tpu.memory_space<vmem>>
      %dma_wait3A_1405 = tpu.memref_squeeze %dma_wait3A_1404 : memref<1x64xi32, #tpu.memory_space<vmem>> -> memref<64xi32, #tpu.memory_space<vmem>>
      %dma_wait3A_1406 = arith.constant 0 : i32
      %dma_wait3A_1407 = arith.constant 0 : i32
      %dma_wait3A_1408 = tpu.memref_slice %arg2[%dma_wait3A_1406, %dma_wait3A_1407] : memref<10000x128xf32, #tpu.memory_space<hbm>> -> memref<10000x128xf32, #tpu.memory_space<hbm>>
      %dma_wait3A_1409 = tpu.memref_slice %arg14[%dma_wait3A_1398] : memref<4x!tpu.dma_semaphore, #tpu.memory_space<semaphore_mem>> -> memref<1x!tpu.dma_semaphore, #tpu.memory_space<semaphore_mem>>
      %dma_wait3A_1410 = tpu.memref_squeeze %dma_wait3A_1409 : memref<1x!tpu.dma_semaphore, #tpu.memory_space<semaphore_mem>> -> memref<!tpu.dma_semaphore, #tpu.memory_space<semaphore_mem>>
      tpu.wait_indirect_dma semaphore(%dma_wait3A_1410 : memref<!tpu.dma_semaphore, #tpu.memory_space<semaphore_mem>>) src(%dma_wait3A_1408 : memref<10000x128xf32, #tpu.memory_space<hbm>>) dst(%dma_wait3A_1402 : memref<64x128xf32, #tpu.memory_space<vmem>>)
      %dma_start3A_1411 = arith.constant 1 : i32
      %dma_start3A_1412 = arith.constant 5 : i32
      %dma_start3A_1413 = arith.constant 1 : i32
      %dma_start3A_1414 = arith.constant 0 : i32
      %dma_start3A_1415 = arith.constant 0 : i32
      %dma_start3A_1416 = tpu.memref_slice %arg11[%dma_start3A_1411, %dma_start3A_1414, %dma_start3A_1415] : memref<4x64x128xf32, #tpu.memory_space<vmem>> -> memref<1x64x128xf32, #tpu.memory_space<vmem>>
      %dma_start3A_1417 = tpu.memref_squeeze %dma_start3A_1416 : memref<1x64x128xf32, #tpu.memory_space<vmem>> -> memref<64x128xf32, #tpu.memory_space<vmem>>
      %dma_start3A_1418 = arith.constant 0 : i32
      %dma_start3A_1419 = tpu.memref_slice %arg10[%dma_start3A_1412, %dma_start3A_1418] : memref<8x64xi32, #tpu.memory_space<vmem>> -> memref<1x64xi32, #tpu.memory_space<vmem>>
      %dma_start3A_1420 = tpu.memref_squeeze %dma_start3A_1419 : memref<1x64xi32, #tpu.memory_space<vmem>> -> memref<64xi32, #tpu.memory_space<vmem>>
      %dma_start3A_1421 = arith.constant 0 : i32
      %dma_start3A_1422 = arith.constant 0 : i32
      %dma_start3A_1423 = tpu.memref_slice %arg13[%dma_start3A_1421, %dma_start3A_1422] : memref<10112x128xf32, #tpu.memory_space<vmem_shared>> -> memref<10112x128xf32, #tpu.memory_space<vmem_shared>>
      %dma_start3A_1424 = tpu.memref_slice %arg15[%dma_start3A_1413] : memref<4x!tpu.dma_semaphore, #tpu.memory_space<semaphore_mem>> -> memref<1x!tpu.dma_semaphore, #tpu.memory_space<semaphore_mem>>
      %dma_start3A_1425 = tpu.memref_squeeze %dma_start3A_1424 : memref<1x!tpu.dma_semaphore, #tpu.memory_space<semaphore_mem>> -> memref<!tpu.dma_semaphore, #tpu.memory_space<semaphore_mem>>
      tpu.enqueue_indirect_dma source(%dma_start3A_1417 : memref<64x128xf32, #tpu.memory_space<vmem>>) target(%dma_start3A_1423 : memref<10112x128xf32, #tpu.memory_space<vmem_shared>>) offsets(%dma_start3A_1420 : memref<64xi32, #tpu.memory_space<vmem>>) semaphore(%dma_start3A_1425 : memref<!tpu.dma_semaphore, #tpu.memory_space<semaphore_mem>>) {add = true}
      %get3A_1426 = arith.constant 5 : i32
      %get3A_1427 = arith.index_cast %get3A_1426 : i32 to index
      %get3A_1428 = arith.constant 0 : index
      %get3A_1429 = tpu.vector_load %arg10[%get3A_1427, %get3A_1428] {strides = array<i32>} : memref<8x64xi32, #tpu.memory_space<vmem>>, vector<16xi32>,
      %broadcast_in_dim3A_1430 = arith.constant true
      %broadcast_in_dim3A_1431 = vector.broadcast %broadcast_in_dim3A_1430 : i1 to vector<16xi1>
      %unique3A_1432, %unique3A_1433 = tpu.scan_count mask(%broadcast_in_dim3A_1431 : vector<16xi1>) value(%get3A_1429 : vector<16xi32>) : vector<16xi1>, vector<16xi32>
      %convert_element_type3A_1434 = arith.sitofp %unique3A_1433 : vector<16xi32> to vector<16xf32>
      tpu.vector_store_idx %arg12[%get3A_1429], %convert_element_type3A_1434 masked %unique3A_1432 {add = true} : memref<10112xf32, #tpu.memory_space<vmem>>[vector<16xi32>], vector<16xf32>, vector<16xi1>
      %get3A_1435 = arith.constant 5 : i32
      %get3A_1436 = arith.index_cast %get3A_1435 : i32 to index
      %get3A_1437 = arith.constant 16 : index
      %get3A_1438 = tpu.vector_load %arg10[%get3A_1436, %get3A_1437] {strides = array<i32>} : memref<8x64xi32, #tpu.memory_space<vmem>>, vector<16xi32>,
      %broadcast_in_dim3A_1439 = arith.constant true
      %broadcast_in_dim3A_1440 = vector.broadcast %broadcast_in_dim3A_1439 : i1 to vector<16xi1>
      %unique3A_1441, %unique3A_1442 = tpu.scan_count mask(%broadcast_in_dim3A_1440 : vector<16xi1>) value(%get3A_1438 : vector<16xi32>) : vector<16xi1>, vector<16xi32>
      %convert_element_type3A_1443 = arith.sitofp %unique3A_1442 : vector<16xi32> to vector<16xf32>
      tpu.vector_store_idx %arg12[%get3A_1438], %convert_element_type3A_1443 masked %unique3A_1441 {add = true} : memref<10112xf32, #tpu.memory_space<vmem>>[vector<16xi32>], vector<16xf32>, vector<16xi1>
      %get3A_1444 = arith.constant 5 : i32
      %get3A_1445 = arith.index_cast %get3A_1444 : i32 to index
      %get3A_1446 = arith.constant 32 : index
      %get3A_1447 = tpu.vector_load %arg10[%get3A_1445, %get3A_1446] {strides = array<i32>} : memref<8x64xi32, #tpu.memory_space<vmem>>, vector<16xi32>,
      %broadcast_in_dim3A_1448 = arith.constant true
      %broadcast_in_dim3A_1449 = vector.broadcast %broadcast_in_dim3A_1448 : i1 to vector<16xi1>
      %unique3A_1450, %unique3A_1451 = tpu.scan_count mask(%broadcast_in_dim3A_1449 : vector<16xi1>) value(%get3A_1447 : vector<16xi32>) : vector<16xi1>, vector<16xi32>
      %convert_element_type3A_1452 = arith.sitofp %unique3A_1451 : vector<16xi32> to vector<16xf32>
      tpu.vector_store_idx %arg12[%get3A_1447], %convert_element_type3A_1452 masked %unique3A_1450 {add = true} : memref<10112xf32, #tpu.memory_space<vmem>>[vector<16xi32>], vector<16xf32>, vector<16xi1>
      %get3A_1453 = arith.constant 5 : i32
      %get3A_1454 = arith.index_cast %get3A_1453 : i32 to index
      %get3A_1455 = arith.constant 48 : index
      %get3A_1456 = tpu.vector_load %arg10[%get3A_1454, %get3A_1455] {strides = array<i32>} : memref<8x64xi32, #tpu.memory_space<vmem>>, vector<16xi32>,
      %broadcast_in_dim3A_1457 = arith.constant true
      %broadcast_in_dim3A_1458 = vector.broadcast %broadcast_in_dim3A_1457 : i1 to vector<16xi1>
      %unique3A_1459, %unique3A_1460 = tpu.scan_count mask(%broadcast_in_dim3A_1458 : vector<16xi1>) value(%get3A_1456 : vector<16xi32>) : vector<16xi1>, vector<16xi32>
      %convert_element_type3A_1461 = arith.sitofp %unique3A_1460 : vector<16xi32> to vector<16xf32>
      tpu.vector_store_idx %arg12[%get3A_1456], %convert_element_type3A_1461 masked %unique3A_1459 {add = true} : memref<10112xf32, #tpu.memory_space<vmem>>[vector<16xi32>], vector<16xf32>, vector<16xi1>
      %dma_wait3A_1462 = arith.constant 0 : i32
      %dma_wait3A_1463 = arith.constant 4 : i32
      %dma_wait3A_1464 = arith.constant 0 : i32
      %dma_wait3A_1465 = arith.constant 0 : i32
      %dma_wait3A_1466 = arith.constant 0 : i32
      %dma_wait3A_1467 = tpu.memref_slice %arg11[%dma_wait3A_1462, %dma_wait3A_1465, %dma_wait3A_1466] : memref<4x64x128xf32, #tpu.memory_space<vmem>> -> memref<1x64x128xf32, #tpu.memory_space<vmem>>
      %dma_wait3A_1468 = tpu.memref_squeeze %dma_wait3A_1467 : memref<1x64x128xf32, #tpu.memory_space<vmem>> -> memref<64x128xf32, #tpu.memory_space<vmem>>
      %dma_wait3A_1469 = arith.constant 0 : i32
      %dma_wait3A_1470 = tpu.memref_slice %arg10[%dma_wait3A_1463, %dma_wait3A_1469] : memref<8x64xi32, #tpu.memory_space<vmem>> -> memref<1x64xi32, #tpu.memory_space<vmem>>
      %dma_wait3A_1471 = tpu.memref_squeeze %dma_wait3A_1470 : memref<1x64xi32, #tpu.memory_space<vmem>> -> memref<64xi32, #tpu.memory_space<vmem>>
      %dma_wait3A_1472 = arith.constant 0 : i32
      %dma_wait3A_1473 = arith.constant 0 : i32
      %dma_wait3A_1474 = tpu.memref_slice %arg13[%dma_wait3A_1472, %dma_wait3A_1473] : memref<10112x128xf32, #tpu.memory_space<vmem_shared>> -> memref<10112x128xf32, #tpu.memory_space<vmem_shared>>
      %dma_wait3A_1475 = tpu.memref_slice %arg15[%dma_wait3A_1464] : memref<4x!tpu.dma_semaphore, #tpu.memory_space<semaphore_mem>> -> memref<1x!tpu.dma_semaphore, #tpu.memory_space<semaphore_mem>>
      %dma_wait3A_1476 = tpu.memref_squeeze %dma_wait3A_1475 : memref<1x!tpu.dma_semaphore, #tpu.memory_space<semaphore_mem>> -> memref<!tpu.dma_semaphore, #tpu.memory_space<semaphore_mem>>
      tpu.wait_indirect_dma semaphore(%dma_wait3A_1476 : memref<!tpu.dma_semaphore, #tpu.memory_space<semaphore_mem>>) src(%dma_wait3A_1468 : memref<64x128xf32, #tpu.memory_space<vmem>>) dst(%dma_wait3A_1474 : memref<10112x128xf32, #tpu.memory_space<vmem_shared>>)
      %add3A_1477 = arith.constant 1 : i32
      %add3A_1478 = arith.addi %scan3A_112, %add3A_1477 : i32
      %lt3A_1479 = arith.constant 10 : i32
      %lt3A_1480 = arith.cmpi slt, %add3A_1478, %lt3A_1479 : i32
      %convert_element_type3A_1481 = arith.extui %lt3A_1480 : i1 to i32
      %cond3A_1482 = arith.constant 0 : i32
      %cond3A_1483 = arith.cmpi ne, %convert_element_type3A_1481, %cond3A_1482 : i32
      scf.if %cond3A_1483 {
        %dma_start3A_1661 = arith.constant 0 : i32
        %dma_start3A_1662 = arith.constant 0 : i32
        %dma_start3A_1663 = arith.constant 0 : i32
        %dma_start3A_1664 = arith.constant 0 : i32
        %dma_start3A_1665 = arith.constant 0 : i32
        %dma_start3A_1666 = tpu.memref_slice %arg11[%dma_start3A_1662, %dma_start3A_1664, %dma_start3A_1665] : memref<4x64x128xf32, #tpu.memory_space<vmem>> -> memref<1x64x128xf32, #tpu.memory_space<vmem>>
        %dma_start3A_1667 = tpu.memref_squeeze %dma_start3A_1666 : memref<1x64x128xf32, #tpu.memory_space<vmem>> -> memref<64x128xf32, #tpu.memory_space<vmem>>
        %dma_start3A_1668 = arith.constant 0 : i32
        %dma_start3A_1669 = tpu.memref_slice %arg7[%dma_start3A_1661, %dma_start3A_1668] : memref<8x64xi32, #tpu.memory_space<vmem>> -> memref<1x64xi32, #tpu.memory_space<vmem>>
        %dma_start3A_1670 = tpu.memref_squeeze %dma_start3A_1669 : memref<1x64xi32, #tpu.memory_space<vmem>> -> memref<64xi32, #tpu.memory_space<vmem>>
        %dma_start3A_1671 = arith.constant 0 : i32
        %dma_start3A_1672 = arith.constant 0 : i32
        %dma_start3A_1673 = tpu.memref_slice %arg2[%dma_start3A_1671, %dma_start3A_1672] : memref<10000x128xf32, #tpu.memory_space<hbm>> -> memref<10000x128xf32, #tpu.memory_space<hbm>>
        %dma_start3A_1674 = tpu.memref_slice %arg14[%dma_start3A_1663] : memref<4x!tpu.dma_semaphore, #tpu.memory_space<semaphore_mem>> -> memref<1x!tpu.dma_semaphore, #tpu.memory_space<semaphore_mem>>
        %dma_start3A_1675 = tpu.memref_squeeze %dma_start3A_1674 : memref<1x!tpu.dma_semaphore, #tpu.memory_space<semaphore_mem>> -> memref<!tpu.dma_semaphore, #tpu.memory_space<semaphore_mem>>
        tpu.enqueue_indirect_dma source(%dma_start3A_1673 : memref<10000x128xf32, #tpu.memory_space<hbm>>) target(%dma_start3A_1667 : memref<64x128xf32, #tpu.memory_space<vmem>>) offsets(%dma_start3A_1670 : memref<64xi32, #tpu.memory_space<vmem>>) semaphore(%dma_start3A_1675 : memref<!tpu.dma_semaphore, #tpu.memory_space<semaphore_mem>>)
      } else {
      }
      %dma_wait3A_1484 = arith.constant 6 : i32
      %dma_wait3A_1485 = arith.constant 2 : i32
      %dma_wait3A_1486 = arith.constant 2 : i32
      %dma_wait3A_1487 = arith.constant 0 : i32
      %dma_wait3A_1488 = arith.constant 0 : i32
      %dma_wait3A_1489 = tpu.memref_slice %arg11[%dma_wait3A_1485, %dma_wait3A_1487, %dma_wait3A_1488] : memref<4x64x128xf32, #tpu.memory_space<vmem>> -> memref<1x64x128xf32, #tpu.memory_space<vmem>>
      %dma_wait3A_1490 = tpu.memref_squeeze %dma_wait3A_1489 : memref<1x64x128xf32, #tpu.memory_space<vmem>> -> memref<64x128xf32, #tpu.memory_space<vmem>>
      %dma_wait3A_1491 = arith.constant 0 : i32
      %dma_wait3A_1492 = tpu.memref_slice %arg8[%dma_wait3A_1484, %dma_wait3A_1491] : memref<8x64xi32, #tpu.memory_space<vmem>> -> memref<1x64xi32, #tpu.memory_space<vmem>>
      %dma_wait3A_1493 = tpu.memref_squeeze %dma_wait3A_1492 : memref<1x64xi32, #tpu.memory_space<vmem>> -> memref<64xi32, #tpu.memory_space<vmem>>
      %dma_wait3A_1494 = arith.constant 0 : i32
      %dma_wait3A_1495 = arith.constant 0 : i32
      %dma_wait3A_1496 = tpu.memref_slice %arg2[%dma_wait3A_1494, %dma_wait3A_1495] : memref<10000x128xf32, #tpu.memory_space<hbm>> -> memref<10000x128xf32, #tpu.memory_space<hbm>>
      %dma_wait3A_1497 = tpu.memref_slice %arg14[%dma_wait3A_1486] : memref<4x!tpu.dma_semaphore, #tpu.memory_space<semaphore_mem>> -> memref<1x!tpu.dma_semaphore, #tpu.memory_space<semaphore_mem>>
      %dma_wait3A_1498 = tpu.memref_squeeze %dma_wait3A_1497 : memref<1x!tpu.dma_semaphore, #tpu.memory_space<semaphore_mem>> -> memref<!tpu.dma_semaphore, #tpu.memory_space<semaphore_mem>>
      tpu.wait_indirect_dma semaphore(%dma_wait3A_1498 : memref<!tpu.dma_semaphore, #tpu.memory_space<semaphore_mem>>) src(%dma_wait3A_1496 : memref<10000x128xf32, #tpu.memory_space<hbm>>) dst(%dma_wait3A_1490 : memref<64x128xf32, #tpu.memory_space<vmem>>)
      %dma_start3A_1499 = arith.constant 2 : i32
      %dma_start3A_1500 = arith.constant 6 : i32
      %dma_start3A_1501 = arith.constant 2 : i32
      %dma_start3A_1502 = arith.constant 0 : i32
      %dma_start3A_1503 = arith.constant 0 : i32
      %dma_start3A_1504 = tpu.memref_slice %arg11[%dma_start3A_1499, %dma_start3A_1502, %dma_start3A_1503] : memref<4x64x128xf32, #tpu.memory_space<vmem>> -> memref<1x64x128xf32, #tpu.memory_space<vmem>>
      %dma_start3A_1505 = tpu.memref_squeeze %dma_start3A_1504 : memref<1x64x128xf32, #tpu.memory_space<vmem>> -> memref<64x128xf32, #tpu.memory_space<vmem>>
      %dma_start3A_1506 = arith.constant 0 : i32
      %dma_start3A_1507 = tpu.memref_slice %arg10[%dma_start3A_1500, %dma_start3A_1506] : memref<8x64xi32, #tpu.memory_space<vmem>> -> memref<1x64xi32, #tpu.memory_space<vmem>>
      %dma_start3A_1508 = tpu.memref_squeeze %dma_start3A_1507 : memref<1x64xi32, #tpu.memory_space<vmem>> -> memref<64xi32, #tpu.memory_space<vmem>>
      %dma_start3A_1509 = arith.constant 0 : i32
      %dma_start3A_1510 = arith.constant 0 : i32
      %dma_start3A_1511 = tpu.memref_slice %arg13[%dma_start3A_1509, %dma_start3A_1510] : memref<10112x128xf32, #tpu.memory_space<vmem_shared>> -> memref<10112x128xf32, #tpu.memory_space<vmem_shared>>
      %dma_start3A_1512 = tpu.memref_slice %arg15[%dma_start3A_1501] : memref<4x!tpu.dma_semaphore, #tpu.memory_space<semaphore_mem>> -> memref<1x!tpu.dma_semaphore, #tpu.memory_space<semaphore_mem>>
      %dma_start3A_1513 = tpu.memref_squeeze %dma_start3A_1512 : memref<1x!tpu.dma_semaphore, #tpu.memory_space<semaphore_mem>> -> memref<!tpu.dma_semaphore, #tpu.memory_space<semaphore_mem>>
      tpu.enqueue_indirect_dma source(%dma_start3A_1505 : memref<64x128xf32, #tpu.memory_space<vmem>>) target(%dma_start3A_1511 : memref<10112x128xf32, #tpu.memory_space<vmem_shared>>) offsets(%dma_start3A_1508 : memref<64xi32, #tpu.memory_space<vmem>>) semaphore(%dma_start3A_1513 : memref<!tpu.dma_semaphore, #tpu.memory_space<semaphore_mem>>) {add = true}
      %get3A_1514 = arith.constant 6 : i32
      %get3A_1515 = arith.index_cast %get3A_1514 : i32 to index
      %get3A_1516 = arith.constant 0 : index
      %get3A_1517 = tpu.vector_load %arg10[%get3A_1515, %get3A_1516] {strides = array<i32>} : memref<8x64xi32, #tpu.memory_space<vmem>>, vector<16xi32>,
      %broadcast_in_dim3A_1518 = arith.constant true
      %broadcast_in_dim3A_1519 = vector.broadcast %broadcast_in_dim3A_1518 : i1 to vector<16xi1>
      %unique3A_1520, %unique3A_1521 = tpu.scan_count mask(%broadcast_in_dim3A_1519 : vector<16xi1>) value(%get3A_1517 : vector<16xi32>) : vector<16xi1>, vector<16xi32>
      %convert_element_type3A_1522 = arith.sitofp %unique3A_1521 : vector<16xi32> to vector<16xf32>
      tpu.vector_store_idx %arg12[%get3A_1517], %convert_element_type3A_1522 masked %unique3A_1520 {add = true} : memref<10112xf32, #tpu.memory_space<vmem>>[vector<16xi32>], vector<16xf32>, vector<16xi1>
      %get3A_1523 = arith.constant 6 : i32
      %get3A_1524 = arith.index_cast %get3A_1523 : i32 to index
      %get3A_1525 = arith.constant 16 : index
      %get3A_1526 = tpu.vector_load %arg10[%get3A_1524, %get3A_1525] {strides = array<i32>} : memref<8x64xi32, #tpu.memory_space<vmem>>, vector<16xi32>,
      %broadcast_in_dim3A_1527 = arith.constant true
      %broadcast_in_dim3A_1528 = vector.broadcast %broadcast_in_dim3A_1527 : i1 to vector<16xi1>
      %unique3A_1529, %unique3A_1530 = tpu.scan_count mask(%broadcast_in_dim3A_1528 : vector<16xi1>) value(%get3A_1526 : vector<16xi32>) : vector<16xi1>, vector<16xi32>
      %convert_element_type3A_1531 = arith.sitofp %unique3A_1530 : vector<16xi32> to vector<16xf32>
      tpu.vector_store_idx %arg12[%get3A_1526], %convert_element_type3A_1531 masked %unique3A_1529 {add = true} : memref<10112xf32, #tpu.memory_space<vmem>>[vector<16xi32>], vector<16xf32>, vector<16xi1>
      %get3A_1532 = arith.constant 6 : i32
      %get3A_1533 = arith.index_cast %get3A_1532 : i32 to index
      %get3A_1534 = arith.constant 32 : index
      %get3A_1535 = tpu.vector_load %arg10[%get3A_1533, %get3A_1534] {strides = array<i32>} : memref<8x64xi32, #tpu.memory_space<vmem>>, vector<16xi32>,
      %broadcast_in_dim3A_1536 = arith.constant true
      %broadcast_in_dim3A_1537 = vector.broadcast %broadcast_in_dim3A_1536 : i1 to vector<16xi1>
      %unique3A_1538, %unique3A_1539 = tpu.scan_count mask(%broadcast_in_dim3A_1537 : vector<16xi1>) value(%get3A_1535 : vector<16xi32>) : vector<16xi1>, vector<16xi32>
      %convert_element_type3A_1540 = arith.sitofp %unique3A_1539 : vector<16xi32> to vector<16xf32>
      tpu.vector_store_idx %arg12[%get3A_1535], %convert_element_type3A_1540 masked %unique3A_1538 {add = true} : memref<10112xf32, #tpu.memory_space<vmem>>[vector<16xi32>], vector<16xf32>, vector<16xi1>
      %get3A_1541 = arith.constant 6 : i32
      %get3A_1542 = arith.index_cast %get3A_1541 : i32 to index
      %get3A_1543 = arith.constant 48 : index
      %get3A_1544 = tpu.vector_load %arg10[%get3A_1542, %get3A_1543] {strides = array<i32>} : memref<8x64xi32, #tpu.memory_space<vmem>>, vector<16xi32>,
      %broadcast_in_dim3A_1545 = arith.constant true
      %broadcast_in_dim3A_1546 = vector.broadcast %broadcast_in_dim3A_1545 : i1 to vector<16xi1>
      %unique3A_1547, %unique3A_1548 = tpu.scan_count mask(%broadcast_in_dim3A_1546 : vector<16xi1>) value(%get3A_1544 : vector<16xi32>) : vector<16xi1>, vector<16xi32>
      %convert_element_type3A_1549 = arith.sitofp %unique3A_1548 : vector<16xi32> to vector<16xf32>
      tpu.vector_store_idx %arg12[%get3A_1544], %convert_element_type3A_1549 masked %unique3A_1547 {add = true} : memref<10112xf32, #tpu.memory_space<vmem>>[vector<16xi32>], vector<16xf32>, vector<16xi1>
      %dma_wait3A_1550 = arith.constant 1 : i32
      %dma_wait3A_1551 = arith.constant 5 : i32
      %dma_wait3A_1552 = arith.constant 1 : i32
      %dma_wait3A_1553 = arith.constant 0 : i32
      %dma_wait3A_1554 = arith.constant 0 : i32
      %dma_wait3A_1555 = tpu.memref_slice %arg11[%dma_wait3A_1550, %dma_wait3A_1553, %dma_wait3A_1554] : memref<4x64x128xf32, #tpu.memory_space<vmem>> -> memref<1x64x128xf32, #tpu.memory_space<vmem>>
      %dma_wait3A_1556 = tpu.memref_squeeze %dma_wait3A_1555 : memref<1x64x128xf32, #tpu.memory_space<vmem>> -> memref<64x128xf32, #tpu.memory_space<vmem>>
      %dma_wait3A_1557 = arith.constant 0 : i32
      %dma_wait3A_1558 = tpu.memref_slice %arg10[%dma_wait3A_1551, %dma_wait3A_1557] : memref<8x64xi32, #tpu.memory_space<vmem>> -> memref<1x64xi32, #tpu.memory_space<vmem>>
      %dma_wait3A_1559 = tpu.memref_squeeze %dma_wait3A_1558 : memref<1x64xi32, #tpu.memory_space<vmem>> -> memref<64xi32, #tpu.memory_space<vmem>>
      %dma_wait3A_1560 = arith.constant 0 : i32
      %dma_wait3A_1561 = arith.constant 0 : i32
      %dma_wait3A_1562 = tpu.memref_slice %arg13[%dma_wait3A_1560, %dma_wait3A_1561] : memref<10112x128xf32, #tpu.memory_space<vmem_shared>> -> memref<10112x128xf32, #tpu.memory_space<vmem_shared>>
      %dma_wait3A_1563 = tpu.memref_slice %arg15[%dma_wait3A_1552] : memref<4x!tpu.dma_semaphore, #tpu.memory_space<semaphore_mem>> -> memref<1x!tpu.dma_semaphore, #tpu.memory_space<semaphore_mem>>
      %dma_wait3A_1564 = tpu.memref_squeeze %dma_wait3A_1563 : memref<1x!tpu.dma_semaphore, #tpu.memory_space<semaphore_mem>> -> memref<!tpu.dma_semaphore, #tpu.memory_space<semaphore_mem>>
      tpu.wait_indirect_dma semaphore(%dma_wait3A_1564 : memref<!tpu.dma_semaphore, #tpu.memory_space<semaphore_mem>>) src(%dma_wait3A_1556 : memref<64x128xf32, #tpu.memory_space<vmem>>) dst(%dma_wait3A_1562 : memref<10112x128xf32, #tpu.memory_space<vmem_shared>>)
      %add3A_1565 = arith.constant 1 : i32
      %add3A_1566 = arith.addi %scan3A_112, %add3A_1565 : i32
      %lt3A_1567 = arith.constant 10 : i32
      %lt3A_1568 = arith.cmpi slt, %add3A_1566, %lt3A_1567 : i32
      %convert_element_type3A_1569 = arith.extui %lt3A_1568 : i1 to i32
      %cond3A_1570 = arith.constant 0 : i32
      %cond3A_1571 = arith.cmpi ne, %convert_element_type3A_1569, %cond3A_1570 : i32
      scf.if %cond3A_1571 {
        %dma_start3A_1661 = arith.constant 1 : i32
        %dma_start3A_1662 = arith.constant 1 : i32
        %dma_start3A_1663 = arith.constant 1 : i32
        %dma_start3A_1664 = arith.constant 0 : i32
        %dma_start3A_1665 = arith.constant 0 : i32
        %dma_start3A_1666 = tpu.memref_slice %arg11[%dma_start3A_1662, %dma_start3A_1664, %dma_start3A_1665] : memref<4x64x128xf32, #tpu.memory_space<vmem>> -> memref<1x64x128xf32, #tpu.memory_space<vmem>>
        %dma_start3A_1667 = tpu.memref_squeeze %dma_start3A_1666 : memref<1x64x128xf32, #tpu.memory_space<vmem>> -> memref<64x128xf32, #tpu.memory_space<vmem>>
        %dma_start3A_1668 = arith.constant 0 : i32
        %dma_start3A_1669 = tpu.memref_slice %arg7[%dma_start3A_1661, %dma_start3A_1668] : memref<8x64xi32, #tpu.memory_space<vmem>> -> memref<1x64xi32, #tpu.memory_space<vmem>>
        %dma_start3A_1670 = tpu.memref_squeeze %dma_start3A_1669 : memref<1x64xi32, #tpu.memory_space<vmem>> -> memref<64xi32, #tpu.memory_space<vmem>>
        %dma_start3A_1671 = arith.constant 0 : i32
        %dma_start3A_1672 = arith.constant 0 : i32
        %dma_start3A_1673 = tpu.memref_slice %arg2[%dma_start3A_1671, %dma_start3A_1672] : memref<10000x128xf32, #tpu.memory_space<hbm>> -> memref<10000x128xf32, #tpu.memory_space<hbm>>
        %dma_start3A_1674 = tpu.memref_slice %arg14[%dma_start3A_1663] : memref<4x!tpu.dma_semaphore, #tpu.memory_space<semaphore_mem>> -> memref<1x!tpu.dma_semaphore, #tpu.memory_space<semaphore_mem>>
        %dma_start3A_1675 = tpu.memref_squeeze %dma_start3A_1674 : memref<1x!tpu.dma_semaphore, #tpu.memory_space<semaphore_mem>> -> memref<!tpu.dma_semaphore, #tpu.memory_space<semaphore_mem>>
        tpu.enqueue_indirect_dma source(%dma_start3A_1673 : memref<10000x128xf32, #tpu.memory_space<hbm>>) target(%dma_start3A_1667 : memref<64x128xf32, #tpu.memory_space<vmem>>) offsets(%dma_start3A_1670 : memref<64xi32, #tpu.memory_space<vmem>>) semaphore(%dma_start3A_1675 : memref<!tpu.dma_semaphore, #tpu.memory_space<semaphore_mem>>)
      } else {
      }
      %dma_wait3A_1572 = arith.constant 7 : i32
      %dma_wait3A_1573 = arith.constant 3 : i32
      %dma_wait3A_1574 = arith.constant 3 : i32
      %dma_wait3A_1575 = arith.constant 0 : i32
      %dma_wait3A_1576 = arith.constant 0 : i32
      %dma_wait3A_1577 = tpu.memref_slice %arg11[%dma_wait3A_1573, %dma_wait3A_1575, %dma_wait3A_1576] : memref<4x64x128xf32, #tpu.memory_space<vmem>> -> memref<1x64x128xf32, #tpu.memory_space<vmem>>
      %dma_wait3A_1578 = tpu.memref_squeeze %dma_wait3A_1577 : memref<1x64x128xf32, #tpu.memory_space<vmem>> -> memref<64x128xf32, #tpu.memory_space<vmem>>
      %dma_wait3A_1579 = arith.constant 0 : i32
      %dma_wait3A_1580 = tpu.memref_slice %arg8[%dma_wait3A_1572, %dma_wait3A_1579] : memref<8x64xi32, #tpu.memory_space<vmem>> -> memref<1x64xi32, #tpu.memory_space<vmem>>
      %dma_wait3A_1581 = tpu.memref_squeeze %dma_wait3A_1580 : memref<1x64xi32, #tpu.memory_space<vmem>> -> memref<64xi32, #tpu.memory_space<vmem>>
      %dma_wait3A_1582 = arith.constant 0 : i32
      %dma_wait3A_1583 = arith.constant 0 : i32
      %dma_wait3A_1584 = tpu.memref_slice %arg2[%dma_wait3A_1582, %dma_wait3A_1583] : memref<10000x128xf32, #tpu.memory_space<hbm>> -> memref<10000x128xf32, #tpu.memory_space<hbm>>
      %dma_wait3A_1585 = tpu.memref_slice %arg14[%dma_wait3A_1574] : memref<4x!tpu.dma_semaphore, #tpu.memory_space<semaphore_mem>> -> memref<1x!tpu.dma_semaphore, #tpu.memory_space<semaphore_mem>>
      %dma_wait3A_1586 = tpu.memref_squeeze %dma_wait3A_1585 : memref<1x!tpu.dma_semaphore, #tpu.memory_space<semaphore_mem>> -> memref<!tpu.dma_semaphore, #tpu.memory_space<semaphore_mem>>
      tpu.wait_indirect_dma semaphore(%dma_wait3A_1586 : memref<!tpu.dma_semaphore, #tpu.memory_space<semaphore_mem>>) src(%dma_wait3A_1584 : memref<10000x128xf32, #tpu.memory_space<hbm>>) dst(%dma_wait3A_1578 : memref<64x128xf32, #tpu.memory_space<vmem>>)
      %dma_start3A_1587 = arith.constant 3 : i32
      %dma_start3A_1588 = arith.constant 7 : i32
      %dma_start3A_1589 = arith.constant 3 : i32
      %dma_start3A_1590 = arith.constant 0 : i32
      %dma_start3A_1591 = arith.constant 0 : i32
      %dma_start3A_1592 = tpu.memref_slice %arg11[%dma_start3A_1587, %dma_start3A_1590, %dma_start3A_1591] : memref<4x64x128xf32, #tpu.memory_space<vmem>> -> memref<1x64x128xf32, #tpu.memory_space<vmem>>
      %dma_start3A_1593 = tpu.memref_squeeze %dma_start3A_1592 : memref<1x64x128xf32, #tpu.memory_space<vmem>> -> memref<64x128xf32, #tpu.memory_space<vmem>>
      %dma_start3A_1594 = arith.constant 0 : i32
      %dma_start3A_1595 = tpu.memref_slice %arg10[%dma_start3A_1588, %dma_start3A_1594] : memref<8x64xi32, #tpu.memory_space<vmem>> -> memref<1x64xi32, #tpu.memory_space<vmem>>
      %dma_start3A_1596 = tpu.memref_squeeze %dma_start3A_1595 : memref<1x64xi32, #tpu.memory_space<vmem>> -> memref<64xi32, #tpu.memory_space<vmem>>
      %dma_start3A_1597 = arith.constant 0 : i32
      %dma_start3A_1598 = arith.constant 0 : i32
      %dma_start3A_1599 = tpu.memref_slice %arg13[%dma_start3A_1597, %dma_start3A_1598] : memref<10112x128xf32, #tpu.memory_space<vmem_shared>> -> memref<10112x128xf32, #tpu.memory_space<vmem_shared>>
      %dma_start3A_1600 = tpu.memref_slice %arg15[%dma_start3A_1589] : memref<4x!tpu.dma_semaphore, #tpu.memory_space<semaphore_mem>> -> memref<1x!tpu.dma_semaphore, #tpu.memory_space<semaphore_mem>>
      %dma_start3A_1601 = tpu.memref_squeeze %dma_start3A_1600 : memref<1x!tpu.dma_semaphore, #tpu.memory_space<semaphore_mem>> -> memref<!tpu.dma_semaphore, #tpu.memory_space<semaphore_mem>>
      tpu.enqueue_indirect_dma source(%dma_start3A_1593 : memref<64x128xf32, #tpu.memory_space<vmem>>) target(%dma_start3A_1599 : memref<10112x128xf32, #tpu.memory_space<vmem_shared>>) offsets(%dma_start3A_1596 : memref<64xi32, #tpu.memory_space<vmem>>) semaphore(%dma_start3A_1601 : memref<!tpu.dma_semaphore, #tpu.memory_space<semaphore_mem>>) {add = true}
      %get3A_1602 = arith.constant 7 : i32
      %get3A_1603 = arith.index_cast %get3A_1602 : i32 to index
      %get3A_1604 = arith.constant 0 : index
      %get3A_1605 = tpu.vector_load %arg10[%get3A_1603, %get3A_1604] {strides = array<i32>} : memref<8x64xi32, #tpu.memory_space<vmem>>, vector<16xi32>,
      %broadcast_in_dim3A_1606 = arith.constant true
      %broadcast_in_dim3A_1607 = vector.broadcast %broadcast_in_dim3A_1606 : i1 to vector<16xi1>
      %unique3A_1608, %unique3A_1609 = tpu.scan_count mask(%broadcast_in_dim3A_1607 : vector<16xi1>) value(%get3A_1605 : vector<16xi32>) : vector<16xi1>, vector<16xi32>
      %convert_element_type3A_1610 = arith.sitofp %unique3A_1609 : vector<16xi32> to vector<16xf32>
      tpu.vector_store_idx %arg12[%get3A_1605], %convert_element_type3A_1610 masked %unique3A_1608 {add = true} : memref<10112xf32, #tpu.memory_space<vmem>>[vector<16xi32>], vector<16xf32>, vector<16xi1>
      %get3A_1611 = arith.constant 7 : i32
      %get3A_1612 = arith.index_cast %get3A_1611 : i32 to index
      %get3A_1613 = arith.constant 16 : index
      %get3A_1614 = tpu.vector_load %arg10[%get3A_1612, %get3A_1613] {strides = array<i32>} : memref<8x64xi32, #tpu.memory_space<vmem>>, vector<16xi32>,
      %broadcast_in_dim3A_1615 = arith.constant true
      %broadcast_in_dim3A_1616 = vector.broadcast %broadcast_in_dim3A_1615 : i1 to vector<16xi1>
      %unique3A_1617, %unique3A_1618 = tpu.scan_count mask(%broadcast_in_dim3A_1616 : vector<16xi1>) value(%get3A_1614 : vector<16xi32>) : vector<16xi1>, vector<16xi32>
      %convert_element_type3A_1619 = arith.sitofp %unique3A_1618 : vector<16xi32> to vector<16xf32>
      tpu.vector_store_idx %arg12[%get3A_1614], %convert_element_type3A_1619 masked %unique3A_1617 {add = true} : memref<10112xf32, #tpu.memory_space<vmem>>[vector<16xi32>], vector<16xf32>, vector<16xi1>
      %get3A_1620 = arith.constant 7 : i32
      %get3A_1621 = arith.index_cast %get3A_1620 : i32 to index
      %get3A_1622 = arith.constant 32 : index
      %get3A_1623 = tpu.vector_load %arg10[%get3A_1621, %get3A_1622] {strides = array<i32>} : memref<8x64xi32, #tpu.memory_space<vmem>>, vector<16xi32>,
      %broadcast_in_dim3A_1624 = arith.constant true
      %broadcast_in_dim3A_1625 = vector.broadcast %broadcast_in_dim3A_1624 : i1 to vector<16xi1>
      %unique3A_1626, %unique3A_1627 = tpu.scan_count mask(%broadcast_in_dim3A_1625 : vector<16xi1>) value(%get3A_1623 : vector<16xi32>) : vector<16xi1>, vector<16xi32>
      %convert_element_type3A_1628 = arith.sitofp %unique3A_1627 : vector<16xi32> to vector<16xf32>
      tpu.vector_store_idx %arg12[%get3A_1623], %convert_element_type3A_1628 masked %unique3A_1626 {add = true} : memref<10112xf32, #tpu.memory_space<vmem>>[vector<16xi32>], vector<16xf32>, vector<16xi1>
      %get3A_1629 = arith.constant 7 : i32
      %get3A_1630 = arith.index_cast %get3A_1629 : i32 to index
      %get3A_1631 = arith.constant 48 : index
      %get3A_1632 = tpu.vector_load %arg10[%get3A_1630, %get3A_1631] {strides = array<i32>} : memref<8x64xi32, #tpu.memory_space<vmem>>, vector<16xi32>,
      %broadcast_in_dim3A_1633 = arith.constant true
      %broadcast_in_dim3A_1634 = vector.broadcast %broadcast_in_dim3A_1633 : i1 to vector<16xi1>
      %unique3A_1635, %unique3A_1636 = tpu.scan_count mask(%broadcast_in_dim3A_1634 : vector<16xi1>) value(%get3A_1632 : vector<16xi32>) : vector<16xi1>, vector<16xi32>
      %convert_element_type3A_1637 = arith.sitofp %unique3A_1636 : vector<16xi32> to vector<16xf32>
      tpu.vector_store_idx %arg12[%get3A_1632], %convert_element_type3A_1637 masked %unique3A_1635 {add = true} : memref<10112xf32, #tpu.memory_space<vmem>>[vector<16xi32>], vector<16xf32>, vector<16xi1>
      %dma_wait3A_1638 = arith.constant 2 : i32
      %dma_wait3A_1639 = arith.constant 6 : i32
      %dma_wait3A_1640 = arith.constant 2 : i32
      %dma_wait3A_1641 = arith.constant 0 : i32
      %dma_wait3A_1642 = arith.constant 0 : i32
      %dma_wait3A_1643 = tpu.memref_slice %arg11[%dma_wait3A_1638, %dma_wait3A_1641, %dma_wait3A_1642] : memref<4x64x128xf32, #tpu.memory_space<vmem>> -> memref<1x64x128xf32, #tpu.memory_space<vmem>>
      %dma_wait3A_1644 = tpu.memref_squeeze %dma_wait3A_1643 : memref<1x64x128xf32, #tpu.memory_space<vmem>> -> memref<64x128xf32, #tpu.memory_space<vmem>>
      %dma_wait3A_1645 = arith.constant 0 : i32
      %dma_wait3A_1646 = tpu.memref_slice %arg10[%dma_wait3A_1639, %dma_wait3A_1645] : memref<8x64xi32, #tpu.memory_space<vmem>> -> memref<1x64xi32, #tpu.memory_space<vmem>>
      %dma_wait3A_1647 = tpu.memref_squeeze %dma_wait3A_1646 : memref<1x64xi32, #tpu.memory_space<vmem>> -> memref<64xi32, #tpu.memory_space<vmem>>
      %dma_wait3A_1648 = arith.constant 0 : i32
      %dma_wait3A_1649 = arith.constant 0 : i32
      %dma_wait3A_1650 = tpu.memref_slice %arg13[%dma_wait3A_1648, %dma_wait3A_1649] : memref<10112x128xf32, #tpu.memory_space<vmem_shared>> -> memref<10112x128xf32, #tpu.memory_space<vmem_shared>>
      %dma_wait3A_1651 = tpu.memref_slice %arg15[%dma_wait3A_1640] : memref<4x!tpu.dma_semaphore, #tpu.memory_space<semaphore_mem>> -> memref<1x!tpu.dma_semaphore, #tpu.memory_space<semaphore_mem>>
      %dma_wait3A_1652 = tpu.memref_squeeze %dma_wait3A_1651 : memref<1x!tpu.dma_semaphore, #tpu.memory_space<semaphore_mem>> -> memref<!tpu.dma_semaphore, #tpu.memory_space<semaphore_mem>>
      tpu.wait_indirect_dma semaphore(%dma_wait3A_1652 : memref<!tpu.dma_semaphore, #tpu.memory_space<semaphore_mem>>) src(%dma_wait3A_1644 : memref<64x128xf32, #tpu.memory_space<vmem>>) dst(%dma_wait3A_1650 : memref<10112x128xf32, #tpu.memory_space<vmem_shared>>)
      %add3A_1653 = arith.constant 1 : i32
      %add3A_1654 = arith.addi %scan3A_112, %add3A_1653 : i32
      %lt3A_1655 = arith.constant 10 : i32
      %lt3A_1656 = arith.cmpi slt, %add3A_1654, %lt3A_1655 : i32
      %convert_element_type3A_1657 = arith.extui %lt3A_1656 : i1 to i32
      %cond3A_1658 = arith.constant 0 : i32
      %cond3A_1659 = arith.cmpi ne, %convert_element_type3A_1657, %cond3A_1658 : i32
      scf.if %cond3A_1659 {
        %dma_start3A_1661 = arith.constant 2 : i32
        %dma_start3A_1662 = arith.constant 2 : i32
        %dma_start3A_1663 = arith.constant 2 : i32
        %dma_start3A_1664 = arith.constant 0 : i32
        %dma_start3A_1665 = arith.constant 0 : i32
        %dma_start3A_1666 = tpu.memref_slice %arg11[%dma_start3A_1662, %dma_start3A_1664, %dma_start3A_1665] : memref<4x64x128xf32, #tpu.memory_space<vmem>> -> memref<1x64x128xf32, #tpu.memory_space<vmem>>
        %dma_start3A_1667 = tpu.memref_squeeze %dma_start3A_1666 : memref<1x64x128xf32, #tpu.memory_space<vmem>> -> memref<64x128xf32, #tpu.memory_space<vmem>>
        %dma_start3A_1668 = arith.constant 0 : i32
        %dma_start3A_1669 = tpu.memref_slice %arg7[%dma_start3A_1661, %dma_start3A_1668] : memref<8x64xi32, #tpu.memory_space<vmem>> -> memref<1x64xi32, #tpu.memory_space<vmem>>
        %dma_start3A_1670 = tpu.memref_squeeze %dma_start3A_1669 : memref<1x64xi32, #tpu.memory_space<vmem>> -> memref<64xi32, #tpu.memory_space<vmem>>
        %dma_start3A_1671 = arith.constant 0 : i32
        %dma_start3A_1672 = arith.constant 0 : i32
        %dma_start3A_1673 = tpu.memref_slice %arg2[%dma_start3A_1671, %dma_start3A_1672] : memref<10000x128xf32, #tpu.memory_space<hbm>> -> memref<10000x128xf32, #tpu.memory_space<hbm>>
        %dma_start3A_1674 = tpu.memref_slice %arg14[%dma_start3A_1663] : memref<4x!tpu.dma_semaphore, #tpu.memory_space<semaphore_mem>> -> memref<1x!tpu.dma_semaphore, #tpu.memory_space<semaphore_mem>>
        %dma_start3A_1675 = tpu.memref_squeeze %dma_start3A_1674 : memref<1x!tpu.dma_semaphore, #tpu.memory_space<semaphore_mem>> -> memref<!tpu.dma_semaphore, #tpu.memory_space<semaphore_mem>>
        tpu.enqueue_indirect_dma source(%dma_start3A_1673 : memref<10000x128xf32, #tpu.memory_space<hbm>>) target(%dma_start3A_1667 : memref<64x128xf32, #tpu.memory_space<vmem>>) offsets(%dma_start3A_1670 : memref<64xi32, #tpu.memory_space<vmem>>) semaphore(%dma_start3A_1675 : memref<!tpu.dma_semaphore, #tpu.memory_space<semaphore_mem>>)
      } else {
      }
      %scan3A_1660 = arith.constant 0 : i32
      scf.yield %scan3A_1660 : i32
    }
    %scan3A_96 = arith.constant 10 : i32
    %dma_wait3A = arith.constant 3 : i32
    %dma_wait3A_97 = arith.constant 7 : i32
    %dma_wait3A_98 = arith.constant 3 : i32
    %dma_wait3A_99 = arith.constant 0 : i32
    %dma_wait3A_100 = arith.constant 0 : i32
    %dma_wait3A_101 = tpu.memref_slice %arg11[%dma_wait3A, %dma_wait3A_99, %dma_wait3A_100] : memref<4x64x128xf32, #tpu.memory_space<vmem>> -> memref<1x64x128xf32, #tpu.memory_space<vmem>>
    %dma_wait3A_102 = tpu.memref_squeeze %dma_wait3A_101 : memref<1x64x128xf32, #tpu.memory_space<vmem>> -> memref<64x128xf32, #tpu.memory_space<vmem>>
    %dma_wait3A_103 = arith.constant 0 : i32
    %dma_wait3A_104 = tpu.memref_slice %arg10[%dma_wait3A_97, %dma_wait3A_103] : memref<8x64xi32, #tpu.memory_space<vmem>> -> memref<1x64xi32, #tpu.memory_space<vmem>>
    %dma_wait3A_105 = tpu.memref_squeeze %dma_wait3A_104 : memref<1x64xi32, #tpu.memory_space<vmem>> -> memref<64xi32, #tpu.memory_space<vmem>>
    %dma_wait3A_106 = arith.constant 0 : i32
    %dma_wait3A_107 = arith.constant 0 : i32
    %dma_wait3A_108 = tpu.memref_slice %arg13[%dma_wait3A_106, %dma_wait3A_107] : memref<10112x128xf32, #tpu.memory_space<vmem_shared>> -> memref<10112x128xf32, #tpu.memory_space<vmem_shared>>
    %dma_wait3A_109 = tpu.memref_slice %arg15[%dma_wait3A_98] : memref<4x!tpu.dma_semaphore, #tpu.memory_space<semaphore_mem>> -> memref<1x!tpu.dma_semaphore, #tpu.memory_space<semaphore_mem>>
    %dma_wait3A_110 = tpu.memref_squeeze %dma_wait3A_109 : memref<1x!tpu.dma_semaphore, #tpu.memory_space<semaphore_mem>> -> memref<!tpu.dma_semaphore, #tpu.memory_space<semaphore_mem>>
    tpu.wait_indirect_dma semaphore(%dma_wait3A_110 : memref<!tpu.dma_semaphore, #tpu.memory_space<semaphore_mem>>) src(%dma_wait3A_102 : memref<64x128xf32, #tpu.memory_space<vmem>>) dst(%dma_wait3A_108 : memref<10112x128xf32, #tpu.memory_space<vmem_shared>>)
    %barrier3A_111 = arith.constant 0 : index
    tpu.barrier barrier_id(%barrier3A_111)
    "tpu.region"() ({
      %run_scoped3A_112 = tpu.sem_alloc : memref<!tpu.dma_semaphore, #tpu.memory_space<semaphore_mem>>
      %dma_start3A_113 = arith.constant 0 : i32
      %dma_start3A_114 = tpu.memref_slice %arg5[%arg0, %mul3A_16, %dma_start3A_113] : memref<2x10112x128xf32, #tpu.memory_space<hbm>> -> memref<1x632x128xf32, #tpu.memory_space<hbm>>
      %dma_start3A_115 = tpu.memref_squeeze %dma_start3A_114 : memref<1x632x128xf32, #tpu.memory_space<hbm>> -> memref<632x128xf32, #tpu.memory_space<hbm>>
      %dma_start3A_116 = arith.constant 0 : i32
      %dma_start3A_117 = tpu.memref_slice %arg13[%mul3A_16, %dma_start3A_116] : memref<10112x128xf32, #tpu.memory_space<vmem_shared>> -> memref<632x128xf32, #tpu.memory_space<vmem_shared>>
      tpu.enqueue_dma source(%dma_start3A_117 : memref<632x128xf32, #tpu.memory_space<vmem_shared>>) target(%dma_start3A_115 : memref<632x128xf32, #tpu.memory_space<hbm>>) target_semaphore(%run_scoped3A_112 : memref<!tpu.dma_semaphore, #tpu.memory_space<semaphore_mem>>)
      %dma_wait3A_118 = arith.constant 0 : i32
      %dma_wait3A_119 = tpu.memref_slice %arg5[%arg0, %mul3A_16, %dma_wait3A_118] : memref<2x10112x128xf32, #tpu.memory_space<hbm>> -> memref<1x632x128xf32, #tpu.memory_space<hbm>>
      %dma_wait3A_120 = tpu.memref_squeeze %dma_wait3A_119 : memref<1x632x128xf32, #tpu.memory_space<hbm>> -> memref<632x128xf32, #tpu.memory_space<hbm>>
      %dma_wait3A_121 = arith.constant 0 : i32
      %dma_wait3A_122 = tpu.memref_slice %arg13[%mul3A_16, %dma_wait3A_121] : memref<10112x128xf32, #tpu.memory_space<vmem_shared>> -> memref<632x128xf32, #tpu.memory_space<vmem_shared>>
      tpu.wait_dma2 semaphore(%run_scoped3A_112 : memref<!tpu.dma_semaphore, #tpu.memory_space<semaphore_mem>>) src(%dma_wait3A_122 : memref<632x128xf32, #tpu.memory_space<vmem_shared>>) dst(%dma_wait3A_120 : memref<632x128xf32, #tpu.memory_space<hbm>>)
      tpu.yield
    }) : () -> ()
    "tpu.region"() ({
      %run_scoped3A_112 = tpu.sem_alloc : memref<!tpu.dma_semaphore, #tpu.memory_space<semaphore_mem>>
      %dma_start3A_113 = arith.constant 0 : i32
      %dma_start3A_114 = tpu.memref_slice %arg6[%add3A, %dma_start3A_113] : memref<32x10112xf32, #tpu.memory_space<hbm>> -> memref<1x10112xf32, #tpu.memory_space<hbm>>
      %dma_start3A_115 = tpu.memref_squeeze %dma_start3A_114 : memref<1x10112xf32, #tpu.memory_space<hbm>> -> memref<10112xf32, #tpu.memory_space<hbm>>
      %dma_start3A_116 = arith.constant 0 : i32
      %dma_start3A_117 = tpu.memref_slice %arg6[%add3A, %dma_start3A_116] : memref<32x10112xf32, #tpu.memory_space<hbm>> -> memref<1x10112xf32, #tpu.memory_space<hbm>>
      %dma_start3A_118 = tpu.memref_squeeze %dma_start3A_117 : memref<1x10112xf32, #tpu.memory_space<hbm>> -> memref<10112xf32, #tpu.memory_space<hbm>>
      tpu.enqueue_dma source(%arg12 : memref<10112xf32, #tpu.memory_space<vmem>>) target(%dma_start3A_118 : memref<10112xf32, #tpu.memory_space<hbm>>) target_semaphore(%run_scoped3A_112 : memref<!tpu.dma_semaphore, #tpu.memory_space<semaphore_mem>>)
      %dma_wait3A_119 = arith.constant 0 : i32
      %dma_wait3A_120 = tpu.memref_slice %arg6[%add3A, %dma_wait3A_119] : memref<32x10112xf32, #tpu.memory_space<hbm>> -> memref<1x10112xf32, #tpu.memory_space<hbm>>
      %dma_wait3A_121 = tpu.memref_squeeze %dma_wait3A_120 : memref<1x10112xf32, #tpu.memory_space<hbm>> -> memref<10112xf32, #tpu.memory_space<hbm>>
      %dma_wait3A_122 = arith.constant 0 : i32
      %dma_wait3A_123 = tpu.memref_slice %arg6[%add3A, %dma_wait3A_122] : memref<32x10112xf32, #tpu.memory_space<hbm>> -> memref<1x10112xf32, #tpu.memory_space<hbm>>
      %dma_wait3A_124 = tpu.memref_squeeze %dma_wait3A_123 : memref<1x10112xf32, #tpu.memory_space<hbm>> -> memref<10112xf32, #tpu.memory_space<hbm>>
      tpu.wait_dma2 semaphore(%run_scoped3A_112 : memref<!tpu.dma_semaphore, #tpu.memory_space<semaphore_mem>>) src(%arg12 : memref<10112xf32, #tpu.memory_space<vmem>>) dst(%dma_wait3A_124 : memref<10112xf32, #tpu.memory_space<hbm>>)
      tpu.yield
    }) : () -> ()
    return
  }
}

module attributes {stable_mosaic.version = 14 : i64} {
  func.func @_combine_body(%arg0: memref<2x10112x128xf32, #tpu.memory_space<vmem>>, %arg1: memref<32x10112xf32, #tpu.memory_space<vmem>>, %arg2: memref<10112x128xf32, #tpu.memory_space<vmem>>) attributes {dimension_semantics = [], scalar_prefetch = 0 : i64, scratch_operands = 0 : i64, tpu.core_type = #tpu.core_type<tc>} {
    %get3A = arith.constant 0 : index
    %get3A_0 = arith.constant 0 : index
    %get3A_1 = arith.constant 0 : index
    %get3A_2 = vector.load %arg0[%get3A, %get3A_0, %get3A_1] : memref<2x10112x128xf32, #tpu.memory_space<vmem>>, vector<1x10112x128xf32>
    %get3A_3 = vector.shape_cast %get3A_2 : vector<1x10112x128xf32> to vector<10112x128xf32>
    %get3A_4 = arith.constant 1 : index
    %get3A_5 = arith.constant 0 : index
    %get3A_6 = arith.constant 0 : index
    %get3A_7 = vector.load %arg0[%get3A_4, %get3A_5, %get3A_6] : memref<2x10112x128xf32, #tpu.memory_space<vmem>>, vector<1x10112x128xf32>
    %get3A_8 = vector.shape_cast %get3A_7 : vector<1x10112x128xf32> to vector<10112x128xf32>
    %add3A = arith.addf %get3A_3, %get3A_8 : vector<10112x128xf32>
    %get3A_9 = arith.constant 0 : index
    %get3A_10 = arith.constant 0 : index
    %get3A_11 = vector.load %arg1[%get3A_9, %get3A_10] : memref<32x10112xf32, #tpu.memory_space<vmem>>, vector<32x10112xf32>
    %reduce_sum3A = arith.constant dense<0.000000e+00> : vector<10112xf32>
    %reduce_sum3A_12 = vector.multi_reduction <add>, %get3A_11, %reduce_sum3A [0] : vector<32x10112xf32> to vector<10112xf32>
    %max3A = arith.constant 1.000000e+00 : f32
    %max3A_13 = vector.broadcast %max3A : f32 to vector<10112xf32>
    %max3A_14 = arith.maximumf %reduce_sum3A_12, %max3A_13 : vector<10112xf32>
    %broadcast_in_dim3A = vector.shape_cast %max3A_14 : vector<10112xf32> to vector<10112x1xf32>
    %div3A = vector.broadcast %broadcast_in_dim3A : vector<10112x1xf32> to vector<10112x128xf32>
    %div3A_15 = arith.divf %add3A, %div3A : vector<10112x128xf32>
    %swap3A = arith.constant 0 : index
    %swap3A_16 = arith.constant 0 : index
    %swap3A_17 = vector.load %arg2[%swap3A, %swap3A_16] : memref<10112x128xf32, #tpu.memory_space<vmem>>, vector<10112x128xf32>
    tpu.vector_store %arg2[%swap3A, %swap3A_16], %div3A_15 {strides = array<i32>} : memref<10112x128xf32, #tpu.memory_space<vmem>>, vector<10112x128xf32>,
    return
  }
}

</mosaic_0001>

<sc_bundles>
// kernel: kernel.4.cloned.1.call-start
scs
__scs_entry_jumppad:
0x0: {  	(pc) =	sbr.rel $0x88, $3  }
0x1: {  	(tag) =	ssettag $0x0;
	lr =	simm.s32 $0x1  }
0x2: {  	[smem:$0x3F9F] =	sst lr;
	_ =	strace $0xD0000000  }
0x3: {  	_ = 	snop  }
0x4: {  	_ = 	snop  }
0x5: {  	_ = 	snop  }
0x6: {  	_ = 	snop  }
0x7: {  	_ = 	snop  }
__scs_overlays_trampoline_lowered:
0x8: {  	[smem:$0x3FAE] =	sst s0  }
0x9: {  	[smem:$0x3FAF] =	sst s1  }
0xa: {  	[smem:$0x3FB0] =	sst s2  }
0xb: {  	[smem:$0x3FB1] =	sst s3  }
0xc: {  	[smem:$0x3FB2] =	sst s4  }
0xd: {  	[smem:$0x3FB3] =	sst s5  }
0xe: {  	[smem:$0x3FB4] =	sst s6  }
0xf: {  	[smem:$0x3FB5] =	sst s7  }
0x10: {  	[smem:$0x3FB6] =	sst s8  }
0x11: {  	[smem:$0x3FB7] =	sst s9;
	s0 =	simm.s32 @!p0 $0x0  }
0x12: {  	s1 =	sld [smem:$0x3F9D];
	s0 =	simm.s32 @p0 $0x1  }
0x13: {  	[smem:$0x3FB8] =	sst s0;
	s0 =	simm.s32 @!p1 $0x0  }
0x14: {  	s2 =	sld [smem:$0x3F9C];
	s0 =	simm.s32 @p1 $0x1  }
0x15: {  	[smem:$0x3FB9] =	sst s0;
	s0 =	simm.s32 @!p2 $0x0  }
0x16: {  	s3 =	sld [smem:$0x3FDB];
	s0 =	simm.s32 @p2 $0x1  }
0x17: {  	s4 =	simm.s32 $0x1BF5;
	[smem:$0x3FBB] =	sst s0  }
0x18: {  	s0 =	sld [smem:$0x3F9E];
	_ =	swait.ge [sflag:s4], $0x0  }
0x19: {  	s7 =	sld [smem:$0x3F9F]  }
0x1a: {  	s8 =	sadd.s32 $0xFFFFE003, lr  }
0x1b: {  	s9 =	sadd.s32 $0xFFFFFEF7, lr;
	s5 =	simm.s32 $0xFFFFFFFF;
	p2 =	slt.u32 s8, $0xFFFFF086  }
0x1c: {  	p1 =	slt.u32 s9, $0xF7A;
	s5 =	simm.s32 @!p2 $0x0  }
0x1d: {  	s5 =	simm.s32 @p1 $0x1;
	p0 =	seq.s32 s7, s2  }
0x1e: {  	s7 =	smul.u32 @!p0 $0xF7A, s2;
	p2 =	seq.s32 @!p0 s5, $0x0  }
0x1f: {  	s9 =	smul.u32 $0xF7A, s1;
	s8 =	simm.s32 @!p0 $0x1BF5;
	p2 =	por !p2, p0  }
0x20: {  	[sflag:s8] =	ssyncset.s32 @!p0 $0xFFFFF086;
	s6 =	sadd.s32 @!p0 s3, s7;
	s7 =	simm.s32 @!p0 $0x108  }
0x21: {  	s3 =	sadd.s32 s3, s9;
	s6 =	sadd.s32 @!p0 $0x88, s6;
	s7 =	simm.s32 @p2 $0x1082  }
0x22: {  	[simem:s7], [sflag:s8] =	dma.local @!p0 [hbm:s6], $0xF7A  }
0x23: {  	s9 =	sor.u32 $0xD0000000, s2;
	s6 =	simm.s32 $0x108;
	_ =	swait.ge @!p0 [sflag:s8], $0x0  }
0x24: {  	s3 =	sadd.s32 $0x88, s3;
	s6 =	simm.s32 @!p1 $0x1082;
	[sflag:s4] =	ssyncset.s32 $0xFFFFF086  }
0x25: {  	[simem:s6], [sflag:s4] =	dma.local [hbm:s3], $0xF7A  }
0x26: {  	[smem:$0x3F9F] =	sst s1;
	(tag) =	ssettag s2;
	_ =	strace s9  }
0x27: {  	s1 =	sld [smem:$0x3FAF]  }
0x28: {  	s2 =	sld [smem:$0x3FB0]  }
0x29: {  	s4 =	sld [smem:$0x3FB2]  }
0x2a: {  	p0 =	seq.s32 s5, $0x0;
	s5 =	sld [smem:$0x3FB3]  }
0x2b: {  	s6 =	sld [smem:$0x3FB4]  }
0x2c: {  	s7 =	sld [smem:$0x3FB5]  }
0x2d: {  	s3 =	simm.s32 $0x108;
	s8 =	sld [smem:$0x3FB6]  }
0x2e: {  	s3 =	simm.s32 @!p0 $0x1082;
	s9 =	sld [smem:$0x3FB7]  }
0x2f: {  	lr =	sadd.s32 s0, s3;
	s0 =	sld [smem:$0x3FAE]  }
0x30: {  	s3 =	sld [smem:$0x3FB1]  }
0x31: {  	[smem:$0x3FBA] =	sst s10  }
0x32: {  	s10 =	sld [smem:$0x3FB8];
	_ =	sdelay $0x3  }
0x33: {  	p0 =	seq.s32 s10, $0x1;
	s10 =	sld [smem:$0x3FBA];
	_ =	sdelay $0x3  }
0x34: {  	[smem:$0x3FBA] =	sst s10  }
0x35: {  	s10 =	sld [smem:$0x3FB9];
	_ =	sdelay $0x3  }
0x36: {  	p1 =	seq.s32 s10, $0x1;
	s10 =	sld [smem:$0x3FBA];
	_ =	sdelay $0x3  }
0x37: {  	[smem:$0x3FBA] =	sst s10  }
0x38: {  	s10 =	sld [smem:$0x3FBB]  }
0x39: {  	_ = 	snop;
	(pc) =	sbr.ind lr, $3  }
0x3a: {  	_ = 	snop  }
0x3b: {  	_ = 	snop  }
0x3c: {  	p2 =	seq.s32 s10, $0x1;
	s10 =	sld [smem:$0x3FBA]  }
0x3d: {  	_ =	shalt  }
0x3e: {  	_ =	shalt  }
0x3f: {  	_ =	shalt  }
0x40: {  	_ =	shalt  }
0x41: {  	_ =	shalt  }
0x42: {  	_ =	shalt  }
0x43: {  	_ =	shalt  }
0x44: {  	_ =	shalt  }
0x45: {  	_ =	shalt  }
0x46: {  	_ =	shalt  }
0x47: {  	_ =	shalt  }
0x48: {  	_ =	shalt  }
0x49: {  	_ =	shalt  }
0x4a: {  	_ =	shalt  }
0x4b: {  	_ =	shalt  }
0x4c: {  	_ =	shalt  }
0x4d: {  	_ =	shalt  }
0x4e: {  	_ =	shalt  }
0x4f: {  	_ =	shalt  }
0x50: {  	_ =	shalt  }
0x51: {  	_ =	shalt  }
0x52: {  	_ =	shalt  }
0x53: {  	_ =	shalt  }
0x54: {  	_ =	shalt  }
0x55: {  	_ =	shalt  }
0x56: {  	_ =	shalt  }
0x57: {  	_ =	shalt  }
0x58: {  	_ =	shalt  }
0x59: {  	_ =	shalt  }
0x5a: {  	_ =	shalt  }
0x5b: {  	_ =	shalt  }
0x5c: {  	_ =	shalt  }
0x5d: {  	_ =	shalt  }
0x5e: {  	_ =	shalt  }
0x5f: {  	_ =	shalt  }
0x60: {  	_ =	shalt  }
0x61: {  	_ =	shalt  }
0x62: {  	_ =	shalt  }
0x63: {  	_ =	shalt  }
0x64: {  	_ =	shalt  }
0x65: {  	_ =	shalt  }
0x66: {  	_ =	shalt  }
0x67: {  	_ =	shalt  }
0x68: {  	_ =	shalt  }
0x69: {  	_ =	shalt  }
0x6a: {  	_ =	shalt  }
0x6b: {  	_ =	shalt  }
0x6c: {  	_ =	shalt  }
0x6d: {  	_ =	shalt  }
0x6e: {  	_ =	shalt  }
0x6f: {  	_ =	shalt  }
0x70: {  	_ =	shalt  }
0x71: {  	_ =	shalt  }
0x72: {  	_ =	shalt  }
0x73: {  	_ =	shalt  }
0x74: {  	_ =	shalt  }
0x75: {  	_ =	shalt  }
0x76: {  	_ =	shalt  }
0x77: {  	_ =	shalt  }
0x78: {  	_ =	shalt  }
0x79: {  	_ =	shalt  }
0x7a: {  	_ =	shalt  }
0x7b: {  	_ =	shalt  }
0x7c: {  	_ =	shalt  }
0x7d: {  	_ =	shalt  }
0x7e: {  	_ =	shalt  }
0x7f: {  	_ =	shalt  }
0x80: {  	_ =	shalt  }
0x81: {  	_ =	shalt  }
0x82: {  	_ =	shalt  }
0x83: {  	_ =	shalt  }
0x84: {  	_ =	shalt  }
0x85: {  	_ =	shalt  }
0x86: {  	_ =	shalt  }
0x87: {  	_ =	shalt  }
.Lfunc_end0:
.L_simem_size_0:
called_computation_lowered:
.L_overlay_start_0:
0x88: {  	s2 =	sld [smem:$0x3FD9]  }
0x89: {  	s3 =	sld [smem:$0x3FFE];
	_ =	sdelay $0x1  }
0x8a: {  	s1 =	srdreg.scid  }
0x8b: {  	s0 =	sand.u32 $0x1, s1  }
0x8c: {  	s17 =	sshll.u32 s0, $0xA;
	s2 =	sadd.s32 s3, s2  }
0x8d: {  	s2 =	sadd.s32 s2, s17  }
0x8e: {  	[smem:$0x3FC6] =	sst s2  }
0x8f: {  	_ = 	snop  }
0x90: {  	s2 =	sld [smem:$0x3FC9]  }
0x91: {  	s18 =	sld [smem:$0x3FD0];
	(tm) =	ssettm $0x1  }
0x92: {  	s4 =	sld [smem:$0x3FFB];
	_ =	sdelay $0x3  }
0x93: {  	_ =	strace s4  }
0x94: {  	s4 =	sld [smem:$0x3FFC];
	_ =	sdelay $0x3  }
0x95: {  	_ =	strace s4  }
0x96: {  	s4 =	sld [smem:$0x3FFD];
	_ =	sdelay $0x3  }
0x97: {  	_ =	strace s4  }
0x98: {  	_ =	strace $0x8FFFFFFF  }
0x99: {  	s19 =	sld [smem:$0x3FDB];
	_ =	sdelay $0x1  }
0x9a: {  	s5 =	simm.s32 $_scs_section_size  }
0x9b: {  	s6 =	simm.s32 $_size__tile_overlayer_lowered;
	s7 =	simm.s32 $_tile_overlayer_lowered  }
0x9c: {  	s22 =	simm.s32 $0x1BFF;
	s21 =	sshll.u32 s7, $0x1;
	s4 =	sadd.s32 s5, s19  }
0x9d: {  	s8 =	simm.s32 $0x0;
	s20 =	sshll.u32 s6, $0x1;
	s6 =	sadd.s32 s21, s4  }
0x9e: {  	[timem:s8], [sflag:s22] =	dma.local [hbm:s6], s20  }
0x9f: {  	_ =	swait.ge [sflag:s22], s20  }
0xa0: {  	s5 =	ssub.s32 $0x0, s20;
	[sflag:s22] =	ssyncset.done $0x0  }
0xa1: {  	[sflag:s22] =	ssyncadd.s32 s5;
	_ =	sdelay $0x1  }
0xa2: {  	s23 =	simm.s32 $0x1B8B  }
0xa3: {  	_ =	swait.ge [sflag:s23], $0x1  }
0xa4: {  	[sflag:s23] =	ssyncset.done $0x0  }
0xa5: {  	s25 =	simm.s32 $0x1B8E;
	s24 =	sld [smem:$0x3FFE];
	[sflag:s23] =	ssyncadd.s32 $0xFFFFFFFF  }
0xa6: {  	s26 =	simm.s32 $execute0_lowered;
	[smem:$0x3FD2] =	sst s25  }
0xa7: {  	s6 =	sshll.u32 s26, $0x1;
	_ =	strace $0x80000046;
	[dreg:$0x1] =	wrdreg $0xFFFFFFFF  }
0xa8: {  	s28 =	simm.s32 $_size_execute0_lowered;
	s4 =	sadd.s32 s4, s6;
	[dreg:$0x0] =	wrdreg $0x0  }
0xa9: {  	s6 =	sshll.u32 s28, $0x1;
	[dreg:$0x2] =	wrdreg s4  }
0xaa: {  	[dreg:$0x3] =	wrdreg s6  }
0xab: {  	[dreg:$0x4] =	wrdreg $0xC0  }
0xac: {  	_ =	task [dreg:s8], $0x5FFFF  }
0xad: {  	[dreg:$0x1] =	wrdreg $0xFFFFFFFF  }
0xae: {  	[dreg:$0x0] =	wrdreg $0x60  }
0xaf: {  	[dreg:$0x2] =	wrdreg s2  }
0xb0: {  	[dreg:$0x3] =	wrdreg s18  }
0xb1: {  	[dreg:$0x4] =	wrdreg s24  }
0xb2: {  	[dreg:$0x5] =	wrdreg $0xB7800  }
0xb3: {  	[dreg:$0x6] =	wrdreg $0x9  }
0xb4: {  	_ =	task.clear_ibuf [dreg:s8], $0x7FFFF;
	_ =	strace $0x90000046  }
0xb5: {  	s29 =	simm.s32 $0x9;
	_ =	strace $0x80000048  }
0xb6: {  	_ =	swait.ge [sflag:s29], $0x1  }
0xb7: {  	[sflag:s29] =	ssyncadd.s32 $0xFFFFFFFF  }
0xb8: {  	_ =	strace $0x90000048  }
0xb9: {  	_ =	sfence  }
0xba: {  	s30 =	sld [smem:$0x0];
	_ =	sdelay $0x2  }
0xbb: {  	s31 =	sshll.u32 s1, $0xD;
	s1 =	sshrl.u32 s1, $0x2  }
0xbc: {  	s3 =	sand.u32 $0x4000, s31;
	s1 =	sadd.s32 s1, s30  }
0xbd: {  	s0 =	sor.u32 s3, s0;
	s1 =	sshll.u32 s1, $0x11  }
0xbe: {  	s0 =	sor.u32 s1, s0  }
0xbf: {  	s0 =	sadd.s32 $0x8F2B, s0  }
0xc0: {  	[sflag:s0] =	ssyncadd.remote.s32 $0x1  }
0xc1: {  	_ =	sfence.sel $0xFFFF  }
0xc2: {  	[dreg:$0x0] =	wrdreg $0xFFFFFFFF;
	(pc) =	sbr.abs _section_cstart, $3  }
0xc3: {  	[dreg:$0x1] =	wrdreg $0xFFFFFFFF  }
0xc4: {  	_ =	task.clear_ibuf [dreg:s8], $0x2FFFF;
	_ =	strace $0x9FFFFFFF  }
0xc5: {  	(tm) =	ssettm $0x7FFFFFFF  }
tec
execute0_lowered:
.L_overlay_start_1:
0x0: {  	(tag) =	ssettag $0x1  }
0x1: {  	s1 =	rddreg [dreg:$0x0]  }
0x2: {  	s0 =	rddreg [dreg:$0x1]  }
0x3: {  	s3 =	rddreg [dreg:$0x2]  }
0x4: {  	s2 =	rddreg [dreg:$0x3];
	s5 =	srdreg.scid  }
0x5: {  	s4 =	simm.s32 $0x0;
	s13 =	stileid.u32;
	s28 =	simm.s32 $0x40  }
0x6: {  	s29 =	simm.s32 $0x80;
	s30 =	simm.s32 $0x3000;
	s8 =	smul.u32 $0x13C00, s13  }
0x7: {  	s31 =	simm.s32 $0x1;
	s5 =	sand.u32 $0x1, s5;
	s11 =	smul.u32 $0x4F000, s13  }
0x8: {  	[smem:$0x7FF] =	sst s4;
	s9 =	sadd.s32 $0x400, s3;
	s19 =	smul.u32 $0x5000, s13  }
0x9: {  	s23 =	sshll.u32 s13, $0x7;
	s6 =	smul.u32 $0x13C000, s5;
	s7 =	sshll.u32 s5, $0x4  }
0xa: {  	_ =	strace $0x80000047;
	s24 =	ssub.s32 $0x2, s5;
	s5 =	smul.u32 $0x50000, s5  }
0xb: {  	s7 =	sor.u32 s13, s7;
	s12 =	sshrl.u32 s24, $0x1;
	s11 =	sshrl.u32 s11, $0x2  }
0xc: {  	s13 =	simm.s32 $0x9;
	s10 =	sshrl.u32 s7, $0x3;
	s6 =	sadd.s32 s8, s6  }
0xd: {  	s25 =	ssub.s32 s24, s12;
	s26 =	sadd.s32 s11, s2;
	s7 =	smul.u32 $0x5000, s7  }
0xe: {  	s5 =	sadd.s32 s19, s5;
	s12 =	sadd.s32 $0x2000, s26;
	[dreg:$0x5] =	wrdreg s26  }
0xf: {  	s19 =	simm.s32 $0x7;
	s14 =	sadd.s32 $0x4000, s26;
	[dreg:$0x6] =	wrdreg s12  }
0x10: {  	s22 =	smul.u32 $0x13C00, s10;
	s15 =	sadd.s32 $0x6000, s26;
	[dreg:$0x7] =	wrdreg s14  }
0x11: {  	s6 =	sshrl.u32 s6, $0x3;
	s16 =	sadd.s32 $0x8000, s26;
	[dreg:$0x8] =	wrdreg s15  }
0x12: {  	s10 =	sand.u32 $0x380, s23;
	s17 =	sadd.s32 $0xA000, s26;
	[dreg:$0x9] =	wrdreg s16  }
0x13: {  	s18 =	sadd.s32 $0xC000, s26;
	s11 =	sadd.s32 $0xE000, s26;
	[dreg:$0xa] =	wrdreg s17  }
0x14: {  	s20 =	sadd.s32 $0x10000, s26;
	s21 =	sadd.s32 $0x12000, s26;
	[dreg:$0xb] =	wrdreg s18  }
0x15: {  	s23 =	sor.u32 $0x800, s5;
	s5 =	sor.u32 $0x400, s5;
	[dreg:$0xc] =	wrdreg s11  }
0x16: {  	s25 =	smax.u32 s25, $0x1;
	s6 =	sadd.s32 s6, s3;
	[dreg:$0xd] =	wrdreg s20  }
0x17: {  	s7 =	sshrl.u32 s7, $0x3;
	[dreg:$0xe] =	wrdreg s21;
	s24 =	sshrl.u32 s23, $0x3  }
0x18: {  	[dreg:$0x13] =	wrdreg s25;
	s5 =	sshrl.u32 s5, $0x3;
	s11 =	simm.s32 $0x400  }
0x19: {  	s12 =	simm.s32 $0xC00;
	s14 =	simm.s32 $0x3;
	s16 =	simm.s32 $0x6  }
0x1a: {  	s18 =	simm.s32 $0x4;
	s17 =	simm.s32 $0x0;
	s25 =	simm.s32 $0xF80  }
0x1b: {  	s8 =	sor.u32 s10, s22;
	s22 =	sadd.s32 s0, s7;
	s7 =	sadd.s32 s9, s7  }
0x1c: {  	s6 =	sadd.s32 $0x14400, s6;
	s20 =	sadd.s32 s24, s9;
	s21 =	sadd.s32 s24, s0  }
0x1d: {  	s23 =	sadd.s32 s5, s0;
	s24 =	simm.s32 $0x1000;
	[dreg:$0xf] =	wrdreg s22  }
0x1e: {  	s0 =	simm.s32 $0x5000;
	s10 =	simm.s32 $0x5;
	[dreg:$0x10] =	wrdreg s7  }
0x1f: {  	s8 =	sshrl.u32 s8, $0x3;
	[dreg:$0x11] =	wrdreg s6;
	s22 =	sadd.s32 s5, s9  }
0x20: {  	s6 =	simm.s32 $0xA;
	s5 =	simm.s32 $0x800;
	s3 =	sadd.s32 s8, s3  }
0x21: {  	s7 =	simm.s32 $0x7000;
	s9 =	simm.s32 $0x8;
	s3 =	sadd.s32 $0x63400, s3  }
0x22: {  	v0 =	vimm.f32 $0.0e+00;
	s8 =	simm.s32 $0x2;
	[dreg:$0x12] =	wrdreg s3;
	s3 =	simm.s32 $0x9000  }
.LBB2_1:
0x23: {  	[dreg:$0x14] =	wrdreg s17;
	s15 =	simm.s32 $0x0  }
.LBB2_2:
0x24: {  	p0 =	sne.s32 s15, $0x9DC0  }
.Ltmp0:
0x25: {  	_ = 	snop;
	(pc) =	sbr.rel @p0 .LBB2_2-.Ltmp0, $3  }
0x26: {  	_ =	sdelay $0x1  }
0x27: {  	s17 =	sshra.s32 s15, $0x2  }
0x28: {  	s15 =	sadd.s32 $0x40, s15;
	[tilespmem:s17+$0x9000] =	vst v0  }
0x29: {  	s15 =	simm.s32 $0x0;
	s17 =	simm.s32 $0x200  }
.LBB2_4:
0x2a: {  	p0 =	sne.s32 s17, $0x7E00;
	[tilespmem:s15+$0x1070] =	vst v0  }
0x2b: {  	[tilespmem:s15+$0x1000] =	vst v0  }
0x2c: {  	[tilespmem:s15+$0x1010] =	vst v0  }
.Ltmp1:
0x2d: {  	[tilespmem:s15+$0x1020] =	vst v0;
	(pc) =	sbr.rel @p0 .LBB2_4-.Ltmp1, $4  }
0x2e: {  	[tilespmem:s15+$0x1030] =	vst v0  }
0x2f: {  	[tilespmem:s15+$0x1040] =	vst v0  }
0x30: {  	[tilespmem:s15+$0x1050] =	vst v0  }
0x31: {  	[tilespmem:s15+$0x1060] =	vst v0;
	s15 =	sshra.s32 s17, $0x2;
	s17 =	sadd.s32 $0x200, s17  }
0x32: {  	[tilespmem:s15+$0x1070] =	vst v0  }
0x33: {  	[tilespmem:s15+$0x1000] =	vst v0  }
0x34: {  	[tilespmem:s15+$0x1010] =	vst v0  }
0x35: {  	[tilespmem:s15+$0x1020] =	vst v0  }
0x36: {  	[tilespmem:s15+$0x1030] =	vst v0  }
0x37: {  	[tilespmem:s15+$0x1040] =	vst v0  }
0x38: {  	[tilespmem:s15+$0x1050] =	vst v0  }
0x39: {  	[tilespmem:s15+$0x1060] =	vst v0  }
0x3a: {  	[spmem:s26] =	stream.linear.scatter [tilespmem:s24], [sflag:$0xA], $0x2000, $0x38;
	[tilespmem:$0x1F380] =	vst v63  }
0x3b: {  	_ =	swait.ge [sflag:s6], $0x2000  }
0x3c: {  	[sflag:s6] =	ssyncset.done $0x0  }
0x3d: {  	s17 =	rddreg [dreg:$0x6];
	[sflag:s6] =	ssyncadd.s32 $0xFFFFE000  }
0x3e: {  	[spmem:s17] =	stream.linear.scatter [tilespmem:s24], [sflag:$0xA], $0x2000, $0x38;
	[tilespmem:$0x1F380] =	vst v63  }
0x3f: {  	_ =	swait.ge [sflag:s6], $0x2000  }
0x40: {  	[sflag:s6] =	ssyncset.done $0x0  }
0x41: {  	s26 =	rddreg [dreg:$0x7];
	[sflag:s6] =	ssyncadd.s32 $0xFFFFE000  }
0x42: {  	[spmem:s26] =	stream.linear.scatter [tilespmem:s24], [sflag:$0xA], $0x2000, $0x38;
	[tilespmem:$0x1F380] =	vst v63  }
0x43: {  	_ =	swait.ge [sflag:s6], $0x2000  }
0x44: {  	[sflag:s6] =	ssyncset.done $0x0  }
0x45: {  	s17 =	rddreg [dreg:$0x8];
	[sflag:s6] =	ssyncadd.s32 $0xFFFFE000  }
0x46: {  	[spmem:s17] =	stream.linear.scatter [tilespmem:s24], [sflag:$0xA], $0x2000, $0x38;
	[tilespmem:$0x1F380] =	vst v63  }
0x47: {  	_ =	swait.ge [sflag:s6], $0x2000  }
0x48: {  	[sflag:s6] =	ssyncset.done $0x0  }
0x49: {  	s26 =	rddreg [dreg:$0x9];
	[sflag:s6] =	ssyncadd.s32 $0xFFFFE000  }
0x4a: {  	[spmem:s26] =	stream.linear.scatter [tilespmem:s24], [sflag:$0xA], $0x2000, $0x38;
	[tilespmem:$0x1F380] =	vst v63  }
0x4b: {  	_ =	swait.ge [sflag:s6], $0x2000  }
0x4c: {  	[sflag:s6] =	ssyncset.done $0x0  }
0x4d: {  	s17 =	rddreg [dreg:$0xa];
	[sflag:s6] =	ssyncadd.s32 $0xFFFFE000  }
0x4e: {  	[spmem:s17] =	stream.linear.scatter [tilespmem:s24], [sflag:$0xA], $0x2000, $0x38;
	[tilespmem:$0x1F380] =	vst v63  }
0x4f: {  	_ =	swait.ge [sflag:s6], $0x2000  }
0x50: {  	[sflag:s6] =	ssyncset.done $0x0  }
0x51: {  	s26 =	rddreg [dreg:$0xb];
	[sflag:s6] =	ssyncadd.s32 $0xFFFFE000  }
0x52: {  	[spmem:s26] =	stream.linear.scatter [tilespmem:s24], [sflag:$0xA], $0x2000, $0x38;
	[tilespmem:$0x1F380] =	vst v63  }
0x53: {  	_ =	swait.ge [sflag:s6], $0x2000  }
0x54: {  	[sflag:s6] =	ssyncset.done $0x0  }
0x55: {  	s17 =	rddreg [dreg:$0xc];
	[sflag:s6] =	ssyncadd.s32 $0xFFFFE000  }
0x56: {  	[spmem:s17] =	stream.linear.scatter [tilespmem:s24], [sflag:$0xA], $0x2000, $0x38;
	[tilespmem:$0x1F380] =	vst v63  }
0x57: {  	_ =	swait.ge [sflag:s6], $0x2000  }
0x58: {  	[sflag:s6] =	ssyncset.done $0x0  }
0x59: {  	s26 =	rddreg [dreg:$0xd];
	[sflag:s6] =	ssyncadd.s32 $0xFFFFE000  }
0x5a: {  	[spmem:s26] =	stream.linear.scatter [tilespmem:s24], [sflag:$0xA], $0x2000, $0x38;
	[tilespmem:$0x1F380] =	vst v63  }
0x5b: {  	_ =	swait.ge [sflag:s6], $0x2000  }
0x5c: {  	[sflag:s6] =	ssyncset.done $0x0  }
0x5d: {  	s17 =	rddreg [dreg:$0xe];
	[sflag:s6] =	ssyncadd.s32 $0xFFFFE000  }
0x5e: {  	[spmem:s17] =	stream.linear.scatter [tilespmem:s24], [sflag:$0xA], $0x1C00, $0x38;
	[tilespmem:$0x1F380] =	vst v63  }
0x5f: {  	_ =	swait.ge [sflag:s6], $0x1C00  }
0x60: {  	[sflag:s6] =	ssyncset.done $0x0  }
0x61: {  	[sflag:s6] =	ssyncadd.s32 $0xFFFFE400  }
0x62: {  	[bflag:$0x0] =	sbarrier.arrive $0xFFFF  }
0x63: {  	s15 =	simm.s32 $0x0;
	s17 =	rddreg [dreg:$0xf]  }
0x64: {  	[tilespmem:s15], [sflag:$0xA] =	stream.linear.gather [hbm4b:s17+s15], $0x400, $0x38;
	[tilespmem:$0x1F380] =	vst v63  }
0x65: {  	_ =	swait.ge [sflag:s6], $0x400  }
0x66: {  	[sflag:s6] =	ssyncset.done $0x0  }
0x67: {  	s26 =	rddreg [dreg:$0x10];
	[sflag:s6] =	ssyncadd.s32 $0xFFFFFC00  }
0x68: {  	[tilespmem:s5], [sflag:$0xA] =	stream.linear.gather [hbm4b:s26+s15], $0x400, $0x38;
	[tilespmem:$0x1F380] =	vst v63  }
0x69: {  	_ =	swait.ge [sflag:s6], $0x400  }
0x6a: {  	[sflag:s6] =	ssyncset.done $0x0  }
0x6b: {  	[sflag:s6] =	ssyncadd.s32 $0xFFFFFC00  }
0x6c: {  	[tilespmem:s24], [sflag:$0x1] =	stream.indirect.gather [hbm4b:s1+s28], $0x80, s15, s28, $0xb8;
	[tilespmem:$0x1F380] =	vst v63  }
0x6d: {  	_ = 	snop  }
0x6e: {  	[tilespmem:s30], [sflag:$0x2] =	stream.indirect.gather [hbm4b:s1+s28], $0x80, s29, s28, $0xb8;
	[tilespmem:$0x1F380] =	vst v63  }
0x6f: {  	s5 =	simm.s32 $0xE80;
	s6 =	simm.s32 $0xF00;
	s29 =	simm.s32 $0x100  }
0x70: {  	[tilespmem:s0], [sflag:$0x3] =	stream.indirect.gather [hbm4b:s1+s28], $0x80, s29, s28, $0xb8;
	[tilespmem:$0x1F380] =	vst v63  }
.LBB2_6:
0x71: {  	_ =	swait.ge [sflag:s31], $0x2000  }
0x72: {  	[sflag:s31] =	ssyncset.done $0x0  }
0x73: {  	s17 =	simm.s32 $0x800;
	[sflag:s31] =	ssyncadd.s32 $0xFFFFE000  }
0x74: {  	[spmem:s2] =	stream.indirect.scatter.add.f32 [tilespmem:s24], [sflag:$0x5], $0x80, s17, s28, $0xb8;
	[tilespmem:$0x1F380] =	vst v63  }
0x75: {  	v1 =	vld [tilespmem:$0x800];
	_ =	sdelay $0x4  }
0x76: {  	(xrf1) =	vunique.msk.u32 $0xffff, v1;
	_ =	sdelay $0xd  }
0x77: {  	_, v2, vm0 =	vpop (xrf1);
	_ =	sdelay $0x3  }
0x78: {  	v2 =	vcvt.s32.f32 v2;
	_ =	sdelay $0x1  }
0x79: {  	[tilespmem:v1+s3+$0x0] =	vst.idx.add.f32.msk vm0, v2  }
0x7a: {  	v1 =	vld [tilespmem:$0x810];
	_ =	sdelay $0x4  }
0x7b: {  	(xrf1) =	vunique.msk.u32 $0xffff, v1;
	_ =	sdelay $0xd  }
0x7c: {  	_, v2, vm0 =	vpop (xrf1);
	_ =	sdelay $0x3  }
0x7d: {  	v2 =	vcvt.s32.f32 v2;
	_ =	sdelay $0x1  }
0x7e: {  	[tilespmem:v1+s3+$0x0] =	vst.idx.add.f32.msk vm0, v2  }
0x7f: {  	v1 =	vld [tilespmem:$0x820];
	_ =	sdelay $0x4  }
0x80: {  	(xrf1) =	vunique.msk.u32 $0xffff, v1;
	_ =	sdelay $0xd  }
0x81: {  	_, v2, vm0 =	vpop (xrf1);
	_ =	sdelay $0x3  }
0x82: {  	v2 =	vcvt.s32.f32 v2;
	_ =	sdelay $0x1  }
0x83: {  	[tilespmem:v1+s3+$0x0] =	vst.idx.add.f32.msk vm0, v2  }
0x84: {  	v1 =	vld [tilespmem:$0x830];
	_ =	sdelay $0x4  }
0x85: {  	(xrf1) =	vunique.msk.u32 $0xffff, v1;
	_ =	sdelay $0xd  }
0x86: {  	_, v2, vm0 =	vpop (xrf1);
	_ =	sdelay $0x3  }
0x87: {  	v2 =	vcvt.s32.f32 v2  }
0x88: {  	p0 =	seq.s32 s15, $0x0  }
0x89: {  	s17 =	simm.s32 @!p0 $0x8;
	[tilespmem:v1+s3+$0x0] =	vst.idx.add.f32.msk vm0, v2  }
0x8a: {  	_ =	swait.ge @!p0 [sflag:s17], $0x2000  }
0x8b: {  	[sflag:s17] =	ssyncset.done @!p0 $0x0  }
0x8c: {  	s29 =	simm.s32 $0x180;
	[sflag:s17] =	ssyncadd.s32 @!p0 $0xFFFFE000  }
0x8d: {  	[tilespmem:s7], [sflag:$0x4] =	stream.indirect.gather [hbm4b:s1+s28], $0x80, s29, s28, $0xb8;
	[tilespmem:$0x1F380] =	vst v63  }
0x8e: {  	_ =	swait.ge [sflag:s8], $0x2000  }
0x8f: {  	[sflag:s8] =	ssyncset.done $0x0  }
0x90: {  	s26 =	simm.s32 $0x880;
	[sflag:s8] =	ssyncadd.s32 $0xFFFFE000  }
0x91: {  	[spmem:s2] =	stream.indirect.scatter.add.f32 [tilespmem:s30], [sflag:$0x6], $0x80, s26, s28, $0xb8;
	[tilespmem:$0x1F380] =	vst v63  }
0x92: {  	v1 =	vld [tilespmem:$0x880];
	_ =	sdelay $0x4  }
0x93: {  	(xrf1) =	vunique.msk.u32 $0xffff, v1;
	_ =	sdelay $0xd  }
0x94: {  	_, v2, vm0 =	vpop (xrf1);
	_ =	sdelay $0x3  }
0x95: {  	v2 =	vcvt.s32.f32 v2;
	_ =	sdelay $0x1  }
0x96: {  	[tilespmem:v1+s3+$0x0] =	vst.idx.add.f32.msk vm0, v2  }
0x97: {  	v1 =	vld [tilespmem:$0x890];
	_ =	sdelay $0x4  }
0x98: {  	(xrf1) =	vunique.msk.u32 $0xffff, v1;
	_ =	sdelay $0xd  }
0x99: {  	_, v2, vm0 =	vpop (xrf1);
	_ =	sdelay $0x3  }
0x9a: {  	v2 =	vcvt.s32.f32 v2;
	_ =	sdelay $0x1  }
0x9b: {  	[tilespmem:v1+s3+$0x0] =	vst.idx.add.f32.msk vm0, v2  }
0x9c: {  	v1 =	vld [tilespmem:$0x8A0];
	_ =	sdelay $0x4  }
0x9d: {  	(xrf1) =	vunique.msk.u32 $0xffff, v1;
	_ =	sdelay $0xd  }
0x9e: {  	_, v2, vm0 =	vpop (xrf1);
	_ =	sdelay $0x3  }
0x9f: {  	v2 =	vcvt.s32.f32 v2;
	_ =	sdelay $0x1  }
0xa0: {  	[tilespmem:v1+s3+$0x0] =	vst.idx.add.f32.msk vm0, v2  }
0xa1: {  	v1 =	vld [tilespmem:$0x8B0];
	_ =	sdelay $0x4  }
0xa2: {  	(xrf1) =	vunique.msk.u32 $0xffff, v1;
	_ =	sdelay $0xd  }
0xa3: {  	_, v2, vm0 =	vpop (xrf1);
	_ =	sdelay $0x3  }
0xa4: {  	v2 =	vcvt.s32.f32 v2;
	_ =	sdelay $0x1  }
0xa5: {  	[tilespmem:v1+s3+$0x0] =	vst.idx.add.f32.msk vm0, v2  }
0xa6: {  	_ =	swait.ge [sflag:s10], $0x2000  }
0xa7: {  	[sflag:s10] =	ssyncset.done $0x0  }
0xa8: {  	s29 =	sadd.s32 s15, s23;
	[sflag:s10] =	ssyncadd.s32 $0xFFFFE000  }
0xa9: {  	[tilespmem:s11], [sflag:$0x9] =	stream.linear.gather [hbm4b:s29+s4], $0x400, $0x38;
	[tilespmem:$0x1F380] =	vst v63  }
0xaa: {  	s26 =	sadd.s32 s15, s22  }
0xab: {  	[tilespmem:s12], [sflag:$0x9] =	stream.linear.gather [hbm4b:s26+s4], $0x400, $0x38;
	[tilespmem:$0x1F380] =	vst v63  }
0xac: {  	s29 =	simm.s32 $0x200  }
0xad: {  	[tilespmem:s24], [sflag:$0x1] =	stream.indirect.gather [hbm4b:s1+s28], $0x80, s29, s28, $0xb8;
	[tilespmem:$0x1F380] =	vst v63  }
0xae: {  	_ =	swait.ge [sflag:s14], $0x2000  }
0xaf: {  	[sflag:s14] =	ssyncset.done $0x0  }
0xb0: {  	s26 =	simm.s32 $0x900;
	[sflag:s14] =	ssyncadd.s32 $0xFFFFE000  }
0xb1: {  	[spmem:s2] =	stream.indirect.scatter.add.f32 [tilespmem:s0], [sflag:$0x7], $0x80, s26, s28, $0xb8;
	[tilespmem:$0x1F380] =	vst v63  }
0xb2: {  	v1 =	vld [tilespmem:$0x900];
	_ =	sdelay $0x4  }
0xb3: {  	(xrf1) =	vunique.msk.u32 $0xffff, v1;
	_ =	sdelay $0xd  }
0xb4: {  	_, v2, vm0 =	vpop (xrf1);
	_ =	sdelay $0x3  }
0xb5: {  	v2 =	vcvt.s32.f32 v2;
	_ =	sdelay $0x1  }
0xb6: {  	[tilespmem:v1+s3+$0x0] =	vst.idx.add.f32.msk vm0, v2  }
0xb7: {  	v1 =	vld [tilespmem:$0x910];
	_ =	sdelay $0x4  }
0xb8: {  	(xrf1) =	vunique.msk.u32 $0xffff, v1;
	_ =	sdelay $0xd  }
0xb9: {  	_, v2, vm0 =	vpop (xrf1);
	_ =	sdelay $0x3  }
0xba: {  	v2 =	vcvt.s32.f32 v2;
	_ =	sdelay $0x1  }
0xbb: {  	[tilespmem:v1+s3+$0x0] =	vst.idx.add.f32.msk vm0, v2  }
0xbc: {  	v1 =	vld [tilespmem:$0x920];
	_ =	sdelay $0x4  }
0xbd: {  	(xrf1) =	vunique.msk.u32 $0xffff, v1;
	_ =	sdelay $0xd  }
0xbe: {  	_, v2, vm0 =	vpop (xrf1);
	_ =	sdelay $0x3  }
0xbf: {  	v2 =	vcvt.s32.f32 v2;
	_ =	sdelay $0x1  }
0xc0: {  	[tilespmem:v1+s3+$0x0] =	vst.idx.add.f32.msk vm0, v2  }
0xc1: {  	v1 =	vld [tilespmem:$0x930];
	_ =	sdelay $0x4  }
0xc2: {  	(xrf1) =	vunique.msk.u32 $0xffff, v1;
	_ =	sdelay $0xd  }
0xc3: {  	_, v2, vm0 =	vpop (xrf1);
	_ =	sdelay $0x3  }
0xc4: {  	v2 =	vcvt.s32.f32 v2;
	_ =	sdelay $0x1  }
0xc5: {  	[tilespmem:v1+s3+$0x0] =	vst.idx.add.f32.msk vm0, v2  }
0xc6: {  	_ =	swait.ge [sflag:s16], $0x2000  }
0xc7: {  	[sflag:s16] =	ssyncset.done $0x0  }
0xc8: {  	s29 =	simm.s32 $0x280;
	[sflag:s16] =	ssyncadd.s32 $0xFFFFE000  }
0xc9: {  	[tilespmem:s30], [sflag:$0x2] =	stream.indirect.gather [hbm4b:s1+s28], $0x80, s29, s28, $0xb8;
	[tilespmem:$0x1F380] =	vst v63  }
0xca: {  	_ =	swait.ge [sflag:s18], $0x2000  }
0xcb: {  	[sflag:s18] =	ssyncset.done $0x0  }
0xcc: {  	s26 =	simm.s32 $0x980;
	[sflag:s18] =	ssyncadd.s32 $0xFFFFE000  }
0xcd: {  	[spmem:s2] =	stream.indirect.scatter.add.f32 [tilespmem:s7], [sflag:$0x8], $0x80, s26, s28, $0xb8;
	[tilespmem:$0x1F380] =	vst v63  }
0xce: {  	v1 =	vld [tilespmem:$0x980];
	_ =	sdelay $0x4  }
0xcf: {  	(xrf1) =	vunique.msk.u32 $0xffff, v1;
	_ =	sdelay $0xd  }
0xd0: {  	_, v2, vm0 =	vpop (xrf1);
	_ =	sdelay $0x3  }
0xd1: {  	v2 =	vcvt.s32.f32 v2;
	_ =	sdelay $0x1  }
0xd2: {  	[tilespmem:v1+s3+$0x0] =	vst.idx.add.f32.msk vm0, v2  }
0xd3: {  	v1 =	vld [tilespmem:$0x990];
	_ =	sdelay $0x4  }
0xd4: {  	(xrf1) =	vunique.msk.u32 $0xffff, v1;
	_ =	sdelay $0xd  }
0xd5: {  	_, v2, vm0 =	vpop (xrf1);
	_ =	sdelay $0x3  }
0xd6: {  	v2 =	vcvt.s32.f32 v2;
	_ =	sdelay $0x1  }
0xd7: {  	[tilespmem:v1+s3+$0x0] =	vst.idx.add.f32.msk vm0, v2  }
0xd8: {  	v1 =	vld [tilespmem:$0x9A0];
	_ =	sdelay $0x4  }
0xd9: {  	(xrf1) =	vunique.msk.u32 $0xffff, v1;
	_ =	sdelay $0xd  }
0xda: {  	_, v2, vm0 =	vpop (xrf1);
	_ =	sdelay $0x3  }
0xdb: {  	v2 =	vcvt.s32.f32 v2;
	_ =	sdelay $0x1  }
0xdc: {  	[tilespmem:v1+s3+$0x0] =	vst.idx.add.f32.msk vm0, v2  }
0xdd: {  	v1 =	vld [tilespmem:$0x9B0];
	_ =	sdelay $0x4  }
0xde: {  	(xrf1) =	vunique.msk.u32 $0xffff, v1;
	_ =	sdelay $0xd  }
0xdf: {  	_, v2, vm0 =	vpop (xrf1);
	_ =	sdelay $0x3  }
0xe0: {  	v2 =	vcvt.s32.f32 v2;
	_ =	sdelay $0x1  }
0xe1: {  	[tilespmem:v1+s3+$0x0] =	vst.idx.add.f32.msk vm0, v2  }
0xe2: {  	_ =	swait.ge [sflag:s19], $0x2000  }
0xe3: {  	[sflag:s19] =	ssyncset.done $0x0  }
0xe4: {  	s29 =	simm.s32 $0x300;
	[sflag:s19] =	ssyncadd.s32 $0xFFFFE000  }
0xe5: {  	[tilespmem:s0], [sflag:$0x3] =	stream.indirect.gather [hbm4b:s1+s28], $0x80, s29, s28, $0xb8;
	[tilespmem:$0x1F380] =	vst v63  }
0xe6: {  	_ =	swait.ge [sflag:s31], $0x2000  }
0xe7: {  	[sflag:s31] =	ssyncset.done $0x0  }
0xe8: {  	s26 =	simm.s32 $0xA00;
	[sflag:s31] =	ssyncadd.s32 $0xFFFFE000  }
0xe9: {  	[spmem:s2] =	stream.indirect.scatter.add.f32 [tilespmem:s24], [sflag:$0x5], $0x80, s26, s28, $0xb8;
	[tilespmem:$0x1F380] =	vst v63  }
0xea: {  	v1 =	vld [tilespmem:$0xA00];
	_ =	sdelay $0x4  }
0xeb: {  	(xrf1) =	vunique.msk.u32 $0xffff, v1;
	_ =	sdelay $0xd  }
0xec: {  	_, v2, vm0 =	vpop (xrf1);
	_ =	sdelay $0x3  }
0xed: {  	v2 =	vcvt.s32.f32 v2;
	_ =	sdelay $0x1  }
0xee: {  	[tilespmem:v1+s3+$0x0] =	vst.idx.add.f32.msk vm0, v2  }
0xef: {  	v1 =	vld [tilespmem:$0xA10];
	_ =	sdelay $0x4  }
0xf0: {  	(xrf1) =	vunique.msk.u32 $0xffff, v1;
	_ =	sdelay $0xd  }
0xf1: {  	_, v2, vm0 =	vpop (xrf1);
	_ =	sdelay $0x3  }
0xf2: {  	v2 =	vcvt.s32.f32 v2;
	_ =	sdelay $0x1  }
0xf3: {  	[tilespmem:v1+s3+$0x0] =	vst.idx.add.f32.msk vm0, v2  }
0xf4: {  	v1 =	vld [tilespmem:$0xA20];
	_ =	sdelay $0x4  }
0xf5: {  	(xrf1) =	vunique.msk.u32 $0xffff, v1;
	_ =	sdelay $0xd  }
0xf6: {  	_, v2, vm0 =	vpop (xrf1);
	_ =	sdelay $0x3  }
0xf7: {  	v2 =	vcvt.s32.f32 v2;
	_ =	sdelay $0x1  }
0xf8: {  	[tilespmem:v1+s3+$0x0] =	vst.idx.add.f32.msk vm0, v2  }
0xf9: {  	v1 =	vld [tilespmem:$0xA30];
	_ =	sdelay $0x4  }
0xfa: {  	(xrf1) =	vunique.msk.u32 $0xffff, v1;
	_ =	sdelay $0xd  }
0xfb: {  	_, v2, vm0 =	vpop (xrf1);
	_ =	sdelay $0x3  }
0xfc: {  	v2 =	vcvt.s32.f32 v2;
	_ =	sdelay $0x1  }
0xfd: {  	[tilespmem:v1+s3+$0x0] =	vst.idx.add.f32.msk vm0, v2  }
0xfe: {  	_ =	swait.ge [sflag:s9], $0x2000  }
0xff: {  	[sflag:s9] =	ssyncset.done $0x0  }
0x100: {  	[sflag:s9] =	ssyncadd.s32 $0xFFFFE000  }
0x101: {  	_ =	swait.ge [sflag:s13], $0x400  }
0x102: {  	[sflag:s13] =	ssyncset.done $0x0  }
0x103: {  	[sflag:s13] =	ssyncadd.s32 $0xFFFFFC00  }
0x104: {  	_ =	swait.ge [sflag:s13], $0x400  }
0x105: {  	[sflag:s13] =	ssyncset.done $0x0  }
0x106: {  	s29 =	simm.s32 $0x380;
	[sflag:s13] =	ssyncadd.s32 $0xFFFFFC00  }
0x107: {  	[tilespmem:s7], [sflag:$0x4] =	stream.indirect.gather [hbm4b:s1+s28], $0x80, s29, s28, $0xb8;
	[tilespmem:$0x1F380] =	vst v63  }
0x108: {  	_ =	swait.ge [sflag:s8], $0x2000  }
0x109: {  	[sflag:s8] =	ssyncset.done $0x0  }
0x10a: {  	s26 =	simm.s32 $0xA80;
	[sflag:s8] =	ssyncadd.s32 $0xFFFFE000  }
0x10b: {  	[spmem:s2] =	stream.indirect.scatter.add.f32 [tilespmem:s30], [sflag:$0x6], $0x80, s26, s28, $0xb8;
	[tilespmem:$0x1F380] =	vst v63  }
0x10c: {  	v1 =	vld [tilespmem:$0xA80];
	_ =	sdelay $0x4  }
0x10d: {  	(xrf1) =	vunique.msk.u32 $0xffff, v1;
	_ =	sdelay $0xd  }
0x10e: {  	_, v2, vm0 =	vpop (xrf1);
	_ =	sdelay $0x3  }
0x10f: {  	v2 =	vcvt.s32.f32 v2;
	_ =	sdelay $0x1  }
0x110: {  	[tilespmem:v1+s3+$0x0] =	vst.idx.add.f32.msk vm0, v2  }
0x111: {  	v1 =	vld [tilespmem:$0xA90];
	_ =	sdelay $0x4  }
0x112: {  	(xrf1) =	vunique.msk.u32 $0xffff, v1;
	_ =	sdelay $0xd  }
0x113: {  	_, v2, vm0 =	vpop (xrf1);
	_ =	sdelay $0x3  }
0x114: {  	v2 =	vcvt.s32.f32 v2;
	_ =	sdelay $0x1  }
0x115: {  	[tilespmem:v1+s3+$0x0] =	vst.idx.add.f32.msk vm0, v2  }
0x116: {  	v1 =	vld [tilespmem:$0xAA0];
	_ =	sdelay $0x4  }
0x117: {  	(xrf1) =	vunique.msk.u32 $0xffff, v1;
	_ =	sdelay $0xd  }
0x118: {  	_, v2, vm0 =	vpop (xrf1);
	_ =	sdelay $0x3  }
0x119: {  	v2 =	vcvt.s32.f32 v2;
	_ =	sdelay $0x1  }
0x11a: {  	[tilespmem:v1+s3+$0x0] =	vst.idx.add.f32.msk vm0, v2  }
0x11b: {  	v1 =	vld [tilespmem:$0xAB0];
	_ =	sdelay $0x4  }
0x11c: {  	(xrf1) =	vunique.msk.u32 $0xffff, v1;
	_ =	sdelay $0xd  }
0x11d: {  	_, v2, vm0 =	vpop (xrf1);
	_ =	sdelay $0x3  }
0x11e: {  	v2 =	vcvt.s32.f32 v2;
	_ =	sdelay $0x1  }
0x11f: {  	[tilespmem:v1+s3+$0x0] =	vst.idx.add.f32.msk vm0, v2  }
0x120: {  	_ =	swait.ge [sflag:s10], $0x2000  }
0x121: {  	[sflag:s10] =	ssyncset.done $0x0  }
0x122: {  	[sflag:s10] =	ssyncadd.s32 $0xFFFFE000  }
0x123: {  	[tilespmem:s24], [sflag:$0x1] =	stream.indirect.gather [hbm4b:s1+s28], $0x80, s11, s28, $0xb8;
	[tilespmem:$0x1F380] =	vst v63  }
0x124: {  	_ =	swait.ge [sflag:s14], $0x2000  }
0x125: {  	[sflag:s14] =	ssyncset.done $0x0  }
0x126: {  	s29 =	simm.s32 $0xB00;
	[sflag:s14] =	ssyncadd.s32 $0xFFFFE000  }
0x127: {  	[spmem:s2] =	stream.indirect.scatter.add.f32 [tilespmem:s0], [sflag:$0x7], $0x80, s29, s28, $0xb8;
	[tilespmem:$0x1F380] =	vst v63  }
0x128: {  	v1 =	vld [tilespmem:$0xB00];
	_ =	sdelay $0x4  }
0x129: {  	(xrf1) =	vunique.msk.u32 $0xffff, v1;
	_ =	sdelay $0xd  }
0x12a: {  	_, v2, vm0 =	vpop (xrf1);
	_ =	sdelay $0x3  }
0x12b: {  	v2 =	vcvt.s32.f32 v2;
	_ =	sdelay $0x1  }
0x12c: {  	[tilespmem:v1+s3+$0x0] =	vst.idx.add.f32.msk vm0, v2  }
0x12d: {  	v1 =	vld [tilespmem:$0xB10];
	_ =	sdelay $0x4  }
0x12e: {  	(xrf1) =	vunique.msk.u32 $0xffff, v1;
	_ =	sdelay $0xd  }
0x12f: {  	_, v2, vm0 =	vpop (xrf1);
	_ =	sdelay $0x3  }
0x130: {  	v2 =	vcvt.s32.f32 v2;
	_ =	sdelay $0x1  }
0x131: {  	[tilespmem:v1+s3+$0x0] =	vst.idx.add.f32.msk vm0, v2  }
0x132: {  	v1 =	vld [tilespmem:$0xB20];
	_ =	sdelay $0x4  }
0x133: {  	(xrf1) =	vunique.msk.u32 $0xffff, v1;
	_ =	sdelay $0xd  }
0x134: {  	_, v2, vm0 =	vpop (xrf1);
	_ =	sdelay $0x3  }
0x135: {  	v2 =	vcvt.s32.f32 v2;
	_ =	sdelay $0x1  }
0x136: {  	[tilespmem:v1+s3+$0x0] =	vst.idx.add.f32.msk vm0, v2  }
0x137: {  	v1 =	vld [tilespmem:$0xB30];
	_ =	sdelay $0x4  }
0x138: {  	(xrf1) =	vunique.msk.u32 $0xffff, v1;
	_ =	sdelay $0xd  }
0x139: {  	_, v2, vm0 =	vpop (xrf1);
	_ =	sdelay $0x3  }
0x13a: {  	v2 =	vcvt.s32.f32 v2;
	_ =	sdelay $0x1  }
0x13b: {  	[tilespmem:v1+s3+$0x0] =	vst.idx.add.f32.msk vm0, v2  }
0x13c: {  	_ =	swait.ge [sflag:s16], $0x2000  }
0x13d: {  	[sflag:s16] =	ssyncset.done $0x0  }
0x13e: {  	s26 =	simm.s32 $0x480;
	[sflag:s16] =	ssyncadd.s32 $0xFFFFE000  }
0x13f: {  	[tilespmem:s30], [sflag:$0x2] =	stream.indirect.gather [hbm4b:s1+s28], $0x80, s26, s28, $0xb8;
	[tilespmem:$0x1F380] =	vst v63  }
0x140: {  	_ =	swait.ge [sflag:s18], $0x2000  }
0x141: {  	[sflag:s18] =	ssyncset.done $0x0  }
0x142: {  	s29 =	simm.s32 $0xB80;
	[sflag:s18] =	ssyncadd.s32 $0xFFFFE000  }
0x143: {  	[spmem:s2] =	stream.indirect.scatter.add.f32 [tilespmem:s7], [sflag:$0x8], $0x80, s29, s28, $0xb8;
	[tilespmem:$0x1F380] =	vst v63  }
0x144: {  	v1 =	vld [tilespmem:$0xB80];
	_ =	sdelay $0x4  }
0x145: {  	(xrf1) =	vunique.msk.u32 $0xffff, v1;
	_ =	sdelay $0xd  }
0x146: {  	_, v2, vm0 =	vpop (xrf1);
	_ =	sdelay $0x3  }
0x147: {  	v2 =	vcvt.s32.f32 v2;
	_ =	sdelay $0x1  }
0x148: {  	[tilespmem:v1+s3+$0x0] =	vst.idx.add.f32.msk vm0, v2  }
0x149: {  	v1 =	vld [tilespmem:$0xB90];
	_ =	sdelay $0x4  }
0x14a: {  	(xrf1) =	vunique.msk.u32 $0xffff, v1;
	_ =	sdelay $0xd  }
0x14b: {  	_, v2, vm0 =	vpop (xrf1);
	_ =	sdelay $0x3  }
0x14c: {  	v2 =	vcvt.s32.f32 v2;
	_ =	sdelay $0x1  }
0x14d: {  	[tilespmem:v1+s3+$0x0] =	vst.idx.add.f32.msk vm0, v2  }
0x14e: {  	v1 =	vld [tilespmem:$0xBA0];
	_ =	sdelay $0x4  }
0x14f: {  	(xrf1) =	vunique.msk.u32 $0xffff, v1;
	_ =	sdelay $0xd  }
0x150: {  	_, v2, vm0 =	vpop (xrf1);
	_ =	sdelay $0x3  }
0x151: {  	v2 =	vcvt.s32.f32 v2;
	_ =	sdelay $0x1  }
0x152: {  	[tilespmem:v1+s3+$0x0] =	vst.idx.add.f32.msk vm0, v2  }
0x153: {  	v1 =	vld [tilespmem:$0xBB0];
	_ =	sdelay $0x4  }
0x154: {  	(xrf1) =	vunique.msk.u32 $0xffff, v1;
	_ =	sdelay $0xd  }
0x155: {  	_, v2, vm0 =	vpop (xrf1);
	_ =	sdelay $0x3  }
0x156: {  	v2 =	vcvt.s32.f32 v2;
	_ =	sdelay $0x1  }
0x157: {  	[tilespmem:v1+s3+$0x0] =	vst.idx.add.f32.msk vm0, v2  }
0x158: {  	_ =	swait.ge [sflag:s19], $0x2000  }
0x159: {  	[sflag:s19] =	ssyncset.done $0x0  }
0x15a: {  	s26 =	simm.s32 $0x500;
	[sflag:s19] =	ssyncadd.s32 $0xFFFFE000  }
0x15b: {  	[tilespmem:s0], [sflag:$0x3] =	stream.indirect.gather [hbm4b:s1+s28], $0x80, s26, s28, $0xb8;
	[tilespmem:$0x1F380] =	vst v63  }
0x15c: {  	_ =	swait.ge [sflag:s31], $0x2000  }
0x15d: {  	[sflag:s31] =	ssyncset.done $0x0  }
0x15e: {  	[sflag:s31] =	ssyncadd.s32 $0xFFFFE000  }
0x15f: {  	[spmem:s2] =	stream.indirect.scatter.add.f32 [tilespmem:s24], [sflag:$0x5], $0x80, s12, s28, $0xb8;
	[tilespmem:$0x1F380] =	vst v63  }
0x160: {  	v1 =	vld [tilespmem:$0xC00];
	_ =	sdelay $0x4  }
0x161: {  	(xrf1) =	vunique.msk.u32 $0xffff, v1;
	_ =	sdelay $0xd  }
0x162: {  	_, v2, vm0 =	vpop (xrf1);
	_ =	sdelay $0x3  }
0x163: {  	v2 =	vcvt.s32.f32 v2;
	_ =	sdelay $0x1  }
0x164: {  	[tilespmem:v1+s3+$0x0] =	vst.idx.add.f32.msk vm0, v2  }
0x165: {  	v1 =	vld [tilespmem:$0xC10];
	_ =	sdelay $0x4  }
0x166: {  	(xrf1) =	vunique.msk.u32 $0xffff, v1;
	_ =	sdelay $0xd  }
0x167: {  	_, v2, vm0 =	vpop (xrf1);
	_ =	sdelay $0x3  }
0x168: {  	v2 =	vcvt.s32.f32 v2;
	_ =	sdelay $0x1  }
0x169: {  	[tilespmem:v1+s3+$0x0] =	vst.idx.add.f32.msk vm0, v2  }
0x16a: {  	v1 =	vld [tilespmem:$0xC20];
	_ =	sdelay $0x4  }
0x16b: {  	(xrf1) =	vunique.msk.u32 $0xffff, v1;
	_ =	sdelay $0xd  }
0x16c: {  	_, v2, vm0 =	vpop (xrf1);
	_ =	sdelay $0x3  }
0x16d: {  	v2 =	vcvt.s32.f32 v2;
	_ =	sdelay $0x1  }
0x16e: {  	[tilespmem:v1+s3+$0x0] =	vst.idx.add.f32.msk vm0, v2  }
0x16f: {  	v1 =	vld [tilespmem:$0xC30];
	_ =	sdelay $0x4  }
0x170: {  	(xrf1) =	vunique.msk.u32 $0xffff, v1;
	_ =	sdelay $0xd  }
0x171: {  	_, v2, vm0 =	vpop (xrf1);
	_ =	sdelay $0x3  }
0x172: {  	v2 =	vcvt.s32.f32 v2;
	_ =	sdelay $0x1  }
0x173: {  	[tilespmem:v1+s3+$0x0] =	vst.idx.add.f32.msk vm0, v2  }
0x174: {  	_ =	swait.ge [sflag:s9], $0x2000  }
0x175: {  	[sflag:s9] =	ssyncset.done $0x0  }
0x176: {  	s29 =	simm.s32 $0x580;
	[sflag:s9] =	ssyncadd.s32 $0xFFFFE000  }
0x177: {  	[tilespmem:s7], [sflag:$0x4] =	stream.indirect.gather [hbm4b:s1+s28], $0x80, s29, s28, $0xb8;
	[tilespmem:$0x1F380] =	vst v63  }
0x178: {  	_ =	swait.ge [sflag:s8], $0x2000  }
0x179: {  	[sflag:s8] =	ssyncset.done $0x0  }
0x17a: {  	s26 =	simm.s32 $0xC80;
	[sflag:s8] =	ssyncadd.s32 $0xFFFFE000  }
0x17b: {  	[spmem:s2] =	stream.indirect.scatter.add.f32 [tilespmem:s30], [sflag:$0x6], $0x80, s26, s28, $0xb8;
	[tilespmem:$0x1F380] =	vst v63  }
0x17c: {  	v1 =	vld [tilespmem:$0xC80];
	_ =	sdelay $0x4  }
0x17d: {  	(xrf1) =	vunique.msk.u32 $0xffff, v1;
	_ =	sdelay $0xd  }
0x17e: {  	_, v2, vm0 =	vpop (xrf1);
	_ =	sdelay $0x3  }
0x17f: {  	v2 =	vcvt.s32.f32 v2;
	_ =	sdelay $0x1  }
0x180: {  	[tilespmem:v1+s3+$0x0] =	vst.idx.add.f32.msk vm0, v2  }
0x181: {  	v1 =	vld [tilespmem:$0xC90];
	_ =	sdelay $0x4  }
0x182: {  	(xrf1) =	vunique.msk.u32 $0xffff, v1;
	_ =	sdelay $0xd  }
0x183: {  	_, v2, vm0 =	vpop (xrf1);
	_ =	sdelay $0x3  }
0x184: {  	v2 =	vcvt.s32.f32 v2;
	_ =	sdelay $0x1  }
0x185: {  	[tilespmem:v1+s3+$0x0] =	vst.idx.add.f32.msk vm0, v2  }
0x186: {  	v1 =	vld [tilespmem:$0xCA0];
	_ =	sdelay $0x4  }
0x187: {  	(xrf1) =	vunique.msk.u32 $0xffff, v1;
	_ =	sdelay $0xd  }
0x188: {  	_, v2, vm0 =	vpop (xrf1);
	_ =	sdelay $0x3  }
0x189: {  	v2 =	vcvt.s32.f32 v2;
	_ =	sdelay $0x1  }
0x18a: {  	[tilespmem:v1+s3+$0x0] =	vst.idx.add.f32.msk vm0, v2  }
0x18b: {  	v1 =	vld [tilespmem:$0xCB0];
	_ =	sdelay $0x4  }
0x18c: {  	(xrf1) =	vunique.msk.u32 $0xffff, v1;
	_ =	sdelay $0xd  }
0x18d: {  	_, v2, vm0 =	vpop (xrf1);
	_ =	sdelay $0x3  }
0x18e: {  	v2 =	vcvt.s32.f32 v2;
	_ =	sdelay $0x1  }
0x18f: {  	[tilespmem:v1+s3+$0x0] =	vst.idx.add.f32.msk vm0, v2  }
0x190: {  	_ =	swait.ge [sflag:s10], $0x2000  }
0x191: {  	p0 =	seq.s32 s15, $0x900;
	[sflag:s10] =	ssyncset.done $0x0  }
0x192: {  	s17 =	simm.s32 @!p0 $0x0;
	s26 =	sadd.s32 @!p0 s15, s21;
	[sflag:s10] =	ssyncadd.s32 $0xFFFFE000  }
0x193: {  	[tilespmem:s17], [sflag:$0x9] =	stream.linear.gather @!p0 [hbm4b:s26+s17], $0x400, $0x38;
	[tilespmem:$0x1F380] =	vst v63  }
0x194: {  	s29 =	simm.s32 @!p0 $0x800;
	s26 =	sadd.s32 @!p0 s15, s20  }
0x195: {  	[tilespmem:s29], [sflag:$0x9] =	stream.linear.gather @!p0 [hbm4b:s26+s17], $0x400, $0x38;
	[tilespmem:$0x1F380] =	vst v63  }
0x196: {  	s29 =	simm.s32 $0x600  }
0x197: {  	[tilespmem:s24], [sflag:$0x1] =	stream.indirect.gather [hbm4b:s1+s28], $0x80, s29, s28, $0xb8;
	[tilespmem:$0x1F380] =	vst v63  }
0x198: {  	_ =	swait.ge [sflag:s14], $0x2000  }
0x199: {  	[sflag:s14] =	ssyncset.done $0x0  }
0x19a: {  	s29 =	simm.s32 $0xD00;
	[sflag:s14] =	ssyncadd.s32 $0xFFFFE000  }
0x19b: {  	[spmem:s2] =	stream.indirect.scatter.add.f32 [tilespmem:s0], [sflag:$0x7], $0x80, s29, s28, $0xb8;
	[tilespmem:$0x1F380] =	vst v63  }
0x19c: {  	v1 =	vld [tilespmem:$0xD00];
	_ =	sdelay $0x4  }
0x19d: {  	(xrf1) =	vunique.msk.u32 $0xffff, v1;
	_ =	sdelay $0xd  }
0x19e: {  	_, v2, vm0 =	vpop (xrf1);
	_ =	sdelay $0x3  }
0x19f: {  	v2 =	vcvt.s32.f32 v2;
	_ =	sdelay $0x1  }
0x1a0: {  	[tilespmem:v1+s3+$0x0] =	vst.idx.add.f32.msk vm0, v2  }
0x1a1: {  	v1 =	vld [tilespmem:$0xD10];
	_ =	sdelay $0x4  }
0x1a2: {  	(xrf1) =	vunique.msk.u32 $0xffff, v1;
	_ =	sdelay $0xd  }
0x1a3: {  	_, v2, vm0 =	vpop (xrf1);
	_ =	sdelay $0x3  }
0x1a4: {  	v2 =	vcvt.s32.f32 v2;
	_ =	sdelay $0x1  }
0x1a5: {  	[tilespmem:v1+s3+$0x0] =	vst.idx.add.f32.msk vm0, v2  }
0x1a6: {  	v1 =	vld [tilespmem:$0xD20];
	_ =	sdelay $0x4  }
0x1a7: {  	(xrf1) =	vunique.msk.u32 $0xffff, v1;
	_ =	sdelay $0xd  }
0x1a8: {  	_, v2, vm0 =	vpop (xrf1);
	_ =	sdelay $0x3  }
0x1a9: {  	v2 =	vcvt.s32.f32 v2;
	_ =	sdelay $0x1  }
0x1aa: {  	[tilespmem:v1+s3+$0x0] =	vst.idx.add.f32.msk vm0, v2  }
0x1ab: {  	v1 =	vld [tilespmem:$0xD30];
	_ =	sdelay $0x4  }
0x1ac: {  	(xrf1) =	vunique.msk.u32 $0xffff, v1;
	_ =	sdelay $0xd  }
0x1ad: {  	_, v2, vm0 =	vpop (xrf1);
	_ =	sdelay $0x3  }
0x1ae: {  	v2 =	vcvt.s32.f32 v2;
	_ =	sdelay $0x1  }
0x1af: {  	[tilespmem:v1+s3+$0x0] =	vst.idx.add.f32.msk vm0, v2  }
0x1b0: {  	_ =	swait.ge [sflag:s16], $0x2000  }
0x1b1: {  	[sflag:s16] =	ssyncset.done $0x0  }
0x1b2: {  	s29 =	simm.s32 $0x680;
	[sflag:s16] =	ssyncadd.s32 $0xFFFFE000  }
0x1b3: {  	[tilespmem:s30], [sflag:$0x2] =	stream.indirect.gather [hbm4b:s1+s28], $0x80, s29, s28, $0xb8;
	[tilespmem:$0x1F380] =	vst v63  }
0x1b4: {  	_ =	swait.ge [sflag:s18], $0x2000  }
0x1b5: {  	[sflag:s18] =	ssyncset.done $0x0  }
0x1b6: {  	s29 =	simm.s32 $0xD80;
	[sflag:s18] =	ssyncadd.s32 $0xFFFFE000  }
0x1b7: {  	[spmem:s2] =	stream.indirect.scatter.add.f32 [tilespmem:s7], [sflag:$0x8], $0x80, s29, s28, $0xb8;
	[tilespmem:$0x1F380] =	vst v63  }
0x1b8: {  	v1 =	vld [tilespmem:$0xD80];
	_ =	sdelay $0x4  }
0x1b9: {  	(xrf1) =	vunique.msk.u32 $0xffff, v1;
	_ =	sdelay $0xd  }
0x1ba: {  	_, v2, vm0 =	vpop (xrf1);
	_ =	sdelay $0x3  }
0x1bb: {  	v2 =	vcvt.s32.f32 v2;
	_ =	sdelay $0x1  }
0x1bc: {  	[tilespmem:v1+s3+$0x0] =	vst.idx.add.f32.msk vm0, v2  }
0x1bd: {  	v1 =	vld [tilespmem:$0xD90];
	_ =	sdelay $0x4  }
0x1be: {  	(xrf1) =	vunique.msk.u32 $0xffff, v1;
	_ =	sdelay $0xd  }
0x1bf: {  	_, v2, vm0 =	vpop (xrf1);
	_ =	sdelay $0x3  }
0x1c0: {  	v2 =	vcvt.s32.f32 v2;
	_ =	sdelay $0x1  }
0x1c1: {  	[tilespmem:v1+s3+$0x0] =	vst.idx.add.f32.msk vm0, v2  }
0x1c2: {  	v1 =	vld [tilespmem:$0xDA0];
	_ =	sdelay $0x4  }
0x1c3: {  	(xrf1) =	vunique.msk.u32 $0xffff, v1;
	_ =	sdelay $0xd  }
0x1c4: {  	_, v2, vm0 =	vpop (xrf1);
	_ =	sdelay $0x3  }
0x1c5: {  	v2 =	vcvt.s32.f32 v2;
	_ =	sdelay $0x1  }
0x1c6: {  	[tilespmem:v1+s3+$0x0] =	vst.idx.add.f32.msk vm0, v2  }
0x1c7: {  	v1 =	vld [tilespmem:$0xDB0];
	_ =	sdelay $0x4  }
0x1c8: {  	(xrf1) =	vunique.msk.u32 $0xffff, v1;
	_ =	sdelay $0xd  }
0x1c9: {  	_, v2, vm0 =	vpop (xrf1);
	_ =	sdelay $0x3  }
0x1ca: {  	v2 =	vcvt.s32.f32 v2;
	_ =	sdelay $0x1  }
0x1cb: {  	[tilespmem:v1+s3+$0x0] =	vst.idx.add.f32.msk vm0, v2  }
0x1cc: {  	_ =	swait.ge [sflag:s19], $0x2000  }
0x1cd: {  	[sflag:s19] =	ssyncset.done $0x0  }
0x1ce: {  	s29 =	simm.s32 $0x700;
	[sflag:s19] =	ssyncadd.s32 $0xFFFFE000  }
0x1cf: {  	[tilespmem:s0], [sflag:$0x3] =	stream.indirect.gather [hbm4b:s1+s28], $0x80, s29, s28, $0xb8;
	[tilespmem:$0x1F380] =	vst v63  }
0x1d0: {  	_ =	swait.ge [sflag:s31], $0x2000  }
0x1d1: {  	[sflag:s31] =	ssyncset.done $0x0  }
0x1d2: {  	s29 =	simm.s32 $0xE00;
	[sflag:s31] =	ssyncadd.s32 $0xFFFFE000  }
0x1d3: {  	[spmem:s2] =	stream.indirect.scatter.add.f32 [tilespmem:s24], [sflag:$0x5], $0x80, s29, s28, $0xb8;
	[tilespmem:$0x1F380] =	vst v63  }
0x1d4: {  	v1 =	vld [tilespmem:$0xE00];
	_ =	sdelay $0x4  }
0x1d5: {  	(xrf1) =	vunique.msk.u32 $0xffff, v1;
	_ =	sdelay $0xd  }
0x1d6: {  	_, v2, vm0 =	vpop (xrf1);
	_ =	sdelay $0x3  }
0x1d7: {  	v2 =	vcvt.s32.f32 v2;
	_ =	sdelay $0x1  }
0x1d8: {  	[tilespmem:v1+s3+$0x0] =	vst.idx.add.f32.msk vm0, v2  }
0x1d9: {  	v1 =	vld [tilespmem:$0xE10];
	_ =	sdelay $0x4  }
0x1da: {  	(xrf1) =	vunique.msk.u32 $0xffff, v1;
	_ =	sdelay $0xd  }
0x1db: {  	_, v2, vm0 =	vpop (xrf1);
	_ =	sdelay $0x3  }
0x1dc: {  	v2 =	vcvt.s32.f32 v2;
	_ =	sdelay $0x1  }
0x1dd: {  	[tilespmem:v1+s3+$0x0] =	vst.idx.add.f32.msk vm0, v2  }
0x1de: {  	v1 =	vld [tilespmem:$0xE20];
	_ =	sdelay $0x4  }
0x1df: {  	(xrf1) =	vunique.msk.u32 $0xffff, v1;
	_ =	sdelay $0xd  }
0x1e0: {  	_, v2, vm0 =	vpop (xrf1);
	_ =	sdelay $0x3  }
0x1e1: {  	v2 =	vcvt.s32.f32 v2;
	_ =	sdelay $0x1  }
0x1e2: {  	[tilespmem:v1+s3+$0x0] =	vst.idx.add.f32.msk vm0, v2  }
0x1e3: {  	v1 =	vld [tilespmem:$0xE30];
	_ =	sdelay $0x4  }
0x1e4: {  	(xrf1) =	vunique.msk.u32 $0xffff, v1;
	_ =	sdelay $0xd  }
0x1e5: {  	_, v2, vm0 =	vpop (xrf1);
	_ =	sdelay $0x3  }
0x1e6: {  	v2 =	vcvt.s32.f32 v2;
	_ =	sdelay $0x1  }
0x1e7: {  	[tilespmem:v1+s3+$0x0] =	vst.idx.add.f32.msk vm0, v2  }
0x1e8: {  	_ =	swait.ge [sflag:s9], $0x2000  }
0x1e9: {  	[sflag:s9] =	ssyncset.done $0x0  }
0x1ea: {  	s26 =	simm.s32 @!p0 $0x9;
	[sflag:s9] =	ssyncadd.s32 $0xFFFFE000  }
0x1eb: {  	_ =	swait.ge @!p0 [sflag:s26], $0x400  }
0x1ec: {  	[sflag:s26] =	ssyncset.done @!p0 $0x0  }
0x1ed: {  	[sflag:s26] =	ssyncadd.s32 @!p0 $0xFFFFFC00  }
0x1ee: {  	_ =	swait.ge @!p0 [sflag:s26], $0x400  }
0x1ef: {  	[sflag:s26] =	ssyncset.done @!p0 $0x0  }
0x1f0: {  	s29 =	simm.s32 $0x780;
	[sflag:s26] =	ssyncadd.s32 @!p0 $0xFFFFFC00  }
0x1f1: {  	[tilespmem:s7], [sflag:$0x4] =	stream.indirect.gather [hbm4b:s1+s28], $0x80, s29, s28, $0xb8;
	[tilespmem:$0x1F380] =	vst v63  }
0x1f2: {  	_ =	swait.ge [sflag:s8], $0x2000  }
0x1f3: {  	[sflag:s8] =	ssyncset.done $0x0  }
0x1f4: {  	[sflag:s8] =	ssyncadd.s32 $0xFFFFE000  }
0x1f5: {  	[spmem:s2] =	stream.indirect.scatter.add.f32 [tilespmem:s30], [sflag:$0x6], $0x80, s5, s28, $0xb8;
	[tilespmem:$0x1F380] =	vst v63  }
0x1f6: {  	v1 =	vld [tilespmem:$0xE80];
	_ =	sdelay $0x4  }
0x1f7: {  	(xrf1) =	vunique.msk.u32 $0xffff, v1;
	_ =	sdelay $0xd  }
0x1f8: {  	_, v2, vm0 =	vpop (xrf1);
	_ =	sdelay $0x3  }
0x1f9: {  	v2 =	vcvt.s32.f32 v2;
	_ =	sdelay $0x1  }
0x1fa: {  	[tilespmem:v1+s3+$0x0] =	vst.idx.add.f32.msk vm0, v2  }
0x1fb: {  	v1 =	vld [tilespmem:$0xE90];
	_ =	sdelay $0x4  }
0x1fc: {  	(xrf1) =	vunique.msk.u32 $0xffff, v1;
	_ =	sdelay $0xd  }
0x1fd: {  	_, v2, vm0 =	vpop (xrf1);
	_ =	sdelay $0x3  }
0x1fe: {  	v2 =	vcvt.s32.f32 v2;
	_ =	sdelay $0x1  }
0x1ff: {  	[tilespmem:v1+s3+$0x0] =	vst.idx.add.f32.msk vm0, v2  }
0x200: {  	v1 =	vld [tilespmem:$0xEA0];
	_ =	sdelay $0x4  }
0x201: {  	(xrf1) =	vunique.msk.u32 $0xffff, v1;
	_ =	sdelay $0xd  }
0x202: {  	_, v2, vm0 =	vpop (xrf1);
	_ =	sdelay $0x3  }
0x203: {  	v2 =	vcvt.s32.f32 v2;
	_ =	sdelay $0x1  }
0x204: {  	[tilespmem:v1+s3+$0x0] =	vst.idx.add.f32.msk vm0, v2  }
0x205: {  	v1 =	vld [tilespmem:$0xEB0];
	_ =	sdelay $0x4  }
0x206: {  	(xrf1) =	vunique.msk.u32 $0xffff, v1;
	_ =	sdelay $0xd  }
0x207: {  	_, v2, vm0 =	vpop (xrf1);
	_ =	sdelay $0x3  }
0x208: {  	v2 =	vcvt.s32.f32 v2;
	_ =	sdelay $0x1  }
0x209: {  	[tilespmem:v1+s3+$0x0] =	vst.idx.add.f32.msk vm0, v2  }
0x20a: {  	_ =	swait.ge [sflag:s10], $0x2000  }
0x20b: {  	[sflag:s10] =	ssyncset.done $0x0  }
0x20c: {  	s26 =	simm.s32 @!p0 $0x40;
	s29 =	simm.s32 @!p0 $0x1000;
	[sflag:s10] =	ssyncadd.s32 $0xFFFFE000  }
0x20d: {  	[tilespmem:s29], [sflag:$0x1] =	stream.indirect.gather @!p0 [hbm4b:s1+s26], $0x80, s17, s26, $0xb8;
	[tilespmem:$0x1F380] =	vst v63  }
0x20e: {  	_ =	swait.ge [sflag:s14], $0x2000  }
0x20f: {  	[sflag:s14] =	ssyncset.done $0x0  }
0x210: {  	[sflag:s14] =	ssyncadd.s32 $0xFFFFE000  }
0x211: {  	[spmem:s2] =	stream.indirect.scatter.add.f32 [tilespmem:s0], [sflag:$0x7], $0x80, s6, s28, $0xb8;
	[tilespmem:$0x1F380] =	vst v63  }
0x212: {  	v1 =	vld [tilespmem:$0xF00];
	_ =	sdelay $0x4  }
0x213: {  	(xrf1) =	vunique.msk.u32 $0xffff, v1;
	_ =	sdelay $0xd  }
0x214: {  	_, v2, vm0 =	vpop (xrf1);
	_ =	sdelay $0x3  }
0x215: {  	v2 =	vcvt.s32.f32 v2;
	_ =	sdelay $0x1  }
0x216: {  	[tilespmem:v1+s3+$0x0] =	vst.idx.add.f32.msk vm0, v2  }
0x217: {  	v1 =	vld [tilespmem:$0xF10];
	_ =	sdelay $0x4  }
0x218: {  	(xrf1) =	vunique.msk.u32 $0xffff, v1;
	_ =	sdelay $0xd  }
0x219: {  	_, v2, vm0 =	vpop (xrf1);
	_ =	sdelay $0x3  }
0x21a: {  	v2 =	vcvt.s32.f32 v2;
	_ =	sdelay $0x1  }
0x21b: {  	[tilespmem:v1+s3+$0x0] =	vst.idx.add.f32.msk vm0, v2  }
0x21c: {  	v1 =	vld [tilespmem:$0xF20];
	_ =	sdelay $0x4  }
0x21d: {  	(xrf1) =	vunique.msk.u32 $0xffff, v1;
	_ =	sdelay $0xd  }
0x21e: {  	_, v2, vm0 =	vpop (xrf1);
	_ =	sdelay $0x3  }
0x21f: {  	v2 =	vcvt.s32.f32 v2;
	_ =	sdelay $0x1  }
0x220: {  	[tilespmem:v1+s3+$0x0] =	vst.idx.add.f32.msk vm0, v2  }
0x221: {  	v1 =	vld [tilespmem:$0xF30];
	_ =	sdelay $0x4  }
0x222: {  	(xrf1) =	vunique.msk.u32 $0xffff, v1;
	_ =	sdelay $0xd  }
0x223: {  	_, v2, vm0 =	vpop (xrf1);
	_ =	sdelay $0x3  }
0x224: {  	v2 =	vcvt.s32.f32 v2;
	_ =	sdelay $0x1  }
0x225: {  	[tilespmem:v1+s3+$0x0] =	vst.idx.add.f32.msk vm0, v2  }
0x226: {  	_ =	swait.ge [sflag:s16], $0x2000  }
0x227: {  	[sflag:s16] =	ssyncset.done $0x0  }
0x228: {  	s17 =	simm.s32 @!p0 $0x80;
	s29 =	simm.s32 @!p0 $0x3000;
	[sflag:s16] =	ssyncadd.s32 $0xFFFFE000  }
0x229: {  	[tilespmem:s29], [sflag:$0x2] =	stream.indirect.gather @!p0 [hbm4b:s1+s26], $0x80, s17, s26, $0xb8;
	[tilespmem:$0x1F380] =	vst v63  }
0x22a: {  	_ =	swait.ge [sflag:s18], $0x2000  }
0x22b: {  	[sflag:s18] =	ssyncset.done $0x0  }
0x22c: {  	[sflag:s18] =	ssyncadd.s32 $0xFFFFE000  }
0x22d: {  	[spmem:s2] =	stream.indirect.scatter.add.f32 [tilespmem:s7], [sflag:$0x8], $0x80, s25, s28, $0xb8;
	[tilespmem:$0x1F380] =	vst v63  }
0x22e: {  	v1 =	vld [tilespmem:$0xF80];
	_ =	sdelay $0x4  }
0x22f: {  	(xrf1) =	vunique.msk.u32 $0xffff, v1;
	_ =	sdelay $0xd  }
0x230: {  	_, v2, vm0 =	vpop (xrf1);
	_ =	sdelay $0x3  }
0x231: {  	v2 =	vcvt.s32.f32 v2;
	_ =	sdelay $0x1  }
0x232: {  	[tilespmem:v1+s3+$0x0] =	vst.idx.add.f32.msk vm0, v2  }
0x233: {  	v1 =	vld [tilespmem:$0xF90];
	_ =	sdelay $0x4  }
0x234: {  	(xrf1) =	vunique.msk.u32 $0xffff, v1;
	_ =	sdelay $0xd  }
0x235: {  	_, v2, vm0 =	vpop (xrf1);
	_ =	sdelay $0x3  }
0x236: {  	v2 =	vcvt.s32.f32 v2;
	_ =	sdelay $0x1  }
0x237: {  	[tilespmem:v1+s3+$0x0] =	vst.idx.add.f32.msk vm0, v2  }
0x238: {  	v1 =	vld [tilespmem:$0xFA0];
	_ =	sdelay $0x4  }
0x239: {  	(xrf1) =	vunique.msk.u32 $0xffff, v1;
	_ =	sdelay $0xd  }
0x23a: {  	_, v2, vm0 =	vpop (xrf1);
	_ =	sdelay $0x3  }
0x23b: {  	v2 =	vcvt.s32.f32 v2;
	_ =	sdelay $0x1  }
0x23c: {  	[tilespmem:v1+s3+$0x0] =	vst.idx.add.f32.msk vm0, v2  }
0x23d: {  	v1 =	vld [tilespmem:$0xFB0];
	_ =	sdelay $0x4  }
0x23e: {  	(xrf1) =	vunique.msk.u32 $0xffff, v1;
	_ =	sdelay $0xd  }
0x23f: {  	_, v2, vm0 =	vpop (xrf1);
	_ =	sdelay $0x3  }
0x240: {  	v2 =	vcvt.s32.f32 v2;
	_ =	sdelay $0x1  }
0x241: {  	[tilespmem:v1+s3+$0x0] =	vst.idx.add.f32.msk vm0, v2  }
0x242: {  	s15 =	sadd.s32 @!p0 $0x100, s15;
	_ =	swait.ge [sflag:s19], $0x2000  }
0x243: {  	p1 =	sne.s32 @!p0 s15, $0xA00;
	[sflag:s19] =	ssyncset.done $0x0  }
0x244: {  	s17 =	simm.s32 @!p0 $0x100;
	s29 =	simm.s32 @!p0 $0x5000;
	[sflag:s19] =	ssyncadd.s32 $0xFFFFE000  }
0x245: {  	[tilespmem:s29], [sflag:$0x3] =	stream.indirect.gather @!p0 [hbm4b:s1+s26], $0x80, s17, s26, $0xb8;
	[tilespmem:$0x1F380] =	vst v63  }
0x246: {  	p0 =	por p0, !p1  }
.Ltmp2:
0x247: {  	_ = 	snop;
	(pc) =	sbr.rel @!p0 .LBB2_6-.Ltmp2, $1  }
0x248: {  	_ =	sdelay $0x3  }
0x249: {  	_ =	swait.ge [sflag:s9], $0x2000  }
0x24a: {  	[sflag:s9] =	ssyncset.done $0x0  }
0x24b: {  	[sflag:s9] =	ssyncadd.s32 $0xFFFFE000  }
0x24c: {  	s15 =	stileid.u32;
	[bflag:$0x0] =	sbarrier.arrive $0xFFFF  }
0x24d: {  	s6 =	simm.s32 $0xA;
	s15 =	sshll.u32 s15, $0x6;
	s26 =	rddreg [dreg:$0x5]  }
0x24e: {  	s15 =	sor.u32 $0x1C0A, s15;
	s29 =	rddreg [dreg:$0x11];
	s17 =	sshrl.u32 s26, $0x3  }
0x24f: {  	[hbm:s29], [sflag:s15] =	dma.local [spmem:s17], $0x2780  }
0x250: {  	_ =	swait.ge [sflag:s6], $0x2780  }
0x251: {  	[sflag:s6] =	ssyncset.done $0x0  }
0x252: {  	s29 =	simm.s32 $0x80;
	s5 =	rddreg [dreg:$0x12];
	[sflag:s6] =	ssyncadd.s32 $0xFFFFD880  }
0x253: {  	[hbm4b:s5+s29] =	stream.strided.scatter [tilespmem:s3], [sflag:$0xA], $0x2780, s11, s29, $0x38;
	[tilespmem:$0x1F380] =	vst v63  }
0x254: {  	_ =	swait.ge [sflag:s6], $0x2780  }
0x255: {  	s15 =	rddreg [dreg:$0x14]  }
0x256: {  	s5 =	rddreg [dreg:$0x13];
	s17 =	sadd.s32 $0x1, s15  }
0x257: {  	p0 =	sne.s32 s17, s5  }
.Ltmp3:
0x258: {  	_ = 	snop;
	(pc) =	sbr.rel @p0 .LBB2_1-.Ltmp3, $3  }
0x259: {  	_ =	sdelay $0x1  }
0x25a: {  	[sflag:s6] =	ssyncset.done $0x0  }
0x25b: {  	[sflag:s6] =	ssyncadd.s32 $0xFFFFD880;
	s5 =	simm.s32 $0x800  }
0x25c: {  	_ =	sfence.sel $0x180000  }
0x25d: {  	[bflag:$0x0] =	sbarrier.arrive $0xFFFF  }
0x25e: {  	_ =	strace $0x90000047  }
0x25f: {  	s0 =	stileid.u32;
	[bflag:$0x2] =	sbarrier.arrive $0xFFFF  }
0x260: {  	p0 =	sne.s32 s0, $0x0;
	s0 =	rddreg [dreg:$0x4]  }
0x261: {  	s0 =	sadd.s32 @!p0 $0x100000, s0  }
0x262: {  	[sflag:s0] =	ssyncadd.tile.s32 @!p0 $0x1;
	_ =	shalt  }
.Lfunc_end2:
_tile_overlayer_lowered:
.L_overlay_start_2:
0x263: {  	(tag) =	ssettag $0x2  }
0x264: {  	s0 =	rddreg [dreg:$0x0];
	s2 =	stileid.u32  }
0x265: {  	s1 =	rddreg [dreg:$0x1];
	p0 =	sne.s32 s2, $0x0  }
0x266: {  	s3 =	rddreg [dreg:$0x2];
	[bflag:$0x3] =	sbarrier.arrive $0xFFFF;
	s2 =	simm.s32 @!p0 $0x1C0A  }
0x267: {  	[timem:s3], [sflag:s2] =	dma.local @!p0 [hbm:s0], s1  }
0x268: {  	s0 =	simm.s32 @!p0 $0xA  }
0x269: {  	_ =	swait.ge @!p0 [sflag:s0], s1  }
0x26a: {  	s1 =	ssub.s32 @!p0 $0x0, s1;
	[sflag:s0] =	ssyncset.done @!p0 $0x0  }
0x26b: {  	[sflag:s0] =	ssyncadd.s32 @!p0 s1  }
0x26c: {  	[bflag:$0x3] =	sbarrier.arrive $0xFFFF  }
0x26d: {  	_ =	shalt  }

</sc_bundles>
